<compile_context>
chip_gen: v7x
topology: tpu7x:2x2x1
jax: 0.10.2.dev20260603
libtpu: 0.0.44.dev20260713+nightly
codegen_flags: <defaults>
</compile_context>

<pallas_src>
import functools

import jax
import jax.numpy as jnp
from jax import lax
from jax.experimental import pallas as pl
from jax.experimental.pallas import tpu as pltpu
from jax.experimental.pallas import tpu_sc as plsc

N = 10000
E = 320000
D = 128
NSUB = 16
NCORE = 2
CHUNK = 125
NCHUNK = E // (NSUB * CHUNK)
RPT = 624
ZC = 104


def _sc_propagate(src, gidx, sidx):
    mesh = plsc.VectorSubcoreMesh(core_axis_name="c", subcore_axis_name="s")

    @functools.partial(
        pl.kernel,
        mesh=mesh,
        out_type=jax.ShapeDtypeStruct((NCORE, N, D), jnp.float32),
        scratch_types=[
            pltpu.VMEM((NCHUNK // 4, CHUNK), jnp.int32),
            pltpu.VMEM((NCHUNK // 4, CHUNK), jnp.int32),
            pltpu.VMEM((CHUNK, D), jnp.float32),
            pltpu.VMEM((CHUNK, D), jnp.float32),
            pltpu.VMEM_SHARED((N, D), jnp.float32),
            pltpu.SemaphoreType.DMA,
            pltpu.SemaphoreType.DMA,
        ],
    )
    def k(src_hbm, gidx_hbm, sidx_hbm, out_hbm, gidx_v, sidx_v, rows0, rows1,
          acc, sem0, sem1):
        rows_v = rows0
        cid = lax.axis_index("c")
        sid = lax.axis_index("s")

        zeros16 = jnp.zeros((16,), jnp.float32)

        def zero_row(i, carry):
            for kk in range(D // 16):
                rows_v[i, pl.ds(kk * 16, 16)] = zeros16
            return carry

        lax.fori_loop(0, CHUNK, zero_row, 0)
        for b in range(RPT // ZC):
            pltpu.sync_copy(
                rows_v.at[pl.ds(0, ZC)], acc.at[pl.ds(sid * RPT + b * ZC, ZC)])

        @pl.when(sid == NSUB - 1)
        def _zero_tail():
            pltpu.sync_copy(rows_v.at[pl.ds(0, 16)],
                            acc.at[pl.ds(NSUB * RPT, 16)])

        plsc.subcore_barrier()

        Q = NCHUNK // 4

        def step(j, rows, sem):
            pltpu.make_async_copy(src_hbm.at[gidx_v.at[j]], rows, sem).wait()
            pltpu.sync_copy(rows, acc.at[sidx_v.at[j]], add=True)

        def body(p, carry):
            j = 2 * p
            step(j, rows0, sem0)
            pltpu.async_copy(src_hbm.at[gidx_v.at[j + 2]], rows0, sem0)
            step(j + 1, rows1, sem1)
            pltpu.async_copy(src_hbm.at[gidx_v.at[j + 3]], rows1, sem1)
            return carry

        for quarter in range(4):
            pltpu.sync_copy(gidx_hbm.at[cid, sid, pl.ds(quarter * Q, Q)],
                            gidx_v)
            pltpu.sync_copy(sidx_hbm.at[cid, sid, pl.ds(quarter * Q, Q)],
                            sidx_v)
            pltpu.async_copy(src_hbm.at[gidx_v.at[0]], rows0, sem0)
            pltpu.async_copy(src_hbm.at[gidx_v.at[1]], rows1, sem1)
            lax.fori_loop(0, Q // 2 - 1, body, 0)
            step(Q - 2, rows0, sem0)
            step(Q - 1, rows1, sem1)
        plsc.subcore_barrier()

        pltpu.sync_copy(
            acc.at[pl.ds(sid * RPT, RPT)],
            out_hbm.at[cid, pl.ds(sid * RPT, RPT)])

        @pl.when(sid == NSUB - 1)
        def _copy_tail():
            pltpu.sync_copy(acc.at[pl.ds(NSUB * RPT, 16)],
                            out_hbm.at[cid, pl.ds(NSUB * RPT, 16)])

    return k(src, gidx, sidx)


_R = 2000


def _tc_layer1(x, agg, A, B, WmT, biases):

    def body(x_ref, agg_ref, A_ref, B_ref, WmT_ref, b_ref, o_ref):
        xb = x_ref[...]
        for m in range(2):
            hd = jnp.dot(agg_ref[m], A_ref[m], preferred_element_type=jnp.float32, precision=lax.Precision.HIGHEST)
            hd = hd + jnp.dot(xb, B_ref[m], preferred_element_type=jnp.float32, precision=lax.Precision.HIGHEST)
            hd = hd + b_ref[m][None, :] + xb
            h = jnp.maximum(hd, 0.0)
            o_ref[m] = (jnp.dot(h, WmT_ref[m], preferred_element_type=jnp.float32, precision=lax.Precision.HIGHEST)
                        + b_ref[2 + m][None, :])

    return pl.pallas_call(
        body,
        grid=(N // _R,),
        in_specs=[
            pl.BlockSpec((_R, D), lambda i: (i, 0)),
            pl.BlockSpec((2, _R, D), lambda i: (0, i, 0)),
            pl.BlockSpec((2, D, D), lambda i: (0, 0, 0)),
            pl.BlockSpec((2, D, D), lambda i: (0, 0, 0)),
            pl.BlockSpec((2, D, D), lambda i: (0, 0, 0)),
            pl.BlockSpec((8, D), lambda i: (0, 0)),
        ],
        out_specs=pl.BlockSpec((2, _R, D), lambda i: (0, i, 0)),
        out_shape=jax.ShapeDtypeStruct((2, N, D), jnp.float32),
    )(x, agg, A, B, WmT, biases)


def _tc_final(h1, agg, A, B, Wfold, Wc, Mh, MhT, bpack):

    def body(h1_ref, agg_ref, A_ref, B_ref, Wf_ref, Wc_ref, Mh_ref, MhT_ref,
             b_ref, o_ref):
        qkv = []
        for m in range(2):
            hm = h1_ref[m]
            hd = jnp.dot(agg_ref[m], A_ref[m], preferred_element_type=jnp.float32, precision=lax.Precision.HIGHEST)
            hd = hd + jnp.dot(hm, B_ref[m], preferred_element_type=jnp.float32, precision=lax.Precision.HIGHEST)
            hd = hd + b_ref[m][None, :] + hm
            h = jnp.maximum(hd, 0.0)
            bqkv = jnp.concatenate(
                [b_ref[2 + 3 * m], b_ref[3 + 3 * m], b_ref[4 + 3 * m]])
            qkv.append(jnp.dot(h, Wf_ref[m], preferred_element_type=jnp.float32, precision=lax.Precision.HIGHEST)
                       + bqkv[None, :])

        q0, k0, v0 = qkv[0][:, :D], qkv[0][:, D:2 * D], qkv[0][:, 2 * D:]
        q1, k1, v1 = qkv[1][:, :D], qkv[1][:, D:2 * D], qkv[1][:, 2 * D:]

        pcat = jnp.concatenate([q0 * k0, q0 * k1, q1 * k0, q1 * k1], axis=1)
        S = jnp.dot(pcat, Mh_ref[...], preferred_element_type=jnp.float32)
        s00, s01 = S[:, 0:4], S[:, 4:8]
        s10, s11 = S[:, 8:12], S[:, 12:16]

        mx0 = jnp.maximum(s00, s01)
        mx1 = jnp.maximum(s10, s11)
        e00, e01 = jnp.exp(s00 - mx0), jnp.exp(s01 - mx0)
        e10, e11 = jnp.exp(s10 - mx1), jnp.exp(s11 - mx1)
        i0 = 1.0 / (e00 + e01)
        i1 = 1.0 / (e10 + e11)
        acat = jnp.concatenate(
            [e00 * i0, e01 * i0, e10 * i1, e11 * i1], axis=1)

        C = jnp.dot(acat, MhT_ref[...], preferred_element_type=jnp.float32, precision=lax.Precision.HIGHEST)
        ctxsum = C[:, :D] * v0 + C[:, D:] * v1

        z = jnp.maximum(
            jnp.dot(ctxsum, Wc_ref[...], preferred_element_type=jnp.float32, precision=lax.Precision.HIGHEST)
            + b_ref[8][None, :], 0.0)
        o_ref[0, 0] = jnp.sum(z * b_ref[9][None, :], axis=1) + b_ref[10, 0]

    return pl.pallas_call(
        body,
        grid=(N // _R,),
        in_specs=[
            pl.BlockSpec((2, _R, D), lambda i: (0, i, 0)),
            pl.BlockSpec((2, _R, D), lambda i: (0, i, 0)),
            pl.BlockSpec((2, D, D), lambda i: (0, 0, 0)),
            pl.BlockSpec((2, D, D), lambda i: (0, 0, 0)),
            pl.BlockSpec((2, D, 3 * D), lambda i: (0, 0, 0)),
            pl.BlockSpec((D, D), lambda i: (0, 0)),
            pl.BlockSpec((4 * D, D), lambda i: (0, 0)),
            pl.BlockSpec((16, 2 * D), lambda i: (0, 0)),
            pl.BlockSpec((16, D), lambda i: (0, 0)),
        ],
        out_specs=pl.BlockSpec((1, 1, _R), lambda i: (i, 0, 0)),
        out_shape=jax.ShapeDtypeStruct((N // _R, 1, _R), jnp.float32),
    )(h1, agg, A, B, Wfold, Wc, Mh, MhT, bpack)


def kernel(x, ei0, ei1, ei2, ei3, Wl, bl, W0, b0, W1, b1, Wm, bm, Wout, bout,
           Wq, bq, Wk, bk, Wv, bv, Wo, bo, Wp1, bp1, Wp2, bp2, mp_weights):
    def shape_idx(a):
        return a.reshape(NSUB, NCHUNK, CHUNK)

    g1 = jnp.stack([shape_idx(ei1[1]), shape_idx(ei3[1])])
    s1 = jnp.stack([shape_idx(ei1[0]), shape_idx(ei3[0])])
    g0 = jnp.stack([shape_idx(ei0[1]), shape_idx(ei2[1] + N)])
    s0 = jnp.stack([shape_idx(ei0[0]), shape_idx(ei2[0])])

    WlT = jnp.swapaxes(Wl, -1, -2)
    BT = jnp.swapaxes(W0 + W1, -1, -2)
    bsum = bl + b0 + b1
    WmT = jnp.swapaxes(Wm, -1, -2)
    WoutT = jnp.swapaxes(Wout, -1, -2) * mp_weights[:, None, None]
    boutw = bout * mp_weights[:, None]

    pad = jnp.zeros((4, D), jnp.float32)
    biases1 = jnp.concatenate([bsum[:, 1], bm[:, 1], pad], axis=0)

    Wcat = jnp.stack([
        jnp.concatenate([WoutT[m] @ Wq.T, WoutT[m] @ Wk.T, WoutT[m] @ Wv.T],
                        axis=1) for m in range(2)])
    bcat = jnp.stack([
        jnp.concatenate([boutw[m] @ Wq.T + bq, boutw[m] @ Wk.T + bk,
                         boutw[m] @ Wv.T + bv]) for m in range(2)])
    Wfold = jnp.stack([WmT[m, 0] @ Wcat[m] for m in range(2)])
    bfold = jnp.stack([bm[m, 0] @ Wcat[m] + bcat[m] for m in range(2)])

    scale = 1.0 / jnp.sqrt(jnp.float32(D // 4))
    Hmat = (jnp.arange(D)[:, None] // (D // 4)
            == jnp.arange(4)[None, :]).astype(jnp.float32)
    Mh = jnp.concatenate(
        [jnp.kron(jnp.eye(4, dtype=jnp.float32), Hmat) * scale,
         jnp.zeros((4 * D, D - 16), jnp.float32)], axis=1)
    P = jnp.array([[1, 0], [0, 1], [1, 0], [0, 1]], jnp.float32)
    MhT = jnp.kron(P, Hmat.T)

    Wc = 0.5 * (Wo.T @ Wp1.T)
    bc = bo @ Wp1.T + bp1
    bpack = jnp.concatenate([
        bsum[:, 0],
        bfold.reshape(6, D),
        bc[None, :], Wp2, jnp.full((1, D), bp2[0]),
        jnp.zeros((5, D), jnp.float32)], axis=0)

    agg1 = _sc_propagate(x, g1, s1)
    h1 = _tc_layer1(x, agg1, WlT[:, 1], BT[:, 1], WmT[:, 1], biases1)

    agg0 = _sc_propagate(h1.reshape(2 * N, D), g0, s0)
    out = _tc_final(h1, agg0, WlT[:, 0], BT[:, 0], Wfold, Wc, Mh, MhT, bpack)
    return out.reshape(N)

# --- scband reference (transcript-rebuilt; emitter-appended) ---
"""Pipeline reference for scband-mpsgnn-26207890440692 (READ-ONLY COPY).

The authoritative reference and input builder live on the scoring server;
editing this copy changes nothing except your own understanding.
"""

import jax, jax.numpy as jnp
import numpy as np

N = 10000
E = 320000
D = 128
M = 2
L = 2
H = 4
HD = D // H

def setup_inputs(seed: int = 0) -> dict:
    key = jax.random.key(seed)
    ks = jax.random.split(key, 32)
    s = 0.05
    inp = {}
    inp['x'] = jax.random.normal(ks[0], (N, D), dtype=jnp.float32)
    for i in range(4):
        inp['ei%d' % i] = jax.random.randint(ks[1 + i], (2, E), 0, N, dtype=jnp.int32)
    # MetaPathGNNLayer params: [M metapaths, L layers, out, in]
    inp['Wl'] = jax.random.normal(ks[5], (M, L, D, D), dtype=jnp.float32) * s
    inp['bl'] = jax.random.normal(ks[6], (M, L, D), dtype=jnp.float32) * s
    inp['W0'] = jax.random.normal(ks[7], (M, L, D, D), dtype=jnp.float32) * s
    inp['b0'] = jax.random.normal(ks[8], (M, L, D), dtype=jnp.float32) * s
    inp['W1'] = jax.random.normal(ks[9], (M, L, D, D), dtype=jnp.float32) * s
    inp['b1'] = jax.random.normal(ks[10], (M, L, D), dtype=jnp.float32) * s
    # per-layer mlp (post-residual projection)
    inp['Wm'] = jax.random.normal(ks[11], (M, L, D, D), dtype=jnp.float32) * s
    inp['bm'] = jax.random.normal(ks[12], (M, L, D), dtype=jnp.float32) * s
    # per-metapath out_proj
    inp['Wout'] = jax.random.normal(ks[13], (M, D, D), dtype=jnp.float32) * s
    inp['bout'] = jax.random.normal(ks[14], (M, D), dtype=jnp.float32) * s
    # MetaPathSelfAttention (MultiheadAttention, 4 heads)
    inp['Wq'] = jax.random.normal(ks[15], (D, D), dtype=jnp.float32) * s
    inp['bq'] = jax.random.normal(ks[16], (D,), dtype=jnp.float32) * s
    inp['Wk'] = jax.random.normal(ks[17], (D, D), dtype=jnp.float32) * s
    inp['bk'] = jax.random.normal(ks[18], (D,), dtype=jnp.float32) * s
    inp['Wv'] = jax.random.normal(ks[19], (D, D), dtype=jnp.float32) * s
    inp['bv'] = jax.random.normal(ks[20], (D,), dtype=jnp.float32) * s
    inp['Wo'] = jax.random.normal(ks[21], (D, D), dtype=jnp.float32) * s
    inp['bo'] = jax.random.normal(ks[22], (D,), dtype=jnp.float32) * s
    # output_proj: Linear(D,D) -> ReLU -> Linear(D,1)
    inp['Wp1'] = jax.random.normal(ks[23], (D, D), dtype=jnp.float32) * s
    inp['bp1'] = jax.random.normal(ks[24], (D,), dtype=jnp.float32) * s
    inp['Wp2'] = jax.random.normal(ks[25], (1, D), dtype=jnp.float32) * s
    inp['bp2'] = jax.random.normal(ks[26], (1,), dtype=jnp.float32) * s
    # metapath weight buffer (normalized counts)
    inp['mp_weights'] = jnp.array([0.5, 0.5], dtype=jnp.float32)
    return inp

def reference(x, ei0, ei1, ei2, ei3, Wl, bl, W0, b0, W1, b1, Wm, bm, Wout, bout, Wq, bq, Wk, bk, Wv, bv, Wo, bo, Wp1, bp1, Wp2, bp2, mp_weights):
    eis = [[ei0, ei1], [ei2, ei3]]
    embs = []
    for m in range(M):
        h = x
        for it in range(L):
            c = L - 1 - it  # reversed metapath traversal
            ei = eis[m][c]
            # flow='target_to_source', aggr='add': gather from ei[1], scatter-add at ei[0]
            msg = jnp.take(h, ei[1], axis=0)
            agg = jax.ops.segment_sum(msg, ei[0], num_segments=N)
            h_dst = agg @ Wl[m, c].T + bl[m, c] + h @ W0[m, c].T + b0[m, c] + h @ W1[m, c].T + b1[m, c]
            res = h_dst + h
            h = jnp.maximum(res, 0.0) @ Wm[m, c].T + bm[m, c]
        embs.append(h @ Wout[m].T + bout[m])
    concat = jnp.stack(embs, axis=1)  # [N, M, D]
    weighted = concat * mp_weights.reshape(1, -1, 1)
    q = weighted @ Wq.T + bq
    k = weighted @ Wk.T + bk
    v = weighted @ Wv.T + bv
    def split(t):
        return t.reshape(N, M, H, HD).transpose(0, 2, 1, 3)
    qh, kh, vh = split(q), split(k), split(v)
    scale = jnp.array(1.0 / np.sqrt(HD), dtype=jnp.float32)
    attn = jax.nn.softmax((qh @ kh.transpose(0, 1, 3, 2)) * scale, axis=-1)
    ctx = (attn @ vh).transpose(0, 2, 1, 3).reshape(N, M, D)
    attn_out = ctx @ Wo.T + bo
    pooled = attn_out.mean(axis=1)
    out = jnp.maximum(pooled @ Wp1.T + bp1, 0.0) @ Wp2.T + bp2
    return out.squeeze(-1)

if __name__ == "__main__":
    import jax
    _d = setup_inputs()
    print(jax.jit(kernel)(*tuple(_d.values())))

</pallas_src>

<mosaic_0001>
#map = affine_map<(d0, d1) -> (0, 0)>
#map1 = affine_map<(d0, d1) -> (0, 0, 0, 0)>
#map2 = affine_map<(d0, d1) -> (0, 0, 0)>
module attributes {stable_mosaic.version = 14 : i64} {
  func.func @k(%arg0: i32, %arg1: i32, %arg2: memref<10000x128xf32, #tpu.memory_space<hbm>>, %arg3: memref<2x16x160x125xi32, #tpu.memory_space<hbm>>, %arg4: memref<2x16x160x125xi32, #tpu.memory_space<hbm>>, %arg5: memref<2x10000x128xf32, #tpu.memory_space<hbm>>, %arg6: memref<40x125xi32, #tpu.memory_space<vmem>>, %arg7: memref<40x125xi32, #tpu.memory_space<vmem>>, %arg8: memref<125x128xf32, #tpu.memory_space<vmem>>, %arg9: memref<125x128xf32, #tpu.memory_space<vmem>>, %arg10: memref<10000x128xf32, #tpu.memory_space<vmem_shared>>, %arg11: memref<!tpu.dma_semaphore, #tpu.memory_space<semaphore_mem>>, %arg12: memref<!tpu.dma_semaphore, #tpu.memory_space<semaphore_mem>>) attributes {dimension_semantics = [#tpu.dimension_semantics<core_parallel>, #tpu.dimension_semantics<subcore_parallel>], iteration_bounds = array<i64: 2, 16>, scalar_prefetch = 0 : i64, scratch_operands = 7 : i64, tpu.core_type = #tpu.core_type<sc_vector_subcore>, window_params = [{transform_indices = #map}, {transform_indices = #map1}, {transform_indices = #map1}, {transform_indices = #map2}]} {
    %broadcast_in_dim3A = arith.constant 0.000000e+00 : f32
    %broadcast_in_dim3A_0 = vector.broadcast %broadcast_in_dim3A : f32 to vector<16xf32>
    %scan3A = arith.constant 0 : i32
    %scan3A_1 = arith.constant 0 : i32
    %scan3A_2 = arith.constant 125 : i32
    %scan3A_3 = arith.addi %scan3A_1, %scan3A_2 : i32
    %scan3A_4 = arith.constant 1 : i32
    scf.for %scan3A_181 = %scan3A_1 to %scan3A_3 step %scan3A_4  : i32 {
      %swap3A = arith.index_cast %scan3A_181 : i32 to index
      %swap3A_182 = arith.constant 0 : index
      %swap3A_183 = tpu.vector_load %arg8[%swap3A, %swap3A_182] {strides = array<i32>} : memref<125x128xf32, #tpu.memory_space<vmem>>, vector<1x16xf32>,
      %swap3A_184 = vector.shape_cast %swap3A_183 : vector<1x16xf32> to vector<16xf32>
      %swap3A_185 = vector.shape_cast %broadcast_in_dim3A_0 : vector<16xf32> to vector<1x16xf32>
      tpu.vector_store %arg8[%swap3A, %swap3A_182], %swap3A_185 {strides = array<i32>} : memref<125x128xf32, #tpu.memory_space<vmem>>, vector<1x16xf32>,
      %swap3A_186 = arith.index_cast %scan3A_181 : i32 to index
      %swap3A_187 = arith.constant 16 : index
      %swap3A_188 = tpu.vector_load %arg8[%swap3A_186, %swap3A_187] {strides = array<i32>} : memref<125x128xf32, #tpu.memory_space<vmem>>, vector<1x16xf32>,
      %swap3A_189 = vector.shape_cast %swap3A_188 : vector<1x16xf32> to vector<16xf32>
      %swap3A_190 = vector.shape_cast %broadcast_in_dim3A_0 : vector<16xf32> to vector<1x16xf32>
      tpu.vector_store %arg8[%swap3A_186, %swap3A_187], %swap3A_190 {strides = array<i32>} : memref<125x128xf32, #tpu.memory_space<vmem>>, vector<1x16xf32>,
      %swap3A_191 = arith.index_cast %scan3A_181 : i32 to index
      %swap3A_192 = arith.constant 32 : index
      %swap3A_193 = tpu.vector_load %arg8[%swap3A_191, %swap3A_192] {strides = array<i32>} : memref<125x128xf32, #tpu.memory_space<vmem>>, vector<1x16xf32>,
      %swap3A_194 = vector.shape_cast %swap3A_193 : vector<1x16xf32> to vector<16xf32>
      %swap3A_195 = vector.shape_cast %broadcast_in_dim3A_0 : vector<16xf32> to vector<1x16xf32>
      tpu.vector_store %arg8[%swap3A_191, %swap3A_192], %swap3A_195 {strides = array<i32>} : memref<125x128xf32, #tpu.memory_space<vmem>>, vector<1x16xf32>,
      %swap3A_196 = arith.index_cast %scan3A_181 : i32 to index
      %swap3A_197 = arith.constant 48 : index
      %swap3A_198 = tpu.vector_load %arg8[%swap3A_196, %swap3A_197] {strides = array<i32>} : memref<125x128xf32, #tpu.memory_space<vmem>>, vector<1x16xf32>,
      %swap3A_199 = vector.shape_cast %swap3A_198 : vector<1x16xf32> to vector<16xf32>
      %swap3A_200 = vector.shape_cast %broadcast_in_dim3A_0 : vector<16xf32> to vector<1x16xf32>
      tpu.vector_store %arg8[%swap3A_196, %swap3A_197], %swap3A_200 {strides = array<i32>} : memref<125x128xf32, #tpu.memory_space<vmem>>, vector<1x16xf32>,
      %swap3A_201 = arith.index_cast %scan3A_181 : i32 to index
      %swap3A_202 = arith.constant 64 : index
      %swap3A_203 = tpu.vector_load %arg8[%swap3A_201, %swap3A_202] {strides = array<i32>} : memref<125x128xf32, #tpu.memory_space<vmem>>, vector<1x16xf32>,
      %swap3A_204 = vector.shape_cast %swap3A_203 : vector<1x16xf32> to vector<16xf32>
      %swap3A_205 = vector.shape_cast %broadcast_in_dim3A_0 : vector<16xf32> to vector<1x16xf32>
      tpu.vector_store %arg8[%swap3A_201, %swap3A_202], %swap3A_205 {strides = array<i32>} : memref<125x128xf32, #tpu.memory_space<vmem>>, vector<1x16xf32>,
      %swap3A_206 = arith.index_cast %scan3A_181 : i32 to index
      %swap3A_207 = arith.constant 80 : index
      %swap3A_208 = tpu.vector_load %arg8[%swap3A_206, %swap3A_207] {strides = array<i32>} : memref<125x128xf32, #tpu.memory_space<vmem>>, vector<1x16xf32>,
      %swap3A_209 = vector.shape_cast %swap3A_208 : vector<1x16xf32> to vector<16xf32>
      %swap3A_210 = vector.shape_cast %broadcast_in_dim3A_0 : vector<16xf32> to vector<1x16xf32>
      tpu.vector_store %arg8[%swap3A_206, %swap3A_207], %swap3A_210 {strides = array<i32>} : memref<125x128xf32, #tpu.memory_space<vmem>>, vector<1x16xf32>,
      %swap3A_211 = arith.index_cast %scan3A_181 : i32 to index
      %swap3A_212 = arith.constant 96 : index
      %swap3A_213 = tpu.vector_load %arg8[%swap3A_211, %swap3A_212] {strides = array<i32>} : memref<125x128xf32, #tpu.memory_space<vmem>>, vector<1x16xf32>,
      %swap3A_214 = vector.shape_cast %swap3A_213 : vector<1x16xf32> to vector<16xf32>
      %swap3A_215 = vector.shape_cast %broadcast_in_dim3A_0 : vector<16xf32> to vector<1x16xf32>
      tpu.vector_store %arg8[%swap3A_211, %swap3A_212], %swap3A_215 {strides = array<i32>} : memref<125x128xf32, #tpu.memory_space<vmem>>, vector<1x16xf32>,
      %swap3A_216 = arith.index_cast %scan3A_181 : i32 to index
      %swap3A_217 = arith.constant 112 : index
      %swap3A_218 = tpu.vector_load %arg8[%swap3A_216, %swap3A_217] {strides = array<i32>} : memref<125x128xf32, #tpu.memory_space<vmem>>, vector<1x16xf32>,
      %swap3A_219 = vector.shape_cast %swap3A_218 : vector<1x16xf32> to vector<16xf32>
      %swap3A_220 = vector.shape_cast %broadcast_in_dim3A_0 : vector<16xf32> to vector<1x16xf32>
      tpu.vector_store %arg8[%swap3A_216, %swap3A_217], %swap3A_220 {strides = array<i32>} : memref<125x128xf32, #tpu.memory_space<vmem>>, vector<1x16xf32>,
    }
    %scan3A_5 = arith.constant 125 : i32
    %mul3A = arith.constant 624 : i32
    %mul3A_6 = arith.muli %arg1, %mul3A : i32
    %add3A = arith.constant 0 : i32
    %add3A_7 = arith.addi %mul3A_6, %add3A : i32
    "tpu.region"() ({
      %run_scoped3A_181 = tpu.sem_alloc : memref<!tpu.dma_semaphore, #tpu.memory_space<semaphore_mem>>
      %dma_start3A_182 = arith.constant 0 : i32
      %dma_start3A_183 = arith.constant 0 : i32
      %dma_start3A_184 = tpu.memref_slice %arg8[%dma_start3A_182, %dma_start3A_183] : memref<125x128xf32, #tpu.memory_space<vmem>> -> memref<104x128xf32, #tpu.memory_space<vmem>>
      %dma_start3A_185 = arith.constant 0 : i32
      %dma_start3A_186 = tpu.memref_slice %arg10[%add3A_7, %dma_start3A_185] : memref<10000x128xf32, #tpu.memory_space<vmem_shared>> -> memref<104x128xf32, #tpu.memory_space<vmem_shared>>
      %dma_start3A_187 = arith.constant 0 : i32
      %dma_start3A_188 = tpu.memref_slice %arg10[%add3A_7, %dma_start3A_187] : memref<10000x128xf32, #tpu.memory_space<vmem_shared>> -> memref<104x128xf32, #tpu.memory_space<vmem_shared>>
      %dma_start3A_189 = arith.constant 0 : i32
      %dma_start3A_190 = arith.constant 0 : i32
      %dma_start3A_191 = tpu.memref_slice %arg8[%dma_start3A_189, %dma_start3A_190] : memref<125x128xf32, #tpu.memory_space<vmem>> -> memref<104x128xf32, #tpu.memory_space<vmem>>
      tpu.enqueue_dma source(%dma_start3A_191 : memref<104x128xf32, #tpu.memory_space<vmem>>) target(%dma_start3A_188 : memref<104x128xf32, #tpu.memory_space<vmem_shared>>) target_semaphore(%run_scoped3A_181 : memref<!tpu.dma_semaphore, #tpu.memory_space<semaphore_mem>>)
      %dma_wait3A_192 = arith.constant 0 : i32
      %dma_wait3A_193 = arith.constant 0 : i32
      %dma_wait3A_194 = tpu.memref_slice %arg8[%dma_wait3A_192, %dma_wait3A_193] : memref<125x128xf32, #tpu.memory_space<vmem>> -> memref<104x128xf32, #tpu.memory_space<vmem>>
      %dma_wait3A_195 = arith.constant 0 : i32
      %dma_wait3A_196 = tpu.memref_slice %arg10[%add3A_7, %dma_wait3A_195] : memref<10000x128xf32, #tpu.memory_space<vmem_shared>> -> memref<104x128xf32, #tpu.memory_space<vmem_shared>>
      %dma_wait3A_197 = arith.constant 0 : i32
      %dma_wait3A_198 = tpu.memref_slice %arg10[%add3A_7, %dma_wait3A_197] : memref<10000x128xf32, #tpu.memory_space<vmem_shared>> -> memref<104x128xf32, #tpu.memory_space<vmem_shared>>
      %dma_wait3A_199 = arith.constant 0 : i32
      %dma_wait3A_200 = arith.constant 0 : i32
      %dma_wait3A_201 = tpu.memref_slice %arg8[%dma_wait3A_199, %dma_wait3A_200] : memref<125x128xf32, #tpu.memory_space<vmem>> -> memref<104x128xf32, #tpu.memory_space<vmem>>
      tpu.wait_dma2 semaphore(%run_scoped3A_181 : memref<!tpu.dma_semaphore, #tpu.memory_space<semaphore_mem>>) src(%dma_wait3A_201 : memref<104x128xf32, #tpu.memory_space<vmem>>) dst(%dma_wait3A_198 : memref<104x128xf32, #tpu.memory_space<vmem_shared>>)
      tpu.yield
    }) : () -> ()
    %mul3A_8 = arith.constant 624 : i32
    %mul3A_9 = arith.muli %arg1, %mul3A_8 : i32
    %add3A_10 = arith.constant 104 : i32
    %add3A_11 = arith.addi %mul3A_9, %add3A_10 : i32
    "tpu.region"() ({
      %run_scoped3A_181 = tpu.sem_alloc : memref<!tpu.dma_semaphore, #tpu.memory_space<semaphore_mem>>
      %dma_start3A_182 = arith.constant 0 : i32
      %dma_start3A_183 = arith.constant 0 : i32
      %dma_start3A_184 = tpu.memref_slice %arg8[%dma_start3A_182, %dma_start3A_183] : memref<125x128xf32, #tpu.memory_space<vmem>> -> memref<104x128xf32, #tpu.memory_space<vmem>>
      %dma_start3A_185 = arith.constant 0 : i32
      %dma_start3A_186 = tpu.memref_slice %arg10[%add3A_11, %dma_start3A_185] : memref<10000x128xf32, #tpu.memory_space<vmem_shared>> -> memref<104x128xf32, #tpu.memory_space<vmem_shared>>
      %dma_start3A_187 = arith.constant 0 : i32
      %dma_start3A_188 = tpu.memref_slice %arg10[%add3A_11, %dma_start3A_187] : memref<10000x128xf32, #tpu.memory_space<vmem_shared>> -> memref<104x128xf32, #tpu.memory_space<vmem_shared>>
      %dma_start3A_189 = arith.constant 0 : i32
      %dma_start3A_190 = arith.constant 0 : i32
      %dma_start3A_191 = tpu.memref_slice %arg8[%dma_start3A_189, %dma_start3A_190] : memref<125x128xf32, #tpu.memory_space<vmem>> -> memref<104x128xf32, #tpu.memory_space<vmem>>
      tpu.enqueue_dma source(%dma_start3A_191 : memref<104x128xf32, #tpu.memory_space<vmem>>) target(%dma_start3A_188 : memref<104x128xf32, #tpu.memory_space<vmem_shared>>) target_semaphore(%run_scoped3A_181 : memref<!tpu.dma_semaphore, #tpu.memory_space<semaphore_mem>>)
      %dma_wait3A_192 = arith.constant 0 : i32
      %dma_wait3A_193 = arith.constant 0 : i32
      %dma_wait3A_194 = tpu.memref_slice %arg8[%dma_wait3A_192, %dma_wait3A_193] : memref<125x128xf32, #tpu.memory_space<vmem>> -> memref<104x128xf32, #tpu.memory_space<vmem>>
      %dma_wait3A_195 = arith.constant 0 : i32
      %dma_wait3A_196 = tpu.memref_slice %arg10[%add3A_11, %dma_wait3A_195] : memref<10000x128xf32, #tpu.memory_space<vmem_shared>> -> memref<104x128xf32, #tpu.memory_space<vmem_shared>>
      %dma_wait3A_197 = arith.constant 0 : i32
      %dma_wait3A_198 = tpu.memref_slice %arg10[%add3A_11, %dma_wait3A_197] : memref<10000x128xf32, #tpu.memory_space<vmem_shared>> -> memref<104x128xf32, #tpu.memory_space<vmem_shared>>
      %dma_wait3A_199 = arith.constant 0 : i32
      %dma_wait3A_200 = arith.constant 0 : i32
      %dma_wait3A_201 = tpu.memref_slice %arg8[%dma_wait3A_199, %dma_wait3A_200] : memref<125x128xf32, #tpu.memory_space<vmem>> -> memref<104x128xf32, #tpu.memory_space<vmem>>
      tpu.wait_dma2 semaphore(%run_scoped3A_181 : memref<!tpu.dma_semaphore, #tpu.memory_space<semaphore_mem>>) src(%dma_wait3A_201 : memref<104x128xf32, #tpu.memory_space<vmem>>) dst(%dma_wait3A_198 : memref<104x128xf32, #tpu.memory_space<vmem_shared>>)
      tpu.yield
    }) : () -> ()
    %mul3A_12 = arith.constant 624 : i32
    %mul3A_13 = arith.muli %arg1, %mul3A_12 : i32
    %add3A_14 = arith.constant 208 : i32
    %add3A_15 = arith.addi %mul3A_13, %add3A_14 : i32
    "tpu.region"() ({
      %run_scoped3A_181 = tpu.sem_alloc : memref<!tpu.dma_semaphore, #tpu.memory_space<semaphore_mem>>
      %dma_start3A_182 = arith.constant 0 : i32
      %dma_start3A_183 = arith.constant 0 : i32
      %dma_start3A_184 = tpu.memref_slice %arg8[%dma_start3A_182, %dma_start3A_183] : memref<125x128xf32, #tpu.memory_space<vmem>> -> memref<104x128xf32, #tpu.memory_space<vmem>>
      %dma_start3A_185 = arith.constant 0 : i32
      %dma_start3A_186 = tpu.memref_slice %arg10[%add3A_15, %dma_start3A_185] : memref<10000x128xf32, #tpu.memory_space<vmem_shared>> -> memref<104x128xf32, #tpu.memory_space<vmem_shared>>
      %dma_start3A_187 = arith.constant 0 : i32
      %dma_start3A_188 = tpu.memref_slice %arg10[%add3A_15, %dma_start3A_187] : memref<10000x128xf32, #tpu.memory_space<vmem_shared>> -> memref<104x128xf32, #tpu.memory_space<vmem_shared>>
      %dma_start3A_189 = arith.constant 0 : i32
      %dma_start3A_190 = arith.constant 0 : i32
      %dma_start3A_191 = tpu.memref_slice %arg8[%dma_start3A_189, %dma_start3A_190] : memref<125x128xf32, #tpu.memory_space<vmem>> -> memref<104x128xf32, #tpu.memory_space<vmem>>
      tpu.enqueue_dma source(%dma_start3A_191 : memref<104x128xf32, #tpu.memory_space<vmem>>) target(%dma_start3A_188 : memref<104x128xf32, #tpu.memory_space<vmem_shared>>) target_semaphore(%run_scoped3A_181 : memref<!tpu.dma_semaphore, #tpu.memory_space<semaphore_mem>>)
      %dma_wait3A_192 = arith.constant 0 : i32
      %dma_wait3A_193 = arith.constant 0 : i32
      %dma_wait3A_194 = tpu.memref_slice %arg8[%dma_wait3A_192, %dma_wait3A_193] : memref<125x128xf32, #tpu.memory_space<vmem>> -> memref<104x128xf32, #tpu.memory_space<vmem>>
      %dma_wait3A_195 = arith.constant 0 : i32
      %dma_wait3A_196 = tpu.memref_slice %arg10[%add3A_15, %dma_wait3A_195] : memref<10000x128xf32, #tpu.memory_space<vmem_shared>> -> memref<104x128xf32, #tpu.memory_space<vmem_shared>>
      %dma_wait3A_197 = arith.constant 0 : i32
      %dma_wait3A_198 = tpu.memref_slice %arg10[%add3A_15, %dma_wait3A_197] : memref<10000x128xf32, #tpu.memory_space<vmem_shared>> -> memref<104x128xf32, #tpu.memory_space<vmem_shared>>
      %dma_wait3A_199 = arith.constant 0 : i32
      %dma_wait3A_200 = arith.constant 0 : i32
      %dma_wait3A_201 = tpu.memref_slice %arg8[%dma_wait3A_199, %dma_wait3A_200] : memref<125x128xf32, #tpu.memory_space<vmem>> -> memref<104x128xf32, #tpu.memory_space<vmem>>
      tpu.wait_dma2 semaphore(%run_scoped3A_181 : memref<!tpu.dma_semaphore, #tpu.memory_space<semaphore_mem>>) src(%dma_wait3A_201 : memref<104x128xf32, #tpu.memory_space<vmem>>) dst(%dma_wait3A_198 : memref<104x128xf32, #tpu.memory_space<vmem_shared>>)
      tpu.yield
    }) : () -> ()
    %mul3A_16 = arith.constant 624 : i32
    %mul3A_17 = arith.muli %arg1, %mul3A_16 : i32
    %add3A_18 = arith.constant 312 : i32
    %add3A_19 = arith.addi %mul3A_17, %add3A_18 : i32
    "tpu.region"() ({
      %run_scoped3A_181 = tpu.sem_alloc : memref<!tpu.dma_semaphore, #tpu.memory_space<semaphore_mem>>
      %dma_start3A_182 = arith.constant 0 : i32
      %dma_start3A_183 = arith.constant 0 : i32
      %dma_start3A_184 = tpu.memref_slice %arg8[%dma_start3A_182, %dma_start3A_183] : memref<125x128xf32, #tpu.memory_space<vmem>> -> memref<104x128xf32, #tpu.memory_space<vmem>>
      %dma_start3A_185 = arith.constant 0 : i32
      %dma_start3A_186 = tpu.memref_slice %arg10[%add3A_19, %dma_start3A_185] : memref<10000x128xf32, #tpu.memory_space<vmem_shared>> -> memref<104x128xf32, #tpu.memory_space<vmem_shared>>
      %dma_start3A_187 = arith.constant 0 : i32
      %dma_start3A_188 = tpu.memref_slice %arg10[%add3A_19, %dma_start3A_187] : memref<10000x128xf32, #tpu.memory_space<vmem_shared>> -> memref<104x128xf32, #tpu.memory_space<vmem_shared>>
      %dma_start3A_189 = arith.constant 0 : i32
      %dma_start3A_190 = arith.constant 0 : i32
      %dma_start3A_191 = tpu.memref_slice %arg8[%dma_start3A_189, %dma_start3A_190] : memref<125x128xf32, #tpu.memory_space<vmem>> -> memref<104x128xf32, #tpu.memory_space<vmem>>
      tpu.enqueue_dma source(%dma_start3A_191 : memref<104x128xf32, #tpu.memory_space<vmem>>) target(%dma_start3A_188 : memref<104x128xf32, #tpu.memory_space<vmem_shared>>) target_semaphore(%run_scoped3A_181 : memref<!tpu.dma_semaphore, #tpu.memory_space<semaphore_mem>>)
      %dma_wait3A_192 = arith.constant 0 : i32
      %dma_wait3A_193 = arith.constant 0 : i32
      %dma_wait3A_194 = tpu.memref_slice %arg8[%dma_wait3A_192, %dma_wait3A_193] : memref<125x128xf32, #tpu.memory_space<vmem>> -> memref<104x128xf32, #tpu.memory_space<vmem>>
      %dma_wait3A_195 = arith.constant 0 : i32
      %dma_wait3A_196 = tpu.memref_slice %arg10[%add3A_19, %dma_wait3A_195] : memref<10000x128xf32, #tpu.memory_space<vmem_shared>> -> memref<104x128xf32, #tpu.memory_space<vmem_shared>>
      %dma_wait3A_197 = arith.constant 0 : i32
      %dma_wait3A_198 = tpu.memref_slice %arg10[%add3A_19, %dma_wait3A_197] : memref<10000x128xf32, #tpu.memory_space<vmem_shared>> -> memref<104x128xf32, #tpu.memory_space<vmem_shared>>
      %dma_wait3A_199 = arith.constant 0 : i32
      %dma_wait3A_200 = arith.constant 0 : i32
      %dma_wait3A_201 = tpu.memref_slice %arg8[%dma_wait3A_199, %dma_wait3A_200] : memref<125x128xf32, #tpu.memory_space<vmem>> -> memref<104x128xf32, #tpu.memory_space<vmem>>
      tpu.wait_dma2 semaphore(%run_scoped3A_181 : memref<!tpu.dma_semaphore, #tpu.memory_space<semaphore_mem>>) src(%dma_wait3A_201 : memref<104x128xf32, #tpu.memory_space<vmem>>) dst(%dma_wait3A_198 : memref<104x128xf32, #tpu.memory_space<vmem_shared>>)
      tpu.yield
    }) : () -> ()
    %mul3A_20 = arith.constant 624 : i32
    %mul3A_21 = arith.muli %arg1, %mul3A_20 : i32
    %add3A_22 = arith.constant 416 : i32
    %add3A_23 = arith.addi %mul3A_21, %add3A_22 : i32
    "tpu.region"() ({
      %run_scoped3A_181 = tpu.sem_alloc : memref<!tpu.dma_semaphore, #tpu.memory_space<semaphore_mem>>
      %dma_start3A_182 = arith.constant 0 : i32
      %dma_start3A_183 = arith.constant 0 : i32
      %dma_start3A_184 = tpu.memref_slice %arg8[%dma_start3A_182, %dma_start3A_183] : memref<125x128xf32, #tpu.memory_space<vmem>> -> memref<104x128xf32, #tpu.memory_space<vmem>>
      %dma_start3A_185 = arith.constant 0 : i32
      %dma_start3A_186 = tpu.memref_slice %arg10[%add3A_23, %dma_start3A_185] : memref<10000x128xf32, #tpu.memory_space<vmem_shared>> -> memref<104x128xf32, #tpu.memory_space<vmem_shared>>
      %dma_start3A_187 = arith.constant 0 : i32
      %dma_start3A_188 = tpu.memref_slice %arg10[%add3A_23, %dma_start3A_187] : memref<10000x128xf32, #tpu.memory_space<vmem_shared>> -> memref<104x128xf32, #tpu.memory_space<vmem_shared>>
      %dma_start3A_189 = arith.constant 0 : i32
      %dma_start3A_190 = arith.constant 0 : i32
      %dma_start3A_191 = tpu.memref_slice %arg8[%dma_start3A_189, %dma_start3A_190] : memref<125x128xf32, #tpu.memory_space<vmem>> -> memref<104x128xf32, #tpu.memory_space<vmem>>
      tpu.enqueue_dma source(%dma_start3A_191 : memref<104x128xf32, #tpu.memory_space<vmem>>) target(%dma_start3A_188 : memref<104x128xf32, #tpu.memory_space<vmem_shared>>) target_semaphore(%run_scoped3A_181 : memref<!tpu.dma_semaphore, #tpu.memory_space<semaphore_mem>>)
      %dma_wait3A_192 = arith.constant 0 : i32
      %dma_wait3A_193 = arith.constant 0 : i32
      %dma_wait3A_194 = tpu.memref_slice %arg8[%dma_wait3A_192, %dma_wait3A_193] : memref<125x128xf32, #tpu.memory_space<vmem>> -> memref<104x128xf32, #tpu.memory_space<vmem>>
      %dma_wait3A_195 = arith.constant 0 : i32
      %dma_wait3A_196 = tpu.memref_slice %arg10[%add3A_23, %dma_wait3A_195] : memref<10000x128xf32, #tpu.memory_space<vmem_shared>> -> memref<104x128xf32, #tpu.memory_space<vmem_shared>>
      %dma_wait3A_197 = arith.constant 0 : i32
      %dma_wait3A_198 = tpu.memref_slice %arg10[%add3A_23, %dma_wait3A_197] : memref<10000x128xf32, #tpu.memory_space<vmem_shared>> -> memref<104x128xf32, #tpu.memory_space<vmem_shared>>
      %dma_wait3A_199 = arith.constant 0 : i32
      %dma_wait3A_200 = arith.constant 0 : i32
      %dma_wait3A_201 = tpu.memref_slice %arg8[%dma_wait3A_199, %dma_wait3A_200] : memref<125x128xf32, #tpu.memory_space<vmem>> -> memref<104x128xf32, #tpu.memory_space<vmem>>
      tpu.wait_dma2 semaphore(%run_scoped3A_181 : memref<!tpu.dma_semaphore, #tpu.memory_space<semaphore_mem>>) src(%dma_wait3A_201 : memref<104x128xf32, #tpu.memory_space<vmem>>) dst(%dma_wait3A_198 : memref<104x128xf32, #tpu.memory_space<vmem_shared>>)
      tpu.yield
    }) : () -> ()
    %mul3A_24 = arith.constant 624 : i32
    %mul3A_25 = arith.muli %arg1, %mul3A_24 : i32
    %add3A_26 = arith.constant 520 : i32
    %add3A_27 = arith.addi %mul3A_25, %add3A_26 : i32
    "tpu.region"() ({
      %run_scoped3A_181 = tpu.sem_alloc : memref<!tpu.dma_semaphore, #tpu.memory_space<semaphore_mem>>
      %dma_start3A_182 = arith.constant 0 : i32
      %dma_start3A_183 = arith.constant 0 : i32
      %dma_start3A_184 = tpu.memref_slice %arg8[%dma_start3A_182, %dma_start3A_183] : memref<125x128xf32, #tpu.memory_space<vmem>> -> memref<104x128xf32, #tpu.memory_space<vmem>>
      %dma_start3A_185 = arith.constant 0 : i32
      %dma_start3A_186 = tpu.memref_slice %arg10[%add3A_27, %dma_start3A_185] : memref<10000x128xf32, #tpu.memory_space<vmem_shared>> -> memref<104x128xf32, #tpu.memory_space<vmem_shared>>
      %dma_start3A_187 = arith.constant 0 : i32
      %dma_start3A_188 = tpu.memref_slice %arg10[%add3A_27, %dma_start3A_187] : memref<10000x128xf32, #tpu.memory_space<vmem_shared>> -> memref<104x128xf32, #tpu.memory_space<vmem_shared>>
      %dma_start3A_189 = arith.constant 0 : i32
      %dma_start3A_190 = arith.constant 0 : i32
      %dma_start3A_191 = tpu.memref_slice %arg8[%dma_start3A_189, %dma_start3A_190] : memref<125x128xf32, #tpu.memory_space<vmem>> -> memref<104x128xf32, #tpu.memory_space<vmem>>
      tpu.enqueue_dma source(%dma_start3A_191 : memref<104x128xf32, #tpu.memory_space<vmem>>) target(%dma_start3A_188 : memref<104x128xf32, #tpu.memory_space<vmem_shared>>) target_semaphore(%run_scoped3A_181 : memref<!tpu.dma_semaphore, #tpu.memory_space<semaphore_mem>>)
      %dma_wait3A_192 = arith.constant 0 : i32
      %dma_wait3A_193 = arith.constant 0 : i32
      %dma_wait3A_194 = tpu.memref_slice %arg8[%dma_wait3A_192, %dma_wait3A_193] : memref<125x128xf32, #tpu.memory_space<vmem>> -> memref<104x128xf32, #tpu.memory_space<vmem>>
      %dma_wait3A_195 = arith.constant 0 : i32
      %dma_wait3A_196 = tpu.memref_slice %arg10[%add3A_27, %dma_wait3A_195] : memref<10000x128xf32, #tpu.memory_space<vmem_shared>> -> memref<104x128xf32, #tpu.memory_space<vmem_shared>>
      %dma_wait3A_197 = arith.constant 0 : i32
      %dma_wait3A_198 = tpu.memref_slice %arg10[%add3A_27, %dma_wait3A_197] : memref<10000x128xf32, #tpu.memory_space<vmem_shared>> -> memref<104x128xf32, #tpu.memory_space<vmem_shared>>
      %dma_wait3A_199 = arith.constant 0 : i32
      %dma_wait3A_200 = arith.constant 0 : i32
      %dma_wait3A_201 = tpu.memref_slice %arg8[%dma_wait3A_199, %dma_wait3A_200] : memref<125x128xf32, #tpu.memory_space<vmem>> -> memref<104x128xf32, #tpu.memory_space<vmem>>
      tpu.wait_dma2 semaphore(%run_scoped3A_181 : memref<!tpu.dma_semaphore, #tpu.memory_space<semaphore_mem>>) src(%dma_wait3A_201 : memref<104x128xf32, #tpu.memory_space<vmem>>) dst(%dma_wait3A_198 : memref<104x128xf32, #tpu.memory_space<vmem_shared>>)
      tpu.yield
    }) : () -> ()
    %eq3A = arith.constant 15 : i32
    %eq3A_28 = arith.cmpi eq, %arg1, %eq3A : i32
    %convert_element_type3A = arith.extui %eq3A_28 : i1 to i32
    %cond3A = arith.constant 0 : i32
    %cond3A_29 = arith.cmpi ne, %convert_element_type3A, %cond3A : i32
    scf.if %cond3A_29 {
      "tpu.region"() ({
        %run_scoped3A_181 = tpu.sem_alloc : memref<!tpu.dma_semaphore, #tpu.memory_space<semaphore_mem>>
        %dma_start3A_182 = arith.constant 0 : i32
        %dma_start3A_183 = arith.constant 0 : i32
        %dma_start3A_184 = tpu.memref_slice %arg8[%dma_start3A_182, %dma_start3A_183] : memref<125x128xf32, #tpu.memory_space<vmem>> -> memref<16x128xf32, #tpu.memory_space<vmem>>
        %dma_start3A_185 = arith.constant 9984 : i32
        %dma_start3A_186 = arith.constant 0 : i32
        %dma_start3A_187 = tpu.memref_slice %arg10[%dma_start3A_185, %dma_start3A_186] : memref<10000x128xf32, #tpu.memory_space<vmem_shared>> -> memref<16x128xf32, #tpu.memory_space<vmem_shared>>
        %dma_start3A_188 = arith.constant 9984 : i32
        %dma_start3A_189 = arith.constant 0 : i32
        %dma_start3A_190 = tpu.memref_slice %arg10[%dma_start3A_188, %dma_start3A_189] : memref<10000x128xf32, #tpu.memory_space<vmem_shared>> -> memref<16x128xf32, #tpu.memory_space<vmem_shared>>
        %dma_start3A_191 = arith.constant 0 : i32
        %dma_start3A_192 = arith.constant 0 : i32
        %dma_start3A_193 = tpu.memref_slice %arg8[%dma_start3A_191, %dma_start3A_192] : memref<125x128xf32, #tpu.memory_space<vmem>> -> memref<16x128xf32, #tpu.memory_space<vmem>>
        tpu.enqueue_dma source(%dma_start3A_193 : memref<16x128xf32, #tpu.memory_space<vmem>>) target(%dma_start3A_190 : memref<16x128xf32, #tpu.memory_space<vmem_shared>>) target_semaphore(%run_scoped3A_181 : memref<!tpu.dma_semaphore, #tpu.memory_space<semaphore_mem>>)
        %dma_wait3A_194 = arith.constant 0 : i32
        %dma_wait3A_195 = arith.constant 0 : i32
        %dma_wait3A_196 = tpu.memref_slice %arg8[%dma_wait3A_194, %dma_wait3A_195] : memref<125x128xf32, #tpu.memory_space<vmem>> -> memref<16x128xf32, #tpu.memory_space<vmem>>
        %dma_wait3A_197 = arith.constant 9984 : i32
        %dma_wait3A_198 = arith.constant 0 : i32
        %dma_wait3A_199 = tpu.memref_slice %arg10[%dma_wait3A_197, %dma_wait3A_198] : memref<10000x128xf32, #tpu.memory_space<vmem_shared>> -> memref<16x128xf32, #tpu.memory_space<vmem_shared>>
        %dma_wait3A_200 = arith.constant 9984 : i32
        %dma_wait3A_201 = arith.constant 0 : i32
        %dma_wait3A_202 = tpu.memref_slice %arg10[%dma_wait3A_200, %dma_wait3A_201] : memref<10000x128xf32, #tpu.memory_space<vmem_shared>> -> memref<16x128xf32, #tpu.memory_space<vmem_shared>>
        %dma_wait3A_203 = arith.constant 0 : i32
        %dma_wait3A_204 = arith.constant 0 : i32
        %dma_wait3A_205 = tpu.memref_slice %arg8[%dma_wait3A_203, %dma_wait3A_204] : memref<125x128xf32, #tpu.memory_space<vmem>> -> memref<16x128xf32, #tpu.memory_space<vmem>>
        tpu.wait_dma2 semaphore(%run_scoped3A_181 : memref<!tpu.dma_semaphore, #tpu.memory_space<semaphore_mem>>) src(%dma_wait3A_205 : memref<16x128xf32, #tpu.memory_space<vmem>>) dst(%dma_wait3A_202 : memref<16x128xf32, #tpu.memory_space<vmem_shared>>)
        tpu.yield
      }) : () -> ()
    } else {
    }
    %barrier3A = arith.constant 0 : index
    tpu.barrier barrier_id(%barrier3A)
    "tpu.region"() ({
      %run_scoped3A_181 = tpu.sem_alloc : memref<!tpu.dma_semaphore, #tpu.memory_space<semaphore_mem>>
      %dma_start3A_182 = arith.constant 0 : i32
      %dma_start3A_183 = arith.constant 0 : i32
      %dma_start3A_184 = tpu.memref_slice %arg3[%arg0, %arg1, %dma_start3A_182, %dma_start3A_183] : memref<2x16x160x125xi32, #tpu.memory_space<hbm>> -> memref<1x1x40x125xi32, #tpu.memory_space<hbm>>
      %dma_start3A_185 = tpu.memref_squeeze %dma_start3A_184 : memref<1x1x40x125xi32, #tpu.memory_space<hbm>> -> memref<40x125xi32, #tpu.memory_space<hbm>>
      %dma_start3A_186 = arith.constant 0 : i32
      %dma_start3A_187 = arith.constant 0 : i32
      %dma_start3A_188 = tpu.memref_slice %arg3[%arg0, %arg1, %dma_start3A_186, %dma_start3A_187] : memref<2x16x160x125xi32, #tpu.memory_space<hbm>> -> memref<1x1x40x125xi32, #tpu.memory_space<hbm>>
      %dma_start3A_189 = tpu.memref_squeeze %dma_start3A_188 : memref<1x1x40x125xi32, #tpu.memory_space<hbm>> -> memref<40x125xi32, #tpu.memory_space<hbm>>
      tpu.enqueue_dma source(%dma_start3A_189 : memref<40x125xi32, #tpu.memory_space<hbm>>) target(%arg6 : memref<40x125xi32, #tpu.memory_space<vmem>>) target_semaphore(%run_scoped3A_181 : memref<!tpu.dma_semaphore, #tpu.memory_space<semaphore_mem>>)
      %dma_wait3A_190 = arith.constant 0 : i32
      %dma_wait3A_191 = arith.constant 0 : i32
      %dma_wait3A_192 = tpu.memref_slice %arg3[%arg0, %arg1, %dma_wait3A_190, %dma_wait3A_191] : memref<2x16x160x125xi32, #tpu.memory_space<hbm>> -> memref<1x1x40x125xi32, #tpu.memory_space<hbm>>
      %dma_wait3A_193 = tpu.memref_squeeze %dma_wait3A_192 : memref<1x1x40x125xi32, #tpu.memory_space<hbm>> -> memref<40x125xi32, #tpu.memory_space<hbm>>
      %dma_wait3A_194 = arith.constant 0 : i32
      %dma_wait3A_195 = arith.constant 0 : i32
      %dma_wait3A_196 = tpu.memref_slice %arg3[%arg0, %arg1, %dma_wait3A_194, %dma_wait3A_195] : memref<2x16x160x125xi32, #tpu.memory_space<hbm>> -> memref<1x1x40x125xi32, #tpu.memory_space<hbm>>
      %dma_wait3A_197 = tpu.memref_squeeze %dma_wait3A_196 : memref<1x1x40x125xi32, #tpu.memory_space<hbm>> -> memref<40x125xi32, #tpu.memory_space<hbm>>
      tpu.wait_dma2 semaphore(%run_scoped3A_181 : memref<!tpu.dma_semaphore, #tpu.memory_space<semaphore_mem>>) src(%dma_wait3A_197 : memref<40x125xi32, #tpu.memory_space<hbm>>) dst(%arg6 : memref<40x125xi32, #tpu.memory_space<vmem>>)
      tpu.yield
    }) : () -> ()
    "tpu.region"() ({
      %run_scoped3A_181 = tpu.sem_alloc : memref<!tpu.dma_semaphore, #tpu.memory_space<semaphore_mem>>
      %dma_start3A_182 = arith.constant 0 : i32
      %dma_start3A_183 = arith.constant 0 : i32
      %dma_start3A_184 = tpu.memref_slice %arg4[%arg0, %arg1, %dma_start3A_182, %dma_start3A_183] : memref<2x16x160x125xi32, #tpu.memory_space<hbm>> -> memref<1x1x40x125xi32, #tpu.memory_space<hbm>>
      %dma_start3A_185 = tpu.memref_squeeze %dma_start3A_184 : memref<1x1x40x125xi32, #tpu.memory_space<hbm>> -> memref<40x125xi32, #tpu.memory_space<hbm>>
      %dma_start3A_186 = arith.constant 0 : i32
      %dma_start3A_187 = arith.constant 0 : i32
      %dma_start3A_188 = tpu.memref_slice %arg4[%arg0, %arg1, %dma_start3A_186, %dma_start3A_187] : memref<2x16x160x125xi32, #tpu.memory_space<hbm>> -> memref<1x1x40x125xi32, #tpu.memory_space<hbm>>
      %dma_start3A_189 = tpu.memref_squeeze %dma_start3A_188 : memref<1x1x40x125xi32, #tpu.memory_space<hbm>> -> memref<40x125xi32, #tpu.memory_space<hbm>>
      tpu.enqueue_dma source(%dma_start3A_189 : memref<40x125xi32, #tpu.memory_space<hbm>>) target(%arg7 : memref<40x125xi32, #tpu.memory_space<vmem>>) target_semaphore(%run_scoped3A_181 : memref<!tpu.dma_semaphore, #tpu.memory_space<semaphore_mem>>)
      %dma_wait3A_190 = arith.constant 0 : i32
      %dma_wait3A_191 = arith.constant 0 : i32
      %dma_wait3A_192 = tpu.memref_slice %arg4[%arg0, %arg1, %dma_wait3A_190, %dma_wait3A_191] : memref<2x16x160x125xi32, #tpu.memory_space<hbm>> -> memref<1x1x40x125xi32, #tpu.memory_space<hbm>>
      %dma_wait3A_193 = tpu.memref_squeeze %dma_wait3A_192 : memref<1x1x40x125xi32, #tpu.memory_space<hbm>> -> memref<40x125xi32, #tpu.memory_space<hbm>>
      %dma_wait3A_194 = arith.constant 0 : i32
      %dma_wait3A_195 = arith.constant 0 : i32
      %dma_wait3A_196 = tpu.memref_slice %arg4[%arg0, %arg1, %dma_wait3A_194, %dma_wait3A_195] : memref<2x16x160x125xi32, #tpu.memory_space<hbm>> -> memref<1x1x40x125xi32, #tpu.memory_space<hbm>>
      %dma_wait3A_197 = tpu.memref_squeeze %dma_wait3A_196 : memref<1x1x40x125xi32, #tpu.memory_space<hbm>> -> memref<40x125xi32, #tpu.memory_space<hbm>>
      tpu.wait_dma2 semaphore(%run_scoped3A_181 : memref<!tpu.dma_semaphore, #tpu.memory_space<semaphore_mem>>) src(%dma_wait3A_197 : memref<40x125xi32, #tpu.memory_space<hbm>>) dst(%arg7 : memref<40x125xi32, #tpu.memory_space<vmem>>)
      tpu.yield
    }) : () -> ()
    %dma_start3A = arith.constant 0 : i32
    %dma_start3A_30 = arith.constant 0 : i32
    %dma_start3A_31 = tpu.memref_slice %arg6[%dma_start3A, %dma_start3A_30] : memref<40x125xi32, #tpu.memory_space<vmem>> -> memref<1x125xi32, #tpu.memory_space<vmem>>
    %dma_start3A_32 = tpu.memref_squeeze %dma_start3A_31 : memref<1x125xi32, #tpu.memory_space<vmem>> -> memref<125xi32, #tpu.memory_space<vmem>>
    %dma_start3A_33 = arith.constant 0 : i32
    %dma_start3A_34 = arith.constant 0 : i32
    %dma_start3A_35 = tpu.memref_slice %arg2[%dma_start3A_33, %dma_start3A_34] : memref<10000x128xf32, #tpu.memory_space<hbm>> -> memref<10000x128xf32, #tpu.memory_space<hbm>>
    tpu.enqueue_indirect_dma source(%dma_start3A_35 : memref<10000x128xf32, #tpu.memory_space<hbm>>) target(%arg8 : memref<125x128xf32, #tpu.memory_space<vmem>>) offsets(%dma_start3A_32 : memref<125xi32, #tpu.memory_space<vmem>>) semaphore(%arg11 : memref<!tpu.dma_semaphore, #tpu.memory_space<semaphore_mem>>)
    %dma_start3A_36 = arith.constant 1 : i32
    %dma_start3A_37 = arith.constant 0 : i32
    %dma_start3A_38 = tpu.memref_slice %arg6[%dma_start3A_36, %dma_start3A_37] : memref<40x125xi32, #tpu.memory_space<vmem>> -> memref<1x125xi32, #tpu.memory_space<vmem>>
    %dma_start3A_39 = tpu.memref_squeeze %dma_start3A_38 : memref<1x125xi32, #tpu.memory_space<vmem>> -> memref<125xi32, #tpu.memory_space<vmem>>
    %dma_start3A_40 = arith.constant 0 : i32
    %dma_start3A_41 = arith.constant 0 : i32
    %dma_start3A_42 = tpu.memref_slice %arg2[%dma_start3A_40, %dma_start3A_41] : memref<10000x128xf32, #tpu.memory_space<hbm>> -> memref<10000x128xf32, #tpu.memory_space<hbm>>
    tpu.enqueue_indirect_dma source(%dma_start3A_42 : memref<10000x128xf32, #tpu.memory_space<hbm>>) target(%arg9 : memref<125x128xf32, #tpu.memory_space<vmem>>) offsets(%dma_start3A_39 : memref<125xi32, #tpu.memory_space<vmem>>) semaphore(%arg12 : memref<!tpu.dma_semaphore, #tpu.memory_space<semaphore_mem>>)
    %scan3A_43 = arith.constant 0 : i32
    %scan3A_44 = arith.constant 0 : i32
    %scan3A_45 = arith.constant 19 : i32
    %scan3A_46 = arith.addi %scan3A_44, %scan3A_45 : i32
    %scan3A_47 = arith.constant 1 : i32
    scf.for %scan3A_181 = %scan3A_44 to %scan3A_46 step %scan3A_47  : i32 {
      %mul3A_182 = arith.constant 2 : i32
      %mul3A_183 = arith.muli %mul3A_182, %scan3A_181 : i32
      %dma_wait3A_184 = arith.constant 0 : i32
      %dma_wait3A_185 = tpu.memref_slice %arg6[%mul3A_183, %dma_wait3A_184] : memref<40x125xi32, #tpu.memory_space<vmem>> -> memref<1x125xi32, #tpu.memory_space<vmem>>
      %dma_wait3A_186 = tpu.memref_squeeze %dma_wait3A_185 : memref<1x125xi32, #tpu.memory_space<vmem>> -> memref<125xi32, #tpu.memory_space<vmem>>
      %dma_wait3A_187 = arith.constant 0 : i32
      %dma_wait3A_188 = arith.constant 0 : i32
      %dma_wait3A_189 = tpu.memref_slice %arg2[%dma_wait3A_187, %dma_wait3A_188] : memref<10000x128xf32, #tpu.memory_space<hbm>> -> memref<10000x128xf32, #tpu.memory_space<hbm>>
      tpu.wait_indirect_dma semaphore(%arg11 : memref<!tpu.dma_semaphore, #tpu.memory_space<semaphore_mem>>) src(%dma_wait3A_189 : memref<10000x128xf32, #tpu.memory_space<hbm>>) dst(%arg8 : memref<125x128xf32, #tpu.memory_space<vmem>>)
      "tpu.region"() ({
        %run_scoped3A_214 = tpu.sem_alloc : memref<!tpu.dma_semaphore, #tpu.memory_space<semaphore_mem>>
        %dma_start3A_215 = arith.constant 0 : i32
        %dma_start3A_216 = tpu.memref_slice %arg7[%mul3A_183, %dma_start3A_215] : memref<40x125xi32, #tpu.memory_space<vmem>> -> memref<1x125xi32, #tpu.memory_space<vmem>>
        %dma_start3A_217 = tpu.memref_squeeze %dma_start3A_216 : memref<1x125xi32, #tpu.memory_space<vmem>> -> memref<125xi32, #tpu.memory_space<vmem>>
        %dma_start3A_218 = arith.constant 0 : i32
        %dma_start3A_219 = arith.constant 0 : i32
        %dma_start3A_220 = tpu.memref_slice %arg10[%dma_start3A_218, %dma_start3A_219] : memref<10000x128xf32, #tpu.memory_space<vmem_shared>> -> memref<10000x128xf32, #tpu.memory_space<vmem_shared>>
        tpu.enqueue_indirect_dma source(%arg8 : memref<125x128xf32, #tpu.memory_space<vmem>>) target(%dma_start3A_220 : memref<10000x128xf32, #tpu.memory_space<vmem_shared>>) offsets(%dma_start3A_217 : memref<125xi32, #tpu.memory_space<vmem>>) semaphore(%run_scoped3A_214 : memref<!tpu.dma_semaphore, #tpu.memory_space<semaphore_mem>>) {add = true}
        %dma_wait3A_221 = arith.constant 0 : i32
        %dma_wait3A_222 = tpu.memref_slice %arg7[%mul3A_183, %dma_wait3A_221] : memref<40x125xi32, #tpu.memory_space<vmem>> -> memref<1x125xi32, #tpu.memory_space<vmem>>
        %dma_wait3A_223 = tpu.memref_squeeze %dma_wait3A_222 : memref<1x125xi32, #tpu.memory_space<vmem>> -> memref<125xi32, #tpu.memory_space<vmem>>
        %dma_wait3A_224 = arith.constant 0 : i32
        %dma_wait3A_225 = arith.constant 0 : i32
        %dma_wait3A_226 = tpu.memref_slice %arg10[%dma_wait3A_224, %dma_wait3A_225] : memref<10000x128xf32, #tpu.memory_space<vmem_shared>> -> memref<10000x128xf32, #tpu.memory_space<vmem_shared>>
        tpu.wait_indirect_dma semaphore(%run_scoped3A_214 : memref<!tpu.dma_semaphore, #tpu.memory_space<semaphore_mem>>) src(%arg8 : memref<125x128xf32, #tpu.memory_space<vmem>>) dst(%dma_wait3A_226 : memref<10000x128xf32, #tpu.memory_space<vmem_shared>>)
        tpu.yield
      }) : () -> ()
      %add3A_190 = arith.constant 2 : i32
      %add3A_191 = arith.addi %mul3A_183, %add3A_190 : i32
      %dma_start3A_192 = arith.constant 0 : i32
      %dma_start3A_193 = tpu.memref_slice %arg6[%add3A_191, %dma_start3A_192] : memref<40x125xi32, #tpu.memory_space<vmem>> -> memref<1x125xi32, #tpu.memory_space<vmem>>
      %dma_start3A_194 = tpu.memref_squeeze %dma_start3A_193 : memref<1x125xi32, #tpu.memory_space<vmem>> -> memref<125xi32, #tpu.memory_space<vmem>>
      %dma_start3A_195 = arith.constant 0 : i32
      %dma_start3A_196 = arith.constant 0 : i32
      %dma_start3A_197 = tpu.memref_slice %arg2[%dma_start3A_195, %dma_start3A_196] : memref<10000x128xf32, #tpu.memory_space<hbm>> -> memref<10000x128xf32, #tpu.memory_space<hbm>>
      tpu.enqueue_indirect_dma source(%dma_start3A_197 : memref<10000x128xf32, #tpu.memory_space<hbm>>) target(%arg8 : memref<125x128xf32, #tpu.memory_space<vmem>>) offsets(%dma_start3A_194 : memref<125xi32, #tpu.memory_space<vmem>>) semaphore(%arg11 : memref<!tpu.dma_semaphore, #tpu.memory_space<semaphore_mem>>)
      %add3A_198 = arith.constant 1 : i32
      %add3A_199 = arith.addi %mul3A_183, %add3A_198 : i32
      %dma_wait3A_200 = arith.constant 0 : i32
      %dma_wait3A_201 = tpu.memref_slice %arg6[%add3A_199, %dma_wait3A_200] : memref<40x125xi32, #tpu.memory_space<vmem>> -> memref<1x125xi32, #tpu.memory_space<vmem>>
      %dma_wait3A_202 = tpu.memref_squeeze %dma_wait3A_201 : memref<1x125xi32, #tpu.memory_space<vmem>> -> memref<125xi32, #tpu.memory_space<vmem>>
      %dma_wait3A_203 = arith.constant 0 : i32
      %dma_wait3A_204 = arith.constant 0 : i32
      %dma_wait3A_205 = tpu.memref_slice %arg2[%dma_wait3A_203, %dma_wait3A_204] : memref<10000x128xf32, #tpu.memory_space<hbm>> -> memref<10000x128xf32, #tpu.memory_space<hbm>>
      tpu.wait_indirect_dma semaphore(%arg12 : memref<!tpu.dma_semaphore, #tpu.memory_space<semaphore_mem>>) src(%dma_wait3A_205 : memref<10000x128xf32, #tpu.memory_space<hbm>>) dst(%arg9 : memref<125x128xf32, #tpu.memory_space<vmem>>)
      "tpu.region"() ({
        %run_scoped3A_214 = tpu.sem_alloc : memref<!tpu.dma_semaphore, #tpu.memory_space<semaphore_mem>>
        %dma_start3A_215 = arith.constant 0 : i32
        %dma_start3A_216 = tpu.memref_slice %arg7[%add3A_199, %dma_start3A_215] : memref<40x125xi32, #tpu.memory_space<vmem>> -> memref<1x125xi32, #tpu.memory_space<vmem>>
        %dma_start3A_217 = tpu.memref_squeeze %dma_start3A_216 : memref<1x125xi32, #tpu.memory_space<vmem>> -> memref<125xi32, #tpu.memory_space<vmem>>
        %dma_start3A_218 = arith.constant 0 : i32
        %dma_start3A_219 = arith.constant 0 : i32
        %dma_start3A_220 = tpu.memref_slice %arg10[%dma_start3A_218, %dma_start3A_219] : memref<10000x128xf32, #tpu.memory_space<vmem_shared>> -> memref<10000x128xf32, #tpu.memory_space<vmem_shared>>
        tpu.enqueue_indirect_dma source(%arg9 : memref<125x128xf32, #tpu.memory_space<vmem>>) target(%dma_start3A_220 : memref<10000x128xf32, #tpu.memory_space<vmem_shared>>) offsets(%dma_start3A_217 : memref<125xi32, #tpu.memory_space<vmem>>) semaphore(%run_scoped3A_214 : memref<!tpu.dma_semaphore, #tpu.memory_space<semaphore_mem>>) {add = true}
        %dma_wait3A_221 = arith.constant 0 : i32
        %dma_wait3A_222 = tpu.memref_slice %arg7[%add3A_199, %dma_wait3A_221] : memref<40x125xi32, #tpu.memory_space<vmem>> -> memref<1x125xi32, #tpu.memory_space<vmem>>
        %dma_wait3A_223 = tpu.memref_squeeze %dma_wait3A_222 : memref<1x125xi32, #tpu.memory_space<vmem>> -> memref<125xi32, #tpu.memory_space<vmem>>
        %dma_wait3A_224 = arith.constant 0 : i32
        %dma_wait3A_225 = arith.constant 0 : i32
        %dma_wait3A_226 = tpu.memref_slice %arg10[%dma_wait3A_224, %dma_wait3A_225] : memref<10000x128xf32, #tpu.memory_space<vmem_shared>> -> memref<10000x128xf32, #tpu.memory_space<vmem_shared>>
        tpu.wait_indirect_dma semaphore(%run_scoped3A_214 : memref<!tpu.dma_semaphore, #tpu.memory_space<semaphore_mem>>) src(%arg9 : memref<125x128xf32, #tpu.memory_space<vmem>>) dst(%dma_wait3A_226 : memref<10000x128xf32, #tpu.memory_space<vmem_shared>>)
        tpu.yield
      }) : () -> ()
      %add3A_206 = arith.constant 3 : i32
      %add3A_207 = arith.addi %mul3A_183, %add3A_206 : i32
      %dma_start3A_208 = arith.constant 0 : i32
      %dma_start3A_209 = tpu.memref_slice %arg6[%add3A_207, %dma_start3A_208] : memref<40x125xi32, #tpu.memory_space<vmem>> -> memref<1x125xi32, #tpu.memory_space<vmem>>
      %dma_start3A_210 = tpu.memref_squeeze %dma_start3A_209 : memref<1x125xi32, #tpu.memory_space<vmem>> -> memref<125xi32, #tpu.memory_space<vmem>>
      %dma_start3A_211 = arith.constant 0 : i32
      %dma_start3A_212 = arith.constant 0 : i32
      %dma_start3A_213 = tpu.memref_slice %arg2[%dma_start3A_211, %dma_start3A_212] : memref<10000x128xf32, #tpu.memory_space<hbm>> -> memref<10000x128xf32, #tpu.memory_space<hbm>>
      tpu.enqueue_indirect_dma source(%dma_start3A_213 : memref<10000x128xf32, #tpu.memory_space<hbm>>) target(%arg9 : memref<125x128xf32, #tpu.memory_space<vmem>>) offsets(%dma_start3A_210 : memref<125xi32, #tpu.memory_space<vmem>>) semaphore(%arg12 : memref<!tpu.dma_semaphore, #tpu.memory_space<semaphore_mem>>)
    }
    %scan3A_48 = arith.constant 19 : i32
    %dma_wait3A = arith.constant 38 : i32
    %dma_wait3A_49 = arith.constant 0 : i32
    %dma_wait3A_50 = tpu.memref_slice %arg6[%dma_wait3A, %dma_wait3A_49] : memref<40x125xi32, #tpu.memory_space<vmem>> -> memref<1x125xi32, #tpu.memory_space<vmem>>
    %dma_wait3A_51 = tpu.memref_squeeze %dma_wait3A_50 : memref<1x125xi32, #tpu.memory_space<vmem>> -> memref<125xi32, #tpu.memory_space<vmem>>
    %dma_wait3A_52 = arith.constant 0 : i32
    %dma_wait3A_53 = arith.constant 0 : i32
    %dma_wait3A_54 = tpu.memref_slice %arg2[%dma_wait3A_52, %dma_wait3A_53] : memref<10000x128xf32, #tpu.memory_space<hbm>> -> memref<10000x128xf32, #tpu.memory_space<hbm>>
    tpu.wait_indirect_dma semaphore(%arg11 : memref<!tpu.dma_semaphore, #tpu.memory_space<semaphore_mem>>) src(%dma_wait3A_54 : memref<10000x128xf32, #tpu.memory_space<hbm>>) dst(%arg8 : memref<125x128xf32, #tpu.memory_space<vmem>>)
    %run_scoped3A = arith.constant 38 : i32
    "tpu.region"() ({
      %run_scoped3A_181 = tpu.sem_alloc : memref<!tpu.dma_semaphore, #tpu.memory_space<semaphore_mem>>
      %dma_start3A_182 = arith.constant 0 : i32
      %dma_start3A_183 = tpu.memref_slice %arg7[%run_scoped3A, %dma_start3A_182] : memref<40x125xi32, #tpu.memory_space<vmem>> -> memref<1x125xi32, #tpu.memory_space<vmem>>
      %dma_start3A_184 = tpu.memref_squeeze %dma_start3A_183 : memref<1x125xi32, #tpu.memory_space<vmem>> -> memref<125xi32, #tpu.memory_space<vmem>>
      %dma_start3A_185 = arith.constant 0 : i32
      %dma_start3A_186 = arith.constant 0 : i32
      %dma_start3A_187 = tpu.memref_slice %arg10[%dma_start3A_185, %dma_start3A_186] : memref<10000x128xf32, #tpu.memory_space<vmem_shared>> -> memref<10000x128xf32, #tpu.memory_space<vmem_shared>>
      tpu.enqueue_indirect_dma source(%arg8 : memref<125x128xf32, #tpu.memory_space<vmem>>) target(%dma_start3A_187 : memref<10000x128xf32, #tpu.memory_space<vmem_shared>>) offsets(%dma_start3A_184 : memref<125xi32, #tpu.memory_space<vmem>>) semaphore(%run_scoped3A_181 : memref<!tpu.dma_semaphore, #tpu.memory_space<semaphore_mem>>) {add = true}
      %dma_wait3A_188 = arith.constant 0 : i32
      %dma_wait3A_189 = tpu.memref_slice %arg7[%run_scoped3A, %dma_wait3A_188] : memref<40x125xi32, #tpu.memory_space<vmem>> -> memref<1x125xi32, #tpu.memory_space<vmem>>
      %dma_wait3A_190 = tpu.memref_squeeze %dma_wait3A_189 : memref<1x125xi32, #tpu.memory_space<vmem>> -> memref<125xi32, #tpu.memory_space<vmem>>
      %dma_wait3A_191 = arith.constant 0 : i32
      %dma_wait3A_192 = arith.constant 0 : i32
      %dma_wait3A_193 = tpu.memref_slice %arg10[%dma_wait3A_191, %dma_wait3A_192] : memref<10000x128xf32, #tpu.memory_space<vmem_shared>> -> memref<10000x128xf32, #tpu.memory_space<vmem_shared>>
      tpu.wait_indirect_dma semaphore(%run_scoped3A_181 : memref<!tpu.dma_semaphore, #tpu.memory_space<semaphore_mem>>) src(%arg8 : memref<125x128xf32, #tpu.memory_space<vmem>>) dst(%dma_wait3A_193 : memref<10000x128xf32, #tpu.memory_space<vmem_shared>>)
      tpu.yield
    }) : () -> ()
    %dma_wait3A_55 = arith.constant 39 : i32
    %dma_wait3A_56 = arith.constant 0 : i32
    %dma_wait3A_57 = tpu.memref_slice %arg6[%dma_wait3A_55, %dma_wait3A_56] : memref<40x125xi32, #tpu.memory_space<vmem>> -> memref<1x125xi32, #tpu.memory_space<vmem>>
    %dma_wait3A_58 = tpu.memref_squeeze %dma_wait3A_57 : memref<1x125xi32, #tpu.memory_space<vmem>> -> memref<125xi32, #tpu.memory_space<vmem>>
    %dma_wait3A_59 = arith.constant 0 : i32
    %dma_wait3A_60 = arith.constant 0 : i32
    %dma_wait3A_61 = tpu.memref_slice %arg2[%dma_wait3A_59, %dma_wait3A_60] : memref<10000x128xf32, #tpu.memory_space<hbm>> -> memref<10000x128xf32, #tpu.memory_space<hbm>>
    tpu.wait_indirect_dma semaphore(%arg12 : memref<!tpu.dma_semaphore, #tpu.memory_space<semaphore_mem>>) src(%dma_wait3A_61 : memref<10000x128xf32, #tpu.memory_space<hbm>>) dst(%arg9 : memref<125x128xf32, #tpu.memory_space<vmem>>)
    %run_scoped3A_62 = arith.constant 39 : i32
    "tpu.region"() ({
      %run_scoped3A_181 = tpu.sem_alloc : memref<!tpu.dma_semaphore, #tpu.memory_space<semaphore_mem>>
      %dma_start3A_182 = arith.constant 0 : i32
      %dma_start3A_183 = tpu.memref_slice %arg7[%run_scoped3A_62, %dma_start3A_182] : memref<40x125xi32, #tpu.memory_space<vmem>> -> memref<1x125xi32, #tpu.memory_space<vmem>>
      %dma_start3A_184 = tpu.memref_squeeze %dma_start3A_183 : memref<1x125xi32, #tpu.memory_space<vmem>> -> memref<125xi32, #tpu.memory_space<vmem>>
      %dma_start3A_185 = arith.constant 0 : i32
      %dma_start3A_186 = arith.constant 0 : i32
      %dma_start3A_187 = tpu.memref_slice %arg10[%dma_start3A_185, %dma_start3A_186] : memref<10000x128xf32, #tpu.memory_space<vmem_shared>> -> memref<10000x128xf32, #tpu.memory_space<vmem_shared>>
      tpu.enqueue_indirect_dma source(%arg9 : memref<125x128xf32, #tpu.memory_space<vmem>>) target(%dma_start3A_187 : memref<10000x128xf32, #tpu.memory_space<vmem_shared>>) offsets(%dma_start3A_184 : memref<125xi32, #tpu.memory_space<vmem>>) semaphore(%run_scoped3A_181 : memref<!tpu.dma_semaphore, #tpu.memory_space<semaphore_mem>>) {add = true}
      %dma_wait3A_188 = arith.constant 0 : i32
      %dma_wait3A_189 = tpu.memref_slice %arg7[%run_scoped3A_62, %dma_wait3A_188] : memref<40x125xi32, #tpu.memory_space<vmem>> -> memref<1x125xi32, #tpu.memory_space<vmem>>
      %dma_wait3A_190 = tpu.memref_squeeze %dma_wait3A_189 : memref<1x125xi32, #tpu.memory_space<vmem>> -> memref<125xi32, #tpu.memory_space<vmem>>
      %dma_wait3A_191 = arith.constant 0 : i32
      %dma_wait3A_192 = arith.constant 0 : i32
      %dma_wait3A_193 = tpu.memref_slice %arg10[%dma_wait3A_191, %dma_wait3A_192] : memref<10000x128xf32, #tpu.memory_space<vmem_shared>> -> memref<10000x128xf32, #tpu.memory_space<vmem_shared>>
      tpu.wait_indirect_dma semaphore(%run_scoped3A_181 : memref<!tpu.dma_semaphore, #tpu.memory_space<semaphore_mem>>) src(%arg9 : memref<125x128xf32, #tpu.memory_space<vmem>>) dst(%dma_wait3A_193 : memref<10000x128xf32, #tpu.memory_space<vmem_shared>>)
      tpu.yield
    }) : () -> ()
    "tpu.region"() ({
      %run_scoped3A_181 = tpu.sem_alloc : memref<!tpu.dma_semaphore, #tpu.memory_space<semaphore_mem>>
      %dma_start3A_182 = arith.constant 40 : i32
      %dma_start3A_183 = arith.constant 0 : i32
      %dma_start3A_184 = tpu.memref_slice %arg3[%arg0, %arg1, %dma_start3A_182, %dma_start3A_183] : memref<2x16x160x125xi32, #tpu.memory_space<hbm>> -> memref<1x1x40x125xi32, #tpu.memory_space<hbm>>
      %dma_start3A_185 = tpu.memref_squeeze %dma_start3A_184 : memref<1x1x40x125xi32, #tpu.memory_space<hbm>> -> memref<40x125xi32, #tpu.memory_space<hbm>>
      %dma_start3A_186 = arith.constant 40 : i32
      %dma_start3A_187 = arith.constant 0 : i32
      %dma_start3A_188 = tpu.memref_slice %arg3[%arg0, %arg1, %dma_start3A_186, %dma_start3A_187] : memref<2x16x160x125xi32, #tpu.memory_space<hbm>> -> memref<1x1x40x125xi32, #tpu.memory_space<hbm>>
      %dma_start3A_189 = tpu.memref_squeeze %dma_start3A_188 : memref<1x1x40x125xi32, #tpu.memory_space<hbm>> -> memref<40x125xi32, #tpu.memory_space<hbm>>
      tpu.enqueue_dma source(%dma_start3A_189 : memref<40x125xi32, #tpu.memory_space<hbm>>) target(%arg6 : memref<40x125xi32, #tpu.memory_space<vmem>>) target_semaphore(%run_scoped3A_181 : memref<!tpu.dma_semaphore, #tpu.memory_space<semaphore_mem>>)
      %dma_wait3A_190 = arith.constant 40 : i32
      %dma_wait3A_191 = arith.constant 0 : i32
      %dma_wait3A_192 = tpu.memref_slice %arg3[%arg0, %arg1, %dma_wait3A_190, %dma_wait3A_191] : memref<2x16x160x125xi32, #tpu.memory_space<hbm>> -> memref<1x1x40x125xi32, #tpu.memory_space<hbm>>
      %dma_wait3A_193 = tpu.memref_squeeze %dma_wait3A_192 : memref<1x1x40x125xi32, #tpu.memory_space<hbm>> -> memref<40x125xi32, #tpu.memory_space<hbm>>
      %dma_wait3A_194 = arith.constant 40 : i32
      %dma_wait3A_195 = arith.constant 0 : i32
      %dma_wait3A_196 = tpu.memref_slice %arg3[%arg0, %arg1, %dma_wait3A_194, %dma_wait3A_195] : memref<2x16x160x125xi32, #tpu.memory_space<hbm>> -> memref<1x1x40x125xi32, #tpu.memory_space<hbm>>
      %dma_wait3A_197 = tpu.memref_squeeze %dma_wait3A_196 : memref<1x1x40x125xi32, #tpu.memory_space<hbm>> -> memref<40x125xi32, #tpu.memory_space<hbm>>
      tpu.wait_dma2 semaphore(%run_scoped3A_181 : memref<!tpu.dma_semaphore, #tpu.memory_space<semaphore_mem>>) src(%dma_wait3A_197 : memref<40x125xi32, #tpu.memory_space<hbm>>) dst(%arg6 : memref<40x125xi32, #tpu.memory_space<vmem>>)
      tpu.yield
    }) : () -> ()
    "tpu.region"() ({
      %run_scoped3A_181 = tpu.sem_alloc : memref<!tpu.dma_semaphore, #tpu.memory_space<semaphore_mem>>
      %dma_start3A_182 = arith.constant 40 : i32
      %dma_start3A_183 = arith.constant 0 : i32
      %dma_start3A_184 = tpu.memref_slice %arg4[%arg0, %arg1, %dma_start3A_182, %dma_start3A_183] : memref<2x16x160x125xi32, #tpu.memory_space<hbm>> -> memref<1x1x40x125xi32, #tpu.memory_space<hbm>>
      %dma_start3A_185 = tpu.memref_squeeze %dma_start3A_184 : memref<1x1x40x125xi32, #tpu.memory_space<hbm>> -> memref<40x125xi32, #tpu.memory_space<hbm>>
      %dma_start3A_186 = arith.constant 40 : i32
      %dma_start3A_187 = arith.constant 0 : i32
      %dma_start3A_188 = tpu.memref_slice %arg4[%arg0, %arg1, %dma_start3A_186, %dma_start3A_187] : memref<2x16x160x125xi32, #tpu.memory_space<hbm>> -> memref<1x1x40x125xi32, #tpu.memory_space<hbm>>
      %dma_start3A_189 = tpu.memref_squeeze %dma_start3A_188 : memref<1x1x40x125xi32, #tpu.memory_space<hbm>> -> memref<40x125xi32, #tpu.memory_space<hbm>>
      tpu.enqueue_dma source(%dma_start3A_189 : memref<40x125xi32, #tpu.memory_space<hbm>>) target(%arg7 : memref<40x125xi32, #tpu.memory_space<vmem>>) target_semaphore(%run_scoped3A_181 : memref<!tpu.dma_semaphore, #tpu.memory_space<semaphore_mem>>)
      %dma_wait3A_190 = arith.constant 40 : i32
      %dma_wait3A_191 = arith.constant 0 : i32
      %dma_wait3A_192 = tpu.memref_slice %arg4[%arg0, %arg1, %dma_wait3A_190, %dma_wait3A_191] : memref<2x16x160x125xi32, #tpu.memory_space<hbm>> -> memref<1x1x40x125xi32, #tpu.memory_space<hbm>>
      %dma_wait3A_193 = tpu.memref_squeeze %dma_wait3A_192 : memref<1x1x40x125xi32, #tpu.memory_space<hbm>> -> memref<40x125xi32, #tpu.memory_space<hbm>>
      %dma_wait3A_194 = arith.constant 40 : i32
      %dma_wait3A_195 = arith.constant 0 : i32
      %dma_wait3A_196 = tpu.memref_slice %arg4[%arg0, %arg1, %dma_wait3A_194, %dma_wait3A_195] : memref<2x16x160x125xi32, #tpu.memory_space<hbm>> -> memref<1x1x40x125xi32, #tpu.memory_space<hbm>>
      %dma_wait3A_197 = tpu.memref_squeeze %dma_wait3A_196 : memref<1x1x40x125xi32, #tpu.memory_space<hbm>> -> memref<40x125xi32, #tpu.memory_space<hbm>>
      tpu.wait_dma2 semaphore(%run_scoped3A_181 : memref<!tpu.dma_semaphore, #tpu.memory_space<semaphore_mem>>) src(%dma_wait3A_197 : memref<40x125xi32, #tpu.memory_space<hbm>>) dst(%arg7 : memref<40x125xi32, #tpu.memory_space<vmem>>)
      tpu.yield
    }) : () -> ()
    %dma_start3A_63 = arith.constant 0 : i32
    %dma_start3A_64 = arith.constant 0 : i32
    %dma_start3A_65 = tpu.memref_slice %arg6[%dma_start3A_63, %dma_start3A_64] : memref<40x125xi32, #tpu.memory_space<vmem>> -> memref<1x125xi32, #tpu.memory_space<vmem>>
    %dma_start3A_66 = tpu.memref_squeeze %dma_start3A_65 : memref<1x125xi32, #tpu.memory_space<vmem>> -> memref<125xi32, #tpu.memory_space<vmem>>
    %dma_start3A_67 = arith.constant 0 : i32
    %dma_start3A_68 = arith.constant 0 : i32
    %dma_start3A_69 = tpu.memref_slice %arg2[%dma_start3A_67, %dma_start3A_68] : memref<10000x128xf32, #tpu.memory_space<hbm>> -> memref<10000x128xf32, #tpu.memory_space<hbm>>
    tpu.enqueue_indirect_dma source(%dma_start3A_69 : memref<10000x128xf32, #tpu.memory_space<hbm>>) target(%arg8 : memref<125x128xf32, #tpu.memory_space<vmem>>) offsets(%dma_start3A_66 : memref<125xi32, #tpu.memory_space<vmem>>) semaphore(%arg11 : memref<!tpu.dma_semaphore, #tpu.memory_space<semaphore_mem>>)
    %dma_start3A_70 = arith.constant 1 : i32
    %dma_start3A_71 = arith.constant 0 : i32
    %dma_start3A_72 = tpu.memref_slice %arg6[%dma_start3A_70, %dma_start3A_71] : memref<40x125xi32, #tpu.memory_space<vmem>> -> memref<1x125xi32, #tpu.memory_space<vmem>>
    %dma_start3A_73 = tpu.memref_squeeze %dma_start3A_72 : memref<1x125xi32, #tpu.memory_space<vmem>> -> memref<125xi32, #tpu.memory_space<vmem>>
    %dma_start3A_74 = arith.constant 0 : i32
    %dma_start3A_75 = arith.constant 0 : i32
    %dma_start3A_76 = tpu.memref_slice %arg2[%dma_start3A_74, %dma_start3A_75] : memref<10000x128xf32, #tpu.memory_space<hbm>> -> memref<10000x128xf32, #tpu.memory_space<hbm>>
    tpu.enqueue_indirect_dma source(%dma_start3A_76 : memref<10000x128xf32, #tpu.memory_space<hbm>>) target(%arg9 : memref<125x128xf32, #tpu.memory_space<vmem>>) offsets(%dma_start3A_73 : memref<125xi32, #tpu.memory_space<vmem>>) semaphore(%arg12 : memref<!tpu.dma_semaphore, #tpu.memory_space<semaphore_mem>>)
    %scan3A_77 = arith.constant 0 : i32
    %scan3A_78 = arith.constant 0 : i32
    %scan3A_79 = arith.constant 19 : i32
    %scan3A_80 = arith.addi %scan3A_78, %scan3A_79 : i32
    %scan3A_81 = arith.constant 1 : i32
    scf.for %scan3A_181 = %scan3A_78 to %scan3A_80 step %scan3A_81  : i32 {
      %mul3A_182 = arith.constant 2 : i32
      %mul3A_183 = arith.muli %mul3A_182, %scan3A_181 : i32
      %dma_wait3A_184 = arith.constant 0 : i32
      %dma_wait3A_185 = tpu.memref_slice %arg6[%mul3A_183, %dma_wait3A_184] : memref<40x125xi32, #tpu.memory_space<vmem>> -> memref<1x125xi32, #tpu.memory_space<vmem>>
      %dma_wait3A_186 = tpu.memref_squeeze %dma_wait3A_185 : memref<1x125xi32, #tpu.memory_space<vmem>> -> memref<125xi32, #tpu.memory_space<vmem>>
      %dma_wait3A_187 = arith.constant 0 : i32
      %dma_wait3A_188 = arith.constant 0 : i32
      %dma_wait3A_189 = tpu.memref_slice %arg2[%dma_wait3A_187, %dma_wait3A_188] : memref<10000x128xf32, #tpu.memory_space<hbm>> -> memref<10000x128xf32, #tpu.memory_space<hbm>>
      tpu.wait_indirect_dma semaphore(%arg11 : memref<!tpu.dma_semaphore, #tpu.memory_space<semaphore_mem>>) src(%dma_wait3A_189 : memref<10000x128xf32, #tpu.memory_space<hbm>>) dst(%arg8 : memref<125x128xf32, #tpu.memory_space<vmem>>)
      "tpu.region"() ({
        %run_scoped3A_214 = tpu.sem_alloc : memref<!tpu.dma_semaphore, #tpu.memory_space<semaphore_mem>>
        %dma_start3A_215 = arith.constant 0 : i32
        %dma_start3A_216 = tpu.memref_slice %arg7[%mul3A_183, %dma_start3A_215] : memref<40x125xi32, #tpu.memory_space<vmem>> -> memref<1x125xi32, #tpu.memory_space<vmem>>
        %dma_start3A_217 = tpu.memref_squeeze %dma_start3A_216 : memref<1x125xi32, #tpu.memory_space<vmem>> -> memref<125xi32, #tpu.memory_space<vmem>>
        %dma_start3A_218 = arith.constant 0 : i32
        %dma_start3A_219 = arith.constant 0 : i32
        %dma_start3A_220 = tpu.memref_slice %arg10[%dma_start3A_218, %dma_start3A_219] : memref<10000x128xf32, #tpu.memory_space<vmem_shared>> -> memref<10000x128xf32, #tpu.memory_space<vmem_shared>>
        tpu.enqueue_indirect_dma source(%arg8 : memref<125x128xf32, #tpu.memory_space<vmem>>) target(%dma_start3A_220 : memref<10000x128xf32, #tpu.memory_space<vmem_shared>>) offsets(%dma_start3A_217 : memref<125xi32, #tpu.memory_space<vmem>>) semaphore(%run_scoped3A_214 : memref<!tpu.dma_semaphore, #tpu.memory_space<semaphore_mem>>) {add = true}
        %dma_wait3A_221 = arith.constant 0 : i32
        %dma_wait3A_222 = tpu.memref_slice %arg7[%mul3A_183, %dma_wait3A_221] : memref<40x125xi32, #tpu.memory_space<vmem>> -> memref<1x125xi32, #tpu.memory_space<vmem>>
        %dma_wait3A_223 = tpu.memref_squeeze %dma_wait3A_222 : memref<1x125xi32, #tpu.memory_space<vmem>> -> memref<125xi32, #tpu.memory_space<vmem>>
        %dma_wait3A_224 = arith.constant 0 : i32
        %dma_wait3A_225 = arith.constant 0 : i32
        %dma_wait3A_226 = tpu.memref_slice %arg10[%dma_wait3A_224, %dma_wait3A_225] : memref<10000x128xf32, #tpu.memory_space<vmem_shared>> -> memref<10000x128xf32, #tpu.memory_space<vmem_shared>>
        tpu.wait_indirect_dma semaphore(%run_scoped3A_214 : memref<!tpu.dma_semaphore, #tpu.memory_space<semaphore_mem>>) src(%arg8 : memref<125x128xf32, #tpu.memory_space<vmem>>) dst(%dma_wait3A_226 : memref<10000x128xf32, #tpu.memory_space<vmem_shared>>)
        tpu.yield
      }) : () -> ()
      %add3A_190 = arith.constant 2 : i32
      %add3A_191 = arith.addi %mul3A_183, %add3A_190 : i32
      %dma_start3A_192 = arith.constant 0 : i32
      %dma_start3A_193 = tpu.memref_slice %arg6[%add3A_191, %dma_start3A_192] : memref<40x125xi32, #tpu.memory_space<vmem>> -> memref<1x125xi32, #tpu.memory_space<vmem>>
      %dma_start3A_194 = tpu.memref_squeeze %dma_start3A_193 : memref<1x125xi32, #tpu.memory_space<vmem>> -> memref<125xi32, #tpu.memory_space<vmem>>
      %dma_start3A_195 = arith.constant 0 : i32
      %dma_start3A_196 = arith.constant 0 : i32
      %dma_start3A_197 = tpu.memref_slice %arg2[%dma_start3A_195, %dma_start3A_196] : memref<10000x128xf32, #tpu.memory_space<hbm>> -> memref<10000x128xf32, #tpu.memory_space<hbm>>
      tpu.enqueue_indirect_dma source(%dma_start3A_197 : memref<10000x128xf32, #tpu.memory_space<hbm>>) target(%arg8 : memref<125x128xf32, #tpu.memory_space<vmem>>) offsets(%dma_start3A_194 : memref<125xi32, #tpu.memory_space<vmem>>) semaphore(%arg11 : memref<!tpu.dma_semaphore, #tpu.memory_space<semaphore_mem>>)
      %add3A_198 = arith.constant 1 : i32
      %add3A_199 = arith.addi %mul3A_183, %add3A_198 : i32
      %dma_wait3A_200 = arith.constant 0 : i32
      %dma_wait3A_201 = tpu.memref_slice %arg6[%add3A_199, %dma_wait3A_200] : memref<40x125xi32, #tpu.memory_space<vmem>> -> memref<1x125xi32, #tpu.memory_space<vmem>>
      %dma_wait3A_202 = tpu.memref_squeeze %dma_wait3A_201 : memref<1x125xi32, #tpu.memory_space<vmem>> -> memref<125xi32, #tpu.memory_space<vmem>>
      %dma_wait3A_203 = arith.constant 0 : i32
      %dma_wait3A_204 = arith.constant 0 : i32
      %dma_wait3A_205 = tpu.memref_slice %arg2[%dma_wait3A_203, %dma_wait3A_204] : memref<10000x128xf32, #tpu.memory_space<hbm>> -> memref<10000x128xf32, #tpu.memory_space<hbm>>
      tpu.wait_indirect_dma semaphore(%arg12 : memref<!tpu.dma_semaphore, #tpu.memory_space<semaphore_mem>>) src(%dma_wait3A_205 : memref<10000x128xf32, #tpu.memory_space<hbm>>) dst(%arg9 : memref<125x128xf32, #tpu.memory_space<vmem>>)
      "tpu.region"() ({
        %run_scoped3A_214 = tpu.sem_alloc : memref<!tpu.dma_semaphore, #tpu.memory_space<semaphore_mem>>
        %dma_start3A_215 = arith.constant 0 : i32
        %dma_start3A_216 = tpu.memref_slice %arg7[%add3A_199, %dma_start3A_215] : memref<40x125xi32, #tpu.memory_space<vmem>> -> memref<1x125xi32, #tpu.memory_space<vmem>>
        %dma_start3A_217 = tpu.memref_squeeze %dma_start3A_216 : memref<1x125xi32, #tpu.memory_space<vmem>> -> memref<125xi32, #tpu.memory_space<vmem>>
        %dma_start3A_218 = arith.constant 0 : i32
        %dma_start3A_219 = arith.constant 0 : i32
        %dma_start3A_220 = tpu.memref_slice %arg10[%dma_start3A_218, %dma_start3A_219] : memref<10000x128xf32, #tpu.memory_space<vmem_shared>> -> memref<10000x128xf32, #tpu.memory_space<vmem_shared>>
        tpu.enqueue_indirect_dma source(%arg9 : memref<125x128xf32, #tpu.memory_space<vmem>>) target(%dma_start3A_220 : memref<10000x128xf32, #tpu.memory_space<vmem_shared>>) offsets(%dma_start3A_217 : memref<125xi32, #tpu.memory_space<vmem>>) semaphore(%run_scoped3A_214 : memref<!tpu.dma_semaphore, #tpu.memory_space<semaphore_mem>>) {add = true}
        %dma_wait3A_221 = arith.constant 0 : i32
        %dma_wait3A_222 = tpu.memref_slice %arg7[%add3A_199, %dma_wait3A_221] : memref<40x125xi32, #tpu.memory_space<vmem>> -> memref<1x125xi32, #tpu.memory_space<vmem>>
        %dma_wait3A_223 = tpu.memref_squeeze %dma_wait3A_222 : memref<1x125xi32, #tpu.memory_space<vmem>> -> memref<125xi32, #tpu.memory_space<vmem>>
        %dma_wait3A_224 = arith.constant 0 : i32
        %dma_wait3A_225 = arith.constant 0 : i32
        %dma_wait3A_226 = tpu.memref_slice %arg10[%dma_wait3A_224, %dma_wait3A_225] : memref<10000x128xf32, #tpu.memory_space<vmem_shared>> -> memref<10000x128xf32, #tpu.memory_space<vmem_shared>>
        tpu.wait_indirect_dma semaphore(%run_scoped3A_214 : memref<!tpu.dma_semaphore, #tpu.memory_space<semaphore_mem>>) src(%arg9 : memref<125x128xf32, #tpu.memory_space<vmem>>) dst(%dma_wait3A_226 : memref<10000x128xf32, #tpu.memory_space<vmem_shared>>)
        tpu.yield
      }) : () -> ()
      %add3A_206 = arith.constant 3 : i32
      %add3A_207 = arith.addi %mul3A_183, %add3A_206 : i32
      %dma_start3A_208 = arith.constant 0 : i32
      %dma_start3A_209 = tpu.memref_slice %arg6[%add3A_207, %dma_start3A_208] : memref<40x125xi32, #tpu.memory_space<vmem>> -> memref<1x125xi32, #tpu.memory_space<vmem>>
      %dma_start3A_210 = tpu.memref_squeeze %dma_start3A_209 : memref<1x125xi32, #tpu.memory_space<vmem>> -> memref<125xi32, #tpu.memory_space<vmem>>
      %dma_start3A_211 = arith.constant 0 : i32
      %dma_start3A_212 = arith.constant 0 : i32
      %dma_start3A_213 = tpu.memref_slice %arg2[%dma_start3A_211, %dma_start3A_212] : memref<10000x128xf32, #tpu.memory_space<hbm>> -> memref<10000x128xf32, #tpu.memory_space<hbm>>
      tpu.enqueue_indirect_dma source(%dma_start3A_213 : memref<10000x128xf32, #tpu.memory_space<hbm>>) target(%arg9 : memref<125x128xf32, #tpu.memory_space<vmem>>) offsets(%dma_start3A_210 : memref<125xi32, #tpu.memory_space<vmem>>) semaphore(%arg12 : memref<!tpu.dma_semaphore, #tpu.memory_space<semaphore_mem>>)
    }
    %scan3A_82 = arith.constant 19 : i32
    %dma_wait3A_83 = arith.constant 38 : i32
    %dma_wait3A_84 = arith.constant 0 : i32
    %dma_wait3A_85 = tpu.memref_slice %arg6[%dma_wait3A_83, %dma_wait3A_84] : memref<40x125xi32, #tpu.memory_space<vmem>> -> memref<1x125xi32, #tpu.memory_space<vmem>>
    %dma_wait3A_86 = tpu.memref_squeeze %dma_wait3A_85 : memref<1x125xi32, #tpu.memory_space<vmem>> -> memref<125xi32, #tpu.memory_space<vmem>>
    %dma_wait3A_87 = arith.constant 0 : i32
    %dma_wait3A_88 = arith.constant 0 : i32
    %dma_wait3A_89 = tpu.memref_slice %arg2[%dma_wait3A_87, %dma_wait3A_88] : memref<10000x128xf32, #tpu.memory_space<hbm>> -> memref<10000x128xf32, #tpu.memory_space<hbm>>
    tpu.wait_indirect_dma semaphore(%arg11 : memref<!tpu.dma_semaphore, #tpu.memory_space<semaphore_mem>>) src(%dma_wait3A_89 : memref<10000x128xf32, #tpu.memory_space<hbm>>) dst(%arg8 : memref<125x128xf32, #tpu.memory_space<vmem>>)
    %run_scoped3A_90 = arith.constant 38 : i32
    "tpu.region"() ({
      %run_scoped3A_181 = tpu.sem_alloc : memref<!tpu.dma_semaphore, #tpu.memory_space<semaphore_mem>>
      %dma_start3A_182 = arith.constant 0 : i32
      %dma_start3A_183 = tpu.memref_slice %arg7[%run_scoped3A_90, %dma_start3A_182] : memref<40x125xi32, #tpu.memory_space<vmem>> -> memref<1x125xi32, #tpu.memory_space<vmem>>
      %dma_start3A_184 = tpu.memref_squeeze %dma_start3A_183 : memref<1x125xi32, #tpu.memory_space<vmem>> -> memref<125xi32, #tpu.memory_space<vmem>>
      %dma_start3A_185 = arith.constant 0 : i32
      %dma_start3A_186 = arith.constant 0 : i32
      %dma_start3A_187 = tpu.memref_slice %arg10[%dma_start3A_185, %dma_start3A_186] : memref<10000x128xf32, #tpu.memory_space<vmem_shared>> -> memref<10000x128xf32, #tpu.memory_space<vmem_shared>>
      tpu.enqueue_indirect_dma source(%arg8 : memref<125x128xf32, #tpu.memory_space<vmem>>) target(%dma_start3A_187 : memref<10000x128xf32, #tpu.memory_space<vmem_shared>>) offsets(%dma_start3A_184 : memref<125xi32, #tpu.memory_space<vmem>>) semaphore(%run_scoped3A_181 : memref<!tpu.dma_semaphore, #tpu.memory_space<semaphore_mem>>) {add = true}
      %dma_wait3A_188 = arith.constant 0 : i32
      %dma_wait3A_189 = tpu.memref_slice %arg7[%run_scoped3A_90, %dma_wait3A_188] : memref<40x125xi32, #tpu.memory_space<vmem>> -> memref<1x125xi32, #tpu.memory_space<vmem>>
      %dma_wait3A_190 = tpu.memref_squeeze %dma_wait3A_189 : memref<1x125xi32, #tpu.memory_space<vmem>> -> memref<125xi32, #tpu.memory_space<vmem>>
      %dma_wait3A_191 = arith.constant 0 : i32
      %dma_wait3A_192 = arith.constant 0 : i32
      %dma_wait3A_193 = tpu.memref_slice %arg10[%dma_wait3A_191, %dma_wait3A_192] : memref<10000x128xf32, #tpu.memory_space<vmem_shared>> -> memref<10000x128xf32, #tpu.memory_space<vmem_shared>>
      tpu.wait_indirect_dma semaphore(%run_scoped3A_181 : memref<!tpu.dma_semaphore, #tpu.memory_space<semaphore_mem>>) src(%arg8 : memref<125x128xf32, #tpu.memory_space<vmem>>) dst(%dma_wait3A_193 : memref<10000x128xf32, #tpu.memory_space<vmem_shared>>)
      tpu.yield
    }) : () -> ()
    %dma_wait3A_91 = arith.constant 39 : i32
    %dma_wait3A_92 = arith.constant 0 : i32
    %dma_wait3A_93 = tpu.memref_slice %arg6[%dma_wait3A_91, %dma_wait3A_92] : memref<40x125xi32, #tpu.memory_space<vmem>> -> memref<1x125xi32, #tpu.memory_space<vmem>>
    %dma_wait3A_94 = tpu.memref_squeeze %dma_wait3A_93 : memref<1x125xi32, #tpu.memory_space<vmem>> -> memref<125xi32, #tpu.memory_space<vmem>>
    %dma_wait3A_95 = arith.constant 0 : i32
    %dma_wait3A_96 = arith.constant 0 : i32
    %dma_wait3A_97 = tpu.memref_slice %arg2[%dma_wait3A_95, %dma_wait3A_96] : memref<10000x128xf32, #tpu.memory_space<hbm>> -> memref<10000x128xf32, #tpu.memory_space<hbm>>
    tpu.wait_indirect_dma semaphore(%arg12 : memref<!tpu.dma_semaphore, #tpu.memory_space<semaphore_mem>>) src(%dma_wait3A_97 : memref<10000x128xf32, #tpu.memory_space<hbm>>) dst(%arg9 : memref<125x128xf32, #tpu.memory_space<vmem>>)
    %run_scoped3A_98 = arith.constant 39 : i32
    "tpu.region"() ({
      %run_scoped3A_181 = tpu.sem_alloc : memref<!tpu.dma_semaphore, #tpu.memory_space<semaphore_mem>>
      %dma_start3A_182 = arith.constant 0 : i32
      %dma_start3A_183 = tpu.memref_slice %arg7[%run_scoped3A_98, %dma_start3A_182] : memref<40x125xi32, #tpu.memory_space<vmem>> -> memref<1x125xi32, #tpu.memory_space<vmem>>
      %dma_start3A_184 = tpu.memref_squeeze %dma_start3A_183 : memref<1x125xi32, #tpu.memory_space<vmem>> -> memref<125xi32, #tpu.memory_space<vmem>>
      %dma_start3A_185 = arith.constant 0 : i32
      %dma_start3A_186 = arith.constant 0 : i32
      %dma_start3A_187 = tpu.memref_slice %arg10[%dma_start3A_185, %dma_start3A_186] : memref<10000x128xf32, #tpu.memory_space<vmem_shared>> -> memref<10000x128xf32, #tpu.memory_space<vmem_shared>>
      tpu.enqueue_indirect_dma source(%arg9 : memref<125x128xf32, #tpu.memory_space<vmem>>) target(%dma_start3A_187 : memref<10000x128xf32, #tpu.memory_space<vmem_shared>>) offsets(%dma_start3A_184 : memref<125xi32, #tpu.memory_space<vmem>>) semaphore(%run_scoped3A_181 : memref<!tpu.dma_semaphore, #tpu.memory_space<semaphore_mem>>) {add = true}
      %dma_wait3A_188 = arith.constant 0 : i32
      %dma_wait3A_189 = tpu.memref_slice %arg7[%run_scoped3A_98, %dma_wait3A_188] : memref<40x125xi32, #tpu.memory_space<vmem>> -> memref<1x125xi32, #tpu.memory_space<vmem>>
      %dma_wait3A_190 = tpu.memref_squeeze %dma_wait3A_189 : memref<1x125xi32, #tpu.memory_space<vmem>> -> memref<125xi32, #tpu.memory_space<vmem>>
      %dma_wait3A_191 = arith.constant 0 : i32
      %dma_wait3A_192 = arith.constant 0 : i32
      %dma_wait3A_193 = tpu.memref_slice %arg10[%dma_wait3A_191, %dma_wait3A_192] : memref<10000x128xf32, #tpu.memory_space<vmem_shared>> -> memref<10000x128xf32, #tpu.memory_space<vmem_shared>>
      tpu.wait_indirect_dma semaphore(%run_scoped3A_181 : memref<!tpu.dma_semaphore, #tpu.memory_space<semaphore_mem>>) src(%arg9 : memref<125x128xf32, #tpu.memory_space<vmem>>) dst(%dma_wait3A_193 : memref<10000x128xf32, #tpu.memory_space<vmem_shared>>)
      tpu.yield
    }) : () -> ()
    "tpu.region"() ({
      %run_scoped3A_181 = tpu.sem_alloc : memref<!tpu.dma_semaphore, #tpu.memory_space<semaphore_mem>>
      %dma_start3A_182 = arith.constant 80 : i32
      %dma_start3A_183 = arith.constant 0 : i32
      %dma_start3A_184 = tpu.memref_slice %arg3[%arg0, %arg1, %dma_start3A_182, %dma_start3A_183] : memref<2x16x160x125xi32, #tpu.memory_space<hbm>> -> memref<1x1x40x125xi32, #tpu.memory_space<hbm>>
      %dma_start3A_185 = tpu.memref_squeeze %dma_start3A_184 : memref<1x1x40x125xi32, #tpu.memory_space<hbm>> -> memref<40x125xi32, #tpu.memory_space<hbm>>
      %dma_start3A_186 = arith.constant 80 : i32
      %dma_start3A_187 = arith.constant 0 : i32
      %dma_start3A_188 = tpu.memref_slice %arg3[%arg0, %arg1, %dma_start3A_186, %dma_start3A_187] : memref<2x16x160x125xi32, #tpu.memory_space<hbm>> -> memref<1x1x40x125xi32, #tpu.memory_space<hbm>>
      %dma_start3A_189 = tpu.memref_squeeze %dma_start3A_188 : memref<1x1x40x125xi32, #tpu.memory_space<hbm>> -> memref<40x125xi32, #tpu.memory_space<hbm>>
      tpu.enqueue_dma source(%dma_start3A_189 : memref<40x125xi32, #tpu.memory_space<hbm>>) target(%arg6 : memref<40x125xi32, #tpu.memory_space<vmem>>) target_semaphore(%run_scoped3A_181 : memref<!tpu.dma_semaphore, #tpu.memory_space<semaphore_mem>>)
      %dma_wait3A_190 = arith.constant 80 : i32
      %dma_wait3A_191 = arith.constant 0 : i32
      %dma_wait3A_192 = tpu.memref_slice %arg3[%arg0, %arg1, %dma_wait3A_190, %dma_wait3A_191] : memref<2x16x160x125xi32, #tpu.memory_space<hbm>> -> memref<1x1x40x125xi32, #tpu.memory_space<hbm>>
      %dma_wait3A_193 = tpu.memref_squeeze %dma_wait3A_192 : memref<1x1x40x125xi32, #tpu.memory_space<hbm>> -> memref<40x125xi32, #tpu.memory_space<hbm>>
      %dma_wait3A_194 = arith.constant 80 : i32
      %dma_wait3A_195 = arith.constant 0 : i32
      %dma_wait3A_196 = tpu.memref_slice %arg3[%arg0, %arg1, %dma_wait3A_194, %dma_wait3A_195] : memref<2x16x160x125xi32, #tpu.memory_space<hbm>> -> memref<1x1x40x125xi32, #tpu.memory_space<hbm>>
      %dma_wait3A_197 = tpu.memref_squeeze %dma_wait3A_196 : memref<1x1x40x125xi32, #tpu.memory_space<hbm>> -> memref<40x125xi32, #tpu.memory_space<hbm>>
      tpu.wait_dma2 semaphore(%run_scoped3A_181 : memref<!tpu.dma_semaphore, #tpu.memory_space<semaphore_mem>>) src(%dma_wait3A_197 : memref<40x125xi32, #tpu.memory_space<hbm>>) dst(%arg6 : memref<40x125xi32, #tpu.memory_space<vmem>>)
      tpu.yield
    }) : () -> ()
    "tpu.region"() ({
      %run_scoped3A_181 = tpu.sem_alloc : memref<!tpu.dma_semaphore, #tpu.memory_space<semaphore_mem>>
      %dma_start3A_182 = arith.constant 80 : i32
      %dma_start3A_183 = arith.constant 0 : i32
      %dma_start3A_184 = tpu.memref_slice %arg4[%arg0, %arg1, %dma_start3A_182, %dma_start3A_183] : memref<2x16x160x125xi32, #tpu.memory_space<hbm>> -> memref<1x1x40x125xi32, #tpu.memory_space<hbm>>
      %dma_start3A_185 = tpu.memref_squeeze %dma_start3A_184 : memref<1x1x40x125xi32, #tpu.memory_space<hbm>> -> memref<40x125xi32, #tpu.memory_space<hbm>>
      %dma_start3A_186 = arith.constant 80 : i32
      %dma_start3A_187 = arith.constant 0 : i32
      %dma_start3A_188 = tpu.memref_slice %arg4[%arg0, %arg1, %dma_start3A_186, %dma_start3A_187] : memref<2x16x160x125xi32, #tpu.memory_space<hbm>> -> memref<1x1x40x125xi32, #tpu.memory_space<hbm>>
      %dma_start3A_189 = tpu.memref_squeeze %dma_start3A_188 : memref<1x1x40x125xi32, #tpu.memory_space<hbm>> -> memref<40x125xi32, #tpu.memory_space<hbm>>
      tpu.enqueue_dma source(%dma_start3A_189 : memref<40x125xi32, #tpu.memory_space<hbm>>) target(%arg7 : memref<40x125xi32, #tpu.memory_space<vmem>>) target_semaphore(%run_scoped3A_181 : memref<!tpu.dma_semaphore, #tpu.memory_space<semaphore_mem>>)
      %dma_wait3A_190 = arith.constant 80 : i32
      %dma_wait3A_191 = arith.constant 0 : i32
      %dma_wait3A_192 = tpu.memref_slice %arg4[%arg0, %arg1, %dma_wait3A_190, %dma_wait3A_191] : memref<2x16x160x125xi32, #tpu.memory_space<hbm>> -> memref<1x1x40x125xi32, #tpu.memory_space<hbm>>
      %dma_wait3A_193 = tpu.memref_squeeze %dma_wait3A_192 : memref<1x1x40x125xi32, #tpu.memory_space<hbm>> -> memref<40x125xi32, #tpu.memory_space<hbm>>
      %dma_wait3A_194 = arith.constant 80 : i32
      %dma_wait3A_195 = arith.constant 0 : i32
      %dma_wait3A_196 = tpu.memref_slice %arg4[%arg0, %arg1, %dma_wait3A_194, %dma_wait3A_195] : memref<2x16x160x125xi32, #tpu.memory_space<hbm>> -> memref<1x1x40x125xi32, #tpu.memory_space<hbm>>
      %dma_wait3A_197 = tpu.memref_squeeze %dma_wait3A_196 : memref<1x1x40x125xi32, #tpu.memory_space<hbm>> -> memref<40x125xi32, #tpu.memory_space<hbm>>
      tpu.wait_dma2 semaphore(%run_scoped3A_181 : memref<!tpu.dma_semaphore, #tpu.memory_space<semaphore_mem>>) src(%dma_wait3A_197 : memref<40x125xi32, #tpu.memory_space<hbm>>) dst(%arg7 : memref<40x125xi32, #tpu.memory_space<vmem>>)
      tpu.yield
    }) : () -> ()
    %dma_start3A_99 = arith.constant 0 : i32
    %dma_start3A_100 = arith.constant 0 : i32
    %dma_start3A_101 = tpu.memref_slice %arg6[%dma_start3A_99, %dma_start3A_100] : memref<40x125xi32, #tpu.memory_space<vmem>> -> memref<1x125xi32, #tpu.memory_space<vmem>>
    %dma_start3A_102 = tpu.memref_squeeze %dma_start3A_101 : memref<1x125xi32, #tpu.memory_space<vmem>> -> memref<125xi32, #tpu.memory_space<vmem>>
    %dma_start3A_103 = arith.constant 0 : i32
    %dma_start3A_104 = arith.constant 0 : i32
    %dma_start3A_105 = tpu.memref_slice %arg2[%dma_start3A_103, %dma_start3A_104] : memref<10000x128xf32, #tpu.memory_space<hbm>> -> memref<10000x128xf32, #tpu.memory_space<hbm>>
    tpu.enqueue_indirect_dma source(%dma_start3A_105 : memref<10000x128xf32, #tpu.memory_space<hbm>>) target(%arg8 : memref<125x128xf32, #tpu.memory_space<vmem>>) offsets(%dma_start3A_102 : memref<125xi32, #tpu.memory_space<vmem>>) semaphore(%arg11 : memref<!tpu.dma_semaphore, #tpu.memory_space<semaphore_mem>>)
    %dma_start3A_106 = arith.constant 1 : i32
    %dma_start3A_107 = arith.constant 0 : i32
    %dma_start3A_108 = tpu.memref_slice %arg6[%dma_start3A_106, %dma_start3A_107] : memref<40x125xi32, #tpu.memory_space<vmem>> -> memref<1x125xi32, #tpu.memory_space<vmem>>
    %dma_start3A_109 = tpu.memref_squeeze %dma_start3A_108 : memref<1x125xi32, #tpu.memory_space<vmem>> -> memref<125xi32, #tpu.memory_space<vmem>>
    %dma_start3A_110 = arith.constant 0 : i32
    %dma_start3A_111 = arith.constant 0 : i32
    %dma_start3A_112 = tpu.memref_slice %arg2[%dma_start3A_110, %dma_start3A_111] : memref<10000x128xf32, #tpu.memory_space<hbm>> -> memref<10000x128xf32, #tpu.memory_space<hbm>>
    tpu.enqueue_indirect_dma source(%dma_start3A_112 : memref<10000x128xf32, #tpu.memory_space<hbm>>) target(%arg9 : memref<125x128xf32, #tpu.memory_space<vmem>>) offsets(%dma_start3A_109 : memref<125xi32, #tpu.memory_space<vmem>>) semaphore(%arg12 : memref<!tpu.dma_semaphore, #tpu.memory_space<semaphore_mem>>)
    %scan3A_113 = arith.constant 0 : i32
    %scan3A_114 = arith.constant 0 : i32
    %scan3A_115 = arith.constant 19 : i32
    %scan3A_116 = arith.addi %scan3A_114, %scan3A_115 : i32
    %scan3A_117 = arith.constant 1 : i32
    scf.for %scan3A_181 = %scan3A_114 to %scan3A_116 step %scan3A_117  : i32 {
      %mul3A_182 = arith.constant 2 : i32
      %mul3A_183 = arith.muli %mul3A_182, %scan3A_181 : i32
      %dma_wait3A_184 = arith.constant 0 : i32
      %dma_wait3A_185 = tpu.memref_slice %arg6[%mul3A_183, %dma_wait3A_184] : memref<40x125xi32, #tpu.memory_space<vmem>> -> memref<1x125xi32, #tpu.memory_space<vmem>>
      %dma_wait3A_186 = tpu.memref_squeeze %dma_wait3A_185 : memref<1x125xi32, #tpu.memory_space<vmem>> -> memref<125xi32, #tpu.memory_space<vmem>>
      %dma_wait3A_187 = arith.constant 0 : i32
      %dma_wait3A_188 = arith.constant 0 : i32
      %dma_wait3A_189 = tpu.memref_slice %arg2[%dma_wait3A_187, %dma_wait3A_188] : memref<10000x128xf32, #tpu.memory_space<hbm>> -> memref<10000x128xf32, #tpu.memory_space<hbm>>
      tpu.wait_indirect_dma semaphore(%arg11 : memref<!tpu.dma_semaphore, #tpu.memory_space<semaphore_mem>>) src(%dma_wait3A_189 : memref<10000x128xf32, #tpu.memory_space<hbm>>) dst(%arg8 : memref<125x128xf32, #tpu.memory_space<vmem>>)
      "tpu.region"() ({
        %run_scoped3A_214 = tpu.sem_alloc : memref<!tpu.dma_semaphore, #tpu.memory_space<semaphore_mem>>
        %dma_start3A_215 = arith.constant 0 : i32
        %dma_start3A_216 = tpu.memref_slice %arg7[%mul3A_183, %dma_start3A_215] : memref<40x125xi32, #tpu.memory_space<vmem>> -> memref<1x125xi32, #tpu.memory_space<vmem>>
        %dma_start3A_217 = tpu.memref_squeeze %dma_start3A_216 : memref<1x125xi32, #tpu.memory_space<vmem>> -> memref<125xi32, #tpu.memory_space<vmem>>
        %dma_start3A_218 = arith.constant 0 : i32
        %dma_start3A_219 = arith.constant 0 : i32
        %dma_start3A_220 = tpu.memref_slice %arg10[%dma_start3A_218, %dma_start3A_219] : memref<10000x128xf32, #tpu.memory_space<vmem_shared>> -> memref<10000x128xf32, #tpu.memory_space<vmem_shared>>
        tpu.enqueue_indirect_dma source(%arg8 : memref<125x128xf32, #tpu.memory_space<vmem>>) target(%dma_start3A_220 : memref<10000x128xf32, #tpu.memory_space<vmem_shared>>) offsets(%dma_start3A_217 : memref<125xi32, #tpu.memory_space<vmem>>) semaphore(%run_scoped3A_214 : memref<!tpu.dma_semaphore, #tpu.memory_space<semaphore_mem>>) {add = true}
        %dma_wait3A_221 = arith.constant 0 : i32
        %dma_wait3A_222 = tpu.memref_slice %arg7[%mul3A_183, %dma_wait3A_221] : memref<40x125xi32, #tpu.memory_space<vmem>> -> memref<1x125xi32, #tpu.memory_space<vmem>>
        %dma_wait3A_223 = tpu.memref_squeeze %dma_wait3A_222 : memref<1x125xi32, #tpu.memory_space<vmem>> -> memref<125xi32, #tpu.memory_space<vmem>>
        %dma_wait3A_224 = arith.constant 0 : i32
        %dma_wait3A_225 = arith.constant 0 : i32
        %dma_wait3A_226 = tpu.memref_slice %arg10[%dma_wait3A_224, %dma_wait3A_225] : memref<10000x128xf32, #tpu.memory_space<vmem_shared>> -> memref<10000x128xf32, #tpu.memory_space<vmem_shared>>
        tpu.wait_indirect_dma semaphore(%run_scoped3A_214 : memref<!tpu.dma_semaphore, #tpu.memory_space<semaphore_mem>>) src(%arg8 : memref<125x128xf32, #tpu.memory_space<vmem>>) dst(%dma_wait3A_226 : memref<10000x128xf32, #tpu.memory_space<vmem_shared>>)
        tpu.yield
      }) : () -> ()
      %add3A_190 = arith.constant 2 : i32
      %add3A_191 = arith.addi %mul3A_183, %add3A_190 : i32
      %dma_start3A_192 = arith.constant 0 : i32
      %dma_start3A_193 = tpu.memref_slice %arg6[%add3A_191, %dma_start3A_192] : memref<40x125xi32, #tpu.memory_space<vmem>> -> memref<1x125xi32, #tpu.memory_space<vmem>>
      %dma_start3A_194 = tpu.memref_squeeze %dma_start3A_193 : memref<1x125xi32, #tpu.memory_space<vmem>> -> memref<125xi32, #tpu.memory_space<vmem>>
      %dma_start3A_195 = arith.constant 0 : i32
      %dma_start3A_196 = arith.constant 0 : i32
      %dma_start3A_197 = tpu.memref_slice %arg2[%dma_start3A_195, %dma_start3A_196] : memref<10000x128xf32, #tpu.memory_space<hbm>> -> memref<10000x128xf32, #tpu.memory_space<hbm>>
      tpu.enqueue_indirect_dma source(%dma_start3A_197 : memref<10000x128xf32, #tpu.memory_space<hbm>>) target(%arg8 : memref<125x128xf32, #tpu.memory_space<vmem>>) offsets(%dma_start3A_194 : memref<125xi32, #tpu.memory_space<vmem>>) semaphore(%arg11 : memref<!tpu.dma_semaphore, #tpu.memory_space<semaphore_mem>>)
      %add3A_198 = arith.constant 1 : i32
      %add3A_199 = arith.addi %mul3A_183, %add3A_198 : i32
      %dma_wait3A_200 = arith.constant 0 : i32
      %dma_wait3A_201 = tpu.memref_slice %arg6[%add3A_199, %dma_wait3A_200] : memref<40x125xi32, #tpu.memory_space<vmem>> -> memref<1x125xi32, #tpu.memory_space<vmem>>
      %dma_wait3A_202 = tpu.memref_squeeze %dma_wait3A_201 : memref<1x125xi32, #tpu.memory_space<vmem>> -> memref<125xi32, #tpu.memory_space<vmem>>
      %dma_wait3A_203 = arith.constant 0 : i32
      %dma_wait3A_204 = arith.constant 0 : i32
      %dma_wait3A_205 = tpu.memref_slice %arg2[%dma_wait3A_203, %dma_wait3A_204] : memref<10000x128xf32, #tpu.memory_space<hbm>> -> memref<10000x128xf32, #tpu.memory_space<hbm>>
      tpu.wait_indirect_dma semaphore(%arg12 : memref<!tpu.dma_semaphore, #tpu.memory_space<semaphore_mem>>) src(%dma_wait3A_205 : memref<10000x128xf32, #tpu.memory_space<hbm>>) dst(%arg9 : memref<125x128xf32, #tpu.memory_space<vmem>>)
      "tpu.region"() ({
        %run_scoped3A_214 = tpu.sem_alloc : memref<!tpu.dma_semaphore, #tpu.memory_space<semaphore_mem>>
        %dma_start3A_215 = arith.constant 0 : i32
        %dma_start3A_216 = tpu.memref_slice %arg7[%add3A_199, %dma_start3A_215] : memref<40x125xi32, #tpu.memory_space<vmem>> -> memref<1x125xi32, #tpu.memory_space<vmem>>
        %dma_start3A_217 = tpu.memref_squeeze %dma_start3A_216 : memref<1x125xi32, #tpu.memory_space<vmem>> -> memref<125xi32, #tpu.memory_space<vmem>>
        %dma_start3A_218 = arith.constant 0 : i32
        %dma_start3A_219 = arith.constant 0 : i32
        %dma_start3A_220 = tpu.memref_slice %arg10[%dma_start3A_218, %dma_start3A_219] : memref<10000x128xf32, #tpu.memory_space<vmem_shared>> -> memref<10000x128xf32, #tpu.memory_space<vmem_shared>>
        tpu.enqueue_indirect_dma source(%arg9 : memref<125x128xf32, #tpu.memory_space<vmem>>) target(%dma_start3A_220 : memref<10000x128xf32, #tpu.memory_space<vmem_shared>>) offsets(%dma_start3A_217 : memref<125xi32, #tpu.memory_space<vmem>>) semaphore(%run_scoped3A_214 : memref<!tpu.dma_semaphore, #tpu.memory_space<semaphore_mem>>) {add = true}
        %dma_wait3A_221 = arith.constant 0 : i32
        %dma_wait3A_222 = tpu.memref_slice %arg7[%add3A_199, %dma_wait3A_221] : memref<40x125xi32, #tpu.memory_space<vmem>> -> memref<1x125xi32, #tpu.memory_space<vmem>>
        %dma_wait3A_223 = tpu.memref_squeeze %dma_wait3A_222 : memref<1x125xi32, #tpu.memory_space<vmem>> -> memref<125xi32, #tpu.memory_space<vmem>>
        %dma_wait3A_224 = arith.constant 0 : i32
        %dma_wait3A_225 = arith.constant 0 : i32
        %dma_wait3A_226 = tpu.memref_slice %arg10[%dma_wait3A_224, %dma_wait3A_225] : memref<10000x128xf32, #tpu.memory_space<vmem_shared>> -> memref<10000x128xf32, #tpu.memory_space<vmem_shared>>
        tpu.wait_indirect_dma semaphore(%run_scoped3A_214 : memref<!tpu.dma_semaphore, #tpu.memory_space<semaphore_mem>>) src(%arg9 : memref<125x128xf32, #tpu.memory_space<vmem>>) dst(%dma_wait3A_226 : memref<10000x128xf32, #tpu.memory_space<vmem_shared>>)
        tpu.yield
      }) : () -> ()
      %add3A_206 = arith.constant 3 : i32
      %add3A_207 = arith.addi %mul3A_183, %add3A_206 : i32
      %dma_start3A_208 = arith.constant 0 : i32
      %dma_start3A_209 = tpu.memref_slice %arg6[%add3A_207, %dma_start3A_208] : memref<40x125xi32, #tpu.memory_space<vmem>> -> memref<1x125xi32, #tpu.memory_space<vmem>>
      %dma_start3A_210 = tpu.memref_squeeze %dma_start3A_209 : memref<1x125xi32, #tpu.memory_space<vmem>> -> memref<125xi32, #tpu.memory_space<vmem>>
      %dma_start3A_211 = arith.constant 0 : i32
      %dma_start3A_212 = arith.constant 0 : i32
      %dma_start3A_213 = tpu.memref_slice %arg2[%dma_start3A_211, %dma_start3A_212] : memref<10000x128xf32, #tpu.memory_space<hbm>> -> memref<10000x128xf32, #tpu.memory_space<hbm>>
      tpu.enqueue_indirect_dma source(%dma_start3A_213 : memref<10000x128xf32, #tpu.memory_space<hbm>>) target(%arg9 : memref<125x128xf32, #tpu.memory_space<vmem>>) offsets(%dma_start3A_210 : memref<125xi32, #tpu.memory_space<vmem>>) semaphore(%arg12 : memref<!tpu.dma_semaphore, #tpu.memory_space<semaphore_mem>>)
    }
    %scan3A_118 = arith.constant 19 : i32
    %dma_wait3A_119 = arith.constant 38 : i32
    %dma_wait3A_120 = arith.constant 0 : i32
    %dma_wait3A_121 = tpu.memref_slice %arg6[%dma_wait3A_119, %dma_wait3A_120] : memref<40x125xi32, #tpu.memory_space<vmem>> -> memref<1x125xi32, #tpu.memory_space<vmem>>
    %dma_wait3A_122 = tpu.memref_squeeze %dma_wait3A_121 : memref<1x125xi32, #tpu.memory_space<vmem>> -> memref<125xi32, #tpu.memory_space<vmem>>
    %dma_wait3A_123 = arith.constant 0 : i32
    %dma_wait3A_124 = arith.constant 0 : i32
    %dma_wait3A_125 = tpu.memref_slice %arg2[%dma_wait3A_123, %dma_wait3A_124] : memref<10000x128xf32, #tpu.memory_space<hbm>> -> memref<10000x128xf32, #tpu.memory_space<hbm>>
    tpu.wait_indirect_dma semaphore(%arg11 : memref<!tpu.dma_semaphore, #tpu.memory_space<semaphore_mem>>) src(%dma_wait3A_125 : memref<10000x128xf32, #tpu.memory_space<hbm>>) dst(%arg8 : memref<125x128xf32, #tpu.memory_space<vmem>>)
    %run_scoped3A_126 = arith.constant 38 : i32
    "tpu.region"() ({
      %run_scoped3A_181 = tpu.sem_alloc : memref<!tpu.dma_semaphore, #tpu.memory_space<semaphore_mem>>
      %dma_start3A_182 = arith.constant 0 : i32
      %dma_start3A_183 = tpu.memref_slice %arg7[%run_scoped3A_126, %dma_start3A_182] : memref<40x125xi32, #tpu.memory_space<vmem>> -> memref<1x125xi32, #tpu.memory_space<vmem>>
      %dma_start3A_184 = tpu.memref_squeeze %dma_start3A_183 : memref<1x125xi32, #tpu.memory_space<vmem>> -> memref<125xi32, #tpu.memory_space<vmem>>
      %dma_start3A_185 = arith.constant 0 : i32
      %dma_start3A_186 = arith.constant 0 : i32
      %dma_start3A_187 = tpu.memref_slice %arg10[%dma_start3A_185, %dma_start3A_186] : memref<10000x128xf32, #tpu.memory_space<vmem_shared>> -> memref<10000x128xf32, #tpu.memory_space<vmem_shared>>
      tpu.enqueue_indirect_dma source(%arg8 : memref<125x128xf32, #tpu.memory_space<vmem>>) target(%dma_start3A_187 : memref<10000x128xf32, #tpu.memory_space<vmem_shared>>) offsets(%dma_start3A_184 : memref<125xi32, #tpu.memory_space<vmem>>) semaphore(%run_scoped3A_181 : memref<!tpu.dma_semaphore, #tpu.memory_space<semaphore_mem>>) {add = true}
      %dma_wait3A_188 = arith.constant 0 : i32
      %dma_wait3A_189 = tpu.memref_slice %arg7[%run_scoped3A_126, %dma_wait3A_188] : memref<40x125xi32, #tpu.memory_space<vmem>> -> memref<1x125xi32, #tpu.memory_space<vmem>>
      %dma_wait3A_190 = tpu.memref_squeeze %dma_wait3A_189 : memref<1x125xi32, #tpu.memory_space<vmem>> -> memref<125xi32, #tpu.memory_space<vmem>>
      %dma_wait3A_191 = arith.constant 0 : i32
      %dma_wait3A_192 = arith.constant 0 : i32
      %dma_wait3A_193 = tpu.memref_slice %arg10[%dma_wait3A_191, %dma_wait3A_192] : memref<10000x128xf32, #tpu.memory_space<vmem_shared>> -> memref<10000x128xf32, #tpu.memory_space<vmem_shared>>
      tpu.wait_indirect_dma semaphore(%run_scoped3A_181 : memref<!tpu.dma_semaphore, #tpu.memory_space<semaphore_mem>>) src(%arg8 : memref<125x128xf32, #tpu.memory_space<vmem>>) dst(%dma_wait3A_193 : memref<10000x128xf32, #tpu.memory_space<vmem_shared>>)
      tpu.yield
    }) : () -> ()
    %dma_wait3A_127 = arith.constant 39 : i32
    %dma_wait3A_128 = arith.constant 0 : i32
    %dma_wait3A_129 = tpu.memref_slice %arg6[%dma_wait3A_127, %dma_wait3A_128] : memref<40x125xi32, #tpu.memory_space<vmem>> -> memref<1x125xi32, #tpu.memory_space<vmem>>
    %dma_wait3A_130 = tpu.memref_squeeze %dma_wait3A_129 : memref<1x125xi32, #tpu.memory_space<vmem>> -> memref<125xi32, #tpu.memory_space<vmem>>
    %dma_wait3A_131 = arith.constant 0 : i32
    %dma_wait3A_132 = arith.constant 0 : i32
    %dma_wait3A_133 = tpu.memref_slice %arg2[%dma_wait3A_131, %dma_wait3A_132] : memref<10000x128xf32, #tpu.memory_space<hbm>> -> memref<10000x128xf32, #tpu.memory_space<hbm>>
    tpu.wait_indirect_dma semaphore(%arg12 : memref<!tpu.dma_semaphore, #tpu.memory_space<semaphore_mem>>) src(%dma_wait3A_133 : memref<10000x128xf32, #tpu.memory_space<hbm>>) dst(%arg9 : memref<125x128xf32, #tpu.memory_space<vmem>>)
    %run_scoped3A_134 = arith.constant 39 : i32
    "tpu.region"() ({
      %run_scoped3A_181 = tpu.sem_alloc : memref<!tpu.dma_semaphore, #tpu.memory_space<semaphore_mem>>
      %dma_start3A_182 = arith.constant 0 : i32
      %dma_start3A_183 = tpu.memref_slice %arg7[%run_scoped3A_134, %dma_start3A_182] : memref<40x125xi32, #tpu.memory_space<vmem>> -> memref<1x125xi32, #tpu.memory_space<vmem>>
      %dma_start3A_184 = tpu.memref_squeeze %dma_start3A_183 : memref<1x125xi32, #tpu.memory_space<vmem>> -> memref<125xi32, #tpu.memory_space<vmem>>
      %dma_start3A_185 = arith.constant 0 : i32
      %dma_start3A_186 = arith.constant 0 : i32
      %dma_start3A_187 = tpu.memref_slice %arg10[%dma_start3A_185, %dma_start3A_186] : memref<10000x128xf32, #tpu.memory_space<vmem_shared>> -> memref<10000x128xf32, #tpu.memory_space<vmem_shared>>
      tpu.enqueue_indirect_dma source(%arg9 : memref<125x128xf32, #tpu.memory_space<vmem>>) target(%dma_start3A_187 : memref<10000x128xf32, #tpu.memory_space<vmem_shared>>) offsets(%dma_start3A_184 : memref<125xi32, #tpu.memory_space<vmem>>) semaphore(%run_scoped3A_181 : memref<!tpu.dma_semaphore, #tpu.memory_space<semaphore_mem>>) {add = true}
      %dma_wait3A_188 = arith.constant 0 : i32
      %dma_wait3A_189 = tpu.memref_slice %arg7[%run_scoped3A_134, %dma_wait3A_188] : memref<40x125xi32, #tpu.memory_space<vmem>> -> memref<1x125xi32, #tpu.memory_space<vmem>>
      %dma_wait3A_190 = tpu.memref_squeeze %dma_wait3A_189 : memref<1x125xi32, #tpu.memory_space<vmem>> -> memref<125xi32, #tpu.memory_space<vmem>>
      %dma_wait3A_191 = arith.constant 0 : i32
      %dma_wait3A_192 = arith.constant 0 : i32
      %dma_wait3A_193 = tpu.memref_slice %arg10[%dma_wait3A_191, %dma_wait3A_192] : memref<10000x128xf32, #tpu.memory_space<vmem_shared>> -> memref<10000x128xf32, #tpu.memory_space<vmem_shared>>
      tpu.wait_indirect_dma semaphore(%run_scoped3A_181 : memref<!tpu.dma_semaphore, #tpu.memory_space<semaphore_mem>>) src(%arg9 : memref<125x128xf32, #tpu.memory_space<vmem>>) dst(%dma_wait3A_193 : memref<10000x128xf32, #tpu.memory_space<vmem_shared>>)
      tpu.yield
    }) : () -> ()
    "tpu.region"() ({
      %run_scoped3A_181 = tpu.sem_alloc : memref<!tpu.dma_semaphore, #tpu.memory_space<semaphore_mem>>
      %dma_start3A_182 = arith.constant 120 : i32
      %dma_start3A_183 = arith.constant 0 : i32
      %dma_start3A_184 = tpu.memref_slice %arg3[%arg0, %arg1, %dma_start3A_182, %dma_start3A_183] : memref<2x16x160x125xi32, #tpu.memory_space<hbm>> -> memref<1x1x40x125xi32, #tpu.memory_space<hbm>>
      %dma_start3A_185 = tpu.memref_squeeze %dma_start3A_184 : memref<1x1x40x125xi32, #tpu.memory_space<hbm>> -> memref<40x125xi32, #tpu.memory_space<hbm>>
      %dma_start3A_186 = arith.constant 120 : i32
      %dma_start3A_187 = arith.constant 0 : i32
      %dma_start3A_188 = tpu.memref_slice %arg3[%arg0, %arg1, %dma_start3A_186, %dma_start3A_187] : memref<2x16x160x125xi32, #tpu.memory_space<hbm>> -> memref<1x1x40x125xi32, #tpu.memory_space<hbm>>
      %dma_start3A_189 = tpu.memref_squeeze %dma_start3A_188 : memref<1x1x40x125xi32, #tpu.memory_space<hbm>> -> memref<40x125xi32, #tpu.memory_space<hbm>>
      tpu.enqueue_dma source(%dma_start3A_189 : memref<40x125xi32, #tpu.memory_space<hbm>>) target(%arg6 : memref<40x125xi32, #tpu.memory_space<vmem>>) target_semaphore(%run_scoped3A_181 : memref<!tpu.dma_semaphore, #tpu.memory_space<semaphore_mem>>)
      %dma_wait3A_190 = arith.constant 120 : i32
      %dma_wait3A_191 = arith.constant 0 : i32
      %dma_wait3A_192 = tpu.memref_slice %arg3[%arg0, %arg1, %dma_wait3A_190, %dma_wait3A_191] : memref<2x16x160x125xi32, #tpu.memory_space<hbm>> -> memref<1x1x40x125xi32, #tpu.memory_space<hbm>>
      %dma_wait3A_193 = tpu.memref_squeeze %dma_wait3A_192 : memref<1x1x40x125xi32, #tpu.memory_space<hbm>> -> memref<40x125xi32, #tpu.memory_space<hbm>>
      %dma_wait3A_194 = arith.constant 120 : i32
      %dma_wait3A_195 = arith.constant 0 : i32
      %dma_wait3A_196 = tpu.memref_slice %arg3[%arg0, %arg1, %dma_wait3A_194, %dma_wait3A_195] : memref<2x16x160x125xi32, #tpu.memory_space<hbm>> -> memref<1x1x40x125xi32, #tpu.memory_space<hbm>>
      %dma_wait3A_197 = tpu.memref_squeeze %dma_wait3A_196 : memref<1x1x40x125xi32, #tpu.memory_space<hbm>> -> memref<40x125xi32, #tpu.memory_space<hbm>>
      tpu.wait_dma2 semaphore(%run_scoped3A_181 : memref<!tpu.dma_semaphore, #tpu.memory_space<semaphore_mem>>) src(%dma_wait3A_197 : memref<40x125xi32, #tpu.memory_space<hbm>>) dst(%arg6 : memref<40x125xi32, #tpu.memory_space<vmem>>)
      tpu.yield
    }) : () -> ()
    "tpu.region"() ({
      %run_scoped3A_181 = tpu.sem_alloc : memref<!tpu.dma_semaphore, #tpu.memory_space<semaphore_mem>>
      %dma_start3A_182 = arith.constant 120 : i32
      %dma_start3A_183 = arith.constant 0 : i32
      %dma_start3A_184 = tpu.memref_slice %arg4[%arg0, %arg1, %dma_start3A_182, %dma_start3A_183] : memref<2x16x160x125xi32, #tpu.memory_space<hbm>> -> memref<1x1x40x125xi32, #tpu.memory_space<hbm>>
      %dma_start3A_185 = tpu.memref_squeeze %dma_start3A_184 : memref<1x1x40x125xi32, #tpu.memory_space<hbm>> -> memref<40x125xi32, #tpu.memory_space<hbm>>
      %dma_start3A_186 = arith.constant 120 : i32
      %dma_start3A_187 = arith.constant 0 : i32
      %dma_start3A_188 = tpu.memref_slice %arg4[%arg0, %arg1, %dma_start3A_186, %dma_start3A_187] : memref<2x16x160x125xi32, #tpu.memory_space<hbm>> -> memref<1x1x40x125xi32, #tpu.memory_space<hbm>>
      %dma_start3A_189 = tpu.memref_squeeze %dma_start3A_188 : memref<1x1x40x125xi32, #tpu.memory_space<hbm>> -> memref<40x125xi32, #tpu.memory_space<hbm>>
      tpu.enqueue_dma source(%dma_start3A_189 : memref<40x125xi32, #tpu.memory_space<hbm>>) target(%arg7 : memref<40x125xi32, #tpu.memory_space<vmem>>) target_semaphore(%run_scoped3A_181 : memref<!tpu.dma_semaphore, #tpu.memory_space<semaphore_mem>>)
      %dma_wait3A_190 = arith.constant 120 : i32
      %dma_wait3A_191 = arith.constant 0 : i32
      %dma_wait3A_192 = tpu.memref_slice %arg4[%arg0, %arg1, %dma_wait3A_190, %dma_wait3A_191] : memref<2x16x160x125xi32, #tpu.memory_space<hbm>> -> memref<1x1x40x125xi32, #tpu.memory_space<hbm>>
      %dma_wait3A_193 = tpu.memref_squeeze %dma_wait3A_192 : memref<1x1x40x125xi32, #tpu.memory_space<hbm>> -> memref<40x125xi32, #tpu.memory_space<hbm>>
      %dma_wait3A_194 = arith.constant 120 : i32
      %dma_wait3A_195 = arith.constant 0 : i32
      %dma_wait3A_196 = tpu.memref_slice %arg4[%arg0, %arg1, %dma_wait3A_194, %dma_wait3A_195] : memref<2x16x160x125xi32, #tpu.memory_space<hbm>> -> memref<1x1x40x125xi32, #tpu.memory_space<hbm>>
      %dma_wait3A_197 = tpu.memref_squeeze %dma_wait3A_196 : memref<1x1x40x125xi32, #tpu.memory_space<hbm>> -> memref<40x125xi32, #tpu.memory_space<hbm>>
      tpu.wait_dma2 semaphore(%run_scoped3A_181 : memref<!tpu.dma_semaphore, #tpu.memory_space<semaphore_mem>>) src(%dma_wait3A_197 : memref<40x125xi32, #tpu.memory_space<hbm>>) dst(%arg7 : memref<40x125xi32, #tpu.memory_space<vmem>>)
      tpu.yield
    }) : () -> ()
    %dma_start3A_135 = arith.constant 0 : i32
    %dma_start3A_136 = arith.constant 0 : i32
    %dma_start3A_137 = tpu.memref_slice %arg6[%dma_start3A_135, %dma_start3A_136] : memref<40x125xi32, #tpu.memory_space<vmem>> -> memref<1x125xi32, #tpu.memory_space<vmem>>
    %dma_start3A_138 = tpu.memref_squeeze %dma_start3A_137 : memref<1x125xi32, #tpu.memory_space<vmem>> -> memref<125xi32, #tpu.memory_space<vmem>>
    %dma_start3A_139 = arith.constant 0 : i32
    %dma_start3A_140 = arith.constant 0 : i32
    %dma_start3A_141 = tpu.memref_slice %arg2[%dma_start3A_139, %dma_start3A_140] : memref<10000x128xf32, #tpu.memory_space<hbm>> -> memref<10000x128xf32, #tpu.memory_space<hbm>>
    tpu.enqueue_indirect_dma source(%dma_start3A_141 : memref<10000x128xf32, #tpu.memory_space<hbm>>) target(%arg8 : memref<125x128xf32, #tpu.memory_space<vmem>>) offsets(%dma_start3A_138 : memref<125xi32, #tpu.memory_space<vmem>>) semaphore(%arg11 : memref<!tpu.dma_semaphore, #tpu.memory_space<semaphore_mem>>)
    %dma_start3A_142 = arith.constant 1 : i32
    %dma_start3A_143 = arith.constant 0 : i32
    %dma_start3A_144 = tpu.memref_slice %arg6[%dma_start3A_142, %dma_start3A_143] : memref<40x125xi32, #tpu.memory_space<vmem>> -> memref<1x125xi32, #tpu.memory_space<vmem>>
    %dma_start3A_145 = tpu.memref_squeeze %dma_start3A_144 : memref<1x125xi32, #tpu.memory_space<vmem>> -> memref<125xi32, #tpu.memory_space<vmem>>
    %dma_start3A_146 = arith.constant 0 : i32
    %dma_start3A_147 = arith.constant 0 : i32
    %dma_start3A_148 = tpu.memref_slice %arg2[%dma_start3A_146, %dma_start3A_147] : memref<10000x128xf32, #tpu.memory_space<hbm>> -> memref<10000x128xf32, #tpu.memory_space<hbm>>
    tpu.enqueue_indirect_dma source(%dma_start3A_148 : memref<10000x128xf32, #tpu.memory_space<hbm>>) target(%arg9 : memref<125x128xf32, #tpu.memory_space<vmem>>) offsets(%dma_start3A_145 : memref<125xi32, #tpu.memory_space<vmem>>) semaphore(%arg12 : memref<!tpu.dma_semaphore, #tpu.memory_space<semaphore_mem>>)
    %scan3A_149 = arith.constant 0 : i32
    %scan3A_150 = arith.constant 0 : i32
    %scan3A_151 = arith.constant 19 : i32
    %scan3A_152 = arith.addi %scan3A_150, %scan3A_151 : i32
    %scan3A_153 = arith.constant 1 : i32
    scf.for %scan3A_181 = %scan3A_150 to %scan3A_152 step %scan3A_153  : i32 {
      %mul3A_182 = arith.constant 2 : i32
      %mul3A_183 = arith.muli %mul3A_182, %scan3A_181 : i32
      %dma_wait3A_184 = arith.constant 0 : i32
      %dma_wait3A_185 = tpu.memref_slice %arg6[%mul3A_183, %dma_wait3A_184] : memref<40x125xi32, #tpu.memory_space<vmem>> -> memref<1x125xi32, #tpu.memory_space<vmem>>
      %dma_wait3A_186 = tpu.memref_squeeze %dma_wait3A_185 : memref<1x125xi32, #tpu.memory_space<vmem>> -> memref<125xi32, #tpu.memory_space<vmem>>
      %dma_wait3A_187 = arith.constant 0 : i32
      %dma_wait3A_188 = arith.constant 0 : i32
      %dma_wait3A_189 = tpu.memref_slice %arg2[%dma_wait3A_187, %dma_wait3A_188] : memref<10000x128xf32, #tpu.memory_space<hbm>> -> memref<10000x128xf32, #tpu.memory_space<hbm>>
      tpu.wait_indirect_dma semaphore(%arg11 : memref<!tpu.dma_semaphore, #tpu.memory_space<semaphore_mem>>) src(%dma_wait3A_189 : memref<10000x128xf32, #tpu.memory_space<hbm>>) dst(%arg8 : memref<125x128xf32, #tpu.memory_space<vmem>>)
      "tpu.region"() ({
        %run_scoped3A_214 = tpu.sem_alloc : memref<!tpu.dma_semaphore, #tpu.memory_space<semaphore_mem>>
        %dma_start3A_215 = arith.constant 0 : i32
        %dma_start3A_216 = tpu.memref_slice %arg7[%mul3A_183, %dma_start3A_215] : memref<40x125xi32, #tpu.memory_space<vmem>> -> memref<1x125xi32, #tpu.memory_space<vmem>>
        %dma_start3A_217 = tpu.memref_squeeze %dma_start3A_216 : memref<1x125xi32, #tpu.memory_space<vmem>> -> memref<125xi32, #tpu.memory_space<vmem>>
        %dma_start3A_218 = arith.constant 0 : i32
        %dma_start3A_219 = arith.constant 0 : i32
        %dma_start3A_220 = tpu.memref_slice %arg10[%dma_start3A_218, %dma_start3A_219] : memref<10000x128xf32, #tpu.memory_space<vmem_shared>> -> memref<10000x128xf32, #tpu.memory_space<vmem_shared>>
        tpu.enqueue_indirect_dma source(%arg8 : memref<125x128xf32, #tpu.memory_space<vmem>>) target(%dma_start3A_220 : memref<10000x128xf32, #tpu.memory_space<vmem_shared>>) offsets(%dma_start3A_217 : memref<125xi32, #tpu.memory_space<vmem>>) semaphore(%run_scoped3A_214 : memref<!tpu.dma_semaphore, #tpu.memory_space<semaphore_mem>>) {add = true}
        %dma_wait3A_221 = arith.constant 0 : i32
        %dma_wait3A_222 = tpu.memref_slice %arg7[%mul3A_183, %dma_wait3A_221] : memref<40x125xi32, #tpu.memory_space<vmem>> -> memref<1x125xi32, #tpu.memory_space<vmem>>
        %dma_wait3A_223 = tpu.memref_squeeze %dma_wait3A_222 : memref<1x125xi32, #tpu.memory_space<vmem>> -> memref<125xi32, #tpu.memory_space<vmem>>
        %dma_wait3A_224 = arith.constant 0 : i32
        %dma_wait3A_225 = arith.constant 0 : i32
        %dma_wait3A_226 = tpu.memref_slice %arg10[%dma_wait3A_224, %dma_wait3A_225] : memref<10000x128xf32, #tpu.memory_space<vmem_shared>> -> memref<10000x128xf32, #tpu.memory_space<vmem_shared>>
        tpu.wait_indirect_dma semaphore(%run_scoped3A_214 : memref<!tpu.dma_semaphore, #tpu.memory_space<semaphore_mem>>) src(%arg8 : memref<125x128xf32, #tpu.memory_space<vmem>>) dst(%dma_wait3A_226 : memref<10000x128xf32, #tpu.memory_space<vmem_shared>>)
        tpu.yield
      }) : () -> ()
      %add3A_190 = arith.constant 2 : i32
      %add3A_191 = arith.addi %mul3A_183, %add3A_190 : i32
      %dma_start3A_192 = arith.constant 0 : i32
      %dma_start3A_193 = tpu.memref_slice %arg6[%add3A_191, %dma_start3A_192] : memref<40x125xi32, #tpu.memory_space<vmem>> -> memref<1x125xi32, #tpu.memory_space<vmem>>
      %dma_start3A_194 = tpu.memref_squeeze %dma_start3A_193 : memref<1x125xi32, #tpu.memory_space<vmem>> -> memref<125xi32, #tpu.memory_space<vmem>>
      %dma_start3A_195 = arith.constant 0 : i32
      %dma_start3A_196 = arith.constant 0 : i32
      %dma_start3A_197 = tpu.memref_slice %arg2[%dma_start3A_195, %dma_start3A_196] : memref<10000x128xf32, #tpu.memory_space<hbm>> -> memref<10000x128xf32, #tpu.memory_space<hbm>>
      tpu.enqueue_indirect_dma source(%dma_start3A_197 : memref<10000x128xf32, #tpu.memory_space<hbm>>) target(%arg8 : memref<125x128xf32, #tpu.memory_space<vmem>>) offsets(%dma_start3A_194 : memref<125xi32, #tpu.memory_space<vmem>>) semaphore(%arg11 : memref<!tpu.dma_semaphore, #tpu.memory_space<semaphore_mem>>)
      %add3A_198 = arith.constant 1 : i32
      %add3A_199 = arith.addi %mul3A_183, %add3A_198 : i32
      %dma_wait3A_200 = arith.constant 0 : i32
      %dma_wait3A_201 = tpu.memref_slice %arg6[%add3A_199, %dma_wait3A_200] : memref<40x125xi32, #tpu.memory_space<vmem>> -> memref<1x125xi32, #tpu.memory_space<vmem>>
      %dma_wait3A_202 = tpu.memref_squeeze %dma_wait3A_201 : memref<1x125xi32, #tpu.memory_space<vmem>> -> memref<125xi32, #tpu.memory_space<vmem>>
      %dma_wait3A_203 = arith.constant 0 : i32
      %dma_wait3A_204 = arith.constant 0 : i32
      %dma_wait3A_205 = tpu.memref_slice %arg2[%dma_wait3A_203, %dma_wait3A_204] : memref<10000x128xf32, #tpu.memory_space<hbm>> -> memref<10000x128xf32, #tpu.memory_space<hbm>>
      tpu.wait_indirect_dma semaphore(%arg12 : memref<!tpu.dma_semaphore, #tpu.memory_space<semaphore_mem>>) src(%dma_wait3A_205 : memref<10000x128xf32, #tpu.memory_space<hbm>>) dst(%arg9 : memref<125x128xf32, #tpu.memory_space<vmem>>)
      "tpu.region"() ({
        %run_scoped3A_214 = tpu.sem_alloc : memref<!tpu.dma_semaphore, #tpu.memory_space<semaphore_mem>>
        %dma_start3A_215 = arith.constant 0 : i32
        %dma_start3A_216 = tpu.memref_slice %arg7[%add3A_199, %dma_start3A_215] : memref<40x125xi32, #tpu.memory_space<vmem>> -> memref<1x125xi32, #tpu.memory_space<vmem>>
        %dma_start3A_217 = tpu.memref_squeeze %dma_start3A_216 : memref<1x125xi32, #tpu.memory_space<vmem>> -> memref<125xi32, #tpu.memory_space<vmem>>
        %dma_start3A_218 = arith.constant 0 : i32
        %dma_start3A_219 = arith.constant 0 : i32
        %dma_start3A_220 = tpu.memref_slice %arg10[%dma_start3A_218, %dma_start3A_219] : memref<10000x128xf32, #tpu.memory_space<vmem_shared>> -> memref<10000x128xf32, #tpu.memory_space<vmem_shared>>
        tpu.enqueue_indirect_dma source(%arg9 : memref<125x128xf32, #tpu.memory_space<vmem>>) target(%dma_start3A_220 : memref<10000x128xf32, #tpu.memory_space<vmem_shared>>) offsets(%dma_start3A_217 : memref<125xi32, #tpu.memory_space<vmem>>) semaphore(%run_scoped3A_214 : memref<!tpu.dma_semaphore, #tpu.memory_space<semaphore_mem>>) {add = true}
        %dma_wait3A_221 = arith.constant 0 : i32
        %dma_wait3A_222 = tpu.memref_slice %arg7[%add3A_199, %dma_wait3A_221] : memref<40x125xi32, #tpu.memory_space<vmem>> -> memref<1x125xi32, #tpu.memory_space<vmem>>
        %dma_wait3A_223 = tpu.memref_squeeze %dma_wait3A_222 : memref<1x125xi32, #tpu.memory_space<vmem>> -> memref<125xi32, #tpu.memory_space<vmem>>
        %dma_wait3A_224 = arith.constant 0 : i32
        %dma_wait3A_225 = arith.constant 0 : i32
        %dma_wait3A_226 = tpu.memref_slice %arg10[%dma_wait3A_224, %dma_wait3A_225] : memref<10000x128xf32, #tpu.memory_space<vmem_shared>> -> memref<10000x128xf32, #tpu.memory_space<vmem_shared>>
        tpu.wait_indirect_dma semaphore(%run_scoped3A_214 : memref<!tpu.dma_semaphore, #tpu.memory_space<semaphore_mem>>) src(%arg9 : memref<125x128xf32, #tpu.memory_space<vmem>>) dst(%dma_wait3A_226 : memref<10000x128xf32, #tpu.memory_space<vmem_shared>>)
        tpu.yield
      }) : () -> ()
      %add3A_206 = arith.constant 3 : i32
      %add3A_207 = arith.addi %mul3A_183, %add3A_206 : i32
      %dma_start3A_208 = arith.constant 0 : i32
      %dma_start3A_209 = tpu.memref_slice %arg6[%add3A_207, %dma_start3A_208] : memref<40x125xi32, #tpu.memory_space<vmem>> -> memref<1x125xi32, #tpu.memory_space<vmem>>
      %dma_start3A_210 = tpu.memref_squeeze %dma_start3A_209 : memref<1x125xi32, #tpu.memory_space<vmem>> -> memref<125xi32, #tpu.memory_space<vmem>>
      %dma_start3A_211 = arith.constant 0 : i32
      %dma_start3A_212 = arith.constant 0 : i32
      %dma_start3A_213 = tpu.memref_slice %arg2[%dma_start3A_211, %dma_start3A_212] : memref<10000x128xf32, #tpu.memory_space<hbm>> -> memref<10000x128xf32, #tpu.memory_space<hbm>>
      tpu.enqueue_indirect_dma source(%dma_start3A_213 : memref<10000x128xf32, #tpu.memory_space<hbm>>) target(%arg9 : memref<125x128xf32, #tpu.memory_space<vmem>>) offsets(%dma_start3A_210 : memref<125xi32, #tpu.memory_space<vmem>>) semaphore(%arg12 : memref<!tpu.dma_semaphore, #tpu.memory_space<semaphore_mem>>)
    }
    %scan3A_154 = arith.constant 19 : i32
    %dma_wait3A_155 = arith.constant 38 : i32
    %dma_wait3A_156 = arith.constant 0 : i32
    %dma_wait3A_157 = tpu.memref_slice %arg6[%dma_wait3A_155, %dma_wait3A_156] : memref<40x125xi32, #tpu.memory_space<vmem>> -> memref<1x125xi32, #tpu.memory_space<vmem>>
    %dma_wait3A_158 = tpu.memref_squeeze %dma_wait3A_157 : memref<1x125xi32, #tpu.memory_space<vmem>> -> memref<125xi32, #tpu.memory_space<vmem>>
    %dma_wait3A_159 = arith.constant 0 : i32
    %dma_wait3A_160 = arith.constant 0 : i32
    %dma_wait3A_161 = tpu.memref_slice %arg2[%dma_wait3A_159, %dma_wait3A_160] : memref<10000x128xf32, #tpu.memory_space<hbm>> -> memref<10000x128xf32, #tpu.memory_space<hbm>>
    tpu.wait_indirect_dma semaphore(%arg11 : memref<!tpu.dma_semaphore, #tpu.memory_space<semaphore_mem>>) src(%dma_wait3A_161 : memref<10000x128xf32, #tpu.memory_space<hbm>>) dst(%arg8 : memref<125x128xf32, #tpu.memory_space<vmem>>)
    %run_scoped3A_162 = arith.constant 38 : i32
    "tpu.region"() ({
      %run_scoped3A_181 = tpu.sem_alloc : memref<!tpu.dma_semaphore, #tpu.memory_space<semaphore_mem>>
      %dma_start3A_182 = arith.constant 0 : i32
      %dma_start3A_183 = tpu.memref_slice %arg7[%run_scoped3A_162, %dma_start3A_182] : memref<40x125xi32, #tpu.memory_space<vmem>> -> memref<1x125xi32, #tpu.memory_space<vmem>>
      %dma_start3A_184 = tpu.memref_squeeze %dma_start3A_183 : memref<1x125xi32, #tpu.memory_space<vmem>> -> memref<125xi32, #tpu.memory_space<vmem>>
      %dma_start3A_185 = arith.constant 0 : i32
      %dma_start3A_186 = arith.constant 0 : i32
      %dma_start3A_187 = tpu.memref_slice %arg10[%dma_start3A_185, %dma_start3A_186] : memref<10000x128xf32, #tpu.memory_space<vmem_shared>> -> memref<10000x128xf32, #tpu.memory_space<vmem_shared>>
      tpu.enqueue_indirect_dma source(%arg8 : memref<125x128xf32, #tpu.memory_space<vmem>>) target(%dma_start3A_187 : memref<10000x128xf32, #tpu.memory_space<vmem_shared>>) offsets(%dma_start3A_184 : memref<125xi32, #tpu.memory_space<vmem>>) semaphore(%run_scoped3A_181 : memref<!tpu.dma_semaphore, #tpu.memory_space<semaphore_mem>>) {add = true}
      %dma_wait3A_188 = arith.constant 0 : i32
      %dma_wait3A_189 = tpu.memref_slice %arg7[%run_scoped3A_162, %dma_wait3A_188] : memref<40x125xi32, #tpu.memory_space<vmem>> -> memref<1x125xi32, #tpu.memory_space<vmem>>
      %dma_wait3A_190 = tpu.memref_squeeze %dma_wait3A_189 : memref<1x125xi32, #tpu.memory_space<vmem>> -> memref<125xi32, #tpu.memory_space<vmem>>
      %dma_wait3A_191 = arith.constant 0 : i32
      %dma_wait3A_192 = arith.constant 0 : i32
      %dma_wait3A_193 = tpu.memref_slice %arg10[%dma_wait3A_191, %dma_wait3A_192] : memref<10000x128xf32, #tpu.memory_space<vmem_shared>> -> memref<10000x128xf32, #tpu.memory_space<vmem_shared>>
      tpu.wait_indirect_dma semaphore(%run_scoped3A_181 : memref<!tpu.dma_semaphore, #tpu.memory_space<semaphore_mem>>) src(%arg8 : memref<125x128xf32, #tpu.memory_space<vmem>>) dst(%dma_wait3A_193 : memref<10000x128xf32, #tpu.memory_space<vmem_shared>>)
      tpu.yield
    }) : () -> ()
    %dma_wait3A_163 = arith.constant 39 : i32
    %dma_wait3A_164 = arith.constant 0 : i32
    %dma_wait3A_165 = tpu.memref_slice %arg6[%dma_wait3A_163, %dma_wait3A_164] : memref<40x125xi32, #tpu.memory_space<vmem>> -> memref<1x125xi32, #tpu.memory_space<vmem>>
    %dma_wait3A_166 = tpu.memref_squeeze %dma_wait3A_165 : memref<1x125xi32, #tpu.memory_space<vmem>> -> memref<125xi32, #tpu.memory_space<vmem>>
    %dma_wait3A_167 = arith.constant 0 : i32
    %dma_wait3A_168 = arith.constant 0 : i32
    %dma_wait3A_169 = tpu.memref_slice %arg2[%dma_wait3A_167, %dma_wait3A_168] : memref<10000x128xf32, #tpu.memory_space<hbm>> -> memref<10000x128xf32, #tpu.memory_space<hbm>>
    tpu.wait_indirect_dma semaphore(%arg12 : memref<!tpu.dma_semaphore, #tpu.memory_space<semaphore_mem>>) src(%dma_wait3A_169 : memref<10000x128xf32, #tpu.memory_space<hbm>>) dst(%arg9 : memref<125x128xf32, #tpu.memory_space<vmem>>)
    %run_scoped3A_170 = arith.constant 39 : i32
    "tpu.region"() ({
      %run_scoped3A_181 = tpu.sem_alloc : memref<!tpu.dma_semaphore, #tpu.memory_space<semaphore_mem>>
      %dma_start3A_182 = arith.constant 0 : i32
      %dma_start3A_183 = tpu.memref_slice %arg7[%run_scoped3A_170, %dma_start3A_182] : memref<40x125xi32, #tpu.memory_space<vmem>> -> memref<1x125xi32, #tpu.memory_space<vmem>>
      %dma_start3A_184 = tpu.memref_squeeze %dma_start3A_183 : memref<1x125xi32, #tpu.memory_space<vmem>> -> memref<125xi32, #tpu.memory_space<vmem>>
      %dma_start3A_185 = arith.constant 0 : i32
      %dma_start3A_186 = arith.constant 0 : i32
      %dma_start3A_187 = tpu.memref_slice %arg10[%dma_start3A_185, %dma_start3A_186] : memref<10000x128xf32, #tpu.memory_space<vmem_shared>> -> memref<10000x128xf32, #tpu.memory_space<vmem_shared>>
      tpu.enqueue_indirect_dma source(%arg9 : memref<125x128xf32, #tpu.memory_space<vmem>>) target(%dma_start3A_187 : memref<10000x128xf32, #tpu.memory_space<vmem_shared>>) offsets(%dma_start3A_184 : memref<125xi32, #tpu.memory_space<vmem>>) semaphore(%run_scoped3A_181 : memref<!tpu.dma_semaphore, #tpu.memory_space<semaphore_mem>>) {add = true}
      %dma_wait3A_188 = arith.constant 0 : i32
      %dma_wait3A_189 = tpu.memref_slice %arg7[%run_scoped3A_170, %dma_wait3A_188] : memref<40x125xi32, #tpu.memory_space<vmem>> -> memref<1x125xi32, #tpu.memory_space<vmem>>
      %dma_wait3A_190 = tpu.memref_squeeze %dma_wait3A_189 : memref<1x125xi32, #tpu.memory_space<vmem>> -> memref<125xi32, #tpu.memory_space<vmem>>
      %dma_wait3A_191 = arith.constant 0 : i32
      %dma_wait3A_192 = arith.constant 0 : i32
      %dma_wait3A_193 = tpu.memref_slice %arg10[%dma_wait3A_191, %dma_wait3A_192] : memref<10000x128xf32, #tpu.memory_space<vmem_shared>> -> memref<10000x128xf32, #tpu.memory_space<vmem_shared>>
      tpu.wait_indirect_dma semaphore(%run_scoped3A_181 : memref<!tpu.dma_semaphore, #tpu.memory_space<semaphore_mem>>) src(%arg9 : memref<125x128xf32, #tpu.memory_space<vmem>>) dst(%dma_wait3A_193 : memref<10000x128xf32, #tpu.memory_space<vmem_shared>>)
      tpu.yield
    }) : () -> ()
    %barrier3A_171 = arith.constant 0 : index
    tpu.barrier barrier_id(%barrier3A_171)
    %mul3A_172 = arith.constant 624 : i32
    %mul3A_173 = arith.muli %arg1, %mul3A_172 : i32
    %mul3A_174 = arith.constant 624 : i32
    %mul3A_175 = arith.muli %arg1, %mul3A_174 : i32
    "tpu.region"() ({
      %run_scoped3A_181 = tpu.sem_alloc : memref<!tpu.dma_semaphore, #tpu.memory_space<semaphore_mem>>
      %dma_start3A_182 = arith.constant 0 : i32
      %dma_start3A_183 = tpu.memref_slice %arg5[%arg0, %mul3A_175, %dma_start3A_182] : memref<2x10000x128xf32, #tpu.memory_space<hbm>> -> memref<1x624x128xf32, #tpu.memory_space<hbm>>
      %dma_start3A_184 = tpu.memref_squeeze %dma_start3A_183 : memref<1x624x128xf32, #tpu.memory_space<hbm>> -> memref<624x128xf32, #tpu.memory_space<hbm>>
      %dma_start3A_185 = arith.constant 0 : i32
      %dma_start3A_186 = tpu.memref_slice %arg10[%mul3A_173, %dma_start3A_185] : memref<10000x128xf32, #tpu.memory_space<vmem_shared>> -> memref<624x128xf32, #tpu.memory_space<vmem_shared>>
      tpu.enqueue_dma source(%dma_start3A_186 : memref<624x128xf32, #tpu.memory_space<vmem_shared>>) target(%dma_start3A_184 : memref<624x128xf32, #tpu.memory_space<hbm>>) target_semaphore(%run_scoped3A_181 : memref<!tpu.dma_semaphore, #tpu.memory_space<semaphore_mem>>)
      %dma_wait3A_187 = arith.constant 0 : i32
      %dma_wait3A_188 = tpu.memref_slice %arg5[%arg0, %mul3A_175, %dma_wait3A_187] : memref<2x10000x128xf32, #tpu.memory_space<hbm>> -> memref<1x624x128xf32, #tpu.memory_space<hbm>>
      %dma_wait3A_189 = tpu.memref_squeeze %dma_wait3A_188 : memref<1x624x128xf32, #tpu.memory_space<hbm>> -> memref<624x128xf32, #tpu.memory_space<hbm>>
      %dma_wait3A_190 = arith.constant 0 : i32
      %dma_wait3A_191 = tpu.memref_slice %arg10[%mul3A_173, %dma_wait3A_190] : memref<10000x128xf32, #tpu.memory_space<vmem_shared>> -> memref<624x128xf32, #tpu.memory_space<vmem_shared>>
      tpu.wait_dma2 semaphore(%run_scoped3A_181 : memref<!tpu.dma_semaphore, #tpu.memory_space<semaphore_mem>>) src(%dma_wait3A_191 : memref<624x128xf32, #tpu.memory_space<vmem_shared>>) dst(%dma_wait3A_189 : memref<624x128xf32, #tpu.memory_space<hbm>>)
      tpu.yield
    }) : () -> ()
    %eq3A_176 = arith.constant 15 : i32
    %eq3A_177 = arith.cmpi eq, %arg1, %eq3A_176 : i32
    %convert_element_type3A_178 = arith.extui %eq3A_177 : i1 to i32
    %cond3A_179 = arith.constant 0 : i32
    %cond3A_180 = arith.cmpi ne, %convert_element_type3A_178, %cond3A_179 : i32
    scf.if %cond3A_180 {
      "tpu.region"() ({
        %run_scoped3A_181 = tpu.sem_alloc : memref<!tpu.dma_semaphore, #tpu.memory_space<semaphore_mem>>
        %dma_start3A_182 = arith.constant 9984 : i32
        %dma_start3A_183 = arith.constant 0 : i32
        %dma_start3A_184 = tpu.memref_slice %arg5[%arg0, %dma_start3A_182, %dma_start3A_183] : memref<2x10000x128xf32, #tpu.memory_space<hbm>> -> memref<1x16x128xf32, #tpu.memory_space<hbm>>
        %dma_start3A_185 = tpu.memref_squeeze %dma_start3A_184 : memref<1x16x128xf32, #tpu.memory_space<hbm>> -> memref<16x128xf32, #tpu.memory_space<hbm>>
        %dma_start3A_186 = arith.constant 9984 : i32
        %dma_start3A_187 = arith.constant 0 : i32
        %dma_start3A_188 = tpu.memref_slice %arg10[%dma_start3A_186, %dma_start3A_187] : memref<10000x128xf32, #tpu.memory_space<vmem_shared>> -> memref<16x128xf32, #tpu.memory_space<vmem_shared>>
        tpu.enqueue_dma source(%dma_start3A_188 : memref<16x128xf32, #tpu.memory_space<vmem_shared>>) target(%dma_start3A_185 : memref<16x128xf32, #tpu.memory_space<hbm>>) target_semaphore(%run_scoped3A_181 : memref<!tpu.dma_semaphore, #tpu.memory_space<semaphore_mem>>)
        %dma_wait3A_189 = arith.constant 9984 : i32
        %dma_wait3A_190 = arith.constant 0 : i32
        %dma_wait3A_191 = tpu.memref_slice %arg5[%arg0, %dma_wait3A_189, %dma_wait3A_190] : memref<2x10000x128xf32, #tpu.memory_space<hbm>> -> memref<1x16x128xf32, #tpu.memory_space<hbm>>
        %dma_wait3A_192 = tpu.memref_squeeze %dma_wait3A_191 : memref<1x16x128xf32, #tpu.memory_space<hbm>> -> memref<16x128xf32, #tpu.memory_space<hbm>>
        %dma_wait3A_193 = arith.constant 9984 : i32
        %dma_wait3A_194 = arith.constant 0 : i32
        %dma_wait3A_195 = tpu.memref_slice %arg10[%dma_wait3A_193, %dma_wait3A_194] : memref<10000x128xf32, #tpu.memory_space<vmem_shared>> -> memref<16x128xf32, #tpu.memory_space<vmem_shared>>
        tpu.wait_dma2 semaphore(%run_scoped3A_181 : memref<!tpu.dma_semaphore, #tpu.memory_space<semaphore_mem>>) src(%dma_wait3A_195 : memref<16x128xf32, #tpu.memory_space<vmem_shared>>) dst(%dma_wait3A_192 : memref<16x128xf32, #tpu.memory_space<hbm>>)
        tpu.yield
      }) : () -> ()
    } else {
    }
    return
  }
}

#map = affine_map<(d0, d1) -> (0, 0)>
#map1 = affine_map<(d0, d1) -> (0, 0, 0, 0)>
#map2 = affine_map<(d0, d1) -> (0, 0, 0)>
module attributes {stable_mosaic.version = 14 : i64} {
  func.func @k(%arg0: i32, %arg1: i32, %arg2: memref<20000x128xf32, #tpu.memory_space<hbm>>, %arg3: memref<2x16x160x125xi32, #tpu.memory_space<hbm>>, %arg4: memref<2x16x160x125xi32, #tpu.memory_space<hbm>>, %arg5: memref<2x10000x128xf32, #tpu.memory_space<hbm>>, %arg6: memref<40x125xi32, #tpu.memory_space<vmem>>, %arg7: memref<40x125xi32, #tpu.memory_space<vmem>>, %arg8: memref<125x128xf32, #tpu.memory_space<vmem>>, %arg9: memref<125x128xf32, #tpu.memory_space<vmem>>, %arg10: memref<10000x128xf32, #tpu.memory_space<vmem_shared>>, %arg11: memref<!tpu.dma_semaphore, #tpu.memory_space<semaphore_mem>>, %arg12: memref<!tpu.dma_semaphore, #tpu.memory_space<semaphore_mem>>) attributes {dimension_semantics = [#tpu.dimension_semantics<core_parallel>, #tpu.dimension_semantics<subcore_parallel>], iteration_bounds = array<i64: 2, 16>, scalar_prefetch = 0 : i64, scratch_operands = 7 : i64, tpu.core_type = #tpu.core_type<sc_vector_subcore>, window_params = [{transform_indices = #map}, {transform_indices = #map1}, {transform_indices = #map1}, {transform_indices = #map2}]} {
    %broadcast_in_dim3A = arith.constant 0.000000e+00 : f32
    %broadcast_in_dim3A_0 = vector.broadcast %broadcast_in_dim3A : f32 to vector<16xf32>
    %scan3A = arith.constant 0 : i32
    %scan3A_1 = arith.constant 0 : i32
    %scan3A_2 = arith.constant 125 : i32
    %scan3A_3 = arith.addi %scan3A_1, %scan3A_2 : i32
    %scan3A_4 = arith.constant 1 : i32
    scf.for %scan3A_181 = %scan3A_1 to %scan3A_3 step %scan3A_4  : i32 {
      %swap3A = arith.index_cast %scan3A_181 : i32 to index
      %swap3A_182 = arith.constant 0 : index
      %swap3A_183 = tpu.vector_load %arg8[%swap3A, %swap3A_182] {strides = array<i32>} : memref<125x128xf32, #tpu.memory_space<vmem>>, vector<1x16xf32>,
      %swap3A_184 = vector.shape_cast %swap3A_183 : vector<1x16xf32> to vector<16xf32>
      %swap3A_185 = vector.shape_cast %broadcast_in_dim3A_0 : vector<16xf32> to vector<1x16xf32>
      tpu.vector_store %arg8[%swap3A, %swap3A_182], %swap3A_185 {strides = array<i32>} : memref<125x128xf32, #tpu.memory_space<vmem>>, vector<1x16xf32>,
      %swap3A_186 = arith.index_cast %scan3A_181 : i32 to index
      %swap3A_187 = arith.constant 16 : index
      %swap3A_188 = tpu.vector_load %arg8[%swap3A_186, %swap3A_187] {strides = array<i32>} : memref<125x128xf32, #tpu.memory_space<vmem>>, vector<1x16xf32>,
      %swap3A_189 = vector.shape_cast %swap3A_188 : vector<1x16xf32> to vector<16xf32>
      %swap3A_190 = vector.shape_cast %broadcast_in_dim3A_0 : vector<16xf32> to vector<1x16xf32>
      tpu.vector_store %arg8[%swap3A_186, %swap3A_187], %swap3A_190 {strides = array<i32>} : memref<125x128xf32, #tpu.memory_space<vmem>>, vector<1x16xf32>,
      %swap3A_191 = arith.index_cast %scan3A_181 : i32 to index
      %swap3A_192 = arith.constant 32 : index
      %swap3A_193 = tpu.vector_load %arg8[%swap3A_191, %swap3A_192] {strides = array<i32>} : memref<125x128xf32, #tpu.memory_space<vmem>>, vector<1x16xf32>,
      %swap3A_194 = vector.shape_cast %swap3A_193 : vector<1x16xf32> to vector<16xf32>
      %swap3A_195 = vector.shape_cast %broadcast_in_dim3A_0 : vector<16xf32> to vector<1x16xf32>
      tpu.vector_store %arg8[%swap3A_191, %swap3A_192], %swap3A_195 {strides = array<i32>} : memref<125x128xf32, #tpu.memory_space<vmem>>, vector<1x16xf32>,
      %swap3A_196 = arith.index_cast %scan3A_181 : i32 to index
      %swap3A_197 = arith.constant 48 : index
      %swap3A_198 = tpu.vector_load %arg8[%swap3A_196, %swap3A_197] {strides = array<i32>} : memref<125x128xf32, #tpu.memory_space<vmem>>, vector<1x16xf32>,
      %swap3A_199 = vector.shape_cast %swap3A_198 : vector<1x16xf32> to vector<16xf32>
      %swap3A_200 = vector.shape_cast %broadcast_in_dim3A_0 : vector<16xf32> to vector<1x16xf32>
      tpu.vector_store %arg8[%swap3A_196, %swap3A_197], %swap3A_200 {strides = array<i32>} : memref<125x128xf32, #tpu.memory_space<vmem>>, vector<1x16xf32>,
      %swap3A_201 = arith.index_cast %scan3A_181 : i32 to index
      %swap3A_202 = arith.constant 64 : index
      %swap3A_203 = tpu.vector_load %arg8[%swap3A_201, %swap3A_202] {strides = array<i32>} : memref<125x128xf32, #tpu.memory_space<vmem>>, vector<1x16xf32>,
      %swap3A_204 = vector.shape_cast %swap3A_203 : vector<1x16xf32> to vector<16xf32>
      %swap3A_205 = vector.shape_cast %broadcast_in_dim3A_0 : vector<16xf32> to vector<1x16xf32>
      tpu.vector_store %arg8[%swap3A_201, %swap3A_202], %swap3A_205 {strides = array<i32>} : memref<125x128xf32, #tpu.memory_space<vmem>>, vector<1x16xf32>,
      %swap3A_206 = arith.index_cast %scan3A_181 : i32 to index
      %swap3A_207 = arith.constant 80 : index
      %swap3A_208 = tpu.vector_load %arg8[%swap3A_206, %swap3A_207] {strides = array<i32>} : memref<125x128xf32, #tpu.memory_space<vmem>>, vector<1x16xf32>,
      %swap3A_209 = vector.shape_cast %swap3A_208 : vector<1x16xf32> to vector<16xf32>
      %swap3A_210 = vector.shape_cast %broadcast_in_dim3A_0 : vector<16xf32> to vector<1x16xf32>
      tpu.vector_store %arg8[%swap3A_206, %swap3A_207], %swap3A_210 {strides = array<i32>} : memref<125x128xf32, #tpu.memory_space<vmem>>, vector<1x16xf32>,
      %swap3A_211 = arith.index_cast %scan3A_181 : i32 to index
      %swap3A_212 = arith.constant 96 : index
      %swap3A_213 = tpu.vector_load %arg8[%swap3A_211, %swap3A_212] {strides = array<i32>} : memref<125x128xf32, #tpu.memory_space<vmem>>, vector<1x16xf32>,
      %swap3A_214 = vector.shape_cast %swap3A_213 : vector<1x16xf32> to vector<16xf32>
      %swap3A_215 = vector.shape_cast %broadcast_in_dim3A_0 : vector<16xf32> to vector<1x16xf32>
      tpu.vector_store %arg8[%swap3A_211, %swap3A_212], %swap3A_215 {strides = array<i32>} : memref<125x128xf32, #tpu.memory_space<vmem>>, vector<1x16xf32>,
      %swap3A_216 = arith.index_cast %scan3A_181 : i32 to index
      %swap3A_217 = arith.constant 112 : index
      %swap3A_218 = tpu.vector_load %arg8[%swap3A_216, %swap3A_217] {strides = array<i32>} : memref<125x128xf32, #tpu.memory_space<vmem>>, vector<1x16xf32>,
      %swap3A_219 = vector.shape_cast %swap3A_218 : vector<1x16xf32> to vector<16xf32>
      %swap3A_220 = vector.shape_cast %broadcast_in_dim3A_0 : vector<16xf32> to vector<1x16xf32>
      tpu.vector_store %arg8[%swap3A_216, %swap3A_217], %swap3A_220 {strides = array<i32>} : memref<125x128xf32, #tpu.memory_space<vmem>>, vector<1x16xf32>,
    }
    %scan3A_5 = arith.constant 125 : i32
    %mul3A = arith.constant 624 : i32
    %mul3A_6 = arith.muli %arg1, %mul3A : i32
    %add3A = arith.constant 0 : i32
    %add3A_7 = arith.addi %mul3A_6, %add3A : i32
    "tpu.region"() ({
      %run_scoped3A_181 = tpu.sem_alloc : memref<!tpu.dma_semaphore, #tpu.memory_space<semaphore_mem>>
      %dma_start3A_182 = arith.constant 0 : i32
      %dma_start3A_183 = arith.constant 0 : i32
      %dma_start3A_184 = tpu.memref_slice %arg8[%dma_start3A_182, %dma_start3A_183] : memref<125x128xf32, #tpu.memory_space<vmem>> -> memref<104x128xf32, #tpu.memory_space<vmem>>
      %dma_start3A_185 = arith.constant 0 : i32
      %dma_start3A_186 = tpu.memref_slice %arg10[%add3A_7, %dma_start3A_185] : memref<10000x128xf32, #tpu.memory_space<vmem_shared>> -> memref<104x128xf32, #tpu.memory_space<vmem_shared>>
      %dma_start3A_187 = arith.constant 0 : i32
      %dma_start3A_188 = tpu.memref_slice %arg10[%add3A_7, %dma_start3A_187] : memref<10000x128xf32, #tpu.memory_space<vmem_shared>> -> memref<104x128xf32, #tpu.memory_space<vmem_shared>>
      %dma_start3A_189 = arith.constant 0 : i32
      %dma_start3A_190 = arith.constant 0 : i32
      %dma_start3A_191 = tpu.memref_slice %arg8[%dma_start3A_189, %dma_start3A_190] : memref<125x128xf32, #tpu.memory_space<vmem>> -> memref<104x128xf32, #tpu.memory_space<vmem>>
      tpu.enqueue_dma source(%dma_start3A_191 : memref<104x128xf32, #tpu.memory_space<vmem>>) target(%dma_start3A_188 : memref<104x128xf32, #tpu.memory_space<vmem_shared>>) target_semaphore(%run_scoped3A_181 : memref<!tpu.dma_semaphore, #tpu.memory_space<semaphore_mem>>)
      %dma_wait3A_192 = arith.constant 0 : i32
      %dma_wait3A_193 = arith.constant 0 : i32
      %dma_wait3A_194 = tpu.memref_slice %arg8[%dma_wait3A_192, %dma_wait3A_193] : memref<125x128xf32, #tpu.memory_space<vmem>> -> memref<104x128xf32, #tpu.memory_space<vmem>>
      %dma_wait3A_195 = arith.constant 0 : i32
      %dma_wait3A_196 = tpu.memref_slice %arg10[%add3A_7, %dma_wait3A_195] : memref<10000x128xf32, #tpu.memory_space<vmem_shared>> -> memref<104x128xf32, #tpu.memory_space<vmem_shared>>
      %dma_wait3A_197 = arith.constant 0 : i32
      %dma_wait3A_198 = tpu.memref_slice %arg10[%add3A_7, %dma_wait3A_197] : memref<10000x128xf32, #tpu.memory_space<vmem_shared>> -> memref<104x128xf32, #tpu.memory_space<vmem_shared>>
      %dma_wait3A_199 = arith.constant 0 : i32
      %dma_wait3A_200 = arith.constant 0 : i32
      %dma_wait3A_201 = tpu.memref_slice %arg8[%dma_wait3A_199, %dma_wait3A_200] : memref<125x128xf32, #tpu.memory_space<vmem>> -> memref<104x128xf32, #tpu.memory_space<vmem>>
      tpu.wait_dma2 semaphore(%run_scoped3A_181 : memref<!tpu.dma_semaphore, #tpu.memory_space<semaphore_mem>>) src(%dma_wait3A_201 : memref<104x128xf32, #tpu.memory_space<vmem>>) dst(%dma_wait3A_198 : memref<104x128xf32, #tpu.memory_space<vmem_shared>>)
      tpu.yield
    }) : () -> ()
    %mul3A_8 = arith.constant 624 : i32
    %mul3A_9 = arith.muli %arg1, %mul3A_8 : i32
    %add3A_10 = arith.constant 104 : i32
    %add3A_11 = arith.addi %mul3A_9, %add3A_10 : i32
    "tpu.region"() ({
      %run_scoped3A_181 = tpu.sem_alloc : memref<!tpu.dma_semaphore, #tpu.memory_space<semaphore_mem>>
      %dma_start3A_182 = arith.constant 0 : i32
      %dma_start3A_183 = arith.constant 0 : i32
      %dma_start3A_184 = tpu.memref_slice %arg8[%dma_start3A_182, %dma_start3A_183] : memref<125x128xf32, #tpu.memory_space<vmem>> -> memref<104x128xf32, #tpu.memory_space<vmem>>
      %dma_start3A_185 = arith.constant 0 : i32
      %dma_start3A_186 = tpu.memref_slice %arg10[%add3A_11, %dma_start3A_185] : memref<10000x128xf32, #tpu.memory_space<vmem_shared>> -> memref<104x128xf32, #tpu.memory_space<vmem_shared>>
      %dma_start3A_187 = arith.constant 0 : i32
      %dma_start3A_188 = tpu.memref_slice %arg10[%add3A_11, %dma_start3A_187] : memref<10000x128xf32, #tpu.memory_space<vmem_shared>> -> memref<104x128xf32, #tpu.memory_space<vmem_shared>>
      %dma_start3A_189 = arith.constant 0 : i32
      %dma_start3A_190 = arith.constant 0 : i32
      %dma_start3A_191 = tpu.memref_slice %arg8[%dma_start3A_189, %dma_start3A_190] : memref<125x128xf32, #tpu.memory_space<vmem>> -> memref<104x128xf32, #tpu.memory_space<vmem>>
      tpu.enqueue_dma source(%dma_start3A_191 : memref<104x128xf32, #tpu.memory_space<vmem>>) target(%dma_start3A_188 : memref<104x128xf32, #tpu.memory_space<vmem_shared>>) target_semaphore(%run_scoped3A_181 : memref<!tpu.dma_semaphore, #tpu.memory_space<semaphore_mem>>)
      %dma_wait3A_192 = arith.constant 0 : i32
      %dma_wait3A_193 = arith.constant 0 : i32
      %dma_wait3A_194 = tpu.memref_slice %arg8[%dma_wait3A_192, %dma_wait3A_193] : memref<125x128xf32, #tpu.memory_space<vmem>> -> memref<104x128xf32, #tpu.memory_space<vmem>>
      %dma_wait3A_195 = arith.constant 0 : i32
      %dma_wait3A_196 = tpu.memref_slice %arg10[%add3A_11, %dma_wait3A_195] : memref<10000x128xf32, #tpu.memory_space<vmem_shared>> -> memref<104x128xf32, #tpu.memory_space<vmem_shared>>
      %dma_wait3A_197 = arith.constant 0 : i32
      %dma_wait3A_198 = tpu.memref_slice %arg10[%add3A_11, %dma_wait3A_197] : memref<10000x128xf32, #tpu.memory_space<vmem_shared>> -> memref<104x128xf32, #tpu.memory_space<vmem_shared>>
      %dma_wait3A_199 = arith.constant 0 : i32
      %dma_wait3A_200 = arith.constant 0 : i32
      %dma_wait3A_201 = tpu.memref_slice %arg8[%dma_wait3A_199, %dma_wait3A_200] : memref<125x128xf32, #tpu.memory_space<vmem>> -> memref<104x128xf32, #tpu.memory_space<vmem>>
      tpu.wait_dma2 semaphore(%run_scoped3A_181 : memref<!tpu.dma_semaphore, #tpu.memory_space<semaphore_mem>>) src(%dma_wait3A_201 : memref<104x128xf32, #tpu.memory_space<vmem>>) dst(%dma_wait3A_198 : memref<104x128xf32, #tpu.memory_space<vmem_shared>>)
      tpu.yield
    }) : () -> ()
    %mul3A_12 = arith.constant 624 : i32
    %mul3A_13 = arith.muli %arg1, %mul3A_12 : i32
    %add3A_14 = arith.constant 208 : i32
    %add3A_15 = arith.addi %mul3A_13, %add3A_14 : i32
    "tpu.region"() ({
      %run_scoped3A_181 = tpu.sem_alloc : memref<!tpu.dma_semaphore, #tpu.memory_space<semaphore_mem>>
      %dma_start3A_182 = arith.constant 0 : i32
      %dma_start3A_183 = arith.constant 0 : i32
      %dma_start3A_184 = tpu.memref_slice %arg8[%dma_start3A_182, %dma_start3A_183] : memref<125x128xf32, #tpu.memory_space<vmem>> -> memref<104x128xf32, #tpu.memory_space<vmem>>
      %dma_start3A_185 = arith.constant 0 : i32
      %dma_start3A_186 = tpu.memref_slice %arg10[%add3A_15, %dma_start3A_185] : memref<10000x128xf32, #tpu.memory_space<vmem_shared>> -> memref<104x128xf32, #tpu.memory_space<vmem_shared>>
      %dma_start3A_187 = arith.constant 0 : i32
      %dma_start3A_188 = tpu.memref_slice %arg10[%add3A_15, %dma_start3A_187] : memref<10000x128xf32, #tpu.memory_space<vmem_shared>> -> memref<104x128xf32, #tpu.memory_space<vmem_shared>>
      %dma_start3A_189 = arith.constant 0 : i32
      %dma_start3A_190 = arith.constant 0 : i32
      %dma_start3A_191 = tpu.memref_slice %arg8[%dma_start3A_189, %dma_start3A_190] : memref<125x128xf32, #tpu.memory_space<vmem>> -> memref<104x128xf32, #tpu.memory_space<vmem>>
      tpu.enqueue_dma source(%dma_start3A_191 : memref<104x128xf32, #tpu.memory_space<vmem>>) target(%dma_start3A_188 : memref<104x128xf32, #tpu.memory_space<vmem_shared>>) target_semaphore(%run_scoped3A_181 : memref<!tpu.dma_semaphore, #tpu.memory_space<semaphore_mem>>)
      %dma_wait3A_192 = arith.constant 0 : i32
      %dma_wait3A_193 = arith.constant 0 : i32
      %dma_wait3A_194 = tpu.memref_slice %arg8[%dma_wait3A_192, %dma_wait3A_193] : memref<125x128xf32, #tpu.memory_space<vmem>> -> memref<104x128xf32, #tpu.memory_space<vmem>>
      %dma_wait3A_195 = arith.constant 0 : i32
      %dma_wait3A_196 = tpu.memref_slice %arg10[%add3A_15, %dma_wait3A_195] : memref<10000x128xf32, #tpu.memory_space<vmem_shared>> -> memref<104x128xf32, #tpu.memory_space<vmem_shared>>
      %dma_wait3A_197 = arith.constant 0 : i32
      %dma_wait3A_198 = tpu.memref_slice %arg10[%add3A_15, %dma_wait3A_197] : memref<10000x128xf32, #tpu.memory_space<vmem_shared>> -> memref<104x128xf32, #tpu.memory_space<vmem_shared>>
      %dma_wait3A_199 = arith.constant 0 : i32
      %dma_wait3A_200 = arith.constant 0 : i32
      %dma_wait3A_201 = tpu.memref_slice %arg8[%dma_wait3A_199, %dma_wait3A_200] : memref<125x128xf32, #tpu.memory_space<vmem>> -> memref<104x128xf32, #tpu.memory_space<vmem>>
      tpu.wait_dma2 semaphore(%run_scoped3A_181 : memref<!tpu.dma_semaphore, #tpu.memory_space<semaphore_mem>>) src(%dma_wait3A_201 : memref<104x128xf32, #tpu.memory_space<vmem>>) dst(%dma_wait3A_198 : memref<104x128xf32, #tpu.memory_space<vmem_shared>>)
      tpu.yield
    }) : () -> ()
    %mul3A_16 = arith.constant 624 : i32
    %mul3A_17 = arith.muli %arg1, %mul3A_16 : i32
    %add3A_18 = arith.constant 312 : i32
    %add3A_19 = arith.addi %mul3A_17, %add3A_18 : i32
    "tpu.region"() ({
      %run_scoped3A_181 = tpu.sem_alloc : memref<!tpu.dma_semaphore, #tpu.memory_space<semaphore_mem>>
      %dma_start3A_182 = arith.constant 0 : i32
      %dma_start3A_183 = arith.constant 0 : i32
      %dma_start3A_184 = tpu.memref_slice %arg8[%dma_start3A_182, %dma_start3A_183] : memref<125x128xf32, #tpu.memory_space<vmem>> -> memref<104x128xf32, #tpu.memory_space<vmem>>
      %dma_start3A_185 = arith.constant 0 : i32
      %dma_start3A_186 = tpu.memref_slice %arg10[%add3A_19, %dma_start3A_185] : memref<10000x128xf32, #tpu.memory_space<vmem_shared>> -> memref<104x128xf32, #tpu.memory_space<vmem_shared>>
      %dma_start3A_187 = arith.constant 0 : i32
      %dma_start3A_188 = tpu.memref_slice %arg10[%add3A_19, %dma_start3A_187] : memref<10000x128xf32, #tpu.memory_space<vmem_shared>> -> memref<104x128xf32, #tpu.memory_space<vmem_shared>>
      %dma_start3A_189 = arith.constant 0 : i32
      %dma_start3A_190 = arith.constant 0 : i32
      %dma_start3A_191 = tpu.memref_slice %arg8[%dma_start3A_189, %dma_start3A_190] : memref<125x128xf32, #tpu.memory_space<vmem>> -> memref<104x128xf32, #tpu.memory_space<vmem>>
      tpu.enqueue_dma source(%dma_start3A_191 : memref<104x128xf32, #tpu.memory_space<vmem>>) target(%dma_start3A_188 : memref<104x128xf32, #tpu.memory_space<vmem_shared>>) target_semaphore(%run_scoped3A_181 : memref<!tpu.dma_semaphore, #tpu.memory_space<semaphore_mem>>)
      %dma_wait3A_192 = arith.constant 0 : i32
      %dma_wait3A_193 = arith.constant 0 : i32
      %dma_wait3A_194 = tpu.memref_slice %arg8[%dma_wait3A_192, %dma_wait3A_193] : memref<125x128xf32, #tpu.memory_space<vmem>> -> memref<104x128xf32, #tpu.memory_space<vmem>>
      %dma_wait3A_195 = arith.constant 0 : i32
      %dma_wait3A_196 = tpu.memref_slice %arg10[%add3A_19, %dma_wait3A_195] : memref<10000x128xf32, #tpu.memory_space<vmem_shared>> -> memref<104x128xf32, #tpu.memory_space<vmem_shared>>
      %dma_wait3A_197 = arith.constant 0 : i32
      %dma_wait3A_198 = tpu.memref_slice %arg10[%add3A_19, %dma_wait3A_197] : memref<10000x128xf32, #tpu.memory_space<vmem_shared>> -> memref<104x128xf32, #tpu.memory_space<vmem_shared>>
      %dma_wait3A_199 = arith.constant 0 : i32
      %dma_wait3A_200 = arith.constant 0 : i32
      %dma_wait3A_201 = tpu.memref_slice %arg8[%dma_wait3A_199, %dma_wait3A_200] : memref<125x128xf32, #tpu.memory_space<vmem>> -> memref<104x128xf32, #tpu.memory_space<vmem>>
      tpu.wait_dma2 semaphore(%run_scoped3A_181 : memref<!tpu.dma_semaphore, #tpu.memory_space<semaphore_mem>>) src(%dma_wait3A_201 : memref<104x128xf32, #tpu.memory_space<vmem>>) dst(%dma_wait3A_198 : memref<104x128xf32, #tpu.memory_space<vmem_shared>>)
      tpu.yield
    }) : () -> ()
    %mul3A_20 = arith.constant 624 : i32
    %mul3A_21 = arith.muli %arg1, %mul3A_20 : i32
    %add3A_22 = arith.constant 416 : i32
    %add3A_23 = arith.addi %mul3A_21, %add3A_22 : i32
    "tpu.region"() ({
      %run_scoped3A_181 = tpu.sem_alloc : memref<!tpu.dma_semaphore, #tpu.memory_space<semaphore_mem>>
      %dma_start3A_182 = arith.constant 0 : i32
      %dma_start3A_183 = arith.constant 0 : i32
      %dma_start3A_184 = tpu.memref_slice %arg8[%dma_start3A_182, %dma_start3A_183] : memref<125x128xf32, #tpu.memory_space<vmem>> -> memref<104x128xf32, #tpu.memory_space<vmem>>
      %dma_start3A_185 = arith.constant 0 : i32
      %dma_start3A_186 = tpu.memref_slice %arg10[%add3A_23, %dma_start3A_185] : memref<10000x128xf32, #tpu.memory_space<vmem_shared>> -> memref<104x128xf32, #tpu.memory_space<vmem_shared>>
      %dma_start3A_187 = arith.constant 0 : i32
      %dma_start3A_188 = tpu.memref_slice %arg10[%add3A_23, %dma_start3A_187] : memref<10000x128xf32, #tpu.memory_space<vmem_shared>> -> memref<104x128xf32, #tpu.memory_space<vmem_shared>>
      %dma_start3A_189 = arith.constant 0 : i32
      %dma_start3A_190 = arith.constant 0 : i32
      %dma_start3A_191 = tpu.memref_slice %arg8[%dma_start3A_189, %dma_start3A_190] : memref<125x128xf32, #tpu.memory_space<vmem>> -> memref<104x128xf32, #tpu.memory_space<vmem>>
      tpu.enqueue_dma source(%dma_start3A_191 : memref<104x128xf32, #tpu.memory_space<vmem>>) target(%dma_start3A_188 : memref<104x128xf32, #tpu.memory_space<vmem_shared>>) target_semaphore(%run_scoped3A_181 : memref<!tpu.dma_semaphore, #tpu.memory_space<semaphore_mem>>)
      %dma_wait3A_192 = arith.constant 0 : i32
      %dma_wait3A_193 = arith.constant 0 : i32
      %dma_wait3A_194 = tpu.memref_slice %arg8[%dma_wait3A_192, %dma_wait3A_193] : memref<125x128xf32, #tpu.memory_space<vmem>> -> memref<104x128xf32, #tpu.memory_space<vmem>>
      %dma_wait3A_195 = arith.constant 0 : i32
      %dma_wait3A_196 = tpu.memref_slice %arg10[%add3A_23, %dma_wait3A_195] : memref<10000x128xf32, #tpu.memory_space<vmem_shared>> -> memref<104x128xf32, #tpu.memory_space<vmem_shared>>
      %dma_wait3A_197 = arith.constant 0 : i32
      %dma_wait3A_198 = tpu.memref_slice %arg10[%add3A_23, %dma_wait3A_197] : memref<10000x128xf32, #tpu.memory_space<vmem_shared>> -> memref<104x128xf32, #tpu.memory_space<vmem_shared>>
      %dma_wait3A_199 = arith.constant 0 : i32
      %dma_wait3A_200 = arith.constant 0 : i32
      %dma_wait3A_201 = tpu.memref_slice %arg8[%dma_wait3A_199, %dma_wait3A_200] : memref<125x128xf32, #tpu.memory_space<vmem>> -> memref<104x128xf32, #tpu.memory_space<vmem>>
      tpu.wait_dma2 semaphore(%run_scoped3A_181 : memref<!tpu.dma_semaphore, #tpu.memory_space<semaphore_mem>>) src(%dma_wait3A_201 : memref<104x128xf32, #tpu.memory_space<vmem>>) dst(%dma_wait3A_198 : memref<104x128xf32, #tpu.memory_space<vmem_shared>>)
      tpu.yield
    }) : () -> ()
    %mul3A_24 = arith.constant 624 : i32
    %mul3A_25 = arith.muli %arg1, %mul3A_24 : i32
    %add3A_26 = arith.constant 520 : i32
    %add3A_27 = arith.addi %mul3A_25, %add3A_26 : i32
    "tpu.region"() ({
      %run_scoped3A_181 = tpu.sem_alloc : memref<!tpu.dma_semaphore, #tpu.memory_space<semaphore_mem>>
      %dma_start3A_182 = arith.constant 0 : i32
      %dma_start3A_183 = arith.constant 0 : i32
      %dma_start3A_184 = tpu.memref_slice %arg8[%dma_start3A_182, %dma_start3A_183] : memref<125x128xf32, #tpu.memory_space<vmem>> -> memref<104x128xf32, #tpu.memory_space<vmem>>
      %dma_start3A_185 = arith.constant 0 : i32
      %dma_start3A_186 = tpu.memref_slice %arg10[%add3A_27, %dma_start3A_185] : memref<10000x128xf32, #tpu.memory_space<vmem_shared>> -> memref<104x128xf32, #tpu.memory_space<vmem_shared>>
      %dma_start3A_187 = arith.constant 0 : i32
      %dma_start3A_188 = tpu.memref_slice %arg10[%add3A_27, %dma_start3A_187] : memref<10000x128xf32, #tpu.memory_space<vmem_shared>> -> memref<104x128xf32, #tpu.memory_space<vmem_shared>>
      %dma_start3A_189 = arith.constant 0 : i32
      %dma_start3A_190 = arith.constant 0 : i32
      %dma_start3A_191 = tpu.memref_slice %arg8[%dma_start3A_189, %dma_start3A_190] : memref<125x128xf32, #tpu.memory_space<vmem>> -> memref<104x128xf32, #tpu.memory_space<vmem>>
      tpu.enqueue_dma source(%dma_start3A_191 : memref<104x128xf32, #tpu.memory_space<vmem>>) target(%dma_start3A_188 : memref<104x128xf32, #tpu.memory_space<vmem_shared>>) target_semaphore(%run_scoped3A_181 : memref<!tpu.dma_semaphore, #tpu.memory_space<semaphore_mem>>)
      %dma_wait3A_192 = arith.constant 0 : i32
      %dma_wait3A_193 = arith.constant 0 : i32
      %dma_wait3A_194 = tpu.memref_slice %arg8[%dma_wait3A_192, %dma_wait3A_193] : memref<125x128xf32, #tpu.memory_space<vmem>> -> memref<104x128xf32, #tpu.memory_space<vmem>>
      %dma_wait3A_195 = arith.constant 0 : i32
      %dma_wait3A_196 = tpu.memref_slice %arg10[%add3A_27, %dma_wait3A_195] : memref<10000x128xf32, #tpu.memory_space<vmem_shared>> -> memref<104x128xf32, #tpu.memory_space<vmem_shared>>
      %dma_wait3A_197 = arith.constant 0 : i32
      %dma_wait3A_198 = tpu.memref_slice %arg10[%add3A_27, %dma_wait3A_197] : memref<10000x128xf32, #tpu.memory_space<vmem_shared>> -> memref<104x128xf32, #tpu.memory_space<vmem_shared>>
      %dma_wait3A_199 = arith.constant 0 : i32
      %dma_wait3A_200 = arith.constant 0 : i32
      %dma_wait3A_201 = tpu.memref_slice %arg8[%dma_wait3A_199, %dma_wait3A_200] : memref<125x128xf32, #tpu.memory_space<vmem>> -> memref<104x128xf32, #tpu.memory_space<vmem>>
      tpu.wait_dma2 semaphore(%run_scoped3A_181 : memref<!tpu.dma_semaphore, #tpu.memory_space<semaphore_mem>>) src(%dma_wait3A_201 : memref<104x128xf32, #tpu.memory_space<vmem>>) dst(%dma_wait3A_198 : memref<104x128xf32, #tpu.memory_space<vmem_shared>>)
      tpu.yield
    }) : () -> ()
    %eq3A = arith.constant 15 : i32
    %eq3A_28 = arith.cmpi eq, %arg1, %eq3A : i32
    %convert_element_type3A = arith.extui %eq3A_28 : i1 to i32
    %cond3A = arith.constant 0 : i32
    %cond3A_29 = arith.cmpi ne, %convert_element_type3A, %cond3A : i32
    scf.if %cond3A_29 {
      "tpu.region"() ({
        %run_scoped3A_181 = tpu.sem_alloc : memref<!tpu.dma_semaphore, #tpu.memory_space<semaphore_mem>>
        %dma_start3A_182 = arith.constant 0 : i32
        %dma_start3A_183 = arith.constant 0 : i32
        %dma_start3A_184 = tpu.memref_slice %arg8[%dma_start3A_182, %dma_start3A_183] : memref<125x128xf32, #tpu.memory_space<vmem>> -> memref<16x128xf32, #tpu.memory_space<vmem>>
        %dma_start3A_185 = arith.constant 9984 : i32
        %dma_start3A_186 = arith.constant 0 : i32
        %dma_start3A_187 = tpu.memref_slice %arg10[%dma_start3A_185, %dma_start3A_186] : memref<10000x128xf32, #tpu.memory_space<vmem_shared>> -> memref<16x128xf32, #tpu.memory_space<vmem_shared>>
        %dma_start3A_188 = arith.constant 9984 : i32
        %dma_start3A_189 = arith.constant 0 : i32
        %dma_start3A_190 = tpu.memref_slice %arg10[%dma_start3A_188, %dma_start3A_189] : memref<10000x128xf32, #tpu.memory_space<vmem_shared>> -> memref<16x128xf32, #tpu.memory_space<vmem_shared>>
        %dma_start3A_191 = arith.constant 0 : i32
        %dma_start3A_192 = arith.constant 0 : i32
        %dma_start3A_193 = tpu.memref_slice %arg8[%dma_start3A_191, %dma_start3A_192] : memref<125x128xf32, #tpu.memory_space<vmem>> -> memref<16x128xf32, #tpu.memory_space<vmem>>
        tpu.enqueue_dma source(%dma_start3A_193 : memref<16x128xf32, #tpu.memory_space<vmem>>) target(%dma_start3A_190 : memref<16x128xf32, #tpu.memory_space<vmem_shared>>) target_semaphore(%run_scoped3A_181 : memref<!tpu.dma_semaphore, #tpu.memory_space<semaphore_mem>>)
        %dma_wait3A_194 = arith.constant 0 : i32
        %dma_wait3A_195 = arith.constant 0 : i32
        %dma_wait3A_196 = tpu.memref_slice %arg8[%dma_wait3A_194, %dma_wait3A_195] : memref<125x128xf32, #tpu.memory_space<vmem>> -> memref<16x128xf32, #tpu.memory_space<vmem>>
        %dma_wait3A_197 = arith.constant 9984 : i32
        %dma_wait3A_198 = arith.constant 0 : i32
        %dma_wait3A_199 = tpu.memref_slice %arg10[%dma_wait3A_197, %dma_wait3A_198] : memref<10000x128xf32, #tpu.memory_space<vmem_shared>> -> memref<16x128xf32, #tpu.memory_space<vmem_shared>>
        %dma_wait3A_200 = arith.constant 9984 : i32
        %dma_wait3A_201 = arith.constant 0 : i32
        %dma_wait3A_202 = tpu.memref_slice %arg10[%dma_wait3A_200, %dma_wait3A_201] : memref<10000x128xf32, #tpu.memory_space<vmem_shared>> -> memref<16x128xf32, #tpu.memory_space<vmem_shared>>
        %dma_wait3A_203 = arith.constant 0 : i32
        %dma_wait3A_204 = arith.constant 0 : i32
        %dma_wait3A_205 = tpu.memref_slice %arg8[%dma_wait3A_203, %dma_wait3A_204] : memref<125x128xf32, #tpu.memory_space<vmem>> -> memref<16x128xf32, #tpu.memory_space<vmem>>
        tpu.wait_dma2 semaphore(%run_scoped3A_181 : memref<!tpu.dma_semaphore, #tpu.memory_space<semaphore_mem>>) src(%dma_wait3A_205 : memref<16x128xf32, #tpu.memory_space<vmem>>) dst(%dma_wait3A_202 : memref<16x128xf32, #tpu.memory_space<vmem_shared>>)
        tpu.yield
      }) : () -> ()
    } else {
    }
    %barrier3A = arith.constant 0 : index
    tpu.barrier barrier_id(%barrier3A)
    "tpu.region"() ({
      %run_scoped3A_181 = tpu.sem_alloc : memref<!tpu.dma_semaphore, #tpu.memory_space<semaphore_mem>>
      %dma_start3A_182 = arith.constant 0 : i32
      %dma_start3A_183 = arith.constant 0 : i32
      %dma_start3A_184 = tpu.memref_slice %arg3[%arg0, %arg1, %dma_start3A_182, %dma_start3A_183] : memref<2x16x160x125xi32, #tpu.memory_space<hbm>> -> memref<1x1x40x125xi32, #tpu.memory_space<hbm>>
      %dma_start3A_185 = tpu.memref_squeeze %dma_start3A_184 : memref<1x1x40x125xi32, #tpu.memory_space<hbm>> -> memref<40x125xi32, #tpu.memory_space<hbm>>
      %dma_start3A_186 = arith.constant 0 : i32
      %dma_start3A_187 = arith.constant 0 : i32
      %dma_start3A_188 = tpu.memref_slice %arg3[%arg0, %arg1, %dma_start3A_186, %dma_start3A_187] : memref<2x16x160x125xi32, #tpu.memory_space<hbm>> -> memref<1x1x40x125xi32, #tpu.memory_space<hbm>>
      %dma_start3A_189 = tpu.memref_squeeze %dma_start3A_188 : memref<1x1x40x125xi32, #tpu.memory_space<hbm>> -> memref<40x125xi32, #tpu.memory_space<hbm>>
      tpu.enqueue_dma source(%dma_start3A_189 : memref<40x125xi32, #tpu.memory_space<hbm>>) target(%arg6 : memref<40x125xi32, #tpu.memory_space<vmem>>) target_semaphore(%run_scoped3A_181 : memref<!tpu.dma_semaphore, #tpu.memory_space<semaphore_mem>>)
      %dma_wait3A_190 = arith.constant 0 : i32
      %dma_wait3A_191 = arith.constant 0 : i32
      %dma_wait3A_192 = tpu.memref_slice %arg3[%arg0, %arg1, %dma_wait3A_190, %dma_wait3A_191] : memref<2x16x160x125xi32, #tpu.memory_space<hbm>> -> memref<1x1x40x125xi32, #tpu.memory_space<hbm>>
      %dma_wait3A_193 = tpu.memref_squeeze %dma_wait3A_192 : memref<1x1x40x125xi32, #tpu.memory_space<hbm>> -> memref<40x125xi32, #tpu.memory_space<hbm>>
      %dma_wait3A_194 = arith.constant 0 : i32
      %dma_wait3A_195 = arith.constant 0 : i32
      %dma_wait3A_196 = tpu.memref_slice %arg3[%arg0, %arg1, %dma_wait3A_194, %dma_wait3A_195] : memref<2x16x160x125xi32, #tpu.memory_space<hbm>> -> memref<1x1x40x125xi32, #tpu.memory_space<hbm>>
      %dma_wait3A_197 = tpu.memref_squeeze %dma_wait3A_196 : memref<1x1x40x125xi32, #tpu.memory_space<hbm>> -> memref<40x125xi32, #tpu.memory_space<hbm>>
      tpu.wait_dma2 semaphore(%run_scoped3A_181 : memref<!tpu.dma_semaphore, #tpu.memory_space<semaphore_mem>>) src(%dma_wait3A_197 : memref<40x125xi32, #tpu.memory_space<hbm>>) dst(%arg6 : memref<40x125xi32, #tpu.memory_space<vmem>>)
      tpu.yield
    }) : () -> ()
    "tpu.region"() ({
      %run_scoped3A_181 = tpu.sem_alloc : memref<!tpu.dma_semaphore, #tpu.memory_space<semaphore_mem>>
      %dma_start3A_182 = arith.constant 0 : i32
      %dma_start3A_183 = arith.constant 0 : i32
      %dma_start3A_184 = tpu.memref_slice %arg4[%arg0, %arg1, %dma_start3A_182, %dma_start3A_183] : memref<2x16x160x125xi32, #tpu.memory_space<hbm>> -> memref<1x1x40x125xi32, #tpu.memory_space<hbm>>
      %dma_start3A_185 = tpu.memref_squeeze %dma_start3A_184 : memref<1x1x40x125xi32, #tpu.memory_space<hbm>> -> memref<40x125xi32, #tpu.memory_space<hbm>>
      %dma_start3A_186 = arith.constant 0 : i32
      %dma_start3A_187 = arith.constant 0 : i32
      %dma_start3A_188 = tpu.memref_slice %arg4[%arg0, %arg1, %dma_start3A_186, %dma_start3A_187] : memref<2x16x160x125xi32, #tpu.memory_space<hbm>> -> memref<1x1x40x125xi32, #tpu.memory_space<hbm>>
      %dma_start3A_189 = tpu.memref_squeeze %dma_start3A_188 : memref<1x1x40x125xi32, #tpu.memory_space<hbm>> -> memref<40x125xi32, #tpu.memory_space<hbm>>
      tpu.enqueue_dma source(%dma_start3A_189 : memref<40x125xi32, #tpu.memory_space<hbm>>) target(%arg7 : memref<40x125xi32, #tpu.memory_space<vmem>>) target_semaphore(%run_scoped3A_181 : memref<!tpu.dma_semaphore, #tpu.memory_space<semaphore_mem>>)
      %dma_wait3A_190 = arith.constant 0 : i32
      %dma_wait3A_191 = arith.constant 0 : i32
      %dma_wait3A_192 = tpu.memref_slice %arg4[%arg0, %arg1, %dma_wait3A_190, %dma_wait3A_191] : memref<2x16x160x125xi32, #tpu.memory_space<hbm>> -> memref<1x1x40x125xi32, #tpu.memory_space<hbm>>
      %dma_wait3A_193 = tpu.memref_squeeze %dma_wait3A_192 : memref<1x1x40x125xi32, #tpu.memory_space<hbm>> -> memref<40x125xi32, #tpu.memory_space<hbm>>
      %dma_wait3A_194 = arith.constant 0 : i32
      %dma_wait3A_195 = arith.constant 0 : i32
      %dma_wait3A_196 = tpu.memref_slice %arg4[%arg0, %arg1, %dma_wait3A_194, %dma_wait3A_195] : memref<2x16x160x125xi32, #tpu.memory_space<hbm>> -> memref<1x1x40x125xi32, #tpu.memory_space<hbm>>
      %dma_wait3A_197 = tpu.memref_squeeze %dma_wait3A_196 : memref<1x1x40x125xi32, #tpu.memory_space<hbm>> -> memref<40x125xi32, #tpu.memory_space<hbm>>
      tpu.wait_dma2 semaphore(%run_scoped3A_181 : memref<!tpu.dma_semaphore, #tpu.memory_space<semaphore_mem>>) src(%dma_wait3A_197 : memref<40x125xi32, #tpu.memory_space<hbm>>) dst(%arg7 : memref<40x125xi32, #tpu.memory_space<vmem>>)
      tpu.yield
    }) : () -> ()
    %dma_start3A = arith.constant 0 : i32
    %dma_start3A_30 = arith.constant 0 : i32
    %dma_start3A_31 = tpu.memref_slice %arg6[%dma_start3A, %dma_start3A_30] : memref<40x125xi32, #tpu.memory_space<vmem>> -> memref<1x125xi32, #tpu.memory_space<vmem>>
    %dma_start3A_32 = tpu.memref_squeeze %dma_start3A_31 : memref<1x125xi32, #tpu.memory_space<vmem>> -> memref<125xi32, #tpu.memory_space<vmem>>
    %dma_start3A_33 = arith.constant 0 : i32
    %dma_start3A_34 = arith.constant 0 : i32
    %dma_start3A_35 = tpu.memref_slice %arg2[%dma_start3A_33, %dma_start3A_34] : memref<20000x128xf32, #tpu.memory_space<hbm>> -> memref<20000x128xf32, #tpu.memory_space<hbm>>
    tpu.enqueue_indirect_dma source(%dma_start3A_35 : memref<20000x128xf32, #tpu.memory_space<hbm>>) target(%arg8 : memref<125x128xf32, #tpu.memory_space<vmem>>) offsets(%dma_start3A_32 : memref<125xi32, #tpu.memory_space<vmem>>) semaphore(%arg11 : memref<!tpu.dma_semaphore, #tpu.memory_space<semaphore_mem>>)
    %dma_start3A_36 = arith.constant 1 : i32
    %dma_start3A_37 = arith.constant 0 : i32
    %dma_start3A_38 = tpu.memref_slice %arg6[%dma_start3A_36, %dma_start3A_37] : memref<40x125xi32, #tpu.memory_space<vmem>> -> memref<1x125xi32, #tpu.memory_space<vmem>>
    %dma_start3A_39 = tpu.memref_squeeze %dma_start3A_38 : memref<1x125xi32, #tpu.memory_space<vmem>> -> memref<125xi32, #tpu.memory_space<vmem>>
    %dma_start3A_40 = arith.constant 0 : i32
    %dma_start3A_41 = arith.constant 0 : i32
    %dma_start3A_42 = tpu.memref_slice %arg2[%dma_start3A_40, %dma_start3A_41] : memref<20000x128xf32, #tpu.memory_space<hbm>> -> memref<20000x128xf32, #tpu.memory_space<hbm>>
    tpu.enqueue_indirect_dma source(%dma_start3A_42 : memref<20000x128xf32, #tpu.memory_space<hbm>>) target(%arg9 : memref<125x128xf32, #tpu.memory_space<vmem>>) offsets(%dma_start3A_39 : memref<125xi32, #tpu.memory_space<vmem>>) semaphore(%arg12 : memref<!tpu.dma_semaphore, #tpu.memory_space<semaphore_mem>>)
    %scan3A_43 = arith.constant 0 : i32
    %scan3A_44 = arith.constant 0 : i32
    %scan3A_45 = arith.constant 19 : i32
    %scan3A_46 = arith.addi %scan3A_44, %scan3A_45 : i32
    %scan3A_47 = arith.constant 1 : i32
    scf.for %scan3A_181 = %scan3A_44 to %scan3A_46 step %scan3A_47  : i32 {
      %mul3A_182 = arith.constant 2 : i32
      %mul3A_183 = arith.muli %mul3A_182, %scan3A_181 : i32
      %dma_wait3A_184 = arith.constant 0 : i32
      %dma_wait3A_185 = tpu.memref_slice %arg6[%mul3A_183, %dma_wait3A_184] : memref<40x125xi32, #tpu.memory_space<vmem>> -> memref<1x125xi32, #tpu.memory_space<vmem>>
      %dma_wait3A_186 = tpu.memref_squeeze %dma_wait3A_185 : memref<1x125xi32, #tpu.memory_space<vmem>> -> memref<125xi32, #tpu.memory_space<vmem>>
      %dma_wait3A_187 = arith.constant 0 : i32
      %dma_wait3A_188 = arith.constant 0 : i32
      %dma_wait3A_189 = tpu.memref_slice %arg2[%dma_wait3A_187, %dma_wait3A_188] : memref<20000x128xf32, #tpu.memory_space<hbm>> -> memref<20000x128xf32, #tpu.memory_space<hbm>>
      tpu.wait_indirect_dma semaphore(%arg11 : memref<!tpu.dma_semaphore, #tpu.memory_space<semaphore_mem>>) src(%dma_wait3A_189 : memref<20000x128xf32, #tpu.memory_space<hbm>>) dst(%arg8 : memref<125x128xf32, #tpu.memory_space<vmem>>)
      "tpu.region"() ({
        %run_scoped3A_214 = tpu.sem_alloc : memref<!tpu.dma_semaphore, #tpu.memory_space<semaphore_mem>>
        %dma_start3A_215 = arith.constant 0 : i32
        %dma_start3A_216 = tpu.memref_slice %arg7[%mul3A_183, %dma_start3A_215] : memref<40x125xi32, #tpu.memory_space<vmem>> -> memref<1x125xi32, #tpu.memory_space<vmem>>
        %dma_start3A_217 = tpu.memref_squeeze %dma_start3A_216 : memref<1x125xi32, #tpu.memory_space<vmem>> -> memref<125xi32, #tpu.memory_space<vmem>>
        %dma_start3A_218 = arith.constant 0 : i32
        %dma_start3A_219 = arith.constant 0 : i32
        %dma_start3A_220 = tpu.memref_slice %arg10[%dma_start3A_218, %dma_start3A_219] : memref<10000x128xf32, #tpu.memory_space<vmem_shared>> -> memref<10000x128xf32, #tpu.memory_space<vmem_shared>>
        tpu.enqueue_indirect_dma source(%arg8 : memref<125x128xf32, #tpu.memory_space<vmem>>) target(%dma_start3A_220 : memref<10000x128xf32, #tpu.memory_space<vmem_shared>>) offsets(%dma_start3A_217 : memref<125xi32, #tpu.memory_space<vmem>>) semaphore(%run_scoped3A_214 : memref<!tpu.dma_semaphore, #tpu.memory_space<semaphore_mem>>) {add = true}
        %dma_wait3A_221 = arith.constant 0 : i32
        %dma_wait3A_222 = tpu.memref_slice %arg7[%mul3A_183, %dma_wait3A_221] : memref<40x125xi32, #tpu.memory_space<vmem>> -> memref<1x125xi32, #tpu.memory_space<vmem>>
        %dma_wait3A_223 = tpu.memref_squeeze %dma_wait3A_222 : memref<1x125xi32, #tpu.memory_space<vmem>> -> memref<125xi32, #tpu.memory_space<vmem>>
        %dma_wait3A_224 = arith.constant 0 : i32
        %dma_wait3A_225 = arith.constant 0 : i32
        %dma_wait3A_226 = tpu.memref_slice %arg10[%dma_wait3A_224, %dma_wait3A_225] : memref<10000x128xf32, #tpu.memory_space<vmem_shared>> -> memref<10000x128xf32, #tpu.memory_space<vmem_shared>>
        tpu.wait_indirect_dma semaphore(%run_scoped3A_214 : memref<!tpu.dma_semaphore, #tpu.memory_space<semaphore_mem>>) src(%arg8 : memref<125x128xf32, #tpu.memory_space<vmem>>) dst(%dma_wait3A_226 : memref<10000x128xf32, #tpu.memory_space<vmem_shared>>)
        tpu.yield
      }) : () -> ()
      %add3A_190 = arith.constant 2 : i32
      %add3A_191 = arith.addi %mul3A_183, %add3A_190 : i32
      %dma_start3A_192 = arith.constant 0 : i32
      %dma_start3A_193 = tpu.memref_slice %arg6[%add3A_191, %dma_start3A_192] : memref<40x125xi32, #tpu.memory_space<vmem>> -> memref<1x125xi32, #tpu.memory_space<vmem>>
      %dma_start3A_194 = tpu.memref_squeeze %dma_start3A_193 : memref<1x125xi32, #tpu.memory_space<vmem>> -> memref<125xi32, #tpu.memory_space<vmem>>
      %dma_start3A_195 = arith.constant 0 : i32
      %dma_start3A_196 = arith.constant 0 : i32
      %dma_start3A_197 = tpu.memref_slice %arg2[%dma_start3A_195, %dma_start3A_196] : memref<20000x128xf32, #tpu.memory_space<hbm>> -> memref<20000x128xf32, #tpu.memory_space<hbm>>
      tpu.enqueue_indirect_dma source(%dma_start3A_197 : memref<20000x128xf32, #tpu.memory_space<hbm>>) target(%arg8 : memref<125x128xf32, #tpu.memory_space<vmem>>) offsets(%dma_start3A_194 : memref<125xi32, #tpu.memory_space<vmem>>) semaphore(%arg11 : memref<!tpu.dma_semaphore, #tpu.memory_space<semaphore_mem>>)
      %add3A_198 = arith.constant 1 : i32
      %add3A_199 = arith.addi %mul3A_183, %add3A_198 : i32
      %dma_wait3A_200 = arith.constant 0 : i32
      %dma_wait3A_201 = tpu.memref_slice %arg6[%add3A_199, %dma_wait3A_200] : memref<40x125xi32, #tpu.memory_space<vmem>> -> memref<1x125xi32, #tpu.memory_space<vmem>>
      %dma_wait3A_202 = tpu.memref_squeeze %dma_wait3A_201 : memref<1x125xi32, #tpu.memory_space<vmem>> -> memref<125xi32, #tpu.memory_space<vmem>>
      %dma_wait3A_203 = arith.constant 0 : i32
      %dma_wait3A_204 = arith.constant 0 : i32
      %dma_wait3A_205 = tpu.memref_slice %arg2[%dma_wait3A_203, %dma_wait3A_204] : memref<20000x128xf32, #tpu.memory_space<hbm>> -> memref<20000x128xf32, #tpu.memory_space<hbm>>
      tpu.wait_indirect_dma semaphore(%arg12 : memref<!tpu.dma_semaphore, #tpu.memory_space<semaphore_mem>>) src(%dma_wait3A_205 : memref<20000x128xf32, #tpu.memory_space<hbm>>) dst(%arg9 : memref<125x128xf32, #tpu.memory_space<vmem>>)
      "tpu.region"() ({
        %run_scoped3A_214 = tpu.sem_alloc : memref<!tpu.dma_semaphore, #tpu.memory_space<semaphore_mem>>
        %dma_start3A_215 = arith.constant 0 : i32
        %dma_start3A_216 = tpu.memref_slice %arg7[%add3A_199, %dma_start3A_215] : memref<40x125xi32, #tpu.memory_space<vmem>> -> memref<1x125xi32, #tpu.memory_space<vmem>>
        %dma_start3A_217 = tpu.memref_squeeze %dma_start3A_216 : memref<1x125xi32, #tpu.memory_space<vmem>> -> memref<125xi32, #tpu.memory_space<vmem>>
        %dma_start3A_218 = arith.constant 0 : i32
        %dma_start3A_219 = arith.constant 0 : i32
        %dma_start3A_220 = tpu.memref_slice %arg10[%dma_start3A_218, %dma_start3A_219] : memref<10000x128xf32, #tpu.memory_space<vmem_shared>> -> memref<10000x128xf32, #tpu.memory_space<vmem_shared>>
        tpu.enqueue_indirect_dma source(%arg9 : memref<125x128xf32, #tpu.memory_space<vmem>>) target(%dma_start3A_220 : memref<10000x128xf32, #tpu.memory_space<vmem_shared>>) offsets(%dma_start3A_217 : memref<125xi32, #tpu.memory_space<vmem>>) semaphore(%run_scoped3A_214 : memref<!tpu.dma_semaphore, #tpu.memory_space<semaphore_mem>>) {add = true}
        %dma_wait3A_221 = arith.constant 0 : i32
        %dma_wait3A_222 = tpu.memref_slice %arg7[%add3A_199, %dma_wait3A_221] : memref<40x125xi32, #tpu.memory_space<vmem>> -> memref<1x125xi32, #tpu.memory_space<vmem>>
        %dma_wait3A_223 = tpu.memref_squeeze %dma_wait3A_222 : memref<1x125xi32, #tpu.memory_space<vmem>> -> memref<125xi32, #tpu.memory_space<vmem>>
        %dma_wait3A_224 = arith.constant 0 : i32
        %dma_wait3A_225 = arith.constant 0 : i32
        %dma_wait3A_226 = tpu.memref_slice %arg10[%dma_wait3A_224, %dma_wait3A_225] : memref<10000x128xf32, #tpu.memory_space<vmem_shared>> -> memref<10000x128xf32, #tpu.memory_space<vmem_shared>>
        tpu.wait_indirect_dma semaphore(%run_scoped3A_214 : memref<!tpu.dma_semaphore, #tpu.memory_space<semaphore_mem>>) src(%arg9 : memref<125x128xf32, #tpu.memory_space<vmem>>) dst(%dma_wait3A_226 : memref<10000x128xf32, #tpu.memory_space<vmem_shared>>)
        tpu.yield
      }) : () -> ()
      %add3A_206 = arith.constant 3 : i32
      %add3A_207 = arith.addi %mul3A_183, %add3A_206 : i32
      %dma_start3A_208 = arith.constant 0 : i32
      %dma_start3A_209 = tpu.memref_slice %arg6[%add3A_207, %dma_start3A_208] : memref<40x125xi32, #tpu.memory_space<vmem>> -> memref<1x125xi32, #tpu.memory_space<vmem>>
      %dma_start3A_210 = tpu.memref_squeeze %dma_start3A_209 : memref<1x125xi32, #tpu.memory_space<vmem>> -> memref<125xi32, #tpu.memory_space<vmem>>
      %dma_start3A_211 = arith.constant 0 : i32
      %dma_start3A_212 = arith.constant 0 : i32
      %dma_start3A_213 = tpu.memref_slice %arg2[%dma_start3A_211, %dma_start3A_212] : memref<20000x128xf32, #tpu.memory_space<hbm>> -> memref<20000x128xf32, #tpu.memory_space<hbm>>
      tpu.enqueue_indirect_dma source(%dma_start3A_213 : memref<20000x128xf32, #tpu.memory_space<hbm>>) target(%arg9 : memref<125x128xf32, #tpu.memory_space<vmem>>) offsets(%dma_start3A_210 : memref<125xi32, #tpu.memory_space<vmem>>) semaphore(%arg12 : memref<!tpu.dma_semaphore, #tpu.memory_space<semaphore_mem>>)
    }
    %scan3A_48 = arith.constant 19 : i32
    %dma_wait3A = arith.constant 38 : i32
    %dma_wait3A_49 = arith.constant 0 : i32
    %dma_wait3A_50 = tpu.memref_slice %arg6[%dma_wait3A, %dma_wait3A_49] : memref<40x125xi32, #tpu.memory_space<vmem>> -> memref<1x125xi32, #tpu.memory_space<vmem>>
    %dma_wait3A_51 = tpu.memref_squeeze %dma_wait3A_50 : memref<1x125xi32, #tpu.memory_space<vmem>> -> memref<125xi32, #tpu.memory_space<vmem>>
    %dma_wait3A_52 = arith.constant 0 : i32
    %dma_wait3A_53 = arith.constant 0 : i32
    %dma_wait3A_54 = tpu.memref_slice %arg2[%dma_wait3A_52, %dma_wait3A_53] : memref<20000x128xf32, #tpu.memory_space<hbm>> -> memref<20000x128xf32, #tpu.memory_space<hbm>>
    tpu.wait_indirect_dma semaphore(%arg11 : memref<!tpu.dma_semaphore, #tpu.memory_space<semaphore_mem>>) src(%dma_wait3A_54 : memref<20000x128xf32, #tpu.memory_space<hbm>>) dst(%arg8 : memref<125x128xf32, #tpu.memory_space<vmem>>)
    %run_scoped3A = arith.constant 38 : i32
    "tpu.region"() ({
      %run_scoped3A_181 = tpu.sem_alloc : memref<!tpu.dma_semaphore, #tpu.memory_space<semaphore_mem>>
      %dma_start3A_182 = arith.constant 0 : i32
      %dma_start3A_183 = tpu.memref_slice %arg7[%run_scoped3A, %dma_start3A_182] : memref<40x125xi32, #tpu.memory_space<vmem>> -> memref<1x125xi32, #tpu.memory_space<vmem>>
      %dma_start3A_184 = tpu.memref_squeeze %dma_start3A_183 : memref<1x125xi32, #tpu.memory_space<vmem>> -> memref<125xi32, #tpu.memory_space<vmem>>
      %dma_start3A_185 = arith.constant 0 : i32
      %dma_start3A_186 = arith.constant 0 : i32
      %dma_start3A_187 = tpu.memref_slice %arg10[%dma_start3A_185, %dma_start3A_186] : memref<10000x128xf32, #tpu.memory_space<vmem_shared>> -> memref<10000x128xf32, #tpu.memory_space<vmem_shared>>
      tpu.enqueue_indirect_dma source(%arg8 : memref<125x128xf32, #tpu.memory_space<vmem>>) target(%dma_start3A_187 : memref<10000x128xf32, #tpu.memory_space<vmem_shared>>) offsets(%dma_start3A_184 : memref<125xi32, #tpu.memory_space<vmem>>) semaphore(%run_scoped3A_181 : memref<!tpu.dma_semaphore, #tpu.memory_space<semaphore_mem>>) {add = true}
      %dma_wait3A_188 = arith.constant 0 : i32
      %dma_wait3A_189 = tpu.memref_slice %arg7[%run_scoped3A, %dma_wait3A_188] : memref<40x125xi32, #tpu.memory_space<vmem>> -> memref<1x125xi32, #tpu.memory_space<vmem>>
      %dma_wait3A_190 = tpu.memref_squeeze %dma_wait3A_189 : memref<1x125xi32, #tpu.memory_space<vmem>> -> memref<125xi32, #tpu.memory_space<vmem>>
      %dma_wait3A_191 = arith.constant 0 : i32
      %dma_wait3A_192 = arith.constant 0 : i32
      %dma_wait3A_193 = tpu.memref_slice %arg10[%dma_wait3A_191, %dma_wait3A_192] : memref<10000x128xf32, #tpu.memory_space<vmem_shared>> -> memref<10000x128xf32, #tpu.memory_space<vmem_shared>>
      tpu.wait_indirect_dma semaphore(%run_scoped3A_181 : memref<!tpu.dma_semaphore, #tpu.memory_space<semaphore_mem>>) src(%arg8 : memref<125x128xf32, #tpu.memory_space<vmem>>) dst(%dma_wait3A_193 : memref<10000x128xf32, #tpu.memory_space<vmem_shared>>)
      tpu.yield
    }) : () -> ()
    %dma_wait3A_55 = arith.constant 39 : i32
    %dma_wait3A_56 = arith.constant 0 : i32
    %dma_wait3A_57 = tpu.memref_slice %arg6[%dma_wait3A_55, %dma_wait3A_56] : memref<40x125xi32, #tpu.memory_space<vmem>> -> memref<1x125xi32, #tpu.memory_space<vmem>>
    %dma_wait3A_58 = tpu.memref_squeeze %dma_wait3A_57 : memref<1x125xi32, #tpu.memory_space<vmem>> -> memref<125xi32, #tpu.memory_space<vmem>>
    %dma_wait3A_59 = arith.constant 0 : i32
    %dma_wait3A_60 = arith.constant 0 : i32
    %dma_wait3A_61 = tpu.memref_slice %arg2[%dma_wait3A_59, %dma_wait3A_60] : memref<20000x128xf32, #tpu.memory_space<hbm>> -> memref<20000x128xf32, #tpu.memory_space<hbm>>
    tpu.wait_indirect_dma semaphore(%arg12 : memref<!tpu.dma_semaphore, #tpu.memory_space<semaphore_mem>>) src(%dma_wait3A_61 : memref<20000x128xf32, #tpu.memory_space<hbm>>) dst(%arg9 : memref<125x128xf32, #tpu.memory_space<vmem>>)
    %run_scoped3A_62 = arith.constant 39 : i32
    "tpu.region"() ({
      %run_scoped3A_181 = tpu.sem_alloc : memref<!tpu.dma_semaphore, #tpu.memory_space<semaphore_mem>>
      %dma_start3A_182 = arith.constant 0 : i32
      %dma_start3A_183 = tpu.memref_slice %arg7[%run_scoped3A_62, %dma_start3A_182] : memref<40x125xi32, #tpu.memory_space<vmem>> -> memref<1x125xi32, #tpu.memory_space<vmem>>
      %dma_start3A_184 = tpu.memref_squeeze %dma_start3A_183 : memref<1x125xi32, #tpu.memory_space<vmem>> -> memref<125xi32, #tpu.memory_space<vmem>>
      %dma_start3A_185 = arith.constant 0 : i32
      %dma_start3A_186 = arith.constant 0 : i32
      %dma_start3A_187 = tpu.memref_slice %arg10[%dma_start3A_185, %dma_start3A_186] : memref<10000x128xf32, #tpu.memory_space<vmem_shared>> -> memref<10000x128xf32, #tpu.memory_space<vmem_shared>>
      tpu.enqueue_indirect_dma source(%arg9 : memref<125x128xf32, #tpu.memory_space<vmem>>) target(%dma_start3A_187 : memref<10000x128xf32, #tpu.memory_space<vmem_shared>>) offsets(%dma_start3A_184 : memref<125xi32, #tpu.memory_space<vmem>>) semaphore(%run_scoped3A_181 : memref<!tpu.dma_semaphore, #tpu.memory_space<semaphore_mem>>) {add = true}
      %dma_wait3A_188 = arith.constant 0 : i32
      %dma_wait3A_189 = tpu.memref_slice %arg7[%run_scoped3A_62, %dma_wait3A_188] : memref<40x125xi32, #tpu.memory_space<vmem>> -> memref<1x125xi32, #tpu.memory_space<vmem>>
      %dma_wait3A_190 = tpu.memref_squeeze %dma_wait3A_189 : memref<1x125xi32, #tpu.memory_space<vmem>> -> memref<125xi32, #tpu.memory_space<vmem>>
      %dma_wait3A_191 = arith.constant 0 : i32
      %dma_wait3A_192 = arith.constant 0 : i32
      %dma_wait3A_193 = tpu.memref_slice %arg10[%dma_wait3A_191, %dma_wait3A_192] : memref<10000x128xf32, #tpu.memory_space<vmem_shared>> -> memref<10000x128xf32, #tpu.memory_space<vmem_shared>>
      tpu.wait_indirect_dma semaphore(%run_scoped3A_181 : memref<!tpu.dma_semaphore, #tpu.memory_space<semaphore_mem>>) src(%arg9 : memref<125x128xf32, #tpu.memory_space<vmem>>) dst(%dma_wait3A_193 : memref<10000x128xf32, #tpu.memory_space<vmem_shared>>)
      tpu.yield
    }) : () -> ()
    "tpu.region"() ({
      %run_scoped3A_181 = tpu.sem_alloc : memref<!tpu.dma_semaphore, #tpu.memory_space<semaphore_mem>>
      %dma_start3A_182 = arith.constant 40 : i32
      %dma_start3A_183 = arith.constant 0 : i32
      %dma_start3A_184 = tpu.memref_slice %arg3[%arg0, %arg1, %dma_start3A_182, %dma_start3A_183] : memref<2x16x160x125xi32, #tpu.memory_space<hbm>> -> memref<1x1x40x125xi32, #tpu.memory_space<hbm>>
      %dma_start3A_185 = tpu.memref_squeeze %dma_start3A_184 : memref<1x1x40x125xi32, #tpu.memory_space<hbm>> -> memref<40x125xi32, #tpu.memory_space<hbm>>
      %dma_start3A_186 = arith.constant 40 : i32
      %dma_start3A_187 = arith.constant 0 : i32
      %dma_start3A_188 = tpu.memref_slice %arg3[%arg0, %arg1, %dma_start3A_186, %dma_start3A_187] : memref<2x16x160x125xi32, #tpu.memory_space<hbm>> -> memref<1x1x40x125xi32, #tpu.memory_space<hbm>>
      %dma_start3A_189 = tpu.memref_squeeze %dma_start3A_188 : memref<1x1x40x125xi32, #tpu.memory_space<hbm>> -> memref<40x125xi32, #tpu.memory_space<hbm>>
      tpu.enqueue_dma source(%dma_start3A_189 : memref<40x125xi32, #tpu.memory_space<hbm>>) target(%arg6 : memref<40x125xi32, #tpu.memory_space<vmem>>) target_semaphore(%run_scoped3A_181 : memref<!tpu.dma_semaphore, #tpu.memory_space<semaphore_mem>>)
      %dma_wait3A_190 = arith.constant 40 : i32
      %dma_wait3A_191 = arith.constant 0 : i32
      %dma_wait3A_192 = tpu.memref_slice %arg3[%arg0, %arg1, %dma_wait3A_190, %dma_wait3A_191] : memref<2x16x160x125xi32, #tpu.memory_space<hbm>> -> memref<1x1x40x125xi32, #tpu.memory_space<hbm>>
      %dma_wait3A_193 = tpu.memref_squeeze %dma_wait3A_192 : memref<1x1x40x125xi32, #tpu.memory_space<hbm>> -> memref<40x125xi32, #tpu.memory_space<hbm>>
      %dma_wait3A_194 = arith.constant 40 : i32
      %dma_wait3A_195 = arith.constant 0 : i32
      %dma_wait3A_196 = tpu.memref_slice %arg3[%arg0, %arg1, %dma_wait3A_194, %dma_wait3A_195] : memref<2x16x160x125xi32, #tpu.memory_space<hbm>> -> memref<1x1x40x125xi32, #tpu.memory_space<hbm>>
      %dma_wait3A_197 = tpu.memref_squeeze %dma_wait3A_196 : memref<1x1x40x125xi32, #tpu.memory_space<hbm>> -> memref<40x125xi32, #tpu.memory_space<hbm>>
      tpu.wait_dma2 semaphore(%run_scoped3A_181 : memref<!tpu.dma_semaphore, #tpu.memory_space<semaphore_mem>>) src(%dma_wait3A_197 : memref<40x125xi32, #tpu.memory_space<hbm>>) dst(%arg6 : memref<40x125xi32, #tpu.memory_space<vmem>>)
      tpu.yield
    }) : () -> ()
    "tpu.region"() ({
      %run_scoped3A_181 = tpu.sem_alloc : memref<!tpu.dma_semaphore, #tpu.memory_space<semaphore_mem>>
      %dma_start3A_182 = arith.constant 40 : i32
      %dma_start3A_183 = arith.constant 0 : i32
      %dma_start3A_184 = tpu.memref_slice %arg4[%arg0, %arg1, %dma_start3A_182, %dma_start3A_183] : memref<2x16x160x125xi32, #tpu.memory_space<hbm>> -> memref<1x1x40x125xi32, #tpu.memory_space<hbm>>
      %dma_start3A_185 = tpu.memref_squeeze %dma_start3A_184 : memref<1x1x40x125xi32, #tpu.memory_space<hbm>> -> memref<40x125xi32, #tpu.memory_space<hbm>>
      %dma_start3A_186 = arith.constant 40 : i32
      %dma_start3A_187 = arith.constant 0 : i32
      %dma_start3A_188 = tpu.memref_slice %arg4[%arg0, %arg1, %dma_start3A_186, %dma_start3A_187] : memref<2x16x160x125xi32, #tpu.memory_space<hbm>> -> memref<1x1x40x125xi32, #tpu.memory_space<hbm>>
      %dma_start3A_189 = tpu.memref_squeeze %dma_start3A_188 : memref<1x1x40x125xi32, #tpu.memory_space<hbm>> -> memref<40x125xi32, #tpu.memory_space<hbm>>
      tpu.enqueue_dma source(%dma_start3A_189 : memref<40x125xi32, #tpu.memory_space<hbm>>) target(%arg7 : memref<40x125xi32, #tpu.memory_space<vmem>>) target_semaphore(%run_scoped3A_181 : memref<!tpu.dma_semaphore, #tpu.memory_space<semaphore_mem>>)
      %dma_wait3A_190 = arith.constant 40 : i32
      %dma_wait3A_191 = arith.constant 0 : i32
      %dma_wait3A_192 = tpu.memref_slice %arg4[%arg0, %arg1, %dma_wait3A_190, %dma_wait3A_191] : memref<2x16x160x125xi32, #tpu.memory_space<hbm>> -> memref<1x1x40x125xi32, #tpu.memory_space<hbm>>
      %dma_wait3A_193 = tpu.memref_squeeze %dma_wait3A_192 : memref<1x1x40x125xi32, #tpu.memory_space<hbm>> -> memref<40x125xi32, #tpu.memory_space<hbm>>
      %dma_wait3A_194 = arith.constant 40 : i32
      %dma_wait3A_195 = arith.constant 0 : i32
      %dma_wait3A_196 = tpu.memref_slice %arg4[%arg0, %arg1, %dma_wait3A_194, %dma_wait3A_195] : memref<2x16x160x125xi32, #tpu.memory_space<hbm>> -> memref<1x1x40x125xi32, #tpu.memory_space<hbm>>
      %dma_wait3A_197 = tpu.memref_squeeze %dma_wait3A_196 : memref<1x1x40x125xi32, #tpu.memory_space<hbm>> -> memref<40x125xi32, #tpu.memory_space<hbm>>
      tpu.wait_dma2 semaphore(%run_scoped3A_181 : memref<!tpu.dma_semaphore, #tpu.memory_space<semaphore_mem>>) src(%dma_wait3A_197 : memref<40x125xi32, #tpu.memory_space<hbm>>) dst(%arg7 : memref<40x125xi32, #tpu.memory_space<vmem>>)
      tpu.yield
    }) : () -> ()
    %dma_start3A_63 = arith.constant 0 : i32
    %dma_start3A_64 = arith.constant 0 : i32
    %dma_start3A_65 = tpu.memref_slice %arg6[%dma_start3A_63, %dma_start3A_64] : memref<40x125xi32, #tpu.memory_space<vmem>> -> memref<1x125xi32, #tpu.memory_space<vmem>>
    %dma_start3A_66 = tpu.memref_squeeze %dma_start3A_65 : memref<1x125xi32, #tpu.memory_space<vmem>> -> memref<125xi32, #tpu.memory_space<vmem>>
    %dma_start3A_67 = arith.constant 0 : i32
    %dma_start3A_68 = arith.constant 0 : i32
    %dma_start3A_69 = tpu.memref_slice %arg2[%dma_start3A_67, %dma_start3A_68] : memref<20000x128xf32, #tpu.memory_space<hbm>> -> memref<20000x128xf32, #tpu.memory_space<hbm>>
    tpu.enqueue_indirect_dma source(%dma_start3A_69 : memref<20000x128xf32, #tpu.memory_space<hbm>>) target(%arg8 : memref<125x128xf32, #tpu.memory_space<vmem>>) offsets(%dma_start3A_66 : memref<125xi32, #tpu.memory_space<vmem>>) semaphore(%arg11 : memref<!tpu.dma_semaphore, #tpu.memory_space<semaphore_mem>>)
    %dma_start3A_70 = arith.constant 1 : i32
    %dma_start3A_71 = arith.constant 0 : i32
    %dma_start3A_72 = tpu.memref_slice %arg6[%dma_start3A_70, %dma_start3A_71] : memref<40x125xi32, #tpu.memory_space<vmem>> -> memref<1x125xi32, #tpu.memory_space<vmem>>
    %dma_start3A_73 = tpu.memref_squeeze %dma_start3A_72 : memref<1x125xi32, #tpu.memory_space<vmem>> -> memref<125xi32, #tpu.memory_space<vmem>>
    %dma_start3A_74 = arith.constant 0 : i32
    %dma_start3A_75 = arith.constant 0 : i32
    %dma_start3A_76 = tpu.memref_slice %arg2[%dma_start3A_74, %dma_start3A_75] : memref<20000x128xf32, #tpu.memory_space<hbm>> -> memref<20000x128xf32, #tpu.memory_space<hbm>>
    tpu.enqueue_indirect_dma source(%dma_start3A_76 : memref<20000x128xf32, #tpu.memory_space<hbm>>) target(%arg9 : memref<125x128xf32, #tpu.memory_space<vmem>>) offsets(%dma_start3A_73 : memref<125xi32, #tpu.memory_space<vmem>>) semaphore(%arg12 : memref<!tpu.dma_semaphore, #tpu.memory_space<semaphore_mem>>)
    %scan3A_77 = arith.constant 0 : i32
    %scan3A_78 = arith.constant 0 : i32
    %scan3A_79 = arith.constant 19 : i32
    %scan3A_80 = arith.addi %scan3A_78, %scan3A_79 : i32
    %scan3A_81 = arith.constant 1 : i32
    scf.for %scan3A_181 = %scan3A_78 to %scan3A_80 step %scan3A_81  : i32 {
      %mul3A_182 = arith.constant 2 : i32
      %mul3A_183 = arith.muli %mul3A_182, %scan3A_181 : i32
      %dma_wait3A_184 = arith.constant 0 : i32
      %dma_wait3A_185 = tpu.memref_slice %arg6[%mul3A_183, %dma_wait3A_184] : memref<40x125xi32, #tpu.memory_space<vmem>> -> memref<1x125xi32, #tpu.memory_space<vmem>>
      %dma_wait3A_186 = tpu.memref_squeeze %dma_wait3A_185 : memref<1x125xi32, #tpu.memory_space<vmem>> -> memref<125xi32, #tpu.memory_space<vmem>>
      %dma_wait3A_187 = arith.constant 0 : i32
      %dma_wait3A_188 = arith.constant 0 : i32
      %dma_wait3A_189 = tpu.memref_slice %arg2[%dma_wait3A_187, %dma_wait3A_188] : memref<20000x128xf32, #tpu.memory_space<hbm>> -> memref<20000x128xf32, #tpu.memory_space<hbm>>
      tpu.wait_indirect_dma semaphore(%arg11 : memref<!tpu.dma_semaphore, #tpu.memory_space<semaphore_mem>>) src(%dma_wait3A_189 : memref<20000x128xf32, #tpu.memory_space<hbm>>) dst(%arg8 : memref<125x128xf32, #tpu.memory_space<vmem>>)
      "tpu.region"() ({
        %run_scoped3A_214 = tpu.sem_alloc : memref<!tpu.dma_semaphore, #tpu.memory_space<semaphore_mem>>
        %dma_start3A_215 = arith.constant 0 : i32
        %dma_start3A_216 = tpu.memref_slice %arg7[%mul3A_183, %dma_start3A_215] : memref<40x125xi32, #tpu.memory_space<vmem>> -> memref<1x125xi32, #tpu.memory_space<vmem>>
        %dma_start3A_217 = tpu.memref_squeeze %dma_start3A_216 : memref<1x125xi32, #tpu.memory_space<vmem>> -> memref<125xi32, #tpu.memory_space<vmem>>
        %dma_start3A_218 = arith.constant 0 : i32
        %dma_start3A_219 = arith.constant 0 : i32
        %dma_start3A_220 = tpu.memref_slice %arg10[%dma_start3A_218, %dma_start3A_219] : memref<10000x128xf32, #tpu.memory_space<vmem_shared>> -> memref<10000x128xf32, #tpu.memory_space<vmem_shared>>
        tpu.enqueue_indirect_dma source(%arg8 : memref<125x128xf32, #tpu.memory_space<vmem>>) target(%dma_start3A_220 : memref<10000x128xf32, #tpu.memory_space<vmem_shared>>) offsets(%dma_start3A_217 : memref<125xi32, #tpu.memory_space<vmem>>) semaphore(%run_scoped3A_214 : memref<!tpu.dma_semaphore, #tpu.memory_space<semaphore_mem>>) {add = true}
        %dma_wait3A_221 = arith.constant 0 : i32
        %dma_wait3A_222 = tpu.memref_slice %arg7[%mul3A_183, %dma_wait3A_221] : memref<40x125xi32, #tpu.memory_space<vmem>> -> memref<1x125xi32, #tpu.memory_space<vmem>>
        %dma_wait3A_223 = tpu.memref_squeeze %dma_wait3A_222 : memref<1x125xi32, #tpu.memory_space<vmem>> -> memref<125xi32, #tpu.memory_space<vmem>>
        %dma_wait3A_224 = arith.constant 0 : i32
        %dma_wait3A_225 = arith.constant 0 : i32
        %dma_wait3A_226 = tpu.memref_slice %arg10[%dma_wait3A_224, %dma_wait3A_225] : memref<10000x128xf32, #tpu.memory_space<vmem_shared>> -> memref<10000x128xf32, #tpu.memory_space<vmem_shared>>
        tpu.wait_indirect_dma semaphore(%run_scoped3A_214 : memref<!tpu.dma_semaphore, #tpu.memory_space<semaphore_mem>>) src(%arg8 : memref<125x128xf32, #tpu.memory_space<vmem>>) dst(%dma_wait3A_226 : memref<10000x128xf32, #tpu.memory_space<vmem_shared>>)
        tpu.yield
      }) : () -> ()
      %add3A_190 = arith.constant 2 : i32
      %add3A_191 = arith.addi %mul3A_183, %add3A_190 : i32
      %dma_start3A_192 = arith.constant 0 : i32
      %dma_start3A_193 = tpu.memref_slice %arg6[%add3A_191, %dma_start3A_192] : memref<40x125xi32, #tpu.memory_space<vmem>> -> memref<1x125xi32, #tpu.memory_space<vmem>>
      %dma_start3A_194 = tpu.memref_squeeze %dma_start3A_193 : memref<1x125xi32, #tpu.memory_space<vmem>> -> memref<125xi32, #tpu.memory_space<vmem>>
      %dma_start3A_195 = arith.constant 0 : i32
      %dma_start3A_196 = arith.constant 0 : i32
      %dma_start3A_197 = tpu.memref_slice %arg2[%dma_start3A_195, %dma_start3A_196] : memref<20000x128xf32, #tpu.memory_space<hbm>> -> memref<20000x128xf32, #tpu.memory_space<hbm>>
      tpu.enqueue_indirect_dma source(%dma_start3A_197 : memref<20000x128xf32, #tpu.memory_space<hbm>>) target(%arg8 : memref<125x128xf32, #tpu.memory_space<vmem>>) offsets(%dma_start3A_194 : memref<125xi32, #tpu.memory_space<vmem>>) semaphore(%arg11 : memref<!tpu.dma_semaphore, #tpu.memory_space<semaphore_mem>>)
      %add3A_198 = arith.constant 1 : i32
      %add3A_199 = arith.addi %mul3A_183, %add3A_198 : i32
      %dma_wait3A_200 = arith.constant 0 : i32
      %dma_wait3A_201 = tpu.memref_slice %arg6[%add3A_199, %dma_wait3A_200] : memref<40x125xi32, #tpu.memory_space<vmem>> -> memref<1x125xi32, #tpu.memory_space<vmem>>
      %dma_wait3A_202 = tpu.memref_squeeze %dma_wait3A_201 : memref<1x125xi32, #tpu.memory_space<vmem>> -> memref<125xi32, #tpu.memory_space<vmem>>
      %dma_wait3A_203 = arith.constant 0 : i32
      %dma_wait3A_204 = arith.constant 0 : i32
      %dma_wait3A_205 = tpu.memref_slice %arg2[%dma_wait3A_203, %dma_wait3A_204] : memref<20000x128xf32, #tpu.memory_space<hbm>> -> memref<20000x128xf32, #tpu.memory_space<hbm>>
      tpu.wait_indirect_dma semaphore(%arg12 : memref<!tpu.dma_semaphore, #tpu.memory_space<semaphore_mem>>) src(%dma_wait3A_205 : memref<20000x128xf32, #tpu.memory_space<hbm>>) dst(%arg9 : memref<125x128xf32, #tpu.memory_space<vmem>>)
      "tpu.region"() ({
        %run_scoped3A_214 = tpu.sem_alloc : memref<!tpu.dma_semaphore, #tpu.memory_space<semaphore_mem>>
        %dma_start3A_215 = arith.constant 0 : i32
        %dma_start3A_216 = tpu.memref_slice %arg7[%add3A_199, %dma_start3A_215] : memref<40x125xi32, #tpu.memory_space<vmem>> -> memref<1x125xi32, #tpu.memory_space<vmem>>
        %dma_start3A_217 = tpu.memref_squeeze %dma_start3A_216 : memref<1x125xi32, #tpu.memory_space<vmem>> -> memref<125xi32, #tpu.memory_space<vmem>>
        %dma_start3A_218 = arith.constant 0 : i32
        %dma_start3A_219 = arith.constant 0 : i32
        %dma_start3A_220 = tpu.memref_slice %arg10[%dma_start3A_218, %dma_start3A_219] : memref<10000x128xf32, #tpu.memory_space<vmem_shared>> -> memref<10000x128xf32, #tpu.memory_space<vmem_shared>>
        tpu.enqueue_indirect_dma source(%arg9 : memref<125x128xf32, #tpu.memory_space<vmem>>) target(%dma_start3A_220 : memref<10000x128xf32, #tpu.memory_space<vmem_shared>>) offsets(%dma_start3A_217 : memref<125xi32, #tpu.memory_space<vmem>>) semaphore(%run_scoped3A_214 : memref<!tpu.dma_semaphore, #tpu.memory_space<semaphore_mem>>) {add = true}
        %dma_wait3A_221 = arith.constant 0 : i32
        %dma_wait3A_222 = tpu.memref_slice %arg7[%add3A_199, %dma_wait3A_221] : memref<40x125xi32, #tpu.memory_space<vmem>> -> memref<1x125xi32, #tpu.memory_space<vmem>>
        %dma_wait3A_223 = tpu.memref_squeeze %dma_wait3A_222 : memref<1x125xi32, #tpu.memory_space<vmem>> -> memref<125xi32, #tpu.memory_space<vmem>>
        %dma_wait3A_224 = arith.constant 0 : i32
        %dma_wait3A_225 = arith.constant 0 : i32
        %dma_wait3A_226 = tpu.memref_slice %arg10[%dma_wait3A_224, %dma_wait3A_225] : memref<10000x128xf32, #tpu.memory_space<vmem_shared>> -> memref<10000x128xf32, #tpu.memory_space<vmem_shared>>
        tpu.wait_indirect_dma semaphore(%run_scoped3A_214 : memref<!tpu.dma_semaphore, #tpu.memory_space<semaphore_mem>>) src(%arg9 : memref<125x128xf32, #tpu.memory_space<vmem>>) dst(%dma_wait3A_226 : memref<10000x128xf32, #tpu.memory_space<vmem_shared>>)
        tpu.yield
      }) : () -> ()
      %add3A_206 = arith.constant 3 : i32
      %add3A_207 = arith.addi %mul3A_183, %add3A_206 : i32
      %dma_start3A_208 = arith.constant 0 : i32
      %dma_start3A_209 = tpu.memref_slice %arg6[%add3A_207, %dma_start3A_208] : memref<40x125xi32, #tpu.memory_space<vmem>> -> memref<1x125xi32, #tpu.memory_space<vmem>>
      %dma_start3A_210 = tpu.memref_squeeze %dma_start3A_209 : memref<1x125xi32, #tpu.memory_space<vmem>> -> memref<125xi32, #tpu.memory_space<vmem>>
      %dma_start3A_211 = arith.constant 0 : i32
      %dma_start3A_212 = arith.constant 0 : i32
      %dma_start3A_213 = tpu.memref_slice %arg2[%dma_start3A_211, %dma_start3A_212] : memref<20000x128xf32, #tpu.memory_space<hbm>> -> memref<20000x128xf32, #tpu.memory_space<hbm>>
      tpu.enqueue_indirect_dma source(%dma_start3A_213 : memref<20000x128xf32, #tpu.memory_space<hbm>>) target(%arg9 : memref<125x128xf32, #tpu.memory_space<vmem>>) offsets(%dma_start3A_210 : memref<125xi32, #tpu.memory_space<vmem>>) semaphore(%arg12 : memref<!tpu.dma_semaphore, #tpu.memory_space<semaphore_mem>>)
    }
    %scan3A_82 = arith.constant 19 : i32
    %dma_wait3A_83 = arith.constant 38 : i32
    %dma_wait3A_84 = arith.constant 0 : i32
    %dma_wait3A_85 = tpu.memref_slice %arg6[%dma_wait3A_83, %dma_wait3A_84] : memref<40x125xi32, #tpu.memory_space<vmem>> -> memref<1x125xi32, #tpu.memory_space<vmem>>
    %dma_wait3A_86 = tpu.memref_squeeze %dma_wait3A_85 : memref<1x125xi32, #tpu.memory_space<vmem>> -> memref<125xi32, #tpu.memory_space<vmem>>
    %dma_wait3A_87 = arith.constant 0 : i32
    %dma_wait3A_88 = arith.constant 0 : i32
    %dma_wait3A_89 = tpu.memref_slice %arg2[%dma_wait3A_87, %dma_wait3A_88] : memref<20000x128xf32, #tpu.memory_space<hbm>> -> memref<20000x128xf32, #tpu.memory_space<hbm>>
    tpu.wait_indirect_dma semaphore(%arg11 : memref<!tpu.dma_semaphore, #tpu.memory_space<semaphore_mem>>) src(%dma_wait3A_89 : memref<20000x128xf32, #tpu.memory_space<hbm>>) dst(%arg8 : memref<125x128xf32, #tpu.memory_space<vmem>>)
    %run_scoped3A_90 = arith.constant 38 : i32
    "tpu.region"() ({
      %run_scoped3A_181 = tpu.sem_alloc : memref<!tpu.dma_semaphore, #tpu.memory_space<semaphore_mem>>
      %dma_start3A_182 = arith.constant 0 : i32
      %dma_start3A_183 = tpu.memref_slice %arg7[%run_scoped3A_90, %dma_start3A_182] : memref<40x125xi32, #tpu.memory_space<vmem>> -> memref<1x125xi32, #tpu.memory_space<vmem>>
      %dma_start3A_184 = tpu.memref_squeeze %dma_start3A_183 : memref<1x125xi32, #tpu.memory_space<vmem>> -> memref<125xi32, #tpu.memory_space<vmem>>
      %dma_start3A_185 = arith.constant 0 : i32
      %dma_start3A_186 = arith.constant 0 : i32
      %dma_start3A_187 = tpu.memref_slice %arg10[%dma_start3A_185, %dma_start3A_186] : memref<10000x128xf32, #tpu.memory_space<vmem_shared>> -> memref<10000x128xf32, #tpu.memory_space<vmem_shared>>
      tpu.enqueue_indirect_dma source(%arg8 : memref<125x128xf32, #tpu.memory_space<vmem>>) target(%dma_start3A_187 : memref<10000x128xf32, #tpu.memory_space<vmem_shared>>) offsets(%dma_start3A_184 : memref<125xi32, #tpu.memory_space<vmem>>) semaphore(%run_scoped3A_181 : memref<!tpu.dma_semaphore, #tpu.memory_space<semaphore_mem>>) {add = true}
      %dma_wait3A_188 = arith.constant 0 : i32
      %dma_wait3A_189 = tpu.memref_slice %arg7[%run_scoped3A_90, %dma_wait3A_188] : memref<40x125xi32, #tpu.memory_space<vmem>> -> memref<1x125xi32, #tpu.memory_space<vmem>>
      %dma_wait3A_190 = tpu.memref_squeeze %dma_wait3A_189 : memref<1x125xi32, #tpu.memory_space<vmem>> -> memref<125xi32, #tpu.memory_space<vmem>>
      %dma_wait3A_191 = arith.constant 0 : i32
      %dma_wait3A_192 = arith.constant 0 : i32
      %dma_wait3A_193 = tpu.memref_slice %arg10[%dma_wait3A_191, %dma_wait3A_192] : memref<10000x128xf32, #tpu.memory_space<vmem_shared>> -> memref<10000x128xf32, #tpu.memory_space<vmem_shared>>
      tpu.wait_indirect_dma semaphore(%run_scoped3A_181 : memref<!tpu.dma_semaphore, #tpu.memory_space<semaphore_mem>>) src(%arg8 : memref<125x128xf32, #tpu.memory_space<vmem>>) dst(%dma_wait3A_193 : memref<10000x128xf32, #tpu.memory_space<vmem_shared>>)
      tpu.yield
    }) : () -> ()
    %dma_wait3A_91 = arith.constant 39 : i32
    %dma_wait3A_92 = arith.constant 0 : i32
    %dma_wait3A_93 = tpu.memref_slice %arg6[%dma_wait3A_91, %dma_wait3A_92] : memref<40x125xi32, #tpu.memory_space<vmem>> -> memref<1x125xi32, #tpu.memory_space<vmem>>
    %dma_wait3A_94 = tpu.memref_squeeze %dma_wait3A_93 : memref<1x125xi32, #tpu.memory_space<vmem>> -> memref<125xi32, #tpu.memory_space<vmem>>
    %dma_wait3A_95 = arith.constant 0 : i32
    %dma_wait3A_96 = arith.constant 0 : i32
    %dma_wait3A_97 = tpu.memref_slice %arg2[%dma_wait3A_95, %dma_wait3A_96] : memref<20000x128xf32, #tpu.memory_space<hbm>> -> memref<20000x128xf32, #tpu.memory_space<hbm>>
    tpu.wait_indirect_dma semaphore(%arg12 : memref<!tpu.dma_semaphore, #tpu.memory_space<semaphore_mem>>) src(%dma_wait3A_97 : memref<20000x128xf32, #tpu.memory_space<hbm>>) dst(%arg9 : memref<125x128xf32, #tpu.memory_space<vmem>>)
    %run_scoped3A_98 = arith.constant 39 : i32
    "tpu.region"() ({
      %run_scoped3A_181 = tpu.sem_alloc : memref<!tpu.dma_semaphore, #tpu.memory_space<semaphore_mem>>
      %dma_start3A_182 = arith.constant 0 : i32
      %dma_start3A_183 = tpu.memref_slice %arg7[%run_scoped3A_98, %dma_start3A_182] : memref<40x125xi32, #tpu.memory_space<vmem>> -> memref<1x125xi32, #tpu.memory_space<vmem>>
      %dma_start3A_184 = tpu.memref_squeeze %dma_start3A_183 : memref<1x125xi32, #tpu.memory_space<vmem>> -> memref<125xi32, #tpu.memory_space<vmem>>
      %dma_start3A_185 = arith.constant 0 : i32
      %dma_start3A_186 = arith.constant 0 : i32
      %dma_start3A_187 = tpu.memref_slice %arg10[%dma_start3A_185, %dma_start3A_186] : memref<10000x128xf32, #tpu.memory_space<vmem_shared>> -> memref<10000x128xf32, #tpu.memory_space<vmem_shared>>
      tpu.enqueue_indirect_dma source(%arg9 : memref<125x128xf32, #tpu.memory_space<vmem>>) target(%dma_start3A_187 : memref<10000x128xf32, #tpu.memory_space<vmem_shared>>) offsets(%dma_start3A_184 : memref<125xi32, #tpu.memory_space<vmem>>) semaphore(%run_scoped3A_181 : memref<!tpu.dma_semaphore, #tpu.memory_space<semaphore_mem>>) {add = true}
      %dma_wait3A_188 = arith.constant 0 : i32
      %dma_wait3A_189 = tpu.memref_slice %arg7[%run_scoped3A_98, %dma_wait3A_188] : memref<40x125xi32, #tpu.memory_space<vmem>> -> memref<1x125xi32, #tpu.memory_space<vmem>>
      %dma_wait3A_190 = tpu.memref_squeeze %dma_wait3A_189 : memref<1x125xi32, #tpu.memory_space<vmem>> -> memref<125xi32, #tpu.memory_space<vmem>>
      %dma_wait3A_191 = arith.constant 0 : i32
      %dma_wait3A_192 = arith.constant 0 : i32
      %dma_wait3A_193 = tpu.memref_slice %arg10[%dma_wait3A_191, %dma_wait3A_192] : memref<10000x128xf32, #tpu.memory_space<vmem_shared>> -> memref<10000x128xf32, #tpu.memory_space<vmem_shared>>
      tpu.wait_indirect_dma semaphore(%run_scoped3A_181 : memref<!tpu.dma_semaphore, #tpu.memory_space<semaphore_mem>>) src(%arg9 : memref<125x128xf32, #tpu.memory_space<vmem>>) dst(%dma_wait3A_193 : memref<10000x128xf32, #tpu.memory_space<vmem_shared>>)
      tpu.yield
    }) : () -> ()
    "tpu.region"() ({
      %run_scoped3A_181 = tpu.sem_alloc : memref<!tpu.dma_semaphore, #tpu.memory_space<semaphore_mem>>
      %dma_start3A_182 = arith.constant 80 : i32
      %dma_start3A_183 = arith.constant 0 : i32
      %dma_start3A_184 = tpu.memref_slice %arg3[%arg0, %arg1, %dma_start3A_182, %dma_start3A_183] : memref<2x16x160x125xi32, #tpu.memory_space<hbm>> -> memref<1x1x40x125xi32, #tpu.memory_space<hbm>>
      %dma_start3A_185 = tpu.memref_squeeze %dma_start3A_184 : memref<1x1x40x125xi32, #tpu.memory_space<hbm>> -> memref<40x125xi32, #tpu.memory_space<hbm>>
      %dma_start3A_186 = arith.constant 80 : i32
      %dma_start3A_187 = arith.constant 0 : i32
      %dma_start3A_188 = tpu.memref_slice %arg3[%arg0, %arg1, %dma_start3A_186, %dma_start3A_187] : memref<2x16x160x125xi32, #tpu.memory_space<hbm>> -> memref<1x1x40x125xi32, #tpu.memory_space<hbm>>
      %dma_start3A_189 = tpu.memref_squeeze %dma_start3A_188 : memref<1x1x40x125xi32, #tpu.memory_space<hbm>> -> memref<40x125xi32, #tpu.memory_space<hbm>>
      tpu.enqueue_dma source(%dma_start3A_189 : memref<40x125xi32, #tpu.memory_space<hbm>>) target(%arg6 : memref<40x125xi32, #tpu.memory_space<vmem>>) target_semaphore(%run_scoped3A_181 : memref<!tpu.dma_semaphore, #tpu.memory_space<semaphore_mem>>)
      %dma_wait3A_190 = arith.constant 80 : i32
      %dma_wait3A_191 = arith.constant 0 : i32
      %dma_wait3A_192 = tpu.memref_slice %arg3[%arg0, %arg1, %dma_wait3A_190, %dma_wait3A_191] : memref<2x16x160x125xi32, #tpu.memory_space<hbm>> -> memref<1x1x40x125xi32, #tpu.memory_space<hbm>>
      %dma_wait3A_193 = tpu.memref_squeeze %dma_wait3A_192 : memref<1x1x40x125xi32, #tpu.memory_space<hbm>> -> memref<40x125xi32, #tpu.memory_space<hbm>>
      %dma_wait3A_194 = arith.constant 80 : i32
      %dma_wait3A_195 = arith.constant 0 : i32
      %dma_wait3A_196 = tpu.memref_slice %arg3[%arg0, %arg1, %dma_wait3A_194, %dma_wait3A_195] : memref<2x16x160x125xi32, #tpu.memory_space<hbm>> -> memref<1x1x40x125xi32, #tpu.memory_space<hbm>>
      %dma_wait3A_197 = tpu.memref_squeeze %dma_wait3A_196 : memref<1x1x40x125xi32, #tpu.memory_space<hbm>> -> memref<40x125xi32, #tpu.memory_space<hbm>>
      tpu.wait_dma2 semaphore(%run_scoped3A_181 : memref<!tpu.dma_semaphore, #tpu.memory_space<semaphore_mem>>) src(%dma_wait3A_197 : memref<40x125xi32, #tpu.memory_space<hbm>>) dst(%arg6 : memref<40x125xi32, #tpu.memory_space<vmem>>)
      tpu.yield
    }) : () -> ()
    "tpu.region"() ({
      %run_scoped3A_181 = tpu.sem_alloc : memref<!tpu.dma_semaphore, #tpu.memory_space<semaphore_mem>>
      %dma_start3A_182 = arith.constant 80 : i32
      %dma_start3A_183 = arith.constant 0 : i32
      %dma_start3A_184 = tpu.memref_slice %arg4[%arg0, %arg1, %dma_start3A_182, %dma_start3A_183] : memref<2x16x160x125xi32, #tpu.memory_space<hbm>> -> memref<1x1x40x125xi32, #tpu.memory_space<hbm>>
      %dma_start3A_185 = tpu.memref_squeeze %dma_start3A_184 : memref<1x1x40x125xi32, #tpu.memory_space<hbm>> -> memref<40x125xi32, #tpu.memory_space<hbm>>
      %dma_start3A_186 = arith.constant 80 : i32
      %dma_start3A_187 = arith.constant 0 : i32
      %dma_start3A_188 = tpu.memref_slice %arg4[%arg0, %arg1, %dma_start3A_186, %dma_start3A_187] : memref<2x16x160x125xi32, #tpu.memory_space<hbm>> -> memref<1x1x40x125xi32, #tpu.memory_space<hbm>>
      %dma_start3A_189 = tpu.memref_squeeze %dma_start3A_188 : memref<1x1x40x125xi32, #tpu.memory_space<hbm>> -> memref<40x125xi32, #tpu.memory_space<hbm>>
      tpu.enqueue_dma source(%dma_start3A_189 : memref<40x125xi32, #tpu.memory_space<hbm>>) target(%arg7 : memref<40x125xi32, #tpu.memory_space<vmem>>) target_semaphore(%run_scoped3A_181 : memref<!tpu.dma_semaphore, #tpu.memory_space<semaphore_mem>>)
      %dma_wait3A_190 = arith.constant 80 : i32
      %dma_wait3A_191 = arith.constant 0 : i32
      %dma_wait3A_192 = tpu.memref_slice %arg4[%arg0, %arg1, %dma_wait3A_190, %dma_wait3A_191] : memref<2x16x160x125xi32, #tpu.memory_space<hbm>> -> memref<1x1x40x125xi32, #tpu.memory_space<hbm>>
      %dma_wait3A_193 = tpu.memref_squeeze %dma_wait3A_192 : memref<1x1x40x125xi32, #tpu.memory_space<hbm>> -> memref<40x125xi32, #tpu.memory_space<hbm>>
      %dma_wait3A_194 = arith.constant 80 : i32
      %dma_wait3A_195 = arith.constant 0 : i32
      %dma_wait3A_196 = tpu.memref_slice %arg4[%arg0, %arg1, %dma_wait3A_194, %dma_wait3A_195] : memref<2x16x160x125xi32, #tpu.memory_space<hbm>> -> memref<1x1x40x125xi32, #tpu.memory_space<hbm>>
      %dma_wait3A_197 = tpu.memref_squeeze %dma_wait3A_196 : memref<1x1x40x125xi32, #tpu.memory_space<hbm>> -> memref<40x125xi32, #tpu.memory_space<hbm>>
      tpu.wait_dma2 semaphore(%run_scoped3A_181 : memref<!tpu.dma_semaphore, #tpu.memory_space<semaphore_mem>>) src(%dma_wait3A_197 : memref<40x125xi32, #tpu.memory_space<hbm>>) dst(%arg7 : memref<40x125xi32, #tpu.memory_space<vmem>>)
      tpu.yield
    }) : () -> ()
    %dma_start3A_99 = arith.constant 0 : i32
    %dma_start3A_100 = arith.constant 0 : i32
    %dma_start3A_101 = tpu.memref_slice %arg6[%dma_start3A_99, %dma_start3A_100] : memref<40x125xi32, #tpu.memory_space<vmem>> -> memref<1x125xi32, #tpu.memory_space<vmem>>
    %dma_start3A_102 = tpu.memref_squeeze %dma_start3A_101 : memref<1x125xi32, #tpu.memory_space<vmem>> -> memref<125xi32, #tpu.memory_space<vmem>>
    %dma_start3A_103 = arith.constant 0 : i32
    %dma_start3A_104 = arith.constant 0 : i32
    %dma_start3A_105 = tpu.memref_slice %arg2[%dma_start3A_103, %dma_start3A_104] : memref<20000x128xf32, #tpu.memory_space<hbm>> -> memref<20000x128xf32, #tpu.memory_space<hbm>>
    tpu.enqueue_indirect_dma source(%dma_start3A_105 : memref<20000x128xf32, #tpu.memory_space<hbm>>) target(%arg8 : memref<125x128xf32, #tpu.memory_space<vmem>>) offsets(%dma_start3A_102 : memref<125xi32, #tpu.memory_space<vmem>>) semaphore(%arg11 : memref<!tpu.dma_semaphore, #tpu.memory_space<semaphore_mem>>)
    %dma_start3A_106 = arith.constant 1 : i32
    %dma_start3A_107 = arith.constant 0 : i32
    %dma_start3A_108 = tpu.memref_slice %arg6[%dma_start3A_106, %dma_start3A_107] : memref<40x125xi32, #tpu.memory_space<vmem>> -> memref<1x125xi32, #tpu.memory_space<vmem>>
    %dma_start3A_109 = tpu.memref_squeeze %dma_start3A_108 : memref<1x125xi32, #tpu.memory_space<vmem>> -> memref<125xi32, #tpu.memory_space<vmem>>
    %dma_start3A_110 = arith.constant 0 : i32
    %dma_start3A_111 = arith.constant 0 : i32
    %dma_start3A_112 = tpu.memref_slice %arg2[%dma_start3A_110, %dma_start3A_111] : memref<20000x128xf32, #tpu.memory_space<hbm>> -> memref<20000x128xf32, #tpu.memory_space<hbm>>
    tpu.enqueue_indirect_dma source(%dma_start3A_112 : memref<20000x128xf32, #tpu.memory_space<hbm>>) target(%arg9 : memref<125x128xf32, #tpu.memory_space<vmem>>) offsets(%dma_start3A_109 : memref<125xi32, #tpu.memory_space<vmem>>) semaphore(%arg12 : memref<!tpu.dma_semaphore, #tpu.memory_space<semaphore_mem>>)
    %scan3A_113 = arith.constant 0 : i32
    %scan3A_114 = arith.constant 0 : i32
    %scan3A_115 = arith.constant 19 : i32
    %scan3A_116 = arith.addi %scan3A_114, %scan3A_115 : i32
    %scan3A_117 = arith.constant 1 : i32
    scf.for %scan3A_181 = %scan3A_114 to %scan3A_116 step %scan3A_117  : i32 {
      %mul3A_182 = arith.constant 2 : i32
      %mul3A_183 = arith.muli %mul3A_182, %scan3A_181 : i32
      %dma_wait3A_184 = arith.constant 0 : i32
      %dma_wait3A_185 = tpu.memref_slice %arg6[%mul3A_183, %dma_wait3A_184] : memref<40x125xi32, #tpu.memory_space<vmem>> -> memref<1x125xi32, #tpu.memory_space<vmem>>
      %dma_wait3A_186 = tpu.memref_squeeze %dma_wait3A_185 : memref<1x125xi32, #tpu.memory_space<vmem>> -> memref<125xi32, #tpu.memory_space<vmem>>
      %dma_wait3A_187 = arith.constant 0 : i32
      %dma_wait3A_188 = arith.constant 0 : i32
      %dma_wait3A_189 = tpu.memref_slice %arg2[%dma_wait3A_187, %dma_wait3A_188] : memref<20000x128xf32, #tpu.memory_space<hbm>> -> memref<20000x128xf32, #tpu.memory_space<hbm>>
      tpu.wait_indirect_dma semaphore(%arg11 : memref<!tpu.dma_semaphore, #tpu.memory_space<semaphore_mem>>) src(%dma_wait3A_189 : memref<20000x128xf32, #tpu.memory_space<hbm>>) dst(%arg8 : memref<125x128xf32, #tpu.memory_space<vmem>>)
      "tpu.region"() ({
        %run_scoped3A_214 = tpu.sem_alloc : memref<!tpu.dma_semaphore, #tpu.memory_space<semaphore_mem>>
        %dma_start3A_215 = arith.constant 0 : i32
        %dma_start3A_216 = tpu.memref_slice %arg7[%mul3A_183, %dma_start3A_215] : memref<40x125xi32, #tpu.memory_space<vmem>> -> memref<1x125xi32, #tpu.memory_space<vmem>>
        %dma_start3A_217 = tpu.memref_squeeze %dma_start3A_216 : memref<1x125xi32, #tpu.memory_space<vmem>> -> memref<125xi32, #tpu.memory_space<vmem>>
        %dma_start3A_218 = arith.constant 0 : i32
        %dma_start3A_219 = arith.constant 0 : i32
        %dma_start3A_220 = tpu.memref_slice %arg10[%dma_start3A_218, %dma_start3A_219] : memref<10000x128xf32, #tpu.memory_space<vmem_shared>> -> memref<10000x128xf32, #tpu.memory_space<vmem_shared>>
        tpu.enqueue_indirect_dma source(%arg8 : memref<125x128xf32, #tpu.memory_space<vmem>>) target(%dma_start3A_220 : memref<10000x128xf32, #tpu.memory_space<vmem_shared>>) offsets(%dma_start3A_217 : memref<125xi32, #tpu.memory_space<vmem>>) semaphore(%run_scoped3A_214 : memref<!tpu.dma_semaphore, #tpu.memory_space<semaphore_mem>>) {add = true}
        %dma_wait3A_221 = arith.constant 0 : i32
        %dma_wait3A_222 = tpu.memref_slice %arg7[%mul3A_183, %dma_wait3A_221] : memref<40x125xi32, #tpu.memory_space<vmem>> -> memref<1x125xi32, #tpu.memory_space<vmem>>
        %dma_wait3A_223 = tpu.memref_squeeze %dma_wait3A_222 : memref<1x125xi32, #tpu.memory_space<vmem>> -> memref<125xi32, #tpu.memory_space<vmem>>
        %dma_wait3A_224 = arith.constant 0 : i32
        %dma_wait3A_225 = arith.constant 0 : i32
        %dma_wait3A_226 = tpu.memref_slice %arg10[%dma_wait3A_224, %dma_wait3A_225] : memref<10000x128xf32, #tpu.memory_space<vmem_shared>> -> memref<10000x128xf32, #tpu.memory_space<vmem_shared>>
        tpu.wait_indirect_dma semaphore(%run_scoped3A_214 : memref<!tpu.dma_semaphore, #tpu.memory_space<semaphore_mem>>) src(%arg8 : memref<125x128xf32, #tpu.memory_space<vmem>>) dst(%dma_wait3A_226 : memref<10000x128xf32, #tpu.memory_space<vmem_shared>>)
        tpu.yield
      }) : () -> ()
      %add3A_190 = arith.constant 2 : i32
      %add3A_191 = arith.addi %mul3A_183, %add3A_190 : i32
      %dma_start3A_192 = arith.constant 0 : i32
      %dma_start3A_193 = tpu.memref_slice %arg6[%add3A_191, %dma_start3A_192] : memref<40x125xi32, #tpu.memory_space<vmem>> -> memref<1x125xi32, #tpu.memory_space<vmem>>
      %dma_start3A_194 = tpu.memref_squeeze %dma_start3A_193 : memref<1x125xi32, #tpu.memory_space<vmem>> -> memref<125xi32, #tpu.memory_space<vmem>>
      %dma_start3A_195 = arith.constant 0 : i32
      %dma_start3A_196 = arith.constant 0 : i32
      %dma_start3A_197 = tpu.memref_slice %arg2[%dma_start3A_195, %dma_start3A_196] : memref<20000x128xf32, #tpu.memory_space<hbm>> -> memref<20000x128xf32, #tpu.memory_space<hbm>>
      tpu.enqueue_indirect_dma source(%dma_start3A_197 : memref<20000x128xf32, #tpu.memory_space<hbm>>) target(%arg8 : memref<125x128xf32, #tpu.memory_space<vmem>>) offsets(%dma_start3A_194 : memref<125xi32, #tpu.memory_space<vmem>>) semaphore(%arg11 : memref<!tpu.dma_semaphore, #tpu.memory_space<semaphore_mem>>)
      %add3A_198 = arith.constant 1 : i32
      %add3A_199 = arith.addi %mul3A_183, %add3A_198 : i32
      %dma_wait3A_200 = arith.constant 0 : i32
      %dma_wait3A_201 = tpu.memref_slice %arg6[%add3A_199, %dma_wait3A_200] : memref<40x125xi32, #tpu.memory_space<vmem>> -> memref<1x125xi32, #tpu.memory_space<vmem>>
      %dma_wait3A_202 = tpu.memref_squeeze %dma_wait3A_201 : memref<1x125xi32, #tpu.memory_space<vmem>> -> memref<125xi32, #tpu.memory_space<vmem>>
      %dma_wait3A_203 = arith.constant 0 : i32
      %dma_wait3A_204 = arith.constant 0 : i32
      %dma_wait3A_205 = tpu.memref_slice %arg2[%dma_wait3A_203, %dma_wait3A_204] : memref<20000x128xf32, #tpu.memory_space<hbm>> -> memref<20000x128xf32, #tpu.memory_space<hbm>>
      tpu.wait_indirect_dma semaphore(%arg12 : memref<!tpu.dma_semaphore, #tpu.memory_space<semaphore_mem>>) src(%dma_wait3A_205 : memref<20000x128xf32, #tpu.memory_space<hbm>>) dst(%arg9 : memref<125x128xf32, #tpu.memory_space<vmem>>)
      "tpu.region"() ({
        %run_scoped3A_214 = tpu.sem_alloc : memref<!tpu.dma_semaphore, #tpu.memory_space<semaphore_mem>>
        %dma_start3A_215 = arith.constant 0 : i32
        %dma_start3A_216 = tpu.memref_slice %arg7[%add3A_199, %dma_start3A_215] : memref<40x125xi32, #tpu.memory_space<vmem>> -> memref<1x125xi32, #tpu.memory_space<vmem>>
        %dma_start3A_217 = tpu.memref_squeeze %dma_start3A_216 : memref<1x125xi32, #tpu.memory_space<vmem>> -> memref<125xi32, #tpu.memory_space<vmem>>
        %dma_start3A_218 = arith.constant 0 : i32
        %dma_start3A_219 = arith.constant 0 : i32
        %dma_start3A_220 = tpu.memref_slice %arg10[%dma_start3A_218, %dma_start3A_219] : memref<10000x128xf32, #tpu.memory_space<vmem_shared>> -> memref<10000x128xf32, #tpu.memory_space<vmem_shared>>
        tpu.enqueue_indirect_dma source(%arg9 : memref<125x128xf32, #tpu.memory_space<vmem>>) target(%dma_start3A_220 : memref<10000x128xf32, #tpu.memory_space<vmem_shared>>) offsets(%dma_start3A_217 : memref<125xi32, #tpu.memory_space<vmem>>) semaphore(%run_scoped3A_214 : memref<!tpu.dma_semaphore, #tpu.memory_space<semaphore_mem>>) {add = true}
        %dma_wait3A_221 = arith.constant 0 : i32
        %dma_wait3A_222 = tpu.memref_slice %arg7[%add3A_199, %dma_wait3A_221] : memref<40x125xi32, #tpu.memory_space<vmem>> -> memref<1x125xi32, #tpu.memory_space<vmem>>
        %dma_wait3A_223 = tpu.memref_squeeze %dma_wait3A_222 : memref<1x125xi32, #tpu.memory_space<vmem>> -> memref<125xi32, #tpu.memory_space<vmem>>
        %dma_wait3A_224 = arith.constant 0 : i32
        %dma_wait3A_225 = arith.constant 0 : i32
        %dma_wait3A_226 = tpu.memref_slice %arg10[%dma_wait3A_224, %dma_wait3A_225] : memref<10000x128xf32, #tpu.memory_space<vmem_shared>> -> memref<10000x128xf32, #tpu.memory_space<vmem_shared>>
        tpu.wait_indirect_dma semaphore(%run_scoped3A_214 : memref<!tpu.dma_semaphore, #tpu.memory_space<semaphore_mem>>) src(%arg9 : memref<125x128xf32, #tpu.memory_space<vmem>>) dst(%dma_wait3A_226 : memref<10000x128xf32, #tpu.memory_space<vmem_shared>>)
        tpu.yield
      }) : () -> ()
      %add3A_206 = arith.constant 3 : i32
      %add3A_207 = arith.addi %mul3A_183, %add3A_206 : i32
      %dma_start3A_208 = arith.constant 0 : i32
      %dma_start3A_209 = tpu.memref_slice %arg6[%add3A_207, %dma_start3A_208] : memref<40x125xi32, #tpu.memory_space<vmem>> -> memref<1x125xi32, #tpu.memory_space<vmem>>
      %dma_start3A_210 = tpu.memref_squeeze %dma_start3A_209 : memref<1x125xi32, #tpu.memory_space<vmem>> -> memref<125xi32, #tpu.memory_space<vmem>>
      %dma_start3A_211 = arith.constant 0 : i32
      %dma_start3A_212 = arith.constant 0 : i32
      %dma_start3A_213 = tpu.memref_slice %arg2[%dma_start3A_211, %dma_start3A_212] : memref<20000x128xf32, #tpu.memory_space<hbm>> -> memref<20000x128xf32, #tpu.memory_space<hbm>>
      tpu.enqueue_indirect_dma source(%dma_start3A_213 : memref<20000x128xf32, #tpu.memory_space<hbm>>) target(%arg9 : memref<125x128xf32, #tpu.memory_space<vmem>>) offsets(%dma_start3A_210 : memref<125xi32, #tpu.memory_space<vmem>>) semaphore(%arg12 : memref<!tpu.dma_semaphore, #tpu.memory_space<semaphore_mem>>)
    }
    %scan3A_118 = arith.constant 19 : i32
    %dma_wait3A_119 = arith.constant 38 : i32
    %dma_wait3A_120 = arith.constant 0 : i32
    %dma_wait3A_121 = tpu.memref_slice %arg6[%dma_wait3A_119, %dma_wait3A_120] : memref<40x125xi32, #tpu.memory_space<vmem>> -> memref<1x125xi32, #tpu.memory_space<vmem>>
    %dma_wait3A_122 = tpu.memref_squeeze %dma_wait3A_121 : memref<1x125xi32, #tpu.memory_space<vmem>> -> memref<125xi32, #tpu.memory_space<vmem>>
    %dma_wait3A_123 = arith.constant 0 : i32
    %dma_wait3A_124 = arith.constant 0 : i32
    %dma_wait3A_125 = tpu.memref_slice %arg2[%dma_wait3A_123, %dma_wait3A_124] : memref<20000x128xf32, #tpu.memory_space<hbm>> -> memref<20000x128xf32, #tpu.memory_space<hbm>>
    tpu.wait_indirect_dma semaphore(%arg11 : memref<!tpu.dma_semaphore, #tpu.memory_space<semaphore_mem>>) src(%dma_wait3A_125 : memref<20000x128xf32, #tpu.memory_space<hbm>>) dst(%arg8 : memref<125x128xf32, #tpu.memory_space<vmem>>)
    %run_scoped3A_126 = arith.constant 38 : i32
    "tpu.region"() ({
      %run_scoped3A_181 = tpu.sem_alloc : memref<!tpu.dma_semaphore, #tpu.memory_space<semaphore_mem>>
      %dma_start3A_182 = arith.constant 0 : i32
      %dma_start3A_183 = tpu.memref_slice %arg7[%run_scoped3A_126, %dma_start3A_182] : memref<40x125xi32, #tpu.memory_space<vmem>> -> memref<1x125xi32, #tpu.memory_space<vmem>>
      %dma_start3A_184 = tpu.memref_squeeze %dma_start3A_183 : memref<1x125xi32, #tpu.memory_space<vmem>> -> memref<125xi32, #tpu.memory_space<vmem>>
      %dma_start3A_185 = arith.constant 0 : i32
      %dma_start3A_186 = arith.constant 0 : i32
      %dma_start3A_187 = tpu.memref_slice %arg10[%dma_start3A_185, %dma_start3A_186] : memref<10000x128xf32, #tpu.memory_space<vmem_shared>> -> memref<10000x128xf32, #tpu.memory_space<vmem_shared>>
      tpu.enqueue_indirect_dma source(%arg8 : memref<125x128xf32, #tpu.memory_space<vmem>>) target(%dma_start3A_187 : memref<10000x128xf32, #tpu.memory_space<vmem_shared>>) offsets(%dma_start3A_184 : memref<125xi32, #tpu.memory_space<vmem>>) semaphore(%run_scoped3A_181 : memref<!tpu.dma_semaphore, #tpu.memory_space<semaphore_mem>>) {add = true}
      %dma_wait3A_188 = arith.constant 0 : i32
      %dma_wait3A_189 = tpu.memref_slice %arg7[%run_scoped3A_126, %dma_wait3A_188] : memref<40x125xi32, #tpu.memory_space<vmem>> -> memref<1x125xi32, #tpu.memory_space<vmem>>
      %dma_wait3A_190 = tpu.memref_squeeze %dma_wait3A_189 : memref<1x125xi32, #tpu.memory_space<vmem>> -> memref<125xi32, #tpu.memory_space<vmem>>
      %dma_wait3A_191 = arith.constant 0 : i32
      %dma_wait3A_192 = arith.constant 0 : i32
      %dma_wait3A_193 = tpu.memref_slice %arg10[%dma_wait3A_191, %dma_wait3A_192] : memref<10000x128xf32, #tpu.memory_space<vmem_shared>> -> memref<10000x128xf32, #tpu.memory_space<vmem_shared>>
      tpu.wait_indirect_dma semaphore(%run_scoped3A_181 : memref<!tpu.dma_semaphore, #tpu.memory_space<semaphore_mem>>) src(%arg8 : memref<125x128xf32, #tpu.memory_space<vmem>>) dst(%dma_wait3A_193 : memref<10000x128xf32, #tpu.memory_space<vmem_shared>>)
      tpu.yield
    }) : () -> ()
    %dma_wait3A_127 = arith.constant 39 : i32
    %dma_wait3A_128 = arith.constant 0 : i32
    %dma_wait3A_129 = tpu.memref_slice %arg6[%dma_wait3A_127, %dma_wait3A_128] : memref<40x125xi32, #tpu.memory_space<vmem>> -> memref<1x125xi32, #tpu.memory_space<vmem>>
    %dma_wait3A_130 = tpu.memref_squeeze %dma_wait3A_129 : memref<1x125xi32, #tpu.memory_space<vmem>> -> memref<125xi32, #tpu.memory_space<vmem>>
    %dma_wait3A_131 = arith.constant 0 : i32
    %dma_wait3A_132 = arith.constant 0 : i32
    %dma_wait3A_133 = tpu.memref_slice %arg2[%dma_wait3A_131, %dma_wait3A_132] : memref<20000x128xf32, #tpu.memory_space<hbm>> -> memref<20000x128xf32, #tpu.memory_space<hbm>>
    tpu.wait_indirect_dma semaphore(%arg12 : memref<!tpu.dma_semaphore, #tpu.memory_space<semaphore_mem>>) src(%dma_wait3A_133 : memref<20000x128xf32, #tpu.memory_space<hbm>>) dst(%arg9 : memref<125x128xf32, #tpu.memory_space<vmem>>)
    %run_scoped3A_134 = arith.constant 39 : i32
    "tpu.region"() ({
      %run_scoped3A_181 = tpu.sem_alloc : memref<!tpu.dma_semaphore, #tpu.memory_space<semaphore_mem>>
      %dma_start3A_182 = arith.constant 0 : i32
      %dma_start3A_183 = tpu.memref_slice %arg7[%run_scoped3A_134, %dma_start3A_182] : memref<40x125xi32, #tpu.memory_space<vmem>> -> memref<1x125xi32, #tpu.memory_space<vmem>>
      %dma_start3A_184 = tpu.memref_squeeze %dma_start3A_183 : memref<1x125xi32, #tpu.memory_space<vmem>> -> memref<125xi32, #tpu.memory_space<vmem>>
      %dma_start3A_185 = arith.constant 0 : i32
      %dma_start3A_186 = arith.constant 0 : i32
      %dma_start3A_187 = tpu.memref_slice %arg10[%dma_start3A_185, %dma_start3A_186] : memref<10000x128xf32, #tpu.memory_space<vmem_shared>> -> memref<10000x128xf32, #tpu.memory_space<vmem_shared>>
      tpu.enqueue_indirect_dma source(%arg9 : memref<125x128xf32, #tpu.memory_space<vmem>>) target(%dma_start3A_187 : memref<10000x128xf32, #tpu.memory_space<vmem_shared>>) offsets(%dma_start3A_184 : memref<125xi32, #tpu.memory_space<vmem>>) semaphore(%run_scoped3A_181 : memref<!tpu.dma_semaphore, #tpu.memory_space<semaphore_mem>>) {add = true}
      %dma_wait3A_188 = arith.constant 0 : i32
      %dma_wait3A_189 = tpu.memref_slice %arg7[%run_scoped3A_134, %dma_wait3A_188] : memref<40x125xi32, #tpu.memory_space<vmem>> -> memref<1x125xi32, #tpu.memory_space<vmem>>
      %dma_wait3A_190 = tpu.memref_squeeze %dma_wait3A_189 : memref<1x125xi32, #tpu.memory_space<vmem>> -> memref<125xi32, #tpu.memory_space<vmem>>
      %dma_wait3A_191 = arith.constant 0 : i32
      %dma_wait3A_192 = arith.constant 0 : i32
      %dma_wait3A_193 = tpu.memref_slice %arg10[%dma_wait3A_191, %dma_wait3A_192] : memref<10000x128xf32, #tpu.memory_space<vmem_shared>> -> memref<10000x128xf32, #tpu.memory_space<vmem_shared>>
      tpu.wait_indirect_dma semaphore(%run_scoped3A_181 : memref<!tpu.dma_semaphore, #tpu.memory_space<semaphore_mem>>) src(%arg9 : memref<125x128xf32, #tpu.memory_space<vmem>>) dst(%dma_wait3A_193 : memref<10000x128xf32, #tpu.memory_space<vmem_shared>>)
      tpu.yield
    }) : () -> ()
    "tpu.region"() ({
      %run_scoped3A_181 = tpu.sem_alloc : memref<!tpu.dma_semaphore, #tpu.memory_space<semaphore_mem>>
      %dma_start3A_182 = arith.constant 120 : i32
      %dma_start3A_183 = arith.constant 0 : i32
      %dma_start3A_184 = tpu.memref_slice %arg3[%arg0, %arg1, %dma_start3A_182, %dma_start3A_183] : memref<2x16x160x125xi32, #tpu.memory_space<hbm>> -> memref<1x1x40x125xi32, #tpu.memory_space<hbm>>
      %dma_start3A_185 = tpu.memref_squeeze %dma_start3A_184 : memref<1x1x40x125xi32, #tpu.memory_space<hbm>> -> memref<40x125xi32, #tpu.memory_space<hbm>>
      %dma_start3A_186 = arith.constant 120 : i32
      %dma_start3A_187 = arith.constant 0 : i32
      %dma_start3A_188 = tpu.memref_slice %arg3[%arg0, %arg1, %dma_start3A_186, %dma_start3A_187] : memref<2x16x160x125xi32, #tpu.memory_space<hbm>> -> memref<1x1x40x125xi32, #tpu.memory_space<hbm>>
      %dma_start3A_189 = tpu.memref_squeeze %dma_start3A_188 : memref<1x1x40x125xi32, #tpu.memory_space<hbm>> -> memref<40x125xi32, #tpu.memory_space<hbm>>
      tpu.enqueue_dma source(%dma_start3A_189 : memref<40x125xi32, #tpu.memory_space<hbm>>) target(%arg6 : memref<40x125xi32, #tpu.memory_space<vmem>>) target_semaphore(%run_scoped3A_181 : memref<!tpu.dma_semaphore, #tpu.memory_space<semaphore_mem>>)
      %dma_wait3A_190 = arith.constant 120 : i32
      %dma_wait3A_191 = arith.constant 0 : i32
      %dma_wait3A_192 = tpu.memref_slice %arg3[%arg0, %arg1, %dma_wait3A_190, %dma_wait3A_191] : memref<2x16x160x125xi32, #tpu.memory_space<hbm>> -> memref<1x1x40x125xi32, #tpu.memory_space<hbm>>
      %dma_wait3A_193 = tpu.memref_squeeze %dma_wait3A_192 : memref<1x1x40x125xi32, #tpu.memory_space<hbm>> -> memref<40x125xi32, #tpu.memory_space<hbm>>
      %dma_wait3A_194 = arith.constant 120 : i32
      %dma_wait3A_195 = arith.constant 0 : i32
      %dma_wait3A_196 = tpu.memref_slice %arg3[%arg0, %arg1, %dma_wait3A_194, %dma_wait3A_195] : memref<2x16x160x125xi32, #tpu.memory_space<hbm>> -> memref<1x1x40x125xi32, #tpu.memory_space<hbm>>
      %dma_wait3A_197 = tpu.memref_squeeze %dma_wait3A_196 : memref<1x1x40x125xi32, #tpu.memory_space<hbm>> -> memref<40x125xi32, #tpu.memory_space<hbm>>
      tpu.wait_dma2 semaphore(%run_scoped3A_181 : memref<!tpu.dma_semaphore, #tpu.memory_space<semaphore_mem>>) src(%dma_wait3A_197 : memref<40x125xi32, #tpu.memory_space<hbm>>) dst(%arg6 : memref<40x125xi32, #tpu.memory_space<vmem>>)
      tpu.yield
    }) : () -> ()
    "tpu.region"() ({
      %run_scoped3A_181 = tpu.sem_alloc : memref<!tpu.dma_semaphore, #tpu.memory_space<semaphore_mem>>
      %dma_start3A_182 = arith.constant 120 : i32
      %dma_start3A_183 = arith.constant 0 : i32
      %dma_start3A_184 = tpu.memref_slice %arg4[%arg0, %arg1, %dma_start3A_182, %dma_start3A_183] : memref<2x16x160x125xi32, #tpu.memory_space<hbm>> -> memref<1x1x40x125xi32, #tpu.memory_space<hbm>>
      %dma_start3A_185 = tpu.memref_squeeze %dma_start3A_184 : memref<1x1x40x125xi32, #tpu.memory_space<hbm>> -> memref<40x125xi32, #tpu.memory_space<hbm>>
      %dma_start3A_186 = arith.constant 120 : i32
      %dma_start3A_187 = arith.constant 0 : i32
      %dma_start3A_188 = tpu.memref_slice %arg4[%arg0, %arg1, %dma_start3A_186, %dma_start3A_187] : memref<2x16x160x125xi32, #tpu.memory_space<hbm>> -> memref<1x1x40x125xi32, #tpu.memory_space<hbm>>
      %dma_start3A_189 = tpu.memref_squeeze %dma_start3A_188 : memref<1x1x40x125xi32, #tpu.memory_space<hbm>> -> memref<40x125xi32, #tpu.memory_space<hbm>>
      tpu.enqueue_dma source(%dma_start3A_189 : memref<40x125xi32, #tpu.memory_space<hbm>>) target(%arg7 : memref<40x125xi32, #tpu.memory_space<vmem>>) target_semaphore(%run_scoped3A_181 : memref<!tpu.dma_semaphore, #tpu.memory_space<semaphore_mem>>)
      %dma_wait3A_190 = arith.constant 120 : i32
      %dma_wait3A_191 = arith.constant 0 : i32
      %dma_wait3A_192 = tpu.memref_slice %arg4[%arg0, %arg1, %dma_wait3A_190, %dma_wait3A_191] : memref<2x16x160x125xi32, #tpu.memory_space<hbm>> -> memref<1x1x40x125xi32, #tpu.memory_space<hbm>>
      %dma_wait3A_193 = tpu.memref_squeeze %dma_wait3A_192 : memref<1x1x40x125xi32, #tpu.memory_space<hbm>> -> memref<40x125xi32, #tpu.memory_space<hbm>>
      %dma_wait3A_194 = arith.constant 120 : i32
      %dma_wait3A_195 = arith.constant 0 : i32
      %dma_wait3A_196 = tpu.memref_slice %arg4[%arg0, %arg1, %dma_wait3A_194, %dma_wait3A_195] : memref<2x16x160x125xi32, #tpu.memory_space<hbm>> -> memref<1x1x40x125xi32, #tpu.memory_space<hbm>>
      %dma_wait3A_197 = tpu.memref_squeeze %dma_wait3A_196 : memref<1x1x40x125xi32, #tpu.memory_space<hbm>> -> memref<40x125xi32, #tpu.memory_space<hbm>>
      tpu.wait_dma2 semaphore(%run_scoped3A_181 : memref<!tpu.dma_semaphore, #tpu.memory_space<semaphore_mem>>) src(%dma_wait3A_197 : memref<40x125xi32, #tpu.memory_space<hbm>>) dst(%arg7 : memref<40x125xi32, #tpu.memory_space<vmem>>)
      tpu.yield
    }) : () -> ()
    %dma_start3A_135 = arith.constant 0 : i32
    %dma_start3A_136 = arith.constant 0 : i32
    %dma_start3A_137 = tpu.memref_slice %arg6[%dma_start3A_135, %dma_start3A_136] : memref<40x125xi32, #tpu.memory_space<vmem>> -> memref<1x125xi32, #tpu.memory_space<vmem>>
    %dma_start3A_138 = tpu.memref_squeeze %dma_start3A_137 : memref<1x125xi32, #tpu.memory_space<vmem>> -> memref<125xi32, #tpu.memory_space<vmem>>
    %dma_start3A_139 = arith.constant 0 : i32
    %dma_start3A_140 = arith.constant 0 : i32
    %dma_start3A_141 = tpu.memref_slice %arg2[%dma_start3A_139, %dma_start3A_140] : memref<20000x128xf32, #tpu.memory_space<hbm>> -> memref<20000x128xf32, #tpu.memory_space<hbm>>
    tpu.enqueue_indirect_dma source(%dma_start3A_141 : memref<20000x128xf32, #tpu.memory_space<hbm>>) target(%arg8 : memref<125x128xf32, #tpu.memory_space<vmem>>) offsets(%dma_start3A_138 : memref<125xi32, #tpu.memory_space<vmem>>) semaphore(%arg11 : memref<!tpu.dma_semaphore, #tpu.memory_space<semaphore_mem>>)
    %dma_start3A_142 = arith.constant 1 : i32
    %dma_start3A_143 = arith.constant 0 : i32
    %dma_start3A_144 = tpu.memref_slice %arg6[%dma_start3A_142, %dma_start3A_143] : memref<40x125xi32, #tpu.memory_space<vmem>> -> memref<1x125xi32, #tpu.memory_space<vmem>>
    %dma_start3A_145 = tpu.memref_squeeze %dma_start3A_144 : memref<1x125xi32, #tpu.memory_space<vmem>> -> memref<125xi32, #tpu.memory_space<vmem>>
    %dma_start3A_146 = arith.constant 0 : i32
    %dma_start3A_147 = arith.constant 0 : i32
    %dma_start3A_148 = tpu.memref_slice %arg2[%dma_start3A_146, %dma_start3A_147] : memref<20000x128xf32, #tpu.memory_space<hbm>> -> memref<20000x128xf32, #tpu.memory_space<hbm>>
    tpu.enqueue_indirect_dma source(%dma_start3A_148 : memref<20000x128xf32, #tpu.memory_space<hbm>>) target(%arg9 : memref<125x128xf32, #tpu.memory_space<vmem>>) offsets(%dma_start3A_145 : memref<125xi32, #tpu.memory_space<vmem>>) semaphore(%arg12 : memref<!tpu.dma_semaphore, #tpu.memory_space<semaphore_mem>>)
    %scan3A_149 = arith.constant 0 : i32
    %scan3A_150 = arith.constant 0 : i32
    %scan3A_151 = arith.constant 19 : i32
    %scan3A_152 = arith.addi %scan3A_150, %scan3A_151 : i32
    %scan3A_153 = arith.constant 1 : i32
    scf.for %scan3A_181 = %scan3A_150 to %scan3A_152 step %scan3A_153  : i32 {
      %mul3A_182 = arith.constant 2 : i32
      %mul3A_183 = arith.muli %mul3A_182, %scan3A_181 : i32
      %dma_wait3A_184 = arith.constant 0 : i32
      %dma_wait3A_185 = tpu.memref_slice %arg6[%mul3A_183, %dma_wait3A_184] : memref<40x125xi32, #tpu.memory_space<vmem>> -> memref<1x125xi32, #tpu.memory_space<vmem>>
      %dma_wait3A_186 = tpu.memref_squeeze %dma_wait3A_185 : memref<1x125xi32, #tpu.memory_space<vmem>> -> memref<125xi32, #tpu.memory_space<vmem>>
      %dma_wait3A_187 = arith.constant 0 : i32
      %dma_wait3A_188 = arith.constant 0 : i32
      %dma_wait3A_189 = tpu.memref_slice %arg2[%dma_wait3A_187, %dma_wait3A_188] : memref<20000x128xf32, #tpu.memory_space<hbm>> -> memref<20000x128xf32, #tpu.memory_space<hbm>>
      tpu.wait_indirect_dma semaphore(%arg11 : memref<!tpu.dma_semaphore, #tpu.memory_space<semaphore_mem>>) src(%dma_wait3A_189 : memref<20000x128xf32, #tpu.memory_space<hbm>>) dst(%arg8 : memref<125x128xf32, #tpu.memory_space<vmem>>)
      "tpu.region"() ({
        %run_scoped3A_214 = tpu.sem_alloc : memref<!tpu.dma_semaphore, #tpu.memory_space<semaphore_mem>>
        %dma_start3A_215 = arith.constant 0 : i32
        %dma_start3A_216 = tpu.memref_slice %arg7[%mul3A_183, %dma_start3A_215] : memref<40x125xi32, #tpu.memory_space<vmem>> -> memref<1x125xi32, #tpu.memory_space<vmem>>
        %dma_start3A_217 = tpu.memref_squeeze %dma_start3A_216 : memref<1x125xi32, #tpu.memory_space<vmem>> -> memref<125xi32, #tpu.memory_space<vmem>>
        %dma_start3A_218 = arith.constant 0 : i32
        %dma_start3A_219 = arith.constant 0 : i32
        %dma_start3A_220 = tpu.memref_slice %arg10[%dma_start3A_218, %dma_start3A_219] : memref<10000x128xf32, #tpu.memory_space<vmem_shared>> -> memref<10000x128xf32, #tpu.memory_space<vmem_shared>>
        tpu.enqueue_indirect_dma source(%arg8 : memref<125x128xf32, #tpu.memory_space<vmem>>) target(%dma_start3A_220 : memref<10000x128xf32, #tpu.memory_space<vmem_shared>>) offsets(%dma_start3A_217 : memref<125xi32, #tpu.memory_space<vmem>>) semaphore(%run_scoped3A_214 : memref<!tpu.dma_semaphore, #tpu.memory_space<semaphore_mem>>) {add = true}
        %dma_wait3A_221 = arith.constant 0 : i32
        %dma_wait3A_222 = tpu.memref_slice %arg7[%mul3A_183, %dma_wait3A_221] : memref<40x125xi32, #tpu.memory_space<vmem>> -> memref<1x125xi32, #tpu.memory_space<vmem>>
        %dma_wait3A_223 = tpu.memref_squeeze %dma_wait3A_222 : memref<1x125xi32, #tpu.memory_space<vmem>> -> memref<125xi32, #tpu.memory_space<vmem>>
        %dma_wait3A_224 = arith.constant 0 : i32
        %dma_wait3A_225 = arith.constant 0 : i32
        %dma_wait3A_226 = tpu.memref_slice %arg10[%dma_wait3A_224, %dma_wait3A_225] : memref<10000x128xf32, #tpu.memory_space<vmem_shared>> -> memref<10000x128xf32, #tpu.memory_space<vmem_shared>>
        tpu.wait_indirect_dma semaphore(%run_scoped3A_214 : memref<!tpu.dma_semaphore, #tpu.memory_space<semaphore_mem>>) src(%arg8 : memref<125x128xf32, #tpu.memory_space<vmem>>) dst(%dma_wait3A_226 : memref<10000x128xf32, #tpu.memory_space<vmem_shared>>)
        tpu.yield
      }) : () -> ()
      %add3A_190 = arith.constant 2 : i32
      %add3A_191 = arith.addi %mul3A_183, %add3A_190 : i32
      %dma_start3A_192 = arith.constant 0 : i32
      %dma_start3A_193 = tpu.memref_slice %arg6[%add3A_191, %dma_start3A_192] : memref<40x125xi32, #tpu.memory_space<vmem>> -> memref<1x125xi32, #tpu.memory_space<vmem>>
      %dma_start3A_194 = tpu.memref_squeeze %dma_start3A_193 : memref<1x125xi32, #tpu.memory_space<vmem>> -> memref<125xi32, #tpu.memory_space<vmem>>
      %dma_start3A_195 = arith.constant 0 : i32
      %dma_start3A_196 = arith.constant 0 : i32
      %dma_start3A_197 = tpu.memref_slice %arg2[%dma_start3A_195, %dma_start3A_196] : memref<20000x128xf32, #tpu.memory_space<hbm>> -> memref<20000x128xf32, #tpu.memory_space<hbm>>
      tpu.enqueue_indirect_dma source(%dma_start3A_197 : memref<20000x128xf32, #tpu.memory_space<hbm>>) target(%arg8 : memref<125x128xf32, #tpu.memory_space<vmem>>) offsets(%dma_start3A_194 : memref<125xi32, #tpu.memory_space<vmem>>) semaphore(%arg11 : memref<!tpu.dma_semaphore, #tpu.memory_space<semaphore_mem>>)
      %add3A_198 = arith.constant 1 : i32
      %add3A_199 = arith.addi %mul3A_183, %add3A_198 : i32
      %dma_wait3A_200 = arith.constant 0 : i32
      %dma_wait3A_201 = tpu.memref_slice %arg6[%add3A_199, %dma_wait3A_200] : memref<40x125xi32, #tpu.memory_space<vmem>> -> memref<1x125xi32, #tpu.memory_space<vmem>>
      %dma_wait3A_202 = tpu.memref_squeeze %dma_wait3A_201 : memref<1x125xi32, #tpu.memory_space<vmem>> -> memref<125xi32, #tpu.memory_space<vmem>>
      %dma_wait3A_203 = arith.constant 0 : i32
      %dma_wait3A_204 = arith.constant 0 : i32
      %dma_wait3A_205 = tpu.memref_slice %arg2[%dma_wait3A_203, %dma_wait3A_204] : memref<20000x128xf32, #tpu.memory_space<hbm>> -> memref<20000x128xf32, #tpu.memory_space<hbm>>
      tpu.wait_indirect_dma semaphore(%arg12 : memref<!tpu.dma_semaphore, #tpu.memory_space<semaphore_mem>>) src(%dma_wait3A_205 : memref<20000x128xf32, #tpu.memory_space<hbm>>) dst(%arg9 : memref<125x128xf32, #tpu.memory_space<vmem>>)
      "tpu.region"() ({
        %run_scoped3A_214 = tpu.sem_alloc : memref<!tpu.dma_semaphore, #tpu.memory_space<semaphore_mem>>
        %dma_start3A_215 = arith.constant 0 : i32
        %dma_start3A_216 = tpu.memref_slice %arg7[%add3A_199, %dma_start3A_215] : memref<40x125xi32, #tpu.memory_space<vmem>> -> memref<1x125xi32, #tpu.memory_space<vmem>>
        %dma_start3A_217 = tpu.memref_squeeze %dma_start3A_216 : memref<1x125xi32, #tpu.memory_space<vmem>> -> memref<125xi32, #tpu.memory_space<vmem>>
        %dma_start3A_218 = arith.constant 0 : i32
        %dma_start3A_219 = arith.constant 0 : i32
        %dma_start3A_220 = tpu.memref_slice %arg10[%dma_start3A_218, %dma_start3A_219] : memref<10000x128xf32, #tpu.memory_space<vmem_shared>> -> memref<10000x128xf32, #tpu.memory_space<vmem_shared>>
        tpu.enqueue_indirect_dma source(%arg9 : memref<125x128xf32, #tpu.memory_space<vmem>>) target(%dma_start3A_220 : memref<10000x128xf32, #tpu.memory_space<vmem_shared>>) offsets(%dma_start3A_217 : memref<125xi32, #tpu.memory_space<vmem>>) semaphore(%run_scoped3A_214 : memref<!tpu.dma_semaphore, #tpu.memory_space<semaphore_mem>>) {add = true}
        %dma_wait3A_221 = arith.constant 0 : i32
        %dma_wait3A_222 = tpu.memref_slice %arg7[%add3A_199, %dma_wait3A_221] : memref<40x125xi32, #tpu.memory_space<vmem>> -> memref<1x125xi32, #tpu.memory_space<vmem>>
        %dma_wait3A_223 = tpu.memref_squeeze %dma_wait3A_222 : memref<1x125xi32, #tpu.memory_space<vmem>> -> memref<125xi32, #tpu.memory_space<vmem>>
        %dma_wait3A_224 = arith.constant 0 : i32
        %dma_wait3A_225 = arith.constant 0 : i32
        %dma_wait3A_226 = tpu.memref_slice %arg10[%dma_wait3A_224, %dma_wait3A_225] : memref<10000x128xf32, #tpu.memory_space<vmem_shared>> -> memref<10000x128xf32, #tpu.memory_space<vmem_shared>>
        tpu.wait_indirect_dma semaphore(%run_scoped3A_214 : memref<!tpu.dma_semaphore, #tpu.memory_space<semaphore_mem>>) src(%arg9 : memref<125x128xf32, #tpu.memory_space<vmem>>) dst(%dma_wait3A_226 : memref<10000x128xf32, #tpu.memory_space<vmem_shared>>)
        tpu.yield
      }) : () -> ()
      %add3A_206 = arith.constant 3 : i32
      %add3A_207 = arith.addi %mul3A_183, %add3A_206 : i32
      %dma_start3A_208 = arith.constant 0 : i32
      %dma_start3A_209 = tpu.memref_slice %arg6[%add3A_207, %dma_start3A_208] : memref<40x125xi32, #tpu.memory_space<vmem>> -> memref<1x125xi32, #tpu.memory_space<vmem>>
      %dma_start3A_210 = tpu.memref_squeeze %dma_start3A_209 : memref<1x125xi32, #tpu.memory_space<vmem>> -> memref<125xi32, #tpu.memory_space<vmem>>
      %dma_start3A_211 = arith.constant 0 : i32
      %dma_start3A_212 = arith.constant 0 : i32
      %dma_start3A_213 = tpu.memref_slice %arg2[%dma_start3A_211, %dma_start3A_212] : memref<20000x128xf32, #tpu.memory_space<hbm>> -> memref<20000x128xf32, #tpu.memory_space<hbm>>
      tpu.enqueue_indirect_dma source(%dma_start3A_213 : memref<20000x128xf32, #tpu.memory_space<hbm>>) target(%arg9 : memref<125x128xf32, #tpu.memory_space<vmem>>) offsets(%dma_start3A_210 : memref<125xi32, #tpu.memory_space<vmem>>) semaphore(%arg12 : memref<!tpu.dma_semaphore, #tpu.memory_space<semaphore_mem>>)
    }
    %scan3A_154 = arith.constant 19 : i32
    %dma_wait3A_155 = arith.constant 38 : i32
    %dma_wait3A_156 = arith.constant 0 : i32
    %dma_wait3A_157 = tpu.memref_slice %arg6[%dma_wait3A_155, %dma_wait3A_156] : memref<40x125xi32, #tpu.memory_space<vmem>> -> memref<1x125xi32, #tpu.memory_space<vmem>>
    %dma_wait3A_158 = tpu.memref_squeeze %dma_wait3A_157 : memref<1x125xi32, #tpu.memory_space<vmem>> -> memref<125xi32, #tpu.memory_space<vmem>>
    %dma_wait3A_159 = arith.constant 0 : i32
    %dma_wait3A_160 = arith.constant 0 : i32
    %dma_wait3A_161 = tpu.memref_slice %arg2[%dma_wait3A_159, %dma_wait3A_160] : memref<20000x128xf32, #tpu.memory_space<hbm>> -> memref<20000x128xf32, #tpu.memory_space<hbm>>
    tpu.wait_indirect_dma semaphore(%arg11 : memref<!tpu.dma_semaphore, #tpu.memory_space<semaphore_mem>>) src(%dma_wait3A_161 : memref<20000x128xf32, #tpu.memory_space<hbm>>) dst(%arg8 : memref<125x128xf32, #tpu.memory_space<vmem>>)
    %run_scoped3A_162 = arith.constant 38 : i32
    "tpu.region"() ({
      %run_scoped3A_181 = tpu.sem_alloc : memref<!tpu.dma_semaphore, #tpu.memory_space<semaphore_mem>>
      %dma_start3A_182 = arith.constant 0 : i32
      %dma_start3A_183 = tpu.memref_slice %arg7[%run_scoped3A_162, %dma_start3A_182] : memref<40x125xi32, #tpu.memory_space<vmem>> -> memref<1x125xi32, #tpu.memory_space<vmem>>
      %dma_start3A_184 = tpu.memref_squeeze %dma_start3A_183 : memref<1x125xi32, #tpu.memory_space<vmem>> -> memref<125xi32, #tpu.memory_space<vmem>>
      %dma_start3A_185 = arith.constant 0 : i32
      %dma_start3A_186 = arith.constant 0 : i32
      %dma_start3A_187 = tpu.memref_slice %arg10[%dma_start3A_185, %dma_start3A_186] : memref<10000x128xf32, #tpu.memory_space<vmem_shared>> -> memref<10000x128xf32, #tpu.memory_space<vmem_shared>>
      tpu.enqueue_indirect_dma source(%arg8 : memref<125x128xf32, #tpu.memory_space<vmem>>) target(%dma_start3A_187 : memref<10000x128xf32, #tpu.memory_space<vmem_shared>>) offsets(%dma_start3A_184 : memref<125xi32, #tpu.memory_space<vmem>>) semaphore(%run_scoped3A_181 : memref<!tpu.dma_semaphore, #tpu.memory_space<semaphore_mem>>) {add = true}
      %dma_wait3A_188 = arith.constant 0 : i32
      %dma_wait3A_189 = tpu.memref_slice %arg7[%run_scoped3A_162, %dma_wait3A_188] : memref<40x125xi32, #tpu.memory_space<vmem>> -> memref<1x125xi32, #tpu.memory_space<vmem>>
      %dma_wait3A_190 = tpu.memref_squeeze %dma_wait3A_189 : memref<1x125xi32, #tpu.memory_space<vmem>> -> memref<125xi32, #tpu.memory_space<vmem>>
      %dma_wait3A_191 = arith.constant 0 : i32
      %dma_wait3A_192 = arith.constant 0 : i32
      %dma_wait3A_193 = tpu.memref_slice %arg10[%dma_wait3A_191, %dma_wait3A_192] : memref<10000x128xf32, #tpu.memory_space<vmem_shared>> -> memref<10000x128xf32, #tpu.memory_space<vmem_shared>>
      tpu.wait_indirect_dma semaphore(%run_scoped3A_181 : memref<!tpu.dma_semaphore, #tpu.memory_space<semaphore_mem>>) src(%arg8 : memref<125x128xf32, #tpu.memory_space<vmem>>) dst(%dma_wait3A_193 : memref<10000x128xf32, #tpu.memory_space<vmem_shared>>)
      tpu.yield
    }) : () -> ()
    %dma_wait3A_163 = arith.constant 39 : i32
    %dma_wait3A_164 = arith.constant 0 : i32
    %dma_wait3A_165 = tpu.memref_slice %arg6[%dma_wait3A_163, %dma_wait3A_164] : memref<40x125xi32, #tpu.memory_space<vmem>> -> memref<1x125xi32, #tpu.memory_space<vmem>>
    %dma_wait3A_166 = tpu.memref_squeeze %dma_wait3A_165 : memref<1x125xi32, #tpu.memory_space<vmem>> -> memref<125xi32, #tpu.memory_space<vmem>>
    %dma_wait3A_167 = arith.constant 0 : i32
    %dma_wait3A_168 = arith.constant 0 : i32
    %dma_wait3A_169 = tpu.memref_slice %arg2[%dma_wait3A_167, %dma_wait3A_168] : memref<20000x128xf32, #tpu.memory_space<hbm>> -> memref<20000x128xf32, #tpu.memory_space<hbm>>
    tpu.wait_indirect_dma semaphore(%arg12 : memref<!tpu.dma_semaphore, #tpu.memory_space<semaphore_mem>>) src(%dma_wait3A_169 : memref<20000x128xf32, #tpu.memory_space<hbm>>) dst(%arg9 : memref<125x128xf32, #tpu.memory_space<vmem>>)
    %run_scoped3A_170 = arith.constant 39 : i32
    "tpu.region"() ({
      %run_scoped3A_181 = tpu.sem_alloc : memref<!tpu.dma_semaphore, #tpu.memory_space<semaphore_mem>>
      %dma_start3A_182 = arith.constant 0 : i32
      %dma_start3A_183 = tpu.memref_slice %arg7[%run_scoped3A_170, %dma_start3A_182] : memref<40x125xi32, #tpu.memory_space<vmem>> -> memref<1x125xi32, #tpu.memory_space<vmem>>
      %dma_start3A_184 = tpu.memref_squeeze %dma_start3A_183 : memref<1x125xi32, #tpu.memory_space<vmem>> -> memref<125xi32, #tpu.memory_space<vmem>>
      %dma_start3A_185 = arith.constant 0 : i32
      %dma_start3A_186 = arith.constant 0 : i32
      %dma_start3A_187 = tpu.memref_slice %arg10[%dma_start3A_185, %dma_start3A_186] : memref<10000x128xf32, #tpu.memory_space<vmem_shared>> -> memref<10000x128xf32, #tpu.memory_space<vmem_shared>>
      tpu.enqueue_indirect_dma source(%arg9 : memref<125x128xf32, #tpu.memory_space<vmem>>) target(%dma_start3A_187 : memref<10000x128xf32, #tpu.memory_space<vmem_shared>>) offsets(%dma_start3A_184 : memref<125xi32, #tpu.memory_space<vmem>>) semaphore(%run_scoped3A_181 : memref<!tpu.dma_semaphore, #tpu.memory_space<semaphore_mem>>) {add = true}
      %dma_wait3A_188 = arith.constant 0 : i32
      %dma_wait3A_189 = tpu.memref_slice %arg7[%run_scoped3A_170, %dma_wait3A_188] : memref<40x125xi32, #tpu.memory_space<vmem>> -> memref<1x125xi32, #tpu.memory_space<vmem>>
      %dma_wait3A_190 = tpu.memref_squeeze %dma_wait3A_189 : memref<1x125xi32, #tpu.memory_space<vmem>> -> memref<125xi32, #tpu.memory_space<vmem>>
      %dma_wait3A_191 = arith.constant 0 : i32
      %dma_wait3A_192 = arith.constant 0 : i32
      %dma_wait3A_193 = tpu.memref_slice %arg10[%dma_wait3A_191, %dma_wait3A_192] : memref<10000x128xf32, #tpu.memory_space<vmem_shared>> -> memref<10000x128xf32, #tpu.memory_space<vmem_shared>>
      tpu.wait_indirect_dma semaphore(%run_scoped3A_181 : memref<!tpu.dma_semaphore, #tpu.memory_space<semaphore_mem>>) src(%arg9 : memref<125x128xf32, #tpu.memory_space<vmem>>) dst(%dma_wait3A_193 : memref<10000x128xf32, #tpu.memory_space<vmem_shared>>)
      tpu.yield
    }) : () -> ()
    %barrier3A_171 = arith.constant 0 : index
    tpu.barrier barrier_id(%barrier3A_171)
    %mul3A_172 = arith.constant 624 : i32
    %mul3A_173 = arith.muli %arg1, %mul3A_172 : i32
    %mul3A_174 = arith.constant 624 : i32
    %mul3A_175 = arith.muli %arg1, %mul3A_174 : i32
    "tpu.region"() ({
      %run_scoped3A_181 = tpu.sem_alloc : memref<!tpu.dma_semaphore, #tpu.memory_space<semaphore_mem>>
      %dma_start3A_182 = arith.constant 0 : i32
      %dma_start3A_183 = tpu.memref_slice %arg5[%arg0, %mul3A_175, %dma_start3A_182] : memref<2x10000x128xf32, #tpu.memory_space<hbm>> -> memref<1x624x128xf32, #tpu.memory_space<hbm>>
      %dma_start3A_184 = tpu.memref_squeeze %dma_start3A_183 : memref<1x624x128xf32, #tpu.memory_space<hbm>> -> memref<624x128xf32, #tpu.memory_space<hbm>>
      %dma_start3A_185 = arith.constant 0 : i32
      %dma_start3A_186 = tpu.memref_slice %arg10[%mul3A_173, %dma_start3A_185] : memref<10000x128xf32, #tpu.memory_space<vmem_shared>> -> memref<624x128xf32, #tpu.memory_space<vmem_shared>>
      tpu.enqueue_dma source(%dma_start3A_186 : memref<624x128xf32, #tpu.memory_space<vmem_shared>>) target(%dma_start3A_184 : memref<624x128xf32, #tpu.memory_space<hbm>>) target_semaphore(%run_scoped3A_181 : memref<!tpu.dma_semaphore, #tpu.memory_space<semaphore_mem>>)
      %dma_wait3A_187 = arith.constant 0 : i32
      %dma_wait3A_188 = tpu.memref_slice %arg5[%arg0, %mul3A_175, %dma_wait3A_187] : memref<2x10000x128xf32, #tpu.memory_space<hbm>> -> memref<1x624x128xf32, #tpu.memory_space<hbm>>
      %dma_wait3A_189 = tpu.memref_squeeze %dma_wait3A_188 : memref<1x624x128xf32, #tpu.memory_space<hbm>> -> memref<624x128xf32, #tpu.memory_space<hbm>>
      %dma_wait3A_190 = arith.constant 0 : i32
      %dma_wait3A_191 = tpu.memref_slice %arg10[%mul3A_173, %dma_wait3A_190] : memref<10000x128xf32, #tpu.memory_space<vmem_shared>> -> memref<624x128xf32, #tpu.memory_space<vmem_shared>>
      tpu.wait_dma2 semaphore(%run_scoped3A_181 : memref<!tpu.dma_semaphore, #tpu.memory_space<semaphore_mem>>) src(%dma_wait3A_191 : memref<624x128xf32, #tpu.memory_space<vmem_shared>>) dst(%dma_wait3A_189 : memref<624x128xf32, #tpu.memory_space<hbm>>)
      tpu.yield
    }) : () -> ()
    %eq3A_176 = arith.constant 15 : i32
    %eq3A_177 = arith.cmpi eq, %arg1, %eq3A_176 : i32
    %convert_element_type3A_178 = arith.extui %eq3A_177 : i1 to i32
    %cond3A_179 = arith.constant 0 : i32
    %cond3A_180 = arith.cmpi ne, %convert_element_type3A_178, %cond3A_179 : i32
    scf.if %cond3A_180 {
      "tpu.region"() ({
        %run_scoped3A_181 = tpu.sem_alloc : memref<!tpu.dma_semaphore, #tpu.memory_space<semaphore_mem>>
        %dma_start3A_182 = arith.constant 9984 : i32
        %dma_start3A_183 = arith.constant 0 : i32
        %dma_start3A_184 = tpu.memref_slice %arg5[%arg0, %dma_start3A_182, %dma_start3A_183] : memref<2x10000x128xf32, #tpu.memory_space<hbm>> -> memref<1x16x128xf32, #tpu.memory_space<hbm>>
        %dma_start3A_185 = tpu.memref_squeeze %dma_start3A_184 : memref<1x16x128xf32, #tpu.memory_space<hbm>> -> memref<16x128xf32, #tpu.memory_space<hbm>>
        %dma_start3A_186 = arith.constant 9984 : i32
        %dma_start3A_187 = arith.constant 0 : i32
        %dma_start3A_188 = tpu.memref_slice %arg10[%dma_start3A_186, %dma_start3A_187] : memref<10000x128xf32, #tpu.memory_space<vmem_shared>> -> memref<16x128xf32, #tpu.memory_space<vmem_shared>>
        tpu.enqueue_dma source(%dma_start3A_188 : memref<16x128xf32, #tpu.memory_space<vmem_shared>>) target(%dma_start3A_185 : memref<16x128xf32, #tpu.memory_space<hbm>>) target_semaphore(%run_scoped3A_181 : memref<!tpu.dma_semaphore, #tpu.memory_space<semaphore_mem>>)
        %dma_wait3A_189 = arith.constant 9984 : i32
        %dma_wait3A_190 = arith.constant 0 : i32
        %dma_wait3A_191 = tpu.memref_slice %arg5[%arg0, %dma_wait3A_189, %dma_wait3A_190] : memref<2x10000x128xf32, #tpu.memory_space<hbm>> -> memref<1x16x128xf32, #tpu.memory_space<hbm>>
        %dma_wait3A_192 = tpu.memref_squeeze %dma_wait3A_191 : memref<1x16x128xf32, #tpu.memory_space<hbm>> -> memref<16x128xf32, #tpu.memory_space<hbm>>
        %dma_wait3A_193 = arith.constant 9984 : i32
        %dma_wait3A_194 = arith.constant 0 : i32
        %dma_wait3A_195 = tpu.memref_slice %arg10[%dma_wait3A_193, %dma_wait3A_194] : memref<10000x128xf32, #tpu.memory_space<vmem_shared>> -> memref<16x128xf32, #tpu.memory_space<vmem_shared>>
        tpu.wait_dma2 semaphore(%run_scoped3A_181 : memref<!tpu.dma_semaphore, #tpu.memory_space<semaphore_mem>>) src(%dma_wait3A_195 : memref<16x128xf32, #tpu.memory_space<vmem_shared>>) dst(%dma_wait3A_192 : memref<16x128xf32, #tpu.memory_space<hbm>>)
        tpu.yield
      }) : () -> ()
    } else {
    }
    return
  }
}

module attributes {stable_mosaic.version = 14 : i64} {
  func.func @body(%arg0: i32, %arg1: memref<2000x128xf32, #tpu.memory_space<vmem>>, %arg2: memref<2x2000x128xf32, #tpu.memory_space<vmem>>, %arg3: memref<2x128x128xf32, #tpu.memory_space<vmem>>, %arg4: memref<2x128x128xf32, #tpu.memory_space<vmem>>, %arg5: memref<2x128x128xf32, #tpu.memory_space<vmem>>, %arg6: memref<8x128xf32, #tpu.memory_space<vmem>>, %arg7: memref<2x2000x128xf32, #tpu.memory_space<vmem>>) attributes {dimension_semantics = [#tpu.dimension_semantics<arbitrary>], iteration_bounds = array<i64: 5>, scalar_prefetch = 0 : i64, scratch_operands = 0 : i64, tpu.core_type = #tpu.core_type<tc>, window_params = [{transform_indices = @transform_0, window_bounds = array<i64: 2000, 128>}, {transform_indices = @transform_1, window_bounds = array<i64: 2, 2000, 128>}, {pipeline_mode = #tpu.pipeline_mode<synchronous>, transform_indices = @transform_2, window_bounds = array<i64: 2, 128, 128>}, {pipeline_mode = #tpu.pipeline_mode<synchronous>, transform_indices = @transform_3, window_bounds = array<i64: 2, 128, 128>}, {pipeline_mode = #tpu.pipeline_mode<synchronous>, transform_indices = @transform_4, window_bounds = array<i64: 2, 128, 128>}, {pipeline_mode = #tpu.pipeline_mode<synchronous>, transform_indices = @transform_5, window_bounds = array<i64: 8, 128>}, {transform_indices = @transform_6, window_bounds = array<i64: 2, 2000, 128>}]} {
    %get3A = arith.constant 0 : index
    %get3A_0 = arith.constant 0 : index
    %get3A_1 = vector.load %arg1[%get3A, %get3A_0] : memref<2000x128xf32, #tpu.memory_space<vmem>>, vector<2000x128xf32>
    %get3A_2 = arith.constant 0 : index
    %get3A_3 = arith.constant 0 : index
    %get3A_4 = arith.constant 0 : index
    %get3A_5 = vector.load %arg2[%get3A_2, %get3A_3, %get3A_4] : memref<2x2000x128xf32, #tpu.memory_space<vmem>>, vector<1x2000x128xf32>
    %get3A_6 = vector.shape_cast %get3A_5 : vector<1x2000x128xf32> to vector<2000x128xf32>
    %get3A_7 = arith.constant 0 : index
    %get3A_8 = arith.constant 0 : index
    %get3A_9 = arith.constant 0 : index
    %get3A_10 = vector.load %arg3[%get3A_7, %get3A_8, %get3A_9] : memref<2x128x128xf32, #tpu.memory_space<vmem>>, vector<1x128x128xf32>
    %get3A_11 = vector.shape_cast %get3A_10 : vector<1x128x128xf32> to vector<128x128xf32>
    %dot_general3A = arith.constant dense<0.000000e+00> : vector<2000x128xf32>
    %dot_general3A_12 = tpu.matmul %get3A_6, %get3A_11, %dot_general3A {dimension_numbers = #tpu.dot_dimension_numbers<[1], [0], [0], [1], [0, 0, 1, 1], [], []>, precision = #tpu.contract_precision<fp32>, transpose_lhs_hint = false} : vector<2000x128xf32>, vector<128x128xf32>, vector<2000x128xf32> -> vector<2000x128xf32>
    %get3A_13 = arith.constant 0 : index
    %get3A_14 = arith.constant 0 : index
    %get3A_15 = arith.constant 0 : index
    %get3A_16 = vector.load %arg4[%get3A_13, %get3A_14, %get3A_15] : memref<2x128x128xf32, #tpu.memory_space<vmem>>, vector<1x128x128xf32>
    %get3A_17 = vector.shape_cast %get3A_16 : vector<1x128x128xf32> to vector<128x128xf32>
    %dot_general3A_18 = arith.constant dense<0.000000e+00> : vector<2000x128xf32>
    %dot_general3A_19 = tpu.matmul %get3A_1, %get3A_17, %dot_general3A_18 {dimension_numbers = #tpu.dot_dimension_numbers<[1], [0], [0], [1], [0, 0, 1, 1], [], []>, precision = #tpu.contract_precision<fp32>, transpose_lhs_hint = false} : vector<2000x128xf32>, vector<128x128xf32>, vector<2000x128xf32> -> vector<2000x128xf32>
    %add3A = arith.addf %dot_general3A_12, %dot_general3A_19 : vector<2000x128xf32>
    %get3A_20 = arith.constant 0 : index
    %get3A_21 = arith.constant 0 : index
    %get3A_22 = vector.load %arg6[%get3A_20, %get3A_21] : memref<8x128xf32, #tpu.memory_space<vmem>>, vector<1x128xf32>
    %get3A_23 = vector.shape_cast %get3A_22 : vector<1x128xf32> to vector<128xf32>
    %broadcast_in_dim3A = vector.shape_cast %get3A_23 : vector<128xf32> to vector<1x128xf32>
    %add3A_24 = vector.broadcast %broadcast_in_dim3A : vector<1x128xf32> to vector<2000x128xf32>
    %add3A_25 = arith.addf %add3A, %add3A_24 : vector<2000x128xf32>
    %add3A_26 = arith.addf %add3A_25, %get3A_1 : vector<2000x128xf32>
    %max3A = arith.constant 0.000000e+00 : f32
    %max3A_27 = vector.broadcast %max3A : f32 to vector<2000x128xf32>
    %max3A_28 = arith.maximumf %add3A_26, %max3A_27 : vector<2000x128xf32>
    %get3A_29 = arith.constant 0 : index
    %get3A_30 = arith.constant 0 : index
    %get3A_31 = arith.constant 0 : index
    %get3A_32 = vector.load %arg5[%get3A_29, %get3A_30, %get3A_31] : memref<2x128x128xf32, #tpu.memory_space<vmem>>, vector<1x128x128xf32>
    %get3A_33 = vector.shape_cast %get3A_32 : vector<1x128x128xf32> to vector<128x128xf32>
    %dot_general3A_34 = arith.constant dense<0.000000e+00> : vector<2000x128xf32>
    %dot_general3A_35 = tpu.matmul %max3A_28, %get3A_33, %dot_general3A_34 {dimension_numbers = #tpu.dot_dimension_numbers<[1], [0], [0], [1], [0, 0, 1, 1], [], []>, precision = #tpu.contract_precision<fp32>, transpose_lhs_hint = false} : vector<2000x128xf32>, vector<128x128xf32>, vector<2000x128xf32> -> vector<2000x128xf32>
    %get3A_36 = arith.constant 2 : index
    %get3A_37 = arith.constant 0 : index
    %get3A_38 = vector.load %arg6[%get3A_36, %get3A_37] : memref<8x128xf32, #tpu.memory_space<vmem>>, vector<1x128xf32>
    %get3A_39 = vector.shape_cast %get3A_38 : vector<1x128xf32> to vector<128xf32>
    %broadcast_in_dim3A_40 = vector.shape_cast %get3A_39 : vector<128xf32> to vector<1x128xf32>
    %add3A_41 = vector.broadcast %broadcast_in_dim3A_40 : vector<1x128xf32> to vector<2000x128xf32>
    %add3A_42 = arith.addf %dot_general3A_35, %add3A_41 : vector<2000x128xf32>
    %swap3A = arith.constant 0 : index
    %swap3A_43 = arith.constant 0 : index
    %swap3A_44 = arith.constant 0 : index
    %swap3A_45 = vector.load %arg7[%swap3A, %swap3A_43, %swap3A_44] : memref<2x2000x128xf32, #tpu.memory_space<vmem>>, vector<1x2000x128xf32>
    %swap3A_46 = vector.shape_cast %swap3A_45 : vector<1x2000x128xf32> to vector<2000x128xf32>
    %swap3A_47 = vector.shape_cast %add3A_42 : vector<2000x128xf32> to vector<1x2000x128xf32>
    tpu.vector_store %arg7[%swap3A, %swap3A_43, %swap3A_44], %swap3A_47 {strides = array<i32>} : memref<2x2000x128xf32, #tpu.memory_space<vmem>>, vector<1x2000x128xf32>,
    %get3A_48 = arith.constant 1 : index
    %get3A_49 = arith.constant 0 : index
    %get3A_50 = arith.constant 0 : index
    %get3A_51 = vector.load %arg2[%get3A_48, %get3A_49, %get3A_50] : memref<2x2000x128xf32, #tpu.memory_space<vmem>>, vector<1x2000x128xf32>
    %get3A_52 = vector.shape_cast %get3A_51 : vector<1x2000x128xf32> to vector<2000x128xf32>
    %get3A_53 = arith.constant 1 : index
    %get3A_54 = arith.constant 0 : index
    %get3A_55 = arith.constant 0 : index
    %get3A_56 = vector.load %arg3[%get3A_53, %get3A_54, %get3A_55] : memref<2x128x128xf32, #tpu.memory_space<vmem>>, vector<1x128x128xf32>
    %get3A_57 = vector.shape_cast %get3A_56 : vector<1x128x128xf32> to vector<128x128xf32>
    %dot_general3A_58 = arith.constant dense<0.000000e+00> : vector<2000x128xf32>
    %dot_general3A_59 = tpu.matmul %get3A_52, %get3A_57, %dot_general3A_58 {dimension_numbers = #tpu.dot_dimension_numbers<[1], [0], [0], [1], [0, 0, 1, 1], [], []>, precision = #tpu.contract_precision<fp32>, transpose_lhs_hint = false} : vector<2000x128xf32>, vector<128x128xf32>, vector<2000x128xf32> -> vector<2000x128xf32>
    %get3A_60 = arith.constant 1 : index
    %get3A_61 = arith.constant 0 : index
    %get3A_62 = arith.constant 0 : index
    %get3A_63 = vector.load %arg4[%get3A_60, %get3A_61, %get3A_62] : memref<2x128x128xf32, #tpu.memory_space<vmem>>, vector<1x128x128xf32>
    %get3A_64 = vector.shape_cast %get3A_63 : vector<1x128x128xf32> to vector<128x128xf32>
    %dot_general3A_65 = arith.constant dense<0.000000e+00> : vector<2000x128xf32>
    %dot_general3A_66 = tpu.matmul %get3A_1, %get3A_64, %dot_general3A_65 {dimension_numbers = #tpu.dot_dimension_numbers<[1], [0], [0], [1], [0, 0, 1, 1], [], []>, precision = #tpu.contract_precision<fp32>, transpose_lhs_hint = false} : vector<2000x128xf32>, vector<128x128xf32>, vector<2000x128xf32> -> vector<2000x128xf32>
    %add3A_67 = arith.addf %dot_general3A_59, %dot_general3A_66 : vector<2000x128xf32>
    %get3A_68 = arith.constant 1 : index
    %get3A_69 = arith.constant 0 : index
    %get3A_70 = vector.load %arg6[%get3A_68, %get3A_69] : memref<8x128xf32, #tpu.memory_space<vmem>>, vector<1x128xf32>
    %get3A_71 = vector.shape_cast %get3A_70 : vector<1x128xf32> to vector<128xf32>
    %broadcast_in_dim3A_72 = vector.shape_cast %get3A_71 : vector<128xf32> to vector<1x128xf32>
    %add3A_73 = vector.broadcast %broadcast_in_dim3A_72 : vector<1x128xf32> to vector<2000x128xf32>
    %add3A_74 = arith.addf %add3A_67, %add3A_73 : vector<2000x128xf32>
    %add3A_75 = arith.addf %add3A_74, %get3A_1 : vector<2000x128xf32>
    %max3A_76 = arith.constant 0.000000e+00 : f32
    %max3A_77 = vector.broadcast %max3A_76 : f32 to vector<2000x128xf32>
    %max3A_78 = arith.maximumf %add3A_75, %max3A_77 : vector<2000x128xf32>
    %get3A_79 = arith.constant 1 : index
    %get3A_80 = arith.constant 0 : index
    %get3A_81 = arith.constant 0 : index
    %get3A_82 = vector.load %arg5[%get3A_79, %get3A_80, %get3A_81] : memref<2x128x128xf32, #tpu.memory_space<vmem>>, vector<1x128x128xf32>
    %get3A_83 = vector.shape_cast %get3A_82 : vector<1x128x128xf32> to vector<128x128xf32>
    %dot_general3A_84 = arith.constant dense<0.000000e+00> : vector<2000x128xf32>
    %dot_general3A_85 = tpu.matmul %max3A_78, %get3A_83, %dot_general3A_84 {dimension_numbers = #tpu.dot_dimension_numbers<[1], [0], [0], [1], [0, 0, 1, 1], [], []>, precision = #tpu.contract_precision<fp32>, transpose_lhs_hint = false} : vector<2000x128xf32>, vector<128x128xf32>, vector<2000x128xf32> -> vector<2000x128xf32>
    %get3A_86 = arith.constant 3 : index
    %get3A_87 = arith.constant 0 : index
    %get3A_88 = vector.load %arg6[%get3A_86, %get3A_87] : memref<8x128xf32, #tpu.memory_space<vmem>>, vector<1x128xf32>
    %get3A_89 = vector.shape_cast %get3A_88 : vector<1x128xf32> to vector<128xf32>
    %broadcast_in_dim3A_90 = vector.shape_cast %get3A_89 : vector<128xf32> to vector<1x128xf32>
    %add3A_91 = vector.broadcast %broadcast_in_dim3A_90 : vector<1x128xf32> to vector<2000x128xf32>
    %add3A_92 = arith.addf %dot_general3A_85, %add3A_91 : vector<2000x128xf32>
    %swap3A_93 = arith.constant 1 : index
    %swap3A_94 = arith.constant 0 : index
    %swap3A_95 = arith.constant 0 : index
    %swap3A_96 = vector.load %arg7[%swap3A_93, %swap3A_94, %swap3A_95] : memref<2x2000x128xf32, #tpu.memory_space<vmem>>, vector<1x2000x128xf32>
    %swap3A_97 = vector.shape_cast %swap3A_96 : vector<1x2000x128xf32> to vector<2000x128xf32>
    %swap3A_98 = vector.shape_cast %add3A_92 : vector<2000x128xf32> to vector<1x2000x128xf32>
    tpu.vector_store %arg7[%swap3A_93, %swap3A_94, %swap3A_95], %swap3A_98 {strides = array<i32>} : memref<2x2000x128xf32, #tpu.memory_space<vmem>>, vector<1x2000x128xf32>,
    return
  }
  func.func @transform_0(%arg0: i32) -> (i32, i32) {
    %c0_i32 = arith.constant 0 : i32
    %c0_i32_0 = arith.constant 0 : i32
    return %arg0, %c0_i32 : i32, i32
  }
  func.func @transform_1(%arg0: i32) -> (i32, i32, i32) {
    %c0_i32 = arith.constant 0 : i32
    %c0_i32_0 = arith.constant 0 : i32
    %c0_i32_1 = arith.constant 0 : i32
    return %c0_i32, %arg0, %c0_i32_0 : i32, i32, i32
  }
  func.func @transform_2(%arg0: i32) -> (i32, i32, i32) {
    %c0_i32 = arith.constant 0 : i32
    %c0_i32_0 = arith.constant 0 : i32
    %c0_i32_1 = arith.constant 0 : i32
    %c0_i32_2 = arith.constant 0 : i32
    return %c0_i32, %c0_i32_0, %c0_i32_1 : i32, i32, i32
  }
  func.func @transform_3(%arg0: i32) -> (i32, i32, i32) {
    %c0_i32 = arith.constant 0 : i32
    %c0_i32_0 = arith.constant 0 : i32
    %c0_i32_1 = arith.constant 0 : i32
    %c0_i32_2 = arith.constant 0 : i32
    return %c0_i32, %c0_i32_0, %c0_i32_1 : i32, i32, i32
  }
  func.func @transform_4(%arg0: i32) -> (i32, i32, i32) {
    %c0_i32 = arith.constant 0 : i32
    %c0_i32_0 = arith.constant 0 : i32
    %c0_i32_1 = arith.constant 0 : i32
    %c0_i32_2 = arith.constant 0 : i32
    return %c0_i32, %c0_i32_0, %c0_i32_1 : i32, i32, i32
  }
  func.func @transform_5(%arg0: i32) -> (i32, i32) {
    %c0_i32 = arith.constant 0 : i32
    %c0_i32_0 = arith.constant 0 : i32
    %c0_i32_1 = arith.constant 0 : i32
    return %c0_i32, %c0_i32_0 : i32, i32
  }
  func.func @transform_6(%arg0: i32) -> (i32, i32, i32) {
    %c0_i32 = arith.constant 0 : i32
    %c0_i32_0 = arith.constant 0 : i32
    %c0_i32_1 = arith.constant 0 : i32
    return %c0_i32, %arg0, %c0_i32_0 : i32, i32, i32
  }
}

module attributes {stable_mosaic.version = 14 : i64} {
  func.func @body(%arg0: i32, %arg1: memref<2x2000x128xf32, #tpu.memory_space<vmem>>, %arg2: memref<2x2000x128xf32, #tpu.memory_space<vmem>>, %arg3: memref<2x128x128xf32, #tpu.memory_space<vmem>>, %arg4: memref<2x128x128xf32, #tpu.memory_space<vmem>>, %arg5: memref<2x128x384xf32, #tpu.memory_space<vmem>>, %arg6: memref<128x128xf32, #tpu.memory_space<vmem>>, %arg7: memref<512x128xf32, #tpu.memory_space<vmem>>, %arg8: memref<16x256xf32, #tpu.memory_space<vmem>>, %arg9: memref<16x128xf32, #tpu.memory_space<vmem>>, %arg10: memref<1x1x2000xf32, #tpu.memory_space<vmem>>) attributes {dimension_semantics = [#tpu.dimension_semantics<arbitrary>], iteration_bounds = array<i64: 5>, scalar_prefetch = 0 : i64, scratch_operands = 0 : i64, tpu.core_type = #tpu.core_type<tc>, window_params = [{transform_indices = @transform_0, window_bounds = array<i64: 2, 2000, 128>}, {transform_indices = @transform_1, window_bounds = array<i64: 2, 2000, 128>}, {pipeline_mode = #tpu.pipeline_mode<synchronous>, transform_indices = @transform_2, window_bounds = array<i64: 2, 128, 128>}, {pipeline_mode = #tpu.pipeline_mode<synchronous>, transform_indices = @transform_3, window_bounds = array<i64: 2, 128, 128>}, {pipeline_mode = #tpu.pipeline_mode<synchronous>, transform_indices = @transform_4, window_bounds = array<i64: 2, 128, 384>}, {pipeline_mode = #tpu.pipeline_mode<synchronous>, transform_indices = @transform_5, window_bounds = array<i64: 128, 128>}, {pipeline_mode = #tpu.pipeline_mode<synchronous>, transform_indices = @transform_6, window_bounds = array<i64: 512, 128>}, {pipeline_mode = #tpu.pipeline_mode<synchronous>, transform_indices = @transform_7, window_bounds = array<i64: 16, 256>}, {pipeline_mode = #tpu.pipeline_mode<synchronous>, transform_indices = @transform_8, window_bounds = array<i64: 16, 128>}, {transform_indices = @transform_9, window_bounds = array<i64: 1, 1, 2000>}]} {
    %get3A = arith.constant 0 : index
    %get3A_0 = arith.constant 0 : index
    %get3A_1 = arith.constant 0 : index
    %get3A_2 = vector.load %arg1[%get3A, %get3A_0, %get3A_1] : memref<2x2000x128xf32, #tpu.memory_space<vmem>>, vector<1x2000x128xf32>
    %get3A_3 = vector.shape_cast %get3A_2 : vector<1x2000x128xf32> to vector<2000x128xf32>
    %get3A_4 = arith.constant 0 : index
    %get3A_5 = arith.constant 0 : index
    %get3A_6 = arith.constant 0 : index
    %get3A_7 = vector.load %arg2[%get3A_4, %get3A_5, %get3A_6] : memref<2x2000x128xf32, #tpu.memory_space<vmem>>, vector<1x2000x128xf32>
    %get3A_8 = vector.shape_cast %get3A_7 : vector<1x2000x128xf32> to vector<2000x128xf32>
    %get3A_9 = arith.constant 0 : index
    %get3A_10 = arith.constant 0 : index
    %get3A_11 = arith.constant 0 : index
    %get3A_12 = vector.load %arg3[%get3A_9, %get3A_10, %get3A_11] : memref<2x128x128xf32, #tpu.memory_space<vmem>>, vector<1x128x128xf32>
    %get3A_13 = vector.shape_cast %get3A_12 : vector<1x128x128xf32> to vector<128x128xf32>
    %dot_general3A = arith.constant dense<0.000000e+00> : vector<2000x128xf32>
    %dot_general3A_14 = tpu.matmul %get3A_8, %get3A_13, %dot_general3A {dimension_numbers = #tpu.dot_dimension_numbers<[1], [0], [0], [1], [0, 0, 1, 1], [], []>, precision = #tpu.contract_precision<fp32>, transpose_lhs_hint = false} : vector<2000x128xf32>, vector<128x128xf32>, vector<2000x128xf32> -> vector<2000x128xf32>
    %get3A_15 = arith.constant 0 : index
    %get3A_16 = arith.constant 0 : index
    %get3A_17 = arith.constant 0 : index
    %get3A_18 = vector.load %arg4[%get3A_15, %get3A_16, %get3A_17] : memref<2x128x128xf32, #tpu.memory_space<vmem>>, vector<1x128x128xf32>
    %get3A_19 = vector.shape_cast %get3A_18 : vector<1x128x128xf32> to vector<128x128xf32>
    %dot_general3A_20 = arith.constant dense<0.000000e+00> : vector<2000x128xf32>
    %dot_general3A_21 = tpu.matmul %get3A_3, %get3A_19, %dot_general3A_20 {dimension_numbers = #tpu.dot_dimension_numbers<[1], [0], [0], [1], [0, 0, 1, 1], [], []>, precision = #tpu.contract_precision<fp32>, transpose_lhs_hint = false} : vector<2000x128xf32>, vector<128x128xf32>, vector<2000x128xf32> -> vector<2000x128xf32>
    %add3A = arith.addf %dot_general3A_14, %dot_general3A_21 : vector<2000x128xf32>
    %get3A_22 = arith.constant 0 : index
    %get3A_23 = arith.constant 0 : index
    %get3A_24 = vector.load %arg9[%get3A_22, %get3A_23] : memref<16x128xf32, #tpu.memory_space<vmem>>, vector<1x128xf32>
    %get3A_25 = vector.shape_cast %get3A_24 : vector<1x128xf32> to vector<128xf32>
    %broadcast_in_dim3A = vector.shape_cast %get3A_25 : vector<128xf32> to vector<1x128xf32>
    %add3A_26 = vector.broadcast %broadcast_in_dim3A : vector<1x128xf32> to vector<2000x128xf32>
    %add3A_27 = arith.addf %add3A, %add3A_26 : vector<2000x128xf32>
    %add3A_28 = arith.addf %add3A_27, %get3A_3 : vector<2000x128xf32>
    %max3A = arith.constant 0.000000e+00 : f32
    %max3A_29 = vector.broadcast %max3A : f32 to vector<2000x128xf32>
    %max3A_30 = arith.maximumf %add3A_28, %max3A_29 : vector<2000x128xf32>
    %get3A_31 = arith.constant 2 : index
    %get3A_32 = arith.constant 0 : index
    %get3A_33 = vector.load %arg9[%get3A_31, %get3A_32] : memref<16x128xf32, #tpu.memory_space<vmem>>, vector<1x128xf32>
    %get3A_34 = vector.shape_cast %get3A_33 : vector<1x128xf32> to vector<128xf32>
    %get3A_35 = arith.constant 3 : index
    %get3A_36 = arith.constant 0 : index
    %get3A_37 = vector.load %arg9[%get3A_35, %get3A_36] : memref<16x128xf32, #tpu.memory_space<vmem>>, vector<1x128xf32>
    %get3A_38 = vector.shape_cast %get3A_37 : vector<1x128xf32> to vector<128xf32>
    %get3A_39 = arith.constant 4 : index
    %get3A_40 = arith.constant 0 : index
    %get3A_41 = vector.load %arg9[%get3A_39, %get3A_40] : memref<16x128xf32, #tpu.memory_space<vmem>>, vector<1x128xf32>
    %get3A_42 = vector.shape_cast %get3A_41 : vector<1x128xf32> to vector<128xf32>
    %concatenate3A = tpu.concatenate %get3A_34, %get3A_38, %get3A_42 in 0 : vector<128xf32>, vector<128xf32>, vector<128xf32> -> vector<384xf32>
    %get3A_43 = arith.constant 0 : index
    %get3A_44 = arith.constant 0 : index
    %get3A_45 = arith.constant 0 : index
    %get3A_46 = vector.load %arg5[%get3A_43, %get3A_44, %get3A_45] : memref<2x128x384xf32, #tpu.memory_space<vmem>>, vector<1x128x384xf32>
    %get3A_47 = vector.shape_cast %get3A_46 : vector<1x128x384xf32> to vector<128x384xf32>
    %dot_general3A_48 = arith.constant dense<0.000000e+00> : vector<2000x384xf32>
    %dot_general3A_49 = tpu.matmul %max3A_30, %get3A_47, %dot_general3A_48 {dimension_numbers = #tpu.dot_dimension_numbers<[1], [0], [0], [1], [0, 0, 1, 1], [], []>, precision = #tpu.contract_precision<fp32>, transpose_lhs_hint = false} : vector<2000x128xf32>, vector<128x384xf32>, vector<2000x384xf32> -> vector<2000x384xf32>
    %broadcast_in_dim3A_50 = vector.shape_cast %concatenate3A : vector<384xf32> to vector<1x384xf32>
    %add3A_51 = vector.broadcast %broadcast_in_dim3A_50 : vector<1x384xf32> to vector<2000x384xf32>
    %add3A_52 = arith.addf %dot_general3A_49, %add3A_51 : vector<2000x384xf32>
    %get3A_53 = arith.constant 1 : index
    %get3A_54 = arith.constant 0 : index
    %get3A_55 = arith.constant 0 : index
    %get3A_56 = vector.load %arg1[%get3A_53, %get3A_54, %get3A_55] : memref<2x2000x128xf32, #tpu.memory_space<vmem>>, vector<1x2000x128xf32>
    %get3A_57 = vector.shape_cast %get3A_56 : vector<1x2000x128xf32> to vector<2000x128xf32>
    %get3A_58 = arith.constant 1 : index
    %get3A_59 = arith.constant 0 : index
    %get3A_60 = arith.constant 0 : index
    %get3A_61 = vector.load %arg2[%get3A_58, %get3A_59, %get3A_60] : memref<2x2000x128xf32, #tpu.memory_space<vmem>>, vector<1x2000x128xf32>
    %get3A_62 = vector.shape_cast %get3A_61 : vector<1x2000x128xf32> to vector<2000x128xf32>
    %get3A_63 = arith.constant 1 : index
    %get3A_64 = arith.constant 0 : index
    %get3A_65 = arith.constant 0 : index
    %get3A_66 = vector.load %arg3[%get3A_63, %get3A_64, %get3A_65] : memref<2x128x128xf32, #tpu.memory_space<vmem>>, vector<1x128x128xf32>
    %get3A_67 = vector.shape_cast %get3A_66 : vector<1x128x128xf32> to vector<128x128xf32>
    %dot_general3A_68 = arith.constant dense<0.000000e+00> : vector<2000x128xf32>
    %dot_general3A_69 = tpu.matmul %get3A_62, %get3A_67, %dot_general3A_68 {dimension_numbers = #tpu.dot_dimension_numbers<[1], [0], [0], [1], [0, 0, 1, 1], [], []>, precision = #tpu.contract_precision<fp32>, transpose_lhs_hint = false} : vector<2000x128xf32>, vector<128x128xf32>, vector<2000x128xf32> -> vector<2000x128xf32>
    %get3A_70 = arith.constant 1 : index
    %get3A_71 = arith.constant 0 : index
    %get3A_72 = arith.constant 0 : index
    %get3A_73 = vector.load %arg4[%get3A_70, %get3A_71, %get3A_72] : memref<2x128x128xf32, #tpu.memory_space<vmem>>, vector<1x128x128xf32>
    %get3A_74 = vector.shape_cast %get3A_73 : vector<1x128x128xf32> to vector<128x128xf32>
    %dot_general3A_75 = arith.constant dense<0.000000e+00> : vector<2000x128xf32>
    %dot_general3A_76 = tpu.matmul %get3A_57, %get3A_74, %dot_general3A_75 {dimension_numbers = #tpu.dot_dimension_numbers<[1], [0], [0], [1], [0, 0, 1, 1], [], []>, precision = #tpu.contract_precision<fp32>, transpose_lhs_hint = false} : vector<2000x128xf32>, vector<128x128xf32>, vector<2000x128xf32> -> vector<2000x128xf32>
    %add3A_77 = arith.addf %dot_general3A_69, %dot_general3A_76 : vector<2000x128xf32>
    %get3A_78 = arith.constant 1 : index
    %get3A_79 = arith.constant 0 : index
    %get3A_80 = vector.load %arg9[%get3A_78, %get3A_79] : memref<16x128xf32, #tpu.memory_space<vmem>>, vector<1x128xf32>
    %get3A_81 = vector.shape_cast %get3A_80 : vector<1x128xf32> to vector<128xf32>
    %broadcast_in_dim3A_82 = vector.shape_cast %get3A_81 : vector<128xf32> to vector<1x128xf32>
    %add3A_83 = vector.broadcast %broadcast_in_dim3A_82 : vector<1x128xf32> to vector<2000x128xf32>
    %add3A_84 = arith.addf %add3A_77, %add3A_83 : vector<2000x128xf32>
    %add3A_85 = arith.addf %add3A_84, %get3A_57 : vector<2000x128xf32>
    %max3A_86 = arith.constant 0.000000e+00 : f32
    %max3A_87 = vector.broadcast %max3A_86 : f32 to vector<2000x128xf32>
    %max3A_88 = arith.maximumf %add3A_85, %max3A_87 : vector<2000x128xf32>
    %get3A_89 = arith.constant 5 : index
    %get3A_90 = arith.constant 0 : index
    %get3A_91 = vector.load %arg9[%get3A_89, %get3A_90] : memref<16x128xf32, #tpu.memory_space<vmem>>, vector<1x128xf32>
    %get3A_92 = vector.shape_cast %get3A_91 : vector<1x128xf32> to vector<128xf32>
    %get3A_93 = arith.constant 6 : index
    %get3A_94 = arith.constant 0 : index
    %get3A_95 = vector.load %arg9[%get3A_93, %get3A_94] : memref<16x128xf32, #tpu.memory_space<vmem>>, vector<1x128xf32>
    %get3A_96 = vector.shape_cast %get3A_95 : vector<1x128xf32> to vector<128xf32>
    %get3A_97 = arith.constant 7 : index
    %get3A_98 = arith.constant 0 : index
    %get3A_99 = vector.load %arg9[%get3A_97, %get3A_98] : memref<16x128xf32, #tpu.memory_space<vmem>>, vector<1x128xf32>
    %get3A_100 = vector.shape_cast %get3A_99 : vector<1x128xf32> to vector<128xf32>
    %concatenate3A_101 = tpu.concatenate %get3A_92, %get3A_96, %get3A_100 in 0 : vector<128xf32>, vector<128xf32>, vector<128xf32> -> vector<384xf32>
    %get3A_102 = arith.constant 1 : index
    %get3A_103 = arith.constant 0 : index
    %get3A_104 = arith.constant 0 : index
    %get3A_105 = vector.load %arg5[%get3A_102, %get3A_103, %get3A_104] : memref<2x128x384xf32, #tpu.memory_space<vmem>>, vector<1x128x384xf32>
    %get3A_106 = vector.shape_cast %get3A_105 : vector<1x128x384xf32> to vector<128x384xf32>
    %dot_general3A_107 = arith.constant dense<0.000000e+00> : vector<2000x384xf32>
    %dot_general3A_108 = tpu.matmul %max3A_88, %get3A_106, %dot_general3A_107 {dimension_numbers = #tpu.dot_dimension_numbers<[1], [0], [0], [1], [0, 0, 1, 1], [], []>, precision = #tpu.contract_precision<fp32>, transpose_lhs_hint = false} : vector<2000x128xf32>, vector<128x384xf32>, vector<2000x384xf32> -> vector<2000x384xf32>
    %broadcast_in_dim3A_109 = vector.shape_cast %concatenate3A_101 : vector<384xf32> to vector<1x384xf32>
    %add3A_110 = vector.broadcast %broadcast_in_dim3A_109 : vector<1x384xf32> to vector<2000x384xf32>
    %add3A_111 = arith.addf %dot_general3A_108, %add3A_110 : vector<2000x384xf32>
    %slice3A = vector.extract_strided_slice %add3A_52 {offsets = [0, 0], sizes = [2000, 128], strides = [1, 1]} : vector<2000x384xf32> to vector<2000x128xf32>
    %slice3A_112 = vector.extract_strided_slice %add3A_52 {offsets = [0, 128], sizes = [2000, 128], strides = [1, 1]} : vector<2000x384xf32> to vector<2000x128xf32>
    %slice3A_113 = vector.extract_strided_slice %add3A_52 {offsets = [0, 256], sizes = [2000, 128], strides = [1, 1]} : vector<2000x384xf32> to vector<2000x128xf32>
    %slice3A_114 = vector.extract_strided_slice %add3A_111 {offsets = [0, 0], sizes = [2000, 128], strides = [1, 1]} : vector<2000x384xf32> to vector<2000x128xf32>
    %slice3A_115 = vector.extract_strided_slice %add3A_111 {offsets = [0, 128], sizes = [2000, 128], strides = [1, 1]} : vector<2000x384xf32> to vector<2000x128xf32>
    %slice3A_116 = vector.extract_strided_slice %add3A_111 {offsets = [0, 256], sizes = [2000, 128], strides = [1, 1]} : vector<2000x384xf32> to vector<2000x128xf32>
    %mul3A = arith.mulf %slice3A, %slice3A_112 : vector<2000x128xf32>
    %mul3A_117 = arith.mulf %slice3A, %slice3A_115 : vector<2000x128xf32>
    %mul3A_118 = arith.mulf %slice3A_114, %slice3A_112 : vector<2000x128xf32>
    %mul3A_119 = arith.mulf %slice3A_114, %slice3A_115 : vector<2000x128xf32>
    %concatenate3A_120 = tpu.concatenate %mul3A, %mul3A_117, %mul3A_118, %mul3A_119 in 1 : vector<2000x128xf32>, vector<2000x128xf32>, vector<2000x128xf32>, vector<2000x128xf32> -> vector<2000x512xf32>
    %get3A_121 = arith.constant 0 : index
    %get3A_122 = arith.constant 0 : index
    %get3A_123 = vector.load %arg7[%get3A_121, %get3A_122] : memref<512x128xf32, #tpu.memory_space<vmem>>, vector<512x128xf32>
    %dot_general3A_124 = arith.constant dense<0.000000e+00> : vector<2000x128xf32>
    %dot_general3A_125 = tpu.matmul %concatenate3A_120, %get3A_123, %dot_general3A_124 {dimension_numbers = #tpu.dot_dimension_numbers<[1], [0], [0], [1], [0, 0, 1, 1], [], []>, transpose_lhs_hint = false} : vector<2000x512xf32>, vector<512x128xf32>, vector<2000x128xf32> -> vector<2000x128xf32>
    %slice3A_126 = vector.extract_strided_slice %dot_general3A_125 {offsets = [0, 0], sizes = [2000, 4], strides = [1, 1]} : vector<2000x128xf32> to vector<2000x4xf32>
    %slice3A_127 = vector.extract_strided_slice %dot_general3A_125 {offsets = [0, 4], sizes = [2000, 4], strides = [1, 1]} : vector<2000x128xf32> to vector<2000x4xf32>
    %slice3A_128 = vector.extract_strided_slice %dot_general3A_125 {offsets = [0, 8], sizes = [2000, 4], strides = [1, 1]} : vector<2000x128xf32> to vector<2000x4xf32>
    %slice3A_129 = vector.extract_strided_slice %dot_general3A_125 {offsets = [0, 12], sizes = [2000, 4], strides = [1, 1]} : vector<2000x128xf32> to vector<2000x4xf32>
    %max3A_130 = arith.maximumf %slice3A_126, %slice3A_127 : vector<2000x4xf32>
    %max3A_131 = arith.maximumf %slice3A_128, %slice3A_129 : vector<2000x4xf32>
    %sub3A = arith.subf %slice3A_126, %max3A_130 : vector<2000x4xf32>
    %exp3A = math.exp %sub3A : vector<2000x4xf32>
    %sub3A_132 = arith.subf %slice3A_127, %max3A_130 : vector<2000x4xf32>
    %exp3A_133 = math.exp %sub3A_132 : vector<2000x4xf32>
    %sub3A_134 = arith.subf %slice3A_128, %max3A_131 : vector<2000x4xf32>
    %exp3A_135 = math.exp %sub3A_134 : vector<2000x4xf32>
    %sub3A_136 = arith.subf %slice3A_129, %max3A_131 : vector<2000x4xf32>
    %exp3A_137 = math.exp %sub3A_136 : vector<2000x4xf32>
    %add3A_138 = arith.addf %exp3A, %exp3A_133 : vector<2000x4xf32>
    %div3A = arith.constant 1.000000e+00 : f32
    %div3A_139 = vector.broadcast %div3A : f32 to vector<2000x4xf32>
    %div3A_140 = arith.divf %div3A_139, %add3A_138 : vector<2000x4xf32>
    %add3A_141 = arith.addf %exp3A_135, %exp3A_137 : vector<2000x4xf32>
    %div3A_142 = arith.constant 1.000000e+00 : f32
    %div3A_143 = vector.broadcast %div3A_142 : f32 to vector<2000x4xf32>
    %div3A_144 = arith.divf %div3A_143, %add3A_141 : vector<2000x4xf32>
    %mul3A_145 = arith.mulf %exp3A, %div3A_140 : vector<2000x4xf32>
    %mul3A_146 = arith.mulf %exp3A_133, %div3A_140 : vector<2000x4xf32>
    %mul3A_147 = arith.mulf %exp3A_135, %div3A_144 : vector<2000x4xf32>
    %mul3A_148 = arith.mulf %exp3A_137, %div3A_144 : vector<2000x4xf32>
    %concatenate3A_149 = tpu.concatenate %mul3A_145, %mul3A_146, %mul3A_147, %mul3A_148 in 1 : vector<2000x4xf32>, vector<2000x4xf32>, vector<2000x4xf32>, vector<2000x4xf32> -> vector<2000x16xf32>
    %get3A_150 = arith.constant 0 : index
    %get3A_151 = arith.constant 0 : index
    %get3A_152 = vector.load %arg8[%get3A_150, %get3A_151] : memref<16x256xf32, #tpu.memory_space<vmem>>, vector<16x256xf32>
    %dot_general3A_153 = arith.constant dense<0.000000e+00> : vector<2000x256xf32>
    %dot_general3A_154 = tpu.matmul %concatenate3A_149, %get3A_152, %dot_general3A_153 {dimension_numbers = #tpu.dot_dimension_numbers<[1], [0], [0], [1], [0, 0, 1, 1], [], []>, precision = #tpu.contract_precision<fp32>, transpose_lhs_hint = false} : vector<2000x16xf32>, vector<16x256xf32>, vector<2000x256xf32> -> vector<2000x256xf32>
    %slice3A_155 = vector.extract_strided_slice %dot_general3A_154 {offsets = [0, 0], sizes = [2000, 128], strides = [1, 1]} : vector<2000x256xf32> to vector<2000x128xf32>
    %mul3A_156 = arith.mulf %slice3A_155, %slice3A_113 : vector<2000x128xf32>
    %slice3A_157 = vector.extract_strided_slice %dot_general3A_154 {offsets = [0, 128], sizes = [2000, 128], strides = [1, 1]} : vector<2000x256xf32> to vector<2000x128xf32>
    %mul3A_158 = arith.mulf %slice3A_157, %slice3A_116 : vector<2000x128xf32>
    %add3A_159 = arith.addf %mul3A_156, %mul3A_158 : vector<2000x128xf32>
    %get3A_160 = arith.constant 0 : index
    %get3A_161 = arith.constant 0 : index
    %get3A_162 = vector.load %arg6[%get3A_160, %get3A_161] : memref<128x128xf32, #tpu.memory_space<vmem>>, vector<128x128xf32>
    %dot_general3A_163 = arith.constant dense<0.000000e+00> : vector<2000x128xf32>
    %dot_general3A_164 = tpu.matmul %add3A_159, %get3A_162, %dot_general3A_163 {dimension_numbers = #tpu.dot_dimension_numbers<[1], [0], [0], [1], [0, 0, 1, 1], [], []>, precision = #tpu.contract_precision<fp32>, transpose_lhs_hint = false} : vector<2000x128xf32>, vector<128x128xf32>, vector<2000x128xf32> -> vector<2000x128xf32>
    %get3A_165 = arith.constant 8 : index
    %get3A_166 = arith.constant 0 : index
    %get3A_167 = vector.load %arg9[%get3A_165, %get3A_166] : memref<16x128xf32, #tpu.memory_space<vmem>>, vector<1x128xf32>
    %get3A_168 = vector.shape_cast %get3A_167 : vector<1x128xf32> to vector<128xf32>
    %broadcast_in_dim3A_169 = vector.shape_cast %get3A_168 : vector<128xf32> to vector<1x128xf32>
    %add3A_170 = vector.broadcast %broadcast_in_dim3A_169 : vector<1x128xf32> to vector<2000x128xf32>
    %add3A_171 = arith.addf %dot_general3A_164, %add3A_170 : vector<2000x128xf32>
    %max3A_172 = arith.constant 0.000000e+00 : f32
    %max3A_173 = vector.broadcast %max3A_172 : f32 to vector<2000x128xf32>
    %max3A_174 = arith.maximumf %add3A_171, %max3A_173 : vector<2000x128xf32>
    %get3A_175 = arith.constant 9 : index
    %get3A_176 = arith.constant 0 : index
    %get3A_177 = vector.load %arg9[%get3A_175, %get3A_176] : memref<16x128xf32, #tpu.memory_space<vmem>>, vector<1x128xf32>
    %get3A_178 = vector.shape_cast %get3A_177 : vector<1x128xf32> to vector<128xf32>
    %broadcast_in_dim3A_179 = vector.shape_cast %get3A_178 : vector<128xf32> to vector<1x128xf32>
    %mul3A_180 = vector.broadcast %broadcast_in_dim3A_179 : vector<1x128xf32> to vector<2000x128xf32>
    %mul3A_181 = arith.mulf %max3A_174, %mul3A_180 : vector<2000x128xf32>
    %reduce_sum3A = arith.constant dense<0.000000e+00> : vector<2000xf32>
    %reduce_sum3A_182 = vector.multi_reduction <add>, %mul3A_181, %reduce_sum3A [1] : vector<2000x128xf32> to vector<2000xf32>
    %get3A_183 = arith.constant 10 : index
    %get3A_184 = arith.constant 0 : index
    %get3A_185 = vector.load %arg9[%get3A_183, %get3A_184] : memref<16x128xf32, #tpu.memory_space<vmem>>, vector<1x1xf32>
    %get3A_186 = vector.extract %get3A_185[0, 0] : f32 from vector<1x1xf32>
    %add3A_187 = vector.broadcast %get3A_186 : f32 to vector<2000xf32>
    %add3A_188 = arith.addf %reduce_sum3A_182, %add3A_187 : vector<2000xf32>
    %swap3A = arith.constant 0 : index
    %swap3A_189 = arith.constant 0 : index
    %swap3A_190 = arith.constant 0 : index
    %swap3A_191 = vector.load %arg10[%swap3A, %swap3A_189, %swap3A_190] : memref<1x1x2000xf32, #tpu.memory_space<vmem>>, vector<1x1x2000xf32>
    %swap3A_192 = vector.shape_cast %swap3A_191 : vector<1x1x2000xf32> to vector<2000xf32>
    %swap3A_193 = vector.shape_cast %add3A_188 : vector<2000xf32> to vector<1x1x2000xf32>
    tpu.vector_store %arg10[%swap3A, %swap3A_189, %swap3A_190], %swap3A_193 {strides = array<i32>} : memref<1x1x2000xf32, #tpu.memory_space<vmem>>, vector<1x1x2000xf32>,
    return
  }
  func.func @transform_0(%arg0: i32) -> (i32, i32, i32) {
    %c0_i32 = arith.constant 0 : i32
    %c0_i32_0 = arith.constant 0 : i32
    %c0_i32_1 = arith.constant 0 : i32
    return %c0_i32, %arg0, %c0_i32_0 : i32, i32, i32
  }
  func.func @transform_1(%arg0: i32) -> (i32, i32, i32) {
    %c0_i32 = arith.constant 0 : i32
    %c0_i32_0 = arith.constant 0 : i32
    %c0_i32_1 = arith.constant 0 : i32
    return %c0_i32, %arg0, %c0_i32_0 : i32, i32, i32
  }
  func.func @transform_2(%arg0: i32) -> (i32, i32, i32) {
    %c0_i32 = arith.constant 0 : i32
    %c0_i32_0 = arith.constant 0 : i32
    %c0_i32_1 = arith.constant 0 : i32
    %c0_i32_2 = arith.constant 0 : i32
    return %c0_i32, %c0_i32_0, %c0_i32_1 : i32, i32, i32
  }
  func.func @transform_3(%arg0: i32) -> (i32, i32, i32) {
    %c0_i32 = arith.constant 0 : i32
    %c0_i32_0 = arith.constant 0 : i32
    %c0_i32_1 = arith.constant 0 : i32
    %c0_i32_2 = arith.constant 0 : i32
    return %c0_i32, %c0_i32_0, %c0_i32_1 : i32, i32, i32
  }
  func.func @transform_4(%arg0: i32) -> (i32, i32, i32) {
    %c0_i32 = arith.constant 0 : i32
    %c0_i32_0 = arith.constant 0 : i32
    %c0_i32_1 = arith.constant 0 : i32
    %c0_i32_2 = arith.constant 0 : i32
    return %c0_i32, %c0_i32_0, %c0_i32_1 : i32, i32, i32
  }
  func.func @transform_5(%arg0: i32) -> (i32, i32) {
    %c0_i32 = arith.constant 0 : i32
    %c0_i32_0 = arith.constant 0 : i32
    %c0_i32_1 = arith.constant 0 : i32
    return %c0_i32, %c0_i32_0 : i32, i32
  }
  func.func @transform_6(%arg0: i32) -> (i32, i32) {
    %c0_i32 = arith.constant 0 : i32
    %c0_i32_0 = arith.constant 0 : i32
    %c0_i32_1 = arith.constant 0 : i32
    return %c0_i32, %c0_i32_0 : i32, i32
  }
  func.func @transform_7(%arg0: i32) -> (i32, i32) {
    %c0_i32 = arith.constant 0 : i32
    %c0_i32_0 = arith.constant 0 : i32
    %c0_i32_1 = arith.constant 0 : i32
    return %c0_i32, %c0_i32_0 : i32, i32
  }
  func.func @transform_8(%arg0: i32) -> (i32, i32) {
    %c0_i32 = arith.constant 0 : i32
    %c0_i32_0 = arith.constant 0 : i32
    %c0_i32_1 = arith.constant 0 : i32
    return %c0_i32, %c0_i32_0 : i32, i32
  }
  func.func @transform_9(%arg0: i32) -> (i32, i32, i32) {
    %c0_i32 = arith.constant 0 : i32
    %c0_i32_0 = arith.constant 0 : i32
    %c0_i32_1 = arith.constant 0 : i32
    return %arg0, %c0_i32, %c0_i32_0 : i32, i32, i32
  }
}

</mosaic_0001>

<sc_bundles>
// kernel: kernel.6.cloned.1.call-start
scs
__scs_entry_jumppad:
0x0: {  	(pc) =	sbr.rel $0x88, $3  }
0x1: {  	(tag) =	ssettag $0x0;
	lr =	simm.s32 $0x1  }
0x2: {  	[smem:$0x3F85] =	sst lr;
	_ =	strace $0xD0000000  }
0x3: {  	_ = 	snop  }
0x4: {  	_ = 	snop  }
0x5: {  	_ = 	snop  }
0x6: {  	_ = 	snop  }
0x7: {  	_ = 	snop  }
__scs_overlays_trampoline_lowered:
0x8: {  	[smem:$0x3F94] =	sst s0  }
0x9: {  	[smem:$0x3F95] =	sst s1  }
0xa: {  	[smem:$0x3F96] =	sst s2  }
0xb: {  	[smem:$0x3F97] =	sst s3  }
0xc: {  	[smem:$0x3F98] =	sst s4  }
0xd: {  	[smem:$0x3F99] =	sst s5  }
0xe: {  	[smem:$0x3F9A] =	sst s6  }
0xf: {  	[smem:$0x3F9B] =	sst s7  }
0x10: {  	[smem:$0x3F9C] =	sst s8  }
0x11: {  	[smem:$0x3F9D] =	sst s9;
	s0 =	simm.s32 @!p0 $0x0  }
0x12: {  	s1 =	sld [smem:$0x3F83];
	s0 =	simm.s32 @p0 $0x1  }
0x13: {  	[smem:$0x3F9E] =	sst s0;
	s0 =	simm.s32 @!p1 $0x0  }
0x14: {  	s2 =	sld [smem:$0x3F82];
	s0 =	simm.s32 @p1 $0x1  }
0x15: {  	[smem:$0x3F9F] =	sst s0;
	s0 =	simm.s32 @!p2 $0x0  }
0x16: {  	s3 =	sld [smem:$0x3FDB];
	s0 =	simm.s32 @p2 $0x1  }
0x17: {  	s4 =	simm.s32 $0x1BF5;
	[smem:$0x3FA1] =	sst s0  }
0x18: {  	s0 =	sld [smem:$0x3F84];
	_ =	swait.ge [sflag:s4], $0x0  }
0x19: {  	s7 =	sld [smem:$0x3F85]  }
0x1a: {  	s8 =	sadd.s32 $0xFFFFE003, lr  }
0x1b: {  	s9 =	sadd.s32 $0xFFFFFEF7, lr;
	s5 =	simm.s32 $0xFFFFFFFF;
	p2 =	slt.u32 s8, $0xFFFFF086  }
0x1c: {  	p1 =	slt.u32 s9, $0xF7A;
	s5 =	simm.s32 @!p2 $0x0  }
0x1d: {  	s5 =	simm.s32 @p1 $0x1;
	p0 =	seq.s32 s7, s2  }
0x1e: {  	s7 =	smul.u32 @!p0 $0xF7A, s2;
	p2 =	seq.s32 @!p0 s5, $0x0  }
0x1f: {  	s9 =	smul.u32 $0xF7A, s1;
	s8 =	simm.s32 @!p0 $0x1BF5;
	p2 =	por !p2, p0  }
0x20: {  	[sflag:s8] =	ssyncset.s32 @!p0 $0xFFFFF086;
	s6 =	sadd.s32 @!p0 s3, s7;
	s7 =	simm.s32 @!p0 $0x108  }
0x21: {  	s3 =	sadd.s32 s3, s9;
	s6 =	sadd.s32 @!p0 $0x88, s6;
	s7 =	simm.s32 @p2 $0x1082  }
0x22: {  	[simem:s7], [sflag:s8] =	dma.local @!p0 [hbm:s6], $0xF7A  }
0x23: {  	s9 =	sor.u32 $0xD0000000, s2;
	s6 =	simm.s32 $0x108;
	_ =	swait.ge @!p0 [sflag:s8], $0x0  }
0x24: {  	s3 =	sadd.s32 $0x88, s3;
	s6 =	simm.s32 @!p1 $0x1082;
	[sflag:s4] =	ssyncset.s32 $0xFFFFF086  }
0x25: {  	[simem:s6], [sflag:s4] =	dma.local [hbm:s3], $0xF7A  }
0x26: {  	[smem:$0x3F85] =	sst s1;
	(tag) =	ssettag s2;
	_ =	strace s9  }
0x27: {  	s1 =	sld [smem:$0x3F95]  }
0x28: {  	s2 =	sld [smem:$0x3F96]  }
0x29: {  	s4 =	sld [smem:$0x3F98]  }
0x2a: {  	p0 =	seq.s32 s5, $0x0;
	s5 =	sld [smem:$0x3F99]  }
0x2b: {  	s6 =	sld [smem:$0x3F9A]  }
0x2c: {  	s7 =	sld [smem:$0x3F9B]  }
0x2d: {  	s3 =	simm.s32 $0x108;
	s8 =	sld [smem:$0x3F9C]  }
0x2e: {  	s3 =	simm.s32 @!p0 $0x1082;
	s9 =	sld [smem:$0x3F9D]  }
0x2f: {  	lr =	sadd.s32 s0, s3;
	s0 =	sld [smem:$0x3F94]  }
0x30: {  	s3 =	sld [smem:$0x3F97]  }
0x31: {  	[smem:$0x3FA0] =	sst s10  }
0x32: {  	s10 =	sld [smem:$0x3F9E];
	_ =	sdelay $0x3  }
0x33: {  	p0 =	seq.s32 s10, $0x1;
	s10 =	sld [smem:$0x3FA0];
	_ =	sdelay $0x3  }
0x34: {  	[smem:$0x3FA0] =	sst s10  }
0x35: {  	s10 =	sld [smem:$0x3F9F];
	_ =	sdelay $0x3  }
0x36: {  	p1 =	seq.s32 s10, $0x1;
	s10 =	sld [smem:$0x3FA0];
	_ =	sdelay $0x3  }
0x37: {  	[smem:$0x3FA0] =	sst s10  }
0x38: {  	s10 =	sld [smem:$0x3FA1]  }
0x39: {  	_ = 	snop;
	(pc) =	sbr.ind lr, $3  }
0x3a: {  	_ = 	snop  }
0x3b: {  	_ = 	snop  }
0x3c: {  	p2 =	seq.s32 s10, $0x1;
	s10 =	sld [smem:$0x3FA0]  }
0x3d: {  	_ =	shalt  }
0x3e: {  	_ =	shalt  }
0x3f: {  	_ =	shalt  }
0x40: {  	_ =	shalt  }
0x41: {  	_ =	shalt  }
0x42: {  	_ =	shalt  }
0x43: {  	_ =	shalt  }
0x44: {  	_ =	shalt  }
0x45: {  	_ =	shalt  }
0x46: {  	_ =	shalt  }
0x47: {  	_ =	shalt  }
0x48: {  	_ =	shalt  }
0x49: {  	_ =	shalt  }
0x4a: {  	_ =	shalt  }
0x4b: {  	_ =	shalt  }
0x4c: {  	_ =	shalt  }
0x4d: {  	_ =	shalt  }
0x4e: {  	_ =	shalt  }
0x4f: {  	_ =	shalt  }
0x50: {  	_ =	shalt  }
0x51: {  	_ =	shalt  }
0x52: {  	_ =	shalt  }
0x53: {  	_ =	shalt  }
0x54: {  	_ =	shalt  }
0x55: {  	_ =	shalt  }
0x56: {  	_ =	shalt  }
0x57: {  	_ =	shalt  }
0x58: {  	_ =	shalt  }
0x59: {  	_ =	shalt  }
0x5a: {  	_ =	shalt  }
0x5b: {  	_ =	shalt  }
0x5c: {  	_ =	shalt  }
0x5d: {  	_ =	shalt  }
0x5e: {  	_ =	shalt  }
0x5f: {  	_ =	shalt  }
0x60: {  	_ =	shalt  }
0x61: {  	_ =	shalt  }
0x62: {  	_ =	shalt  }
0x63: {  	_ =	shalt  }
0x64: {  	_ =	shalt  }
0x65: {  	_ =	shalt  }
0x66: {  	_ =	shalt  }
0x67: {  	_ =	shalt  }
0x68: {  	_ =	shalt  }
0x69: {  	_ =	shalt  }
0x6a: {  	_ =	shalt  }
0x6b: {  	_ =	shalt  }
0x6c: {  	_ =	shalt  }
0x6d: {  	_ =	shalt  }
0x6e: {  	_ =	shalt  }
0x6f: {  	_ =	shalt  }
0x70: {  	_ =	shalt  }
0x71: {  	_ =	shalt  }
0x72: {  	_ =	shalt  }
0x73: {  	_ =	shalt  }
0x74: {  	_ =	shalt  }
0x75: {  	_ =	shalt  }
0x76: {  	_ =	shalt  }
0x77: {  	_ =	shalt  }
0x78: {  	_ =	shalt  }
0x79: {  	_ =	shalt  }
0x7a: {  	_ =	shalt  }
0x7b: {  	_ =	shalt  }
0x7c: {  	_ =	shalt  }
0x7d: {  	_ =	shalt  }
0x7e: {  	_ =	shalt  }
0x7f: {  	_ =	shalt  }
0x80: {  	_ =	shalt  }
0x81: {  	_ =	shalt  }
0x82: {  	_ =	shalt  }
0x83: {  	_ =	shalt  }
0x84: {  	_ =	shalt  }
0x85: {  	_ =	shalt  }
0x86: {  	_ =	shalt  }
0x87: {  	_ =	shalt  }
.Lfunc_end0:
.L_simem_size_0:
called_computation_lowered:
.L_overlay_start_0:
0x88: {  	s2 =	sld [smem:$0x3FD9]  }
0x89: {  	s3 =	sld [smem:$0x3FFE];
	_ =	sdelay $0x1  }
0x8a: {  	s1 =	srdreg.scid  }
0x8b: {  	s0 =	sand.u32 $0x1, s1  }
0x8c: {  	s17 =	sshll.u32 s0, $0xA;
	s2 =	sadd.s32 s3, s2  }
0x8d: {  	s2 =	sadd.s32 s2, s17  }
0x8e: {  	[smem:$0x3FAC] =	sst s2  }
0x8f: {  	_ = 	snop  }
0x90: {  	s2 =	sld [smem:$0x3FC9];
	(tm) =	ssettm $0x1  }
0x91: {  	s18 =	sld [smem:$0x3FFB];
	_ =	sdelay $0x3  }
0x92: {  	_ =	strace s18  }
0x93: {  	s3 =	sld [smem:$0x3FFC];
	_ =	sdelay $0x3  }
0x94: {  	_ =	strace s3  }
0x95: {  	s3 =	sld [smem:$0x3FFD];
	_ =	sdelay $0x3  }
0x96: {  	_ =	strace s3  }
0x97: {  	_ =	strace $0x8FFFFFFF  }
0x98: {  	s19 =	sld [smem:$0x3FDB];
	_ =	sdelay $0x1  }
0x99: {  	s4 =	simm.s32 $_scs_section_size  }
0x9a: {  	s5 =	simm.s32 $_size__tile_overlayer_lowered;
	s6 =	simm.s32 $_tile_overlayer_lowered  }
0x9b: {  	s22 =	simm.s32 $0x1BFF;
	s21 =	sshll.u32 s6, $0x1;
	s3 =	sadd.s32 s4, s19  }
0x9c: {  	s7 =	simm.s32 $0x0;
	s20 =	sshll.u32 s5, $0x1;
	s5 =	sadd.s32 s21, s3  }
0x9d: {  	[timem:s7], [sflag:s22] =	dma.local [hbm:s5], s20  }
0x9e: {  	_ =	swait.ge [sflag:s22], s20  }
0x9f: {  	s4 =	ssub.s32 $0x0, s20;
	[sflag:s22] =	ssyncset.done $0x0  }
0xa0: {  	[sflag:s22] =	ssyncadd.s32 s4;
	_ =	sdelay $0x1  }
0xa1: {  	s23 =	simm.s32 $0x1B8B  }
0xa2: {  	_ =	swait.ge [sflag:s23], $0x1  }
0xa3: {  	[sflag:s23] =	ssyncset.done $0x0  }
0xa4: {  	s25 =	simm.s32 $0x1B8E;
	s24 =	sld [smem:$0x3FFE];
	[sflag:s23] =	ssyncadd.s32 $0xFFFFFFFF  }
0xa5: {  	s26 =	simm.s32 $execute0_lowered;
	[smem:$0x3FD2] =	sst s25  }
0xa6: {  	s5 =	sshll.u32 s26, $0x1;
	_ =	strace $0x80000046;
	[dreg:$0x1] =	wrdreg $0xFFFFFFFF  }
0xa7: {  	s28 =	simm.s32 $_size_execute0_lowered;
	s3 =	sadd.s32 s3, s5;
	[dreg:$0x0] =	wrdreg $0x0  }
0xa8: {  	s5 =	sshll.u32 s28, $0x1;
	[dreg:$0x2] =	wrdreg s3  }
0xa9: {  	[dreg:$0x3] =	wrdreg s5  }
0xaa: {  	[dreg:$0x4] =	wrdreg $0xC0  }
0xab: {  	_ =	task [dreg:s7], $0x5FFFF  }
0xac: {  	[dreg:$0x1] =	wrdreg $0xFFFFFFFF  }
0xad: {  	[dreg:$0x0] =	wrdreg $0x60  }
0xae: {  	[dreg:$0x2] =	wrdreg s2  }
0xaf: {  	[dreg:$0x3] =	wrdreg s24  }
0xb0: {  	[dreg:$0x4] =	wrdreg $0xA8000  }
0xb1: {  	[dreg:$0x5] =	wrdreg $0x9  }
0xb2: {  	_ =	task.clear_ibuf [dreg:s7], $0x6FFFF;
	_ =	strace $0x90000046  }
0xb3: {  	s29 =	simm.s32 $0x9;
	_ =	strace $0x80000048  }
0xb4: {  	_ =	swait.ge [sflag:s29], $0x1  }
0xb5: {  	[sflag:s29] =	ssyncadd.s32 $0xFFFFFFFF  }
0xb6: {  	_ =	strace $0x90000048  }
0xb7: {  	_ =	sfence  }
0xb8: {  	s30 =	sld [smem:$0x0];
	_ =	sdelay $0x2  }
0xb9: {  	s31 =	sshll.u32 s1, $0xD;
	s1 =	sshrl.u32 s1, $0x2  }
0xba: {  	s3 =	sand.u32 $0x4000, s31;
	s1 =	sadd.s32 s1, s30  }
0xbb: {  	s0 =	sor.u32 s3, s0;
	s1 =	sshll.u32 s1, $0x11  }
0xbc: {  	s0 =	sor.u32 s1, s0  }
0xbd: {  	s0 =	sadd.s32 $0x8F2B, s0  }
0xbe: {  	[sflag:s0] =	ssyncadd.remote.s32 $0x1  }
0xbf: {  	_ =	sfence.sel $0xFFFF  }
0xc0: {  	[dreg:$0x0] =	wrdreg $0xFFFFFFFF;
	(pc) =	sbr.abs _section_cstart, $3  }
0xc1: {  	[dreg:$0x1] =	wrdreg $0xFFFFFFFF  }
0xc2: {  	_ =	task.clear_ibuf [dreg:s7], $0x2FFFF;
	_ =	strace $0x9FFFFFFF  }
0xc3: {  	(tm) =	ssettm $0x7FFFFFFF  }
tec
execute0_lowered:
.L_overlay_start_1:
0x0: {  	(tag) =	ssettag $0x1  }
0x1: {  	s1 =	rddreg [dreg:$0x0]  }
0x2: {  	s0 =	rddreg [dreg:$0x1]  }
0x3: {  	s2 =	rddreg [dreg:$0x2];
	s4 =	simm.s32 $0x0;
	s3 =	srdreg.scid  }
0x4: {  	s23 =	stileid.u32;
	s28 =	simm.s32 $0x80;
	s29 =	simm.s32 $0x6800  }
0x5: {  	s30 =	simm.s32 $0x1;
	s31 =	simm.s32 $0x2;
	[smem:$0x7FF] =	sst s4  }
0x6: {  	s6 =	sadd.s32 $0x2400, s0;
	s3 =	sand.u32 $0x1, s3;
	s5 =	smul.u32 $0x4E000, s23  }
0x7: {  	s7 =	sadd.s32 $0x16400, s0;
	s11 =	smul.u32 $0x5000, s23;
	s0 =	sadd.s32 $0x2A400, s0  }
0x8: {  	s19 =	smul.u32 $0x13800, s23;
	p0 =	sne.s32 s23, $0xF;
	s23 =	simm.s32 $0x2800  }
0x9: {  	_ =	strace $0x80000047;
	s8 =	ssub.s32 $0x2, s3;
	s9 =	smul.u32 $0x50000, s3  }
0xa: {  	s3 =	smul.u32 $0x138800, s3;
	s10 =	sshrl.u32 s8, $0x1;
	s5 =	sshrl.u32 s5, $0x2  }
0xb: {  	s22 =	ssub.s32 s8, s10;
	s5 =	sadd.s32 s5, s2;
	s24 =	sadd.s32 s11, s9  }
0xc: {  	s11 =	sadd.s32 $0x138000, s2;
	s19 =	sadd.s32 s19, s3;
	s3 =	sshrl.u32 s3, $0x3  }
0xd: {  	s20 =	sadd.s32 $0x3400, s5;
	s21 =	sadd.s32 $0x6800, s5;
	s25 =	sadd.s32 $0x9C00, s5  }
0xe: {  	s9 =	sadd.s32 $0xD000, s5;
	s18 =	sshrl.u32 s24, $0x3;
	s10 =	sadd.s32 $0x10400, s5  }
0xf: {  	s26 =	sshrl.u32 s19, $0x3;
	s3 =	sadd.s32 s0, s3;
	[dreg:$0x4] =	wrdreg s20  }
0x10: {  	s22 =	smax.u32 s22, $0x1;
	s24 =	simm.s32 $0x3;
	[dreg:$0x5] =	wrdreg s21  }
0x11: {  	[dreg:$0x6] =	wrdreg s25;
	s12 =	sadd.s32 s6, s18;
	s13 =	sadd.s32 s7, s18  }
0x12: {  	s15 =	sadd.s32 $0x280, s18;
	s17 =	sadd.s32 $0x500, s18;
	s20 =	sadd.s32 $0x780, s18  }
0x13: {  	s21 =	sadd.s32 $0x27000, s3;
	s25 =	simm.s32 $0x1400;
	s3 =	simm.s32 $0x2780  }
0x14: {  	s14 =	sadd.s32 s6, s15;
	s15 =	sadd.s32 s7, s15;
	s16 =	sadd.s32 s6, s17  }
0x15: {  	s17 =	sadd.s32 s7, s17;
	s18 =	sadd.s32 s6, s20;
	s19 =	sadd.s32 s7, s20  }
0x16: {  	v0 =	vimm.f32 $0.0e+00;
	s20 =	sadd.s32 s0, s26;
	s26 =	simm.s32 $0x7D;
	s0 =	simm.s32 $0x2700  }
.LBB2_1:
0x17: {  	s6 =	simm.s32 $0x0;
	s7 =	simm.s32 $0x200  }
.LBB2_2:
0x18: {  	p1 =	sne.s32 s7, $0xF800;
	[tilespmem:s6+$0x2870] =	vst v0  }
0x19: {  	[tilespmem:s6+$0x2800] =	vst v0  }
0x1a: {  	[tilespmem:s6+$0x2810] =	vst v0  }
.Ltmp0:
0x1b: {  	[tilespmem:s6+$0x2820] =	vst v0;
	(pc) =	sbr.rel @p1 .LBB2_2-.Ltmp0, $4  }
0x1c: {  	[tilespmem:s6+$0x2830] =	vst v0  }
0x1d: {  	[tilespmem:s6+$0x2840] =	vst v0  }
0x1e: {  	[tilespmem:s6+$0x2850] =	vst v0  }
0x1f: {  	[tilespmem:s6+$0x2860] =	vst v0;
	s6 =	sshra.s32 s7, $0x2;
	s7 =	sadd.s32 $0x200, s7  }
0x20: {  	[tilespmem:s6+$0x2870] =	vst v0  }
0x21: {  	[tilespmem:s6+$0x2800] =	vst v0  }
0x22: {  	[tilespmem:s6+$0x2810] =	vst v0  }
0x23: {  	[tilespmem:s6+$0x2820] =	vst v0  }
0x24: {  	[tilespmem:s6+$0x2830] =	vst v0  }
0x25: {  	[tilespmem:s6+$0x2840] =	vst v0  }
0x26: {  	[tilespmem:s6+$0x2850] =	vst v0  }
0x27: {  	[tilespmem:s6+$0x2860] =	vst v0  }
0x28: {  	[spmem:s5] =	stream.linear.scatter [tilespmem:s23], [sflag:$0x3], $0x3400, $0x38;
	[tilespmem:$0x1E080] =	vst v63  }
0x29: {  	_ =	swait.ge [sflag:s24], $0x3400  }
0x2a: {  	[sflag:s24] =	ssyncset.done $0x0  }
0x2b: {  	s8 =	rddreg [dreg:$0x4];
	[sflag:s24] =	ssyncadd.s32 $0xFFFFCC00  }
0x2c: {  	[spmem:s8] =	stream.linear.scatter [tilespmem:s23], [sflag:$0x3], $0x3400, $0x38;
	[tilespmem:$0x1E080] =	vst v63  }
0x2d: {  	_ =	swait.ge [sflag:s24], $0x3400  }
0x2e: {  	[sflag:s24] =	ssyncset.done $0x0  }
0x2f: {  	s7 =	rddreg [dreg:$0x5];
	[sflag:s24] =	ssyncadd.s32 $0xFFFFCC00  }
0x30: {  	[spmem:s7] =	stream.linear.scatter [tilespmem:s23], [sflag:$0x3], $0x3400, $0x38;
	[tilespmem:$0x1E080] =	vst v63  }
0x31: {  	_ =	swait.ge [sflag:s24], $0x3400  }
0x32: {  	[sflag:s24] =	ssyncset.done $0x0  }
0x33: {  	s8 =	rddreg [dreg:$0x6];
	[sflag:s24] =	ssyncadd.s32 $0xFFFFCC00  }
0x34: {  	[spmem:s8] =	stream.linear.scatter [tilespmem:s23], [sflag:$0x3], $0x3400, $0x38;
	[tilespmem:$0x1E080] =	vst v63  }
0x35: {  	_ =	swait.ge [sflag:s24], $0x3400  }
0x36: {  	[sflag:s24] =	ssyncset.done $0x0  }
0x37: {  	[sflag:s24] =	ssyncadd.s32 $0xFFFFCC00  }
0x38: {  	[spmem:s9] =	stream.linear.scatter [tilespmem:s23], [sflag:$0x3], $0x3400, $0x38;
	[tilespmem:$0x1E080] =	vst v63  }
0x39: {  	_ =	swait.ge [sflag:s24], $0x3400  }
0x3a: {  	[sflag:s24] =	ssyncset.done $0x0  }
0x3b: {  	[sflag:s24] =	ssyncadd.s32 $0xFFFFCC00  }
0x3c: {  	[spmem:s10] =	stream.linear.scatter [tilespmem:s23], [sflag:$0x3], $0x3400, $0x38;
	[tilespmem:$0x1E080] =	vst v63  }
0x3d: {  	_ =	swait.ge [sflag:s24], $0x3400  }
0x3e: {  	[sflag:s24] =	ssyncset.done $0x0  }
0x3f: {  	s6 =	simm.s32 @!p0 $0x2800;
	[sflag:s24] =	ssyncadd.s32 $0xFFFFCC00  }
0x40: {  	[spmem:s11] =	stream.linear.scatter @!p0 [tilespmem:s6], [sflag:$0x3], $0x800, $0x38;
	[tilespmem:$0x1E080] =	vst v63  }
0x41: {  	s6 =	simm.s32 @!p0 $0x3  }
0x42: {  	_ =	swait.ge @!p0 [sflag:s6], $0x800  }
0x43: {  	[sflag:s6] =	ssyncset.done @!p0 $0x0  }
0x44: {  	[sflag:s6] =	ssyncadd.s32 @!p0 $0xFFFFF800  }
0x45: {  	s7 =	simm.s32 $0x0;
	[bflag:$0x0] =	sbarrier.arrive $0xFFFF  }
0x46: {  	[tilespmem:s7], [sflag:$0x3] =	stream.linear.gather [hbm4b:s12+s7], $0x1400, $0x38;
	[tilespmem:$0x1E080] =	vst v63  }
0x47: {  	_ =	swait.ge [sflag:s24], $0x1400  }
0x48: {  	[sflag:s24] =	ssyncset.done $0x0  }
0x49: {  	[sflag:s24] =	ssyncadd.s32 $0xFFFFEC00  }
0x4a: {  	[tilespmem:s25], [sflag:$0x3] =	stream.linear.gather [hbm4b:s13+s7], $0x1400, $0x38;
	[tilespmem:$0x1E080] =	vst v63  }
0x4b: {  	_ =	swait.ge [sflag:s24], $0x1400  }
0x4c: {  	[sflag:s24] =	ssyncset.done $0x0  }
0x4d: {  	[sflag:s24] =	ssyncadd.s32 $0xFFFFEC00  }
0x4e: {  	[tilespmem:s23], [sflag:$0x1] =	stream.indirect.gather [hbm4b:s1+s26], $0x80, s7, s26, $0xb8;
	[tilespmem:$0x1E080] =	vst v63  }
0x4f: {  	_ = 	snop  }
0x50: {  	[tilespmem:s29], [sflag:$0x2] =	stream.indirect.gather [hbm4b:s1+s26], $0x80, s28, s26, $0xb8;
	[tilespmem:$0x1E080] =	vst v63  }
0x51: {  	_ =	swait.ge [sflag:s30], $0x3E80  }
0x52: {  	[sflag:s30] =	ssyncset.done $0x0  }
0x53: {  	s8 =	simm.s32 $0x1400;
	[sflag:s30] =	ssyncadd.s32 $0xFFFFC180  }
0x54: {  	[spmem:s2] =	stream.indirect.scatter.add.f32 [tilespmem:s23], [sflag:$0x3], $0x80, s8, s26, $0xb8;
	[tilespmem:$0x1E080] =	vst v63  }
0x55: {  	_ =	swait.ge [sflag:s24], $0x3E80  }
0x56: {  	[sflag:s24] =	ssyncset.done $0x0  }
0x57: {  	s7 =	simm.s32 $0x100;
	[sflag:s24] =	ssyncadd.s32 $0xFFFFC180  }
0x58: {  	[tilespmem:s23], [sflag:$0x1] =	stream.indirect.gather [hbm4b:s1+s26], $0x80, s7, s26, $0xb8;
	[tilespmem:$0x1E080] =	vst v63  }
0x59: {  	_ =	swait.ge [sflag:s31], $0x3E80  }
0x5a: {  	[sflag:s31] =	ssyncset.done $0x0  }
0x5b: {  	s8 =	simm.s32 $0x1480;
	[sflag:s31] =	ssyncadd.s32 $0xFFFFC180  }
0x5c: {  	[spmem:s2] =	stream.indirect.scatter.add.f32 [tilespmem:s29], [sflag:$0x3], $0x80, s8, s26, $0xb8;
	[tilespmem:$0x1E080] =	vst v63  }
0x5d: {  	_ =	swait.ge [sflag:s24], $0x3E80  }
0x5e: {  	[sflag:s24] =	ssyncset.done $0x0  }
0x5f: {  	s6 =	simm.s32 $0x400;
	s7 =	simm.s32 $0x180;
	[sflag:s24] =	ssyncadd.s32 $0xFFFFC180  }
.LBB2_4:
0x60: {  	[tilespmem:s29], [sflag:$0x2] =	stream.indirect.gather [hbm4b:s1+s26], $0x80, s7, s26, $0xb8;
	[tilespmem:$0x1E080] =	vst v63  }
0x61: {  	s7 =	smov.u32 s6  }
0x62: {  	p1 =	sne.s32 s6, $0x4800;
	s6 =	sadd.s32 $0x400, s6;
	_ =	swait.ge [sflag:s30], $0x3E80  }
0x63: {  	s7 =	sshra.s32 s7, $0x2;
	[sflag:s30] =	ssyncset.done $0x0  }
0x64: {  	s8 =	sadd.s32 $0x1400, s7;
	[sflag:s30] =	ssyncadd.s32 $0xFFFFC180  }
0x65: {  	[spmem:s2] =	stream.indirect.scatter.add.f32 [tilespmem:s23], [sflag:$0x3], $0x80, s8, s26, $0xb8;
	[tilespmem:$0x1E080] =	vst v63  }
0x66: {  	_ =	swait.ge [sflag:s24], $0x3E80  }
0x67: {  	[sflag:s24] =	ssyncset.done $0x0  }
0x68: {  	s8 =	sadd.s32 $0x100, s7;
	[sflag:s24] =	ssyncadd.s32 $0xFFFFC180  }
0x69: {  	[tilespmem:s23], [sflag:$0x1] =	stream.indirect.gather [hbm4b:s1+s26], $0x80, s8, s26, $0xb8;
	[tilespmem:$0x1E080] =	vst v63  }
0x6a: {  	_ =	swait.ge [sflag:s31], $0x3E80  }
0x6b: {  	[sflag:s31] =	ssyncset.done $0x0  }
.Ltmp1:
0x6c: {  	s8 =	sadd.s32 $0x1480, s7;
	[sflag:s31] =	ssyncadd.s32 $0xFFFFC180;
	(pc) =	sbr.rel @p1 .LBB2_4-.Ltmp1, $4  }
0x6d: {  	[spmem:s2] =	stream.indirect.scatter.add.f32 [tilespmem:s29], [sflag:$0x3], $0x80, s8, s26, $0xb8;
	[tilespmem:$0x1E080] =	vst v63  }
0x6e: {  	_ =	swait.ge [sflag:s24], $0x3E80  }
0x6f: {  	[sflag:s24] =	ssyncset.done $0x0  }
0x70: {  	s7 =	sadd.s32 $0x180, s7;
	[sflag:s24] =	ssyncadd.s32 $0xFFFFC180  }
0x71: {  	[tilespmem:s29], [sflag:$0x2] =	stream.indirect.gather [hbm4b:s1+s26], $0x80, s7, s26, $0xb8;
	[tilespmem:$0x1E080] =	vst v63  }
0x72: {  	_ =	swait.ge [sflag:s30], $0x3E80  }
0x73: {  	[sflag:s30] =	ssyncset.done $0x0  }
0x74: {  	[sflag:s30] =	ssyncadd.s32 $0xFFFFC180  }
0x75: {  	[spmem:s2] =	stream.indirect.scatter.add.f32 [tilespmem:s23], [sflag:$0x3], $0x80, s0, s26, $0xb8;
	[tilespmem:$0x1E080] =	vst v63  }
0x76: {  	_ =	swait.ge [sflag:s24], $0x3E80  }
0x77: {  	[sflag:s24] =	ssyncset.done $0x0  }
0x78: {  	[sflag:s24] =	ssyncadd.s32 $0xFFFFC180  }
0x79: {  	_ =	swait.ge [sflag:s31], $0x3E80  }
0x7a: {  	[sflag:s31] =	ssyncset.done $0x0  }
0x7b: {  	[sflag:s31] =	ssyncadd.s32 $0xFFFFC180  }
0x7c: {  	[spmem:s2] =	stream.indirect.scatter.add.f32 [tilespmem:s29], [sflag:$0x3], $0x80, s3, s26, $0xb8;
	[tilespmem:$0x1E080] =	vst v63  }
0x7d: {  	_ =	swait.ge [sflag:s24], $0x3E80  }
0x7e: {  	[sflag:s24] =	ssyncset.done $0x0  }
0x7f: {  	s6 =	simm.s32 $0x0;
	[sflag:s24] =	ssyncadd.s32 $0xFFFFC180  }
0x80: {  	[tilespmem:s6], [sflag:$0x3] =	stream.linear.gather [hbm4b:s14+s6], $0x1400, $0x38;
	[tilespmem:$0x1E080] =	vst v63  }
0x81: {  	_ =	swait.ge [sflag:s24], $0x1400  }
0x82: {  	[sflag:s24] =	ssyncset.done $0x0  }
0x83: {  	[sflag:s24] =	ssyncadd.s32 $0xFFFFEC00  }
0x84: {  	[tilespmem:s25], [sflag:$0x3] =	stream.linear.gather [hbm4b:s15+s6], $0x1400, $0x38;
	[tilespmem:$0x1E080] =	vst v63  }
0x85: {  	_ =	swait.ge [sflag:s24], $0x1400  }
0x86: {  	[sflag:s24] =	ssyncset.done $0x0  }
0x87: {  	[sflag:s24] =	ssyncadd.s32 $0xFFFFEC00  }
0x88: {  	[tilespmem:s23], [sflag:$0x1] =	stream.indirect.gather [hbm4b:s1+s26], $0x80, s6, s26, $0xb8;
	[tilespmem:$0x1E080] =	vst v63  }
0x89: {  	_ = 	snop  }
0x8a: {  	[tilespmem:s29], [sflag:$0x2] =	stream.indirect.gather [hbm4b:s1+s26], $0x80, s28, s26, $0xb8;
	[tilespmem:$0x1E080] =	vst v63  }
0x8b: {  	_ =	swait.ge [sflag:s30], $0x3E80  }
0x8c: {  	[sflag:s30] =	ssyncset.done $0x0  }
0x8d: {  	s8 =	simm.s32 $0x1400;
	[sflag:s30] =	ssyncadd.s32 $0xFFFFC180  }
0x8e: {  	[spmem:s2] =	stream.indirect.scatter.add.f32 [tilespmem:s23], [sflag:$0x3], $0x80, s8, s26, $0xb8;
	[tilespmem:$0x1E080] =	vst v63  }
0x8f: {  	_ =	swait.ge [sflag:s24], $0x3E80  }
0x90: {  	[sflag:s24] =	ssyncset.done $0x0  }
0x91: {  	s7 =	simm.s32 $0x100;
	[sflag:s24] =	ssyncadd.s32 $0xFFFFC180  }
0x92: {  	[tilespmem:s23], [sflag:$0x1] =	stream.indirect.gather [hbm4b:s1+s26], $0x80, s7, s26, $0xb8;
	[tilespmem:$0x1E080] =	vst v63  }
0x93: {  	_ =	swait.ge [sflag:s31], $0x3E80  }
0x94: {  	[sflag:s31] =	ssyncset.done $0x0  }
0x95: {  	s8 =	simm.s32 $0x1480;
	[sflag:s31] =	ssyncadd.s32 $0xFFFFC180  }
0x96: {  	[spmem:s2] =	stream.indirect.scatter.add.f32 [tilespmem:s29], [sflag:$0x3], $0x80, s8, s26, $0xb8;
	[tilespmem:$0x1E080] =	vst v63  }
0x97: {  	_ =	swait.ge [sflag:s24], $0x3E80  }
0x98: {  	[sflag:s24] =	ssyncset.done $0x0  }
0x99: {  	s6 =	simm.s32 $0x400;
	s7 =	simm.s32 $0x180;
	[sflag:s24] =	ssyncadd.s32 $0xFFFFC180  }
.LBB2_6:
0x9a: {  	[tilespmem:s29], [sflag:$0x2] =	stream.indirect.gather [hbm4b:s1+s26], $0x80, s7, s26, $0xb8;
	[tilespmem:$0x1E080] =	vst v63  }
0x9b: {  	s7 =	smov.u32 s6  }
0x9c: {  	p1 =	sne.s32 s6, $0x4800;
	s6 =	sadd.s32 $0x400, s6;
	_ =	swait.ge [sflag:s30], $0x3E80  }
0x9d: {  	s7 =	sshra.s32 s7, $0x2;
	[sflag:s30] =	ssyncset.done $0x0  }
0x9e: {  	s8 =	sadd.s32 $0x1400, s7;
	[sflag:s30] =	ssyncadd.s32 $0xFFFFC180  }
0x9f: {  	[spmem:s2] =	stream.indirect.scatter.add.f32 [tilespmem:s23], [sflag:$0x3], $0x80, s8, s26, $0xb8;
	[tilespmem:$0x1E080] =	vst v63  }
0xa0: {  	_ =	swait.ge [sflag:s24], $0x3E80  }
0xa1: {  	[sflag:s24] =	ssyncset.done $0x0  }
0xa2: {  	s8 =	sadd.s32 $0x100, s7;
	[sflag:s24] =	ssyncadd.s32 $0xFFFFC180  }
0xa3: {  	[tilespmem:s23], [sflag:$0x1] =	stream.indirect.gather [hbm4b:s1+s26], $0x80, s8, s26, $0xb8;
	[tilespmem:$0x1E080] =	vst v63  }
0xa4: {  	_ =	swait.ge [sflag:s31], $0x3E80  }
0xa5: {  	[sflag:s31] =	ssyncset.done $0x0  }
.Ltmp2:
0xa6: {  	s8 =	sadd.s32 $0x1480, s7;
	[sflag:s31] =	ssyncadd.s32 $0xFFFFC180;
	(pc) =	sbr.rel @p1 .LBB2_6-.Ltmp2, $4  }
0xa7: {  	[spmem:s2] =	stream.indirect.scatter.add.f32 [tilespmem:s29], [sflag:$0x3], $0x80, s8, s26, $0xb8;
	[tilespmem:$0x1E080] =	vst v63  }
0xa8: {  	_ =	swait.ge [sflag:s24], $0x3E80  }
0xa9: {  	[sflag:s24] =	ssyncset.done $0x0  }
0xaa: {  	s7 =	sadd.s32 $0x180, s7;
	[sflag:s24] =	ssyncadd.s32 $0xFFFFC180  }
0xab: {  	[tilespmem:s29], [sflag:$0x2] =	stream.indirect.gather [hbm4b:s1+s26], $0x80, s7, s26, $0xb8;
	[tilespmem:$0x1E080] =	vst v63  }
0xac: {  	_ =	swait.ge [sflag:s30], $0x3E80  }
0xad: {  	[sflag:s30] =	ssyncset.done $0x0  }
0xae: {  	[sflag:s30] =	ssyncadd.s32 $0xFFFFC180  }
0xaf: {  	[spmem:s2] =	stream.indirect.scatter.add.f32 [tilespmem:s23], [sflag:$0x3], $0x80, s0, s26, $0xb8;
	[tilespmem:$0x1E080] =	vst v63  }
0xb0: {  	_ =	swait.ge [sflag:s24], $0x3E80  }
0xb1: {  	[sflag:s24] =	ssyncset.done $0x0  }
0xb2: {  	[sflag:s24] =	ssyncadd.s32 $0xFFFFC180  }
0xb3: {  	_ =	swait.ge [sflag:s31], $0x3E80  }
0xb4: {  	[sflag:s31] =	ssyncset.done $0x0  }
0xb5: {  	[sflag:s31] =	ssyncadd.s32 $0xFFFFC180  }
0xb6: {  	[spmem:s2] =	stream.indirect.scatter.add.f32 [tilespmem:s29], [sflag:$0x3], $0x80, s3, s26, $0xb8;
	[tilespmem:$0x1E080] =	vst v63  }
0xb7: {  	_ =	swait.ge [sflag:s24], $0x3E80  }
0xb8: {  	[sflag:s24] =	ssyncset.done $0x0  }
0xb9: {  	s6 =	simm.s32 $0x0;
	[sflag:s24] =	ssyncadd.s32 $0xFFFFC180  }
0xba: {  	[tilespmem:s6], [sflag:$0x3] =	stream.linear.gather [hbm4b:s16+s6], $0x1400, $0x38;
	[tilespmem:$0x1E080] =	vst v63  }
0xbb: {  	_ =	swait.ge [sflag:s24], $0x1400  }
0xbc: {  	[sflag:s24] =	ssyncset.done $0x0  }
0xbd: {  	[sflag:s24] =	ssyncadd.s32 $0xFFFFEC00  }
0xbe: {  	[tilespmem:s25], [sflag:$0x3] =	stream.linear.gather [hbm4b:s17+s6], $0x1400, $0x38;
	[tilespmem:$0x1E080] =	vst v63  }
0xbf: {  	_ =	swait.ge [sflag:s24], $0x1400  }
0xc0: {  	[sflag:s24] =	ssyncset.done $0x0  }
0xc1: {  	[sflag:s24] =	ssyncadd.s32 $0xFFFFEC00  }
0xc2: {  	[tilespmem:s23], [sflag:$0x1] =	stream.indirect.gather [hbm4b:s1+s26], $0x80, s6, s26, $0xb8;
	[tilespmem:$0x1E080] =	vst v63  }
0xc3: {  	_ = 	snop  }
0xc4: {  	[tilespmem:s29], [sflag:$0x2] =	stream.indirect.gather [hbm4b:s1+s26], $0x80, s28, s26, $0xb8;
	[tilespmem:$0x1E080] =	vst v63  }
0xc5: {  	_ =	swait.ge [sflag:s30], $0x3E80  }
0xc6: {  	[sflag:s30] =	ssyncset.done $0x0  }
0xc7: {  	s8 =	simm.s32 $0x1400;
	[sflag:s30] =	ssyncadd.s32 $0xFFFFC180  }
0xc8: {  	[spmem:s2] =	stream.indirect.scatter.add.f32 [tilespmem:s23], [sflag:$0x3], $0x80, s8, s26, $0xb8;
	[tilespmem:$0x1E080] =	vst v63  }
0xc9: {  	_ =	swait.ge [sflag:s24], $0x3E80  }
0xca: {  	[sflag:s24] =	ssyncset.done $0x0  }
0xcb: {  	s7 =	simm.s32 $0x100;
	[sflag:s24] =	ssyncadd.s32 $0xFFFFC180  }
0xcc: {  	[tilespmem:s23], [sflag:$0x1] =	stream.indirect.gather [hbm4b:s1+s26], $0x80, s7, s26, $0xb8;
	[tilespmem:$0x1E080] =	vst v63  }
0xcd: {  	_ =	swait.ge [sflag:s31], $0x3E80  }
0xce: {  	[sflag:s31] =	ssyncset.done $0x0  }
0xcf: {  	s8 =	simm.s32 $0x1480;
	[sflag:s31] =	ssyncadd.s32 $0xFFFFC180  }
0xd0: {  	[spmem:s2] =	stream.indirect.scatter.add.f32 [tilespmem:s29], [sflag:$0x3], $0x80, s8, s26, $0xb8;
	[tilespmem:$0x1E080] =	vst v63  }
0xd1: {  	_ =	swait.ge [sflag:s24], $0x3E80  }
0xd2: {  	[sflag:s24] =	ssyncset.done $0x0  }
0xd3: {  	s6 =	simm.s32 $0x400;
	s7 =	simm.s32 $0x180;
	[sflag:s24] =	ssyncadd.s32 $0xFFFFC180  }
.LBB2_8:
0xd4: {  	[tilespmem:s29], [sflag:$0x2] =	stream.indirect.gather [hbm4b:s1+s26], $0x80, s7, s26, $0xb8;
	[tilespmem:$0x1E080] =	vst v63  }
0xd5: {  	s7 =	smov.u32 s6  }
0xd6: {  	p1 =	sne.s32 s6, $0x4800;
	s6 =	sadd.s32 $0x400, s6;
	_ =	swait.ge [sflag:s30], $0x3E80  }
0xd7: {  	s7 =	sshra.s32 s7, $0x2;
	[sflag:s30] =	ssyncset.done $0x0  }
0xd8: {  	s8 =	sadd.s32 $0x1400, s7;
	[sflag:s30] =	ssyncadd.s32 $0xFFFFC180  }
0xd9: {  	[spmem:s2] =	stream.indirect.scatter.add.f32 [tilespmem:s23], [sflag:$0x3], $0x80, s8, s26, $0xb8;
	[tilespmem:$0x1E080] =	vst v63  }
0xda: {  	_ =	swait.ge [sflag:s24], $0x3E80  }
0xdb: {  	[sflag:s24] =	ssyncset.done $0x0  }
0xdc: {  	s8 =	sadd.s32 $0x100, s7;
	[sflag:s24] =	ssyncadd.s32 $0xFFFFC180  }
0xdd: {  	[tilespmem:s23], [sflag:$0x1] =	stream.indirect.gather [hbm4b:s1+s26], $0x80, s8, s26, $0xb8;
	[tilespmem:$0x1E080] =	vst v63  }
0xde: {  	_ =	swait.ge [sflag:s31], $0x3E80  }
0xdf: {  	[sflag:s31] =	ssyncset.done $0x0  }
.Ltmp3:
0xe0: {  	s8 =	sadd.s32 $0x1480, s7;
	[sflag:s31] =	ssyncadd.s32 $0xFFFFC180;
	(pc) =	sbr.rel @p1 .LBB2_8-.Ltmp3, $4  }
0xe1: {  	[spmem:s2] =	stream.indirect.scatter.add.f32 [tilespmem:s29], [sflag:$0x3], $0x80, s8, s26, $0xb8;
	[tilespmem:$0x1E080] =	vst v63  }
0xe2: {  	_ =	swait.ge [sflag:s24], $0x3E80  }
0xe3: {  	[sflag:s24] =	ssyncset.done $0x0  }
0xe4: {  	s7 =	sadd.s32 $0x180, s7;
	[sflag:s24] =	ssyncadd.s32 $0xFFFFC180  }
0xe5: {  	[tilespmem:s29], [sflag:$0x2] =	stream.indirect.gather [hbm4b:s1+s26], $0x80, s7, s26, $0xb8;
	[tilespmem:$0x1E080] =	vst v63  }
0xe6: {  	_ =	swait.ge [sflag:s30], $0x3E80  }
0xe7: {  	[sflag:s30] =	ssyncset.done $0x0  }
0xe8: {  	[sflag:s30] =	ssyncadd.s32 $0xFFFFC180  }
0xe9: {  	[spmem:s2] =	stream.indirect.scatter.add.f32 [tilespmem:s23], [sflag:$0x3], $0x80, s0, s26, $0xb8;
	[tilespmem:$0x1E080] =	vst v63  }
0xea: {  	_ =	swait.ge [sflag:s24], $0x3E80  }
0xeb: {  	[sflag:s24] =	ssyncset.done $0x0  }
0xec: {  	[sflag:s24] =	ssyncadd.s32 $0xFFFFC180  }
0xed: {  	_ =	swait.ge [sflag:s31], $0x3E80  }
0xee: {  	[sflag:s31] =	ssyncset.done $0x0  }
0xef: {  	[sflag:s31] =	ssyncadd.s32 $0xFFFFC180  }
0xf0: {  	[spmem:s2] =	stream.indirect.scatter.add.f32 [tilespmem:s29], [sflag:$0x3], $0x80, s3, s26, $0xb8;
	[tilespmem:$0x1E080] =	vst v63  }
0xf1: {  	_ =	swait.ge [sflag:s24], $0x3E80  }
0xf2: {  	[sflag:s24] =	ssyncset.done $0x0  }
0xf3: {  	s6 =	simm.s32 $0x0;
	[sflag:s24] =	ssyncadd.s32 $0xFFFFC180  }
0xf4: {  	[tilespmem:s6], [sflag:$0x3] =	stream.linear.gather [hbm4b:s18+s6], $0x1400, $0x38;
	[tilespmem:$0x1E080] =	vst v63  }
0xf5: {  	_ =	swait.ge [sflag:s24], $0x1400  }
0xf6: {  	[sflag:s24] =	ssyncset.done $0x0  }
0xf7: {  	[sflag:s24] =	ssyncadd.s32 $0xFFFFEC00  }
0xf8: {  	[tilespmem:s25], [sflag:$0x3] =	stream.linear.gather [hbm4b:s19+s6], $0x1400, $0x38;
	[tilespmem:$0x1E080] =	vst v63  }
0xf9: {  	_ =	swait.ge [sflag:s24], $0x1400  }
0xfa: {  	[sflag:s24] =	ssyncset.done $0x0  }
0xfb: {  	[sflag:s24] =	ssyncadd.s32 $0xFFFFEC00  }
0xfc: {  	[tilespmem:s23], [sflag:$0x1] =	stream.indirect.gather [hbm4b:s1+s26], $0x80, s6, s26, $0xb8;
	[tilespmem:$0x1E080] =	vst v63  }
0xfd: {  	_ = 	snop  }
0xfe: {  	[tilespmem:s29], [sflag:$0x2] =	stream.indirect.gather [hbm4b:s1+s26], $0x80, s28, s26, $0xb8;
	[tilespmem:$0x1E080] =	vst v63  }
0xff: {  	_ =	swait.ge [sflag:s30], $0x3E80  }
0x100: {  	[sflag:s30] =	ssyncset.done $0x0  }
0x101: {  	s8 =	simm.s32 $0x1400;
	[sflag:s30] =	ssyncadd.s32 $0xFFFFC180  }
0x102: {  	[spmem:s2] =	stream.indirect.scatter.add.f32 [tilespmem:s23], [sflag:$0x3], $0x80, s8, s26, $0xb8;
	[tilespmem:$0x1E080] =	vst v63  }
0x103: {  	_ =	swait.ge [sflag:s24], $0x3E80  }
0x104: {  	[sflag:s24] =	ssyncset.done $0x0  }
0x105: {  	s7 =	simm.s32 $0x100;
	[sflag:s24] =	ssyncadd.s32 $0xFFFFC180  }
0x106: {  	[tilespmem:s23], [sflag:$0x1] =	stream.indirect.gather [hbm4b:s1+s26], $0x80, s7, s26, $0xb8;
	[tilespmem:$0x1E080] =	vst v63  }
0x107: {  	_ =	swait.ge [sflag:s31], $0x3E80  }
0x108: {  	[sflag:s31] =	ssyncset.done $0x0  }
0x109: {  	s8 =	simm.s32 $0x1480;
	[sflag:s31] =	ssyncadd.s32 $0xFFFFC180  }
0x10a: {  	[spmem:s2] =	stream.indirect.scatter.add.f32 [tilespmem:s29], [sflag:$0x3], $0x80, s8, s26, $0xb8;
	[tilespmem:$0x1E080] =	vst v63  }
0x10b: {  	_ =	swait.ge [sflag:s24], $0x3E80  }
0x10c: {  	[sflag:s24] =	ssyncset.done $0x0  }
0x10d: {  	s6 =	simm.s32 $0x400;
	s7 =	simm.s32 $0x180;
	[sflag:s24] =	ssyncadd.s32 $0xFFFFC180  }
.LBB2_10:
0x10e: {  	[tilespmem:s29], [sflag:$0x2] =	stream.indirect.gather [hbm4b:s1+s26], $0x80, s7, s26, $0xb8;
	[tilespmem:$0x1E080] =	vst v63  }
0x10f: {  	s7 =	smov.u32 s6  }
0x110: {  	p1 =	sne.s32 s6, $0x4800;
	s6 =	sadd.s32 $0x400, s6;
	_ =	swait.ge [sflag:s30], $0x3E80  }
0x111: {  	s7 =	sshra.s32 s7, $0x2;
	[sflag:s30] =	ssyncset.done $0x0  }
0x112: {  	s8 =	sadd.s32 $0x1400, s7;
	[sflag:s30] =	ssyncadd.s32 $0xFFFFC180  }
0x113: {  	[spmem:s2] =	stream.indirect.scatter.add.f32 [tilespmem:s23], [sflag:$0x3], $0x80, s8, s26, $0xb8;
	[tilespmem:$0x1E080] =	vst v63  }
0x114: {  	_ =	swait.ge [sflag:s24], $0x3E80  }
0x115: {  	[sflag:s24] =	ssyncset.done $0x0  }
0x116: {  	s8 =	sadd.s32 $0x100, s7;
	[sflag:s24] =	ssyncadd.s32 $0xFFFFC180  }
0x117: {  	[tilespmem:s23], [sflag:$0x1] =	stream.indirect.gather [hbm4b:s1+s26], $0x80, s8, s26, $0xb8;
	[tilespmem:$0x1E080] =	vst v63  }
0x118: {  	_ =	swait.ge [sflag:s31], $0x3E80  }
0x119: {  	[sflag:s31] =	ssyncset.done $0x0  }
.Ltmp4:
0x11a: {  	s8 =	sadd.s32 $0x1480, s7;
	[sflag:s31] =	ssyncadd.s32 $0xFFFFC180;
	(pc) =	sbr.rel @p1 .LBB2_10-.Ltmp4, $4  }
0x11b: {  	[spmem:s2] =	stream.indirect.scatter.add.f32 [tilespmem:s29], [sflag:$0x3], $0x80, s8, s26, $0xb8;
	[tilespmem:$0x1E080] =	vst v63  }
0x11c: {  	_ =	swait.ge [sflag:s24], $0x3E80  }
0x11d: {  	[sflag:s24] =	ssyncset.done $0x0  }
0x11e: {  	s7 =	sadd.s32 $0x180, s7;
	[sflag:s24] =	ssyncadd.s32 $0xFFFFC180  }
0x11f: {  	[tilespmem:s29], [sflag:$0x2] =	stream.indirect.gather [hbm4b:s1+s26], $0x80, s7, s26, $0xb8;
	[tilespmem:$0x1E080] =	vst v63  }
0x120: {  	_ =	swait.ge [sflag:s30], $0x3E80  }
0x121: {  	[sflag:s30] =	ssyncset.done $0x0  }
0x122: {  	[sflag:s30] =	ssyncadd.s32 $0xFFFFC180  }
0x123: {  	[spmem:s2] =	stream.indirect.scatter.add.f32 [tilespmem:s23], [sflag:$0x3], $0x80, s0, s26, $0xb8;
	[tilespmem:$0x1E080] =	vst v63  }
0x124: {  	_ =	swait.ge [sflag:s24], $0x3E80  }
0x125: {  	[sflag:s24] =	ssyncset.done $0x0  }
0x126: {  	[sflag:s24] =	ssyncadd.s32 $0xFFFFC180  }
0x127: {  	_ =	swait.ge [sflag:s31], $0x3E80  }
0x128: {  	[sflag:s31] =	ssyncset.done $0x0  }
0x129: {  	[sflag:s31] =	ssyncadd.s32 $0xFFFFC180  }
0x12a: {  	[spmem:s2] =	stream.indirect.scatter.add.f32 [tilespmem:s29], [sflag:$0x3], $0x80, s3, s26, $0xb8;
	[tilespmem:$0x1E080] =	vst v63  }
0x12b: {  	_ =	swait.ge [sflag:s24], $0x3E80  }
0x12c: {  	s6 =	stileid.u32;
	[sflag:s24] =	ssyncset.done $0x0  }
0x12d: {  	s6 =	sshll.u32 s6, $0x6;
	[sflag:s24] =	ssyncadd.s32 $0xFFFFC180  }
0x12e: {  	s8 =	sshrl.u32 s5, $0x3;
	s6 =	sor.u32 $0x1C03, s6;
	[bflag:$0x0] =	sbarrier.arrive $0xFFFF  }
0x12f: {  	[hbm:s20], [sflag:s6] =	dma.local [spmem:s8], $0x2700  }
0x130: {  	_ =	swait.ge [sflag:s24], $0x2700  }
0x131: {  	s4 =	sadd.s32 $0x1, s4;
	[sflag:s24] =	ssyncset.done $0x0  }
0x132: {  	s7 =	sshrl.u32 @!p0 s11, $0x3;
	p1 =	sne.s32 s4, s22;
	[sflag:s24] =	ssyncadd.s32 $0xFFFFD900  }
0x133: {  	[hbm:s21], [sflag:s6] =	dma.local @!p0 [spmem:s7], $0x100  }
.Ltmp5:
0x134: {  	_ = 	snop;
	(pc) =	sbr.rel @p1 .LBB2_1-.Ltmp5, $4  }
0x135: {  	s6 =	simm.s32 @!p0 $0x3  }
0x136: {  	_ =	swait.ge @!p0 [sflag:s6], $0x100  }
0x137: {  	[sflag:s6] =	ssyncset.done @!p0 $0x0  }
0x138: {  	[sflag:s6] =	ssyncadd.s32 @!p0 $0xFFFFFF00  }
0x139: {  	_ =	sfence.sel $0x180000  }
0x13a: {  	[bflag:$0x0] =	sbarrier.arrive $0xFFFF  }
0x13b: {  	_ =	strace $0x90000047  }
0x13c: {  	s0 =	stileid.u32;
	[bflag:$0x2] =	sbarrier.arrive $0xFFFF  }
0x13d: {  	p0 =	sne.s32 s0, $0x0;
	s0 =	rddreg [dreg:$0x3]  }
0x13e: {  	s0 =	sadd.s32 @!p0 $0x100000, s0  }
0x13f: {  	[sflag:s0] =	ssyncadd.tile.s32 @!p0 $0x1;
	_ =	shalt  }
.Lfunc_end2:
_tile_overlayer_lowered:
.L_overlay_start_2:
0x140: {  	(tag) =	ssettag $0x2  }
0x141: {  	s0 =	rddreg [dreg:$0x0];
	s2 =	stileid.u32  }
0x142: {  	s1 =	rddreg [dreg:$0x1];
	p0 =	sne.s32 s2, $0x0  }
0x143: {  	s3 =	rddreg [dreg:$0x2];
	[bflag:$0x3] =	sbarrier.arrive $0xFFFF;
	s2 =	simm.s32 @!p0 $0x1C03  }
0x144: {  	[timem:s3], [sflag:s2] =	dma.local @!p0 [hbm:s0], s1  }
0x145: {  	s0 =	simm.s32 @!p0 $0x3  }
0x146: {  	_ =	swait.ge @!p0 [sflag:s0], s1  }
0x147: {  	s1 =	ssub.s32 @!p0 $0x0, s1;
	[sflag:s0] =	ssyncset.done @!p0 $0x0  }
0x148: {  	[sflag:s0] =	ssyncadd.s32 @!p0 s1  }
0x149: {  	[bflag:$0x3] =	sbarrier.arrive $0xFFFF  }
0x14a: {  	_ =	shalt  }

// kernel: kernel.9.cloned.1.call-start
scs
__scs_entry_jumppad:
0x0: {  	(pc) =	sbr.rel $0x88, $3  }
0x1: {  	(tag) =	ssettag $0x0;
	lr =	simm.s32 $0x1  }
0x2: {  	[smem:$0x3F85] =	sst lr;
	_ =	strace $0xD0000000  }
0x3: {  	_ = 	snop  }
0x4: {  	_ = 	snop  }
0x5: {  	_ = 	snop  }
0x6: {  	_ = 	snop  }
0x7: {  	_ = 	snop  }
__scs_overlays_trampoline_lowered:
0x8: {  	[smem:$0x3F94] =	sst s0  }
0x9: {  	[smem:$0x3F95] =	sst s1  }
0xa: {  	[smem:$0x3F96] =	sst s2  }
0xb: {  	[smem:$0x3F97] =	sst s3  }
0xc: {  	[smem:$0x3F98] =	sst s4  }
0xd: {  	[smem:$0x3F99] =	sst s5  }
0xe: {  	[smem:$0x3F9A] =	sst s6  }
0xf: {  	[smem:$0x3F9B] =	sst s7  }
0x10: {  	[smem:$0x3F9C] =	sst s8  }
0x11: {  	[smem:$0x3F9D] =	sst s9;
	s0 =	simm.s32 @!p0 $0x0  }
0x12: {  	s1 =	sld [smem:$0x3F83];
	s0 =	simm.s32 @p0 $0x1  }
0x13: {  	[smem:$0x3F9E] =	sst s0;
	s0 =	simm.s32 @!p1 $0x0  }
0x14: {  	s2 =	sld [smem:$0x3F82];
	s0 =	simm.s32 @p1 $0x1  }
0x15: {  	[smem:$0x3F9F] =	sst s0;
	s0 =	simm.s32 @!p2 $0x0  }
0x16: {  	s3 =	sld [smem:$0x3FDB];
	s0 =	simm.s32 @p2 $0x1  }
0x17: {  	s4 =	simm.s32 $0x1BF5;
	[smem:$0x3FA1] =	sst s0  }
0x18: {  	s0 =	sld [smem:$0x3F84];
	_ =	swait.ge [sflag:s4], $0x0  }
0x19: {  	s7 =	sld [smem:$0x3F85]  }
0x1a: {  	s8 =	sadd.s32 $0xFFFFE003, lr  }
0x1b: {  	s9 =	sadd.s32 $0xFFFFFEF7, lr;
	s5 =	simm.s32 $0xFFFFFFFF;
	p2 =	slt.u32 s8, $0xFFFFF086  }
0x1c: {  	p1 =	slt.u32 s9, $0xF7A;
	s5 =	simm.s32 @!p2 $0x0  }
0x1d: {  	s5 =	simm.s32 @p1 $0x1;
	p0 =	seq.s32 s7, s2  }
0x1e: {  	s7 =	smul.u32 @!p0 $0xF7A, s2;
	p2 =	seq.s32 @!p0 s5, $0x0  }
0x1f: {  	s9 =	smul.u32 $0xF7A, s1;
	s8 =	simm.s32 @!p0 $0x1BF5;
	p2 =	por !p2, p0  }
0x20: {  	[sflag:s8] =	ssyncset.s32 @!p0 $0xFFFFF086;
	s6 =	sadd.s32 @!p0 s3, s7;
	s7 =	simm.s32 @!p0 $0x108  }
0x21: {  	s3 =	sadd.s32 s3, s9;
	s6 =	sadd.s32 @!p0 $0x88, s6;
	s7 =	simm.s32 @p2 $0x1082  }
0x22: {  	[simem:s7], [sflag:s8] =	dma.local @!p0 [hbm:s6], $0xF7A  }
0x23: {  	s9 =	sor.u32 $0xD0000000, s2;
	s6 =	simm.s32 $0x108;
	_ =	swait.ge @!p0 [sflag:s8], $0x0  }
0x24: {  	s3 =	sadd.s32 $0x88, s3;
	s6 =	simm.s32 @!p1 $0x1082;
	[sflag:s4] =	ssyncset.s32 $0xFFFFF086  }
0x25: {  	[simem:s6], [sflag:s4] =	dma.local [hbm:s3], $0xF7A  }
0x26: {  	[smem:$0x3F85] =	sst s1;
	(tag) =	ssettag s2;
	_ =	strace s9  }
0x27: {  	s1 =	sld [smem:$0x3F95]  }
0x28: {  	s2 =	sld [smem:$0x3F96]  }
0x29: {  	s4 =	sld [smem:$0x3F98]  }
0x2a: {  	p0 =	seq.s32 s5, $0x0;
	s5 =	sld [smem:$0x3F99]  }
0x2b: {  	s6 =	sld [smem:$0x3F9A]  }
0x2c: {  	s7 =	sld [smem:$0x3F9B]  }
0x2d: {  	s3 =	simm.s32 $0x108;
	s8 =	sld [smem:$0x3F9C]  }
0x2e: {  	s3 =	simm.s32 @!p0 $0x1082;
	s9 =	sld [smem:$0x3F9D]  }
0x2f: {  	lr =	sadd.s32 s0, s3;
	s0 =	sld [smem:$0x3F94]  }
0x30: {  	s3 =	sld [smem:$0x3F97]  }
0x31: {  	[smem:$0x3FA0] =	sst s10  }
0x32: {  	s10 =	sld [smem:$0x3F9E];
	_ =	sdelay $0x3  }
0x33: {  	p0 =	seq.s32 s10, $0x1;
	s10 =	sld [smem:$0x3FA0];
	_ =	sdelay $0x3  }
0x34: {  	[smem:$0x3FA0] =	sst s10  }
0x35: {  	s10 =	sld [smem:$0x3F9F];
	_ =	sdelay $0x3  }
0x36: {  	p1 =	seq.s32 s10, $0x1;
	s10 =	sld [smem:$0x3FA0];
	_ =	sdelay $0x3  }
0x37: {  	[smem:$0x3FA0] =	sst s10  }
0x38: {  	s10 =	sld [smem:$0x3FA1]  }
0x39: {  	_ = 	snop;
	(pc) =	sbr.ind lr, $3  }
0x3a: {  	_ = 	snop  }
0x3b: {  	_ = 	snop  }
0x3c: {  	p2 =	seq.s32 s10, $0x1;
	s10 =	sld [smem:$0x3FA0]  }
0x3d: {  	_ =	shalt  }
0x3e: {  	_ =	shalt  }
0x3f: {  	_ =	shalt  }
0x40: {  	_ =	shalt  }
0x41: {  	_ =	shalt  }
0x42: {  	_ =	shalt  }
0x43: {  	_ =	shalt  }
0x44: {  	_ =	shalt  }
0x45: {  	_ =	shalt  }
0x46: {  	_ =	shalt  }
0x47: {  	_ =	shalt  }
0x48: {  	_ =	shalt  }
0x49: {  	_ =	shalt  }
0x4a: {  	_ =	shalt  }
0x4b: {  	_ =	shalt  }
0x4c: {  	_ =	shalt  }
0x4d: {  	_ =	shalt  }
0x4e: {  	_ =	shalt  }
0x4f: {  	_ =	shalt  }
0x50: {  	_ =	shalt  }
0x51: {  	_ =	shalt  }
0x52: {  	_ =	shalt  }
0x53: {  	_ =	shalt  }
0x54: {  	_ =	shalt  }
0x55: {  	_ =	shalt  }
0x56: {  	_ =	shalt  }
0x57: {  	_ =	shalt  }
0x58: {  	_ =	shalt  }
0x59: {  	_ =	shalt  }
0x5a: {  	_ =	shalt  }
0x5b: {  	_ =	shalt  }
0x5c: {  	_ =	shalt  }
0x5d: {  	_ =	shalt  }
0x5e: {  	_ =	shalt  }
0x5f: {  	_ =	shalt  }
0x60: {  	_ =	shalt  }
0x61: {  	_ =	shalt  }
0x62: {  	_ =	shalt  }
0x63: {  	_ =	shalt  }
0x64: {  	_ =	shalt  }
0x65: {  	_ =	shalt  }
0x66: {  	_ =	shalt  }
0x67: {  	_ =	shalt  }
0x68: {  	_ =	shalt  }
0x69: {  	_ =	shalt  }
0x6a: {  	_ =	shalt  }
0x6b: {  	_ =	shalt  }
0x6c: {  	_ =	shalt  }
0x6d: {  	_ =	shalt  }
0x6e: {  	_ =	shalt  }
0x6f: {  	_ =	shalt  }
0x70: {  	_ =	shalt  }
0x71: {  	_ =	shalt  }
0x72: {  	_ =	shalt  }
0x73: {  	_ =	shalt  }
0x74: {  	_ =	shalt  }
0x75: {  	_ =	shalt  }
0x76: {  	_ =	shalt  }
0x77: {  	_ =	shalt  }
0x78: {  	_ =	shalt  }
0x79: {  	_ =	shalt  }
0x7a: {  	_ =	shalt  }
0x7b: {  	_ =	shalt  }
0x7c: {  	_ =	shalt  }
0x7d: {  	_ =	shalt  }
0x7e: {  	_ =	shalt  }
0x7f: {  	_ =	shalt  }
0x80: {  	_ =	shalt  }
0x81: {  	_ =	shalt  }
0x82: {  	_ =	shalt  }
0x83: {  	_ =	shalt  }
0x84: {  	_ =	shalt  }
0x85: {  	_ =	shalt  }
0x86: {  	_ =	shalt  }
0x87: {  	_ =	shalt  }
.Lfunc_end0:
.L_simem_size_0:
called_computation.1_lowered:
.L_overlay_start_0:
0x88: {  	s2 =	sld [smem:$0x3FD9]  }
0x89: {  	s3 =	sld [smem:$0x3FFE];
	_ =	sdelay $0x1  }
0x8a: {  	s1 =	srdreg.scid  }
0x8b: {  	s0 =	sand.u32 $0x1, s1  }
0x8c: {  	s16 =	sshll.u32 s0, $0xA;
	s2 =	sadd.s32 s3, s2  }
0x8d: {  	s2 =	sadd.s32 s2, s16  }
0x8e: {  	[smem:$0x3FAC] =	sst s2  }
0x8f: {  	_ = 	snop  }
0x90: {  	(tm) =	ssettm $0x1  }
0x91: {  	s17 =	sld [smem:$0x3FFB];
	_ =	sdelay $0x3  }
0x92: {  	_ =	strace s17  }
0x93: {  	s2 =	sld [smem:$0x3FFC];
	_ =	sdelay $0x3  }
0x94: {  	_ =	strace s2  }
0x95: {  	s2 =	sld [smem:$0x3FFD];
	_ =	sdelay $0x3  }
0x96: {  	_ =	strace s2  }
0x97: {  	_ =	strace $0x8FFFFFFF  }
0x98: {  	s18 =	sld [smem:$0x3FDB];
	_ =	sdelay $0x1  }
0x99: {  	s19 =	simm.s32 $_scs_section_size  }
0x9a: {  	s4 =	simm.s32 $_size__tile_overlayer_lowered;
	s5 =	simm.s32 $_tile_overlayer_lowered  }
0x9b: {  	s22 =	simm.s32 $0x1BFF;
	s21 =	sshll.u32 s5, $0x1;
	s2 =	sadd.s32 s19, s18  }
0x9c: {  	s6 =	simm.s32 $0x0;
	s20 =	sshll.u32 s4, $0x1;
	s4 =	sadd.s32 s21, s2  }
0x9d: {  	[timem:s6], [sflag:s22] =	dma.local [hbm:s4], s20  }
0x9e: {  	_ =	swait.ge [sflag:s22], s20  }
0x9f: {  	s3 =	ssub.s32 $0x0, s20;
	[sflag:s22] =	ssyncset.done $0x0  }
0xa0: {  	[sflag:s22] =	ssyncadd.s32 s3;
	_ =	sdelay $0x1  }
0xa1: {  	s23 =	simm.s32 $0x1B8B  }
0xa2: {  	_ =	swait.ge [sflag:s23], $0x1  }
0xa3: {  	[sflag:s23] =	ssyncset.done $0x0  }
0xa4: {  	s25 =	simm.s32 $0x1B8E;
	s24 =	sld [smem:$0x3FFE];
	[sflag:s23] =	ssyncadd.s32 $0xFFFFFFFF  }
0xa5: {  	s26 =	simm.s32 $execute0_lowered;
	[smem:$0x3FD2] =	sst s25  }
0xa6: {  	s4 =	sshll.u32 s26, $0x1;
	_ =	strace $0x80000049;
	[dreg:$0x1] =	wrdreg $0xFFFFFFFF  }
0xa7: {  	s28 =	simm.s32 $_size_execute0_lowered;
	s2 =	sadd.s32 s2, s4;
	[dreg:$0x0] =	wrdreg $0x0  }
0xa8: {  	s4 =	sshll.u32 s28, $0x1;
	[dreg:$0x2] =	wrdreg s2  }
0xa9: {  	[dreg:$0x3] =	wrdreg s4  }
0xaa: {  	[dreg:$0x4] =	wrdreg $0xC0  }
0xab: {  	_ =	task [dreg:s6], $0x5FFFF  }
0xac: {  	[dreg:$0x1] =	wrdreg $0xFFFFFFFF  }
0xad: {  	[dreg:$0x0] =	wrdreg $0x60  }
0xae: {  	[dreg:$0x2] =	wrdreg s24  }
0xaf: {  	[dreg:$0x3] =	wrdreg $0xA8000  }
0xb0: {  	[dreg:$0x4] =	wrdreg $0x9  }
0xb1: {  	_ =	task.clear_ibuf [dreg:s6], $0x5FFFF;
	_ =	strace $0x90000049  }
0xb2: {  	s29 =	simm.s32 $0x9;
	_ =	strace $0x8000004B  }
0xb3: {  	_ =	swait.ge [sflag:s29], $0x1  }
0xb4: {  	[sflag:s29] =	ssyncadd.s32 $0xFFFFFFFF  }
0xb5: {  	_ =	strace $0x9000004B  }
0xb6: {  	_ =	sfence  }
0xb7: {  	s30 =	sld [smem:$0x0];
	_ =	sdelay $0x2  }
0xb8: {  	s31 =	sshll.u32 s1, $0xD;
	s1 =	sshrl.u32 s1, $0x2  }
0xb9: {  	s3 =	sand.u32 $0x4000, s31;
	s1 =	sadd.s32 s1, s30  }
0xba: {  	s0 =	sor.u32 s3, s0;
	s1 =	sshll.u32 s1, $0x11  }
0xbb: {  	s0 =	sor.u32 s1, s0  }
0xbc: {  	s0 =	sadd.s32 $0x8F2B, s0  }
0xbd: {  	[sflag:s0] =	ssyncadd.remote.s32 $0x1  }
0xbe: {  	_ =	sfence.sel $0xFFFF  }
0xbf: {  	[dreg:$0x0] =	wrdreg $0xFFFFFFFF;
	(pc) =	sbr.abs _section_cstart, $3  }
0xc0: {  	[dreg:$0x1] =	wrdreg $0xFFFFFFFF  }
0xc1: {  	_ =	task.clear_ibuf [dreg:s6], $0x2FFFF;
	_ =	strace $0x9FFFFFFF  }
0xc2: {  	(tm) =	ssettm $0x7FFFFFFF  }
0xc3: {  	_ =	shalt  }
tec
execute0_lowered:
.L_overlay_start_1:
0x0: {  	(tag) =	ssettag $0x1  }
0x1: {  	s0 =	rddreg [dreg:$0x0]  }
0x2: {  	s1 =	rddreg [dreg:$0x1]  }
0x3: {  	s2 =	simm.s32 $0x0;
	s3 =	srdreg.scid;
	s23 =	stileid.u32  }
0x4: {  	s28 =	simm.s32 $0x80;
	s29 =	simm.s32 $0x6800;
	s30 =	simm.s32 $0x1  }
0x5: {  	s31 =	simm.s32 $0x2;
	[smem:$0x7FF] =	sst s2;
	s4 =	sadd.s32 $0x2400, s0  }
0x6: {  	s6 =	sadd.s32 $0x78600, s0;
	s3 =	sand.u32 $0x1, s3;
	s5 =	smul.u32 $0x4E000, s23  }
0x7: {  	s7 =	sadd.s32 $0x8C600, s0;
	s11 =	smul.u32 $0x5000, s23;
	s0 =	sadd.s32 $0xA0600, s0  }
0x8: {  	s19 =	smul.u32 $0x13800, s23;
	p0 =	sne.s32 s23, $0xF;
	s23 =	simm.s32 $0x2800  }
0x9: {  	_ =	strace $0x8000004A;
	s8 =	ssub.s32 $0x2, s3;
	s9 =	smul.u32 $0x50000, s3  }
0xa: {  	s3 =	smul.u32 $0x138800, s3;
	s10 =	sshrl.u32 s8, $0x1;
	s5 =	sshrl.u32 s5, $0x2  }
0xb: {  	s22 =	ssub.s32 s8, s10;
	s5 =	sadd.s32 s5, s1;
	s24 =	sadd.s32 s11, s9  }
0xc: {  	s11 =	sadd.s32 $0x138000, s1;
	s19 =	sadd.s32 s19, s3;
	s3 =	sshrl.u32 s3, $0x3  }
0xd: {  	s20 =	sadd.s32 $0x3400, s5;
	s21 =	sadd.s32 $0x6800, s5;
	s25 =	sadd.s32 $0x9C00, s5  }
0xe: {  	s9 =	sadd.s32 $0xD000, s5;
	s18 =	sshrl.u32 s24, $0x3;
	s10 =	sadd.s32 $0x10400, s5  }
0xf: {  	s26 =	sshrl.u32 s19, $0x3;
	s3 =	sadd.s32 s0, s3;
	[dreg:$0x3] =	wrdreg s20  }
0x10: {  	s22 =	smax.u32 s22, $0x1;
	s24 =	simm.s32 $0x3;
	[dreg:$0x4] =	wrdreg s21  }
0x11: {  	[dreg:$0x5] =	wrdreg s25;
	s12 =	sadd.s32 s6, s18;
	s13 =	sadd.s32 s7, s18  }
0x12: {  	s15 =	sadd.s32 $0x280, s18;
	s17 =	sadd.s32 $0x500, s18;
	s20 =	sadd.s32 $0x780, s18  }
0x13: {  	s21 =	sadd.s32 $0x27000, s3;
	s25 =	simm.s32 $0x1400;
	s3 =	simm.s32 $0x2780  }
0x14: {  	s14 =	sadd.s32 s6, s15;
	s15 =	sadd.s32 s7, s15;
	s16 =	sadd.s32 s6, s17  }
0x15: {  	s17 =	sadd.s32 s7, s17;
	s18 =	sadd.s32 s6, s20;
	s19 =	sadd.s32 s7, s20  }
0x16: {  	v0 =	vimm.f32 $0.0e+00;
	s20 =	sadd.s32 s0, s26;
	s26 =	simm.s32 $0x7D;
	s0 =	simm.s32 $0x2700  }
.LBB2_1:
0x17: {  	s6 =	simm.s32 $0x0;
	s7 =	simm.s32 $0x200  }
.LBB2_2:
0x18: {  	p1 =	sne.s32 s7, $0xF800;
	[tilespmem:s6+$0x2870] =	vst v0  }
0x19: {  	[tilespmem:s6+$0x2800] =	vst v0  }
0x1a: {  	[tilespmem:s6+$0x2810] =	vst v0  }
.Ltmp0:
0x1b: {  	[tilespmem:s6+$0x2820] =	vst v0;
	(pc) =	sbr.rel @p1 .LBB2_2-.Ltmp0, $4  }
0x1c: {  	[tilespmem:s6+$0x2830] =	vst v0  }
0x1d: {  	[tilespmem:s6+$0x2840] =	vst v0  }
0x1e: {  	[tilespmem:s6+$0x2850] =	vst v0  }
0x1f: {  	[tilespmem:s6+$0x2860] =	vst v0;
	s6 =	sshra.s32 s7, $0x2;
	s7 =	sadd.s32 $0x200, s7  }
0x20: {  	[tilespmem:s6+$0x2870] =	vst v0  }
0x21: {  	[tilespmem:s6+$0x2800] =	vst v0  }
0x22: {  	[tilespmem:s6+$0x2810] =	vst v0  }
0x23: {  	[tilespmem:s6+$0x2820] =	vst v0  }
0x24: {  	[tilespmem:s6+$0x2830] =	vst v0  }
0x25: {  	[tilespmem:s6+$0x2840] =	vst v0  }
0x26: {  	[tilespmem:s6+$0x2850] =	vst v0  }
0x27: {  	[tilespmem:s6+$0x2860] =	vst v0  }
0x28: {  	[spmem:s5] =	stream.linear.scatter [tilespmem:s23], [sflag:$0x3], $0x3400, $0x38;
	[tilespmem:$0x1E080] =	vst v63  }
0x29: {  	_ =	swait.ge [sflag:s24], $0x3400  }
0x2a: {  	[sflag:s24] =	ssyncset.done $0x0  }
0x2b: {  	s8 =	rddreg [dreg:$0x3];
	[sflag:s24] =	ssyncadd.s32 $0xFFFFCC00  }
0x2c: {  	[spmem:s8] =	stream.linear.scatter [tilespmem:s23], [sflag:$0x3], $0x3400, $0x38;
	[tilespmem:$0x1E080] =	vst v63  }
0x2d: {  	_ =	swait.ge [sflag:s24], $0x3400  }
0x2e: {  	[sflag:s24] =	ssyncset.done $0x0  }
0x2f: {  	s7 =	rddreg [dreg:$0x4];
	[sflag:s24] =	ssyncadd.s32 $0xFFFFCC00  }
0x30: {  	[spmem:s7] =	stream.linear.scatter [tilespmem:s23], [sflag:$0x3], $0x3400, $0x38;
	[tilespmem:$0x1E080] =	vst v63  }
0x31: {  	_ =	swait.ge [sflag:s24], $0x3400  }
0x32: {  	[sflag:s24] =	ssyncset.done $0x0  }
0x33: {  	s8 =	rddreg [dreg:$0x5];
	[sflag:s24] =	ssyncadd.s32 $0xFFFFCC00  }
0x34: {  	[spmem:s8] =	stream.linear.scatter [tilespmem:s23], [sflag:$0x3], $0x3400, $0x38;
	[tilespmem:$0x1E080] =	vst v63  }
0x35: {  	_ =	swait.ge [sflag:s24], $0x3400  }
0x36: {  	[sflag:s24] =	ssyncset.done $0x0  }
0x37: {  	[sflag:s24] =	ssyncadd.s32 $0xFFFFCC00  }
0x38: {  	[spmem:s9] =	stream.linear.scatter [tilespmem:s23], [sflag:$0x3], $0x3400, $0x38;
	[tilespmem:$0x1E080] =	vst v63  }
0x39: {  	_ =	swait.ge [sflag:s24], $0x3400  }
0x3a: {  	[sflag:s24] =	ssyncset.done $0x0  }
0x3b: {  	[sflag:s24] =	ssyncadd.s32 $0xFFFFCC00  }
0x3c: {  	[spmem:s10] =	stream.linear.scatter [tilespmem:s23], [sflag:$0x3], $0x3400, $0x38;
	[tilespmem:$0x1E080] =	vst v63  }
0x3d: {  	_ =	swait.ge [sflag:s24], $0x3400  }
0x3e: {  	[sflag:s24] =	ssyncset.done $0x0  }
0x3f: {  	s6 =	simm.s32 @!p0 $0x2800;
	[sflag:s24] =	ssyncadd.s32 $0xFFFFCC00  }
0x40: {  	[spmem:s11] =	stream.linear.scatter @!p0 [tilespmem:s6], [sflag:$0x3], $0x800, $0x38;
	[tilespmem:$0x1E080] =	vst v63  }
0x41: {  	s6 =	simm.s32 @!p0 $0x3  }
0x42: {  	_ =	swait.ge @!p0 [sflag:s6], $0x800  }
0x43: {  	[sflag:s6] =	ssyncset.done @!p0 $0x0  }
0x44: {  	[sflag:s6] =	ssyncadd.s32 @!p0 $0xFFFFF800  }
0x45: {  	s7 =	simm.s32 $0x0;
	[bflag:$0x0] =	sbarrier.arrive $0xFFFF  }
0x46: {  	[tilespmem:s7], [sflag:$0x3] =	stream.linear.gather [hbm4b:s12+s7], $0x1400, $0x38;
	[tilespmem:$0x1E080] =	vst v63  }
0x47: {  	_ =	swait.ge [sflag:s24], $0x1400  }
0x48: {  	[sflag:s24] =	ssyncset.done $0x0  }
0x49: {  	[sflag:s24] =	ssyncadd.s32 $0xFFFFEC00  }
0x4a: {  	[tilespmem:s25], [sflag:$0x3] =	stream.linear.gather [hbm4b:s13+s7], $0x1400, $0x38;
	[tilespmem:$0x1E080] =	vst v63  }
0x4b: {  	_ =	swait.ge [sflag:s24], $0x1400  }
0x4c: {  	[sflag:s24] =	ssyncset.done $0x0  }
0x4d: {  	[sflag:s24] =	ssyncadd.s32 $0xFFFFEC00  }
0x4e: {  	[tilespmem:s23], [sflag:$0x1] =	stream.indirect.gather [hbm4b:s4+s26], $0x80, s7, s26, $0xb8;
	[tilespmem:$0x1E080] =	vst v63  }
0x4f: {  	_ = 	snop  }
0x50: {  	[tilespmem:s29], [sflag:$0x2] =	stream.indirect.gather [hbm4b:s4+s26], $0x80, s28, s26, $0xb8;
	[tilespmem:$0x1E080] =	vst v63  }
0x51: {  	_ =	swait.ge [sflag:s30], $0x3E80  }
0x52: {  	[sflag:s30] =	ssyncset.done $0x0  }
0x53: {  	s8 =	simm.s32 $0x1400;
	[sflag:s30] =	ssyncadd.s32 $0xFFFFC180  }
0x54: {  	[spmem:s1] =	stream.indirect.scatter.add.f32 [tilespmem:s23], [sflag:$0x3], $0x80, s8, s26, $0xb8;
	[tilespmem:$0x1E080] =	vst v63  }
0x55: {  	_ =	swait.ge [sflag:s24], $0x3E80  }
0x56: {  	[sflag:s24] =	ssyncset.done $0x0  }
0x57: {  	s7 =	simm.s32 $0x100;
	[sflag:s24] =	ssyncadd.s32 $0xFFFFC180  }
0x58: {  	[tilespmem:s23], [sflag:$0x1] =	stream.indirect.gather [hbm4b:s4+s26], $0x80, s7, s26, $0xb8;
	[tilespmem:$0x1E080] =	vst v63  }
0x59: {  	_ =	swait.ge [sflag:s31], $0x3E80  }
0x5a: {  	[sflag:s31] =	ssyncset.done $0x0  }
0x5b: {  	s8 =	simm.s32 $0x1480;
	[sflag:s31] =	ssyncadd.s32 $0xFFFFC180  }
0x5c: {  	[spmem:s1] =	stream.indirect.scatter.add.f32 [tilespmem:s29], [sflag:$0x3], $0x80, s8, s26, $0xb8;
	[tilespmem:$0x1E080] =	vst v63  }
0x5d: {  	_ =	swait.ge [sflag:s24], $0x3E80  }
0x5e: {  	[sflag:s24] =	ssyncset.done $0x0  }
0x5f: {  	s6 =	simm.s32 $0x400;
	s7 =	simm.s32 $0x180;
	[sflag:s24] =	ssyncadd.s32 $0xFFFFC180  }
.LBB2_4:
0x60: {  	[tilespmem:s29], [sflag:$0x2] =	stream.indirect.gather [hbm4b:s4+s26], $0x80, s7, s26, $0xb8;
	[tilespmem:$0x1E080] =	vst v63  }
0x61: {  	s7 =	smov.u32 s6  }
0x62: {  	p1 =	sne.s32 s6, $0x4800;
	s6 =	sadd.s32 $0x400, s6;
	_ =	swait.ge [sflag:s30], $0x3E80  }
0x63: {  	s7 =	sshra.s32 s7, $0x2;
	[sflag:s30] =	ssyncset.done $0x0  }
0x64: {  	s8 =	sadd.s32 $0x1400, s7;
	[sflag:s30] =	ssyncadd.s32 $0xFFFFC180  }
0x65: {  	[spmem:s1] =	stream.indirect.scatter.add.f32 [tilespmem:s23], [sflag:$0x3], $0x80, s8, s26, $0xb8;
	[tilespmem:$0x1E080] =	vst v63  }
0x66: {  	_ =	swait.ge [sflag:s24], $0x3E80  }
0x67: {  	[sflag:s24] =	ssyncset.done $0x0  }
0x68: {  	s8 =	sadd.s32 $0x100, s7;
	[sflag:s24] =	ssyncadd.s32 $0xFFFFC180  }
0x69: {  	[tilespmem:s23], [sflag:$0x1] =	stream.indirect.gather [hbm4b:s4+s26], $0x80, s8, s26, $0xb8;
	[tilespmem:$0x1E080] =	vst v63  }
0x6a: {  	_ =	swait.ge [sflag:s31], $0x3E80  }
0x6b: {  	[sflag:s31] =	ssyncset.done $0x0  }
.Ltmp1:
0x6c: {  	s8 =	sadd.s32 $0x1480, s7;
	[sflag:s31] =	ssyncadd.s32 $0xFFFFC180;
	(pc) =	sbr.rel @p1 .LBB2_4-.Ltmp1, $4  }
0x6d: {  	[spmem:s1] =	stream.indirect.scatter.add.f32 [tilespmem:s29], [sflag:$0x3], $0x80, s8, s26, $0xb8;
	[tilespmem:$0x1E080] =	vst v63  }
0x6e: {  	_ =	swait.ge [sflag:s24], $0x3E80  }
0x6f: {  	[sflag:s24] =	ssyncset.done $0x0  }
0x70: {  	s7 =	sadd.s32 $0x180, s7;
	[sflag:s24] =	ssyncadd.s32 $0xFFFFC180  }
0x71: {  	[tilespmem:s29], [sflag:$0x2] =	stream.indirect.gather [hbm4b:s4+s26], $0x80, s7, s26, $0xb8;
	[tilespmem:$0x1E080] =	vst v63  }
0x72: {  	_ =	swait.ge [sflag:s30], $0x3E80  }
0x73: {  	[sflag:s30] =	ssyncset.done $0x0  }
0x74: {  	[sflag:s30] =	ssyncadd.s32 $0xFFFFC180  }
0x75: {  	[spmem:s1] =	stream.indirect.scatter.add.f32 [tilespmem:s23], [sflag:$0x3], $0x80, s0, s26, $0xb8;
	[tilespmem:$0x1E080] =	vst v63  }
0x76: {  	_ =	swait.ge [sflag:s24], $0x3E80  }
0x77: {  	[sflag:s24] =	ssyncset.done $0x0  }
0x78: {  	[sflag:s24] =	ssyncadd.s32 $0xFFFFC180  }
0x79: {  	_ =	swait.ge [sflag:s31], $0x3E80  }
0x7a: {  	[sflag:s31] =	ssyncset.done $0x0  }
0x7b: {  	[sflag:s31] =	ssyncadd.s32 $0xFFFFC180  }
0x7c: {  	[spmem:s1] =	stream.indirect.scatter.add.f32 [tilespmem:s29], [sflag:$0x3], $0x80, s3, s26, $0xb8;
	[tilespmem:$0x1E080] =	vst v63  }
0x7d: {  	_ =	swait.ge [sflag:s24], $0x3E80  }
0x7e: {  	[sflag:s24] =	ssyncset.done $0x0  }
0x7f: {  	s6 =	simm.s32 $0x0;
	[sflag:s24] =	ssyncadd.s32 $0xFFFFC180  }
0x80: {  	[tilespmem:s6], [sflag:$0x3] =	stream.linear.gather [hbm4b:s14+s6], $0x1400, $0x38;
	[tilespmem:$0x1E080] =	vst v63  }
0x81: {  	_ =	swait.ge [sflag:s24], $0x1400  }
0x82: {  	[sflag:s24] =	ssyncset.done $0x0  }
0x83: {  	[sflag:s24] =	ssyncadd.s32 $0xFFFFEC00  }
0x84: {  	[tilespmem:s25], [sflag:$0x3] =	stream.linear.gather [hbm4b:s15+s6], $0x1400, $0x38;
	[tilespmem:$0x1E080] =	vst v63  }
0x85: {  	_ =	swait.ge [sflag:s24], $0x1400  }
0x86: {  	[sflag:s24] =	ssyncset.done $0x0  }
0x87: {  	[sflag:s24] =	ssyncadd.s32 $0xFFFFEC00  }
0x88: {  	[tilespmem:s23], [sflag:$0x1] =	stream.indirect.gather [hbm4b:s4+s26], $0x80, s6, s26, $0xb8;
	[tilespmem:$0x1E080] =	vst v63  }
0x89: {  	_ = 	snop  }
0x8a: {  	[tilespmem:s29], [sflag:$0x2] =	stream.indirect.gather [hbm4b:s4+s26], $0x80, s28, s26, $0xb8;
	[tilespmem:$0x1E080] =	vst v63  }
0x8b: {  	_ =	swait.ge [sflag:s30], $0x3E80  }
0x8c: {  	[sflag:s30] =	ssyncset.done $0x0  }
0x8d: {  	s8 =	simm.s32 $0x1400;
	[sflag:s30] =	ssyncadd.s32 $0xFFFFC180  }
0x8e: {  	[spmem:s1] =	stream.indirect.scatter.add.f32 [tilespmem:s23], [sflag:$0x3], $0x80, s8, s26, $0xb8;
	[tilespmem:$0x1E080] =	vst v63  }
0x8f: {  	_ =	swait.ge [sflag:s24], $0x3E80  }
0x90: {  	[sflag:s24] =	ssyncset.done $0x0  }
0x91: {  	s7 =	simm.s32 $0x100;
	[sflag:s24] =	ssyncadd.s32 $0xFFFFC180  }
0x92: {  	[tilespmem:s23], [sflag:$0x1] =	stream.indirect.gather [hbm4b:s4+s26], $0x80, s7, s26, $0xb8;
	[tilespmem:$0x1E080] =	vst v63  }
0x93: {  	_ =	swait.ge [sflag:s31], $0x3E80  }
0x94: {  	[sflag:s31] =	ssyncset.done $0x0  }
0x95: {  	s8 =	simm.s32 $0x1480;
	[sflag:s31] =	ssyncadd.s32 $0xFFFFC180  }
0x96: {  	[spmem:s1] =	stream.indirect.scatter.add.f32 [tilespmem:s29], [sflag:$0x3], $0x80, s8, s26, $0xb8;
	[tilespmem:$0x1E080] =	vst v63  }
0x97: {  	_ =	swait.ge [sflag:s24], $0x3E80  }
0x98: {  	[sflag:s24] =	ssyncset.done $0x0  }
0x99: {  	s6 =	simm.s32 $0x400;
	s7 =	simm.s32 $0x180;
	[sflag:s24] =	ssyncadd.s32 $0xFFFFC180  }
.LBB2_6:
0x9a: {  	[tilespmem:s29], [sflag:$0x2] =	stream.indirect.gather [hbm4b:s4+s26], $0x80, s7, s26, $0xb8;
	[tilespmem:$0x1E080] =	vst v63  }
0x9b: {  	s7 =	smov.u32 s6  }
0x9c: {  	p1 =	sne.s32 s6, $0x4800;
	s6 =	sadd.s32 $0x400, s6;
	_ =	swait.ge [sflag:s30], $0x3E80  }
0x9d: {  	s7 =	sshra.s32 s7, $0x2;
	[sflag:s30] =	ssyncset.done $0x0  }
0x9e: {  	s8 =	sadd.s32 $0x1400, s7;
	[sflag:s30] =	ssyncadd.s32 $0xFFFFC180  }
0x9f: {  	[spmem:s1] =	stream.indirect.scatter.add.f32 [tilespmem:s23], [sflag:$0x3], $0x80, s8, s26, $0xb8;
	[tilespmem:$0x1E080] =	vst v63  }
0xa0: {  	_ =	swait.ge [sflag:s24], $0x3E80  }
0xa1: {  	[sflag:s24] =	ssyncset.done $0x0  }
0xa2: {  	s8 =	sadd.s32 $0x100, s7;
	[sflag:s24] =	ssyncadd.s32 $0xFFFFC180  }
0xa3: {  	[tilespmem:s23], [sflag:$0x1] =	stream.indirect.gather [hbm4b:s4+s26], $0x80, s8, s26, $0xb8;
	[tilespmem:$0x1E080] =	vst v63  }
0xa4: {  	_ =	swait.ge [sflag:s31], $0x3E80  }
0xa5: {  	[sflag:s31] =	ssyncset.done $0x0  }
.Ltmp2:
0xa6: {  	s8 =	sadd.s32 $0x1480, s7;
	[sflag:s31] =	ssyncadd.s32 $0xFFFFC180;
	(pc) =	sbr.rel @p1 .LBB2_6-.Ltmp2, $4  }
0xa7: {  	[spmem:s1] =	stream.indirect.scatter.add.f32 [tilespmem:s29], [sflag:$0x3], $0x80, s8, s26, $0xb8;
	[tilespmem:$0x1E080] =	vst v63  }
0xa8: {  	_ =	swait.ge [sflag:s24], $0x3E80  }
0xa9: {  	[sflag:s24] =	ssyncset.done $0x0  }
0xaa: {  	s7 =	sadd.s32 $0x180, s7;
	[sflag:s24] =	ssyncadd.s32 $0xFFFFC180  }
0xab: {  	[tilespmem:s29], [sflag:$0x2] =	stream.indirect.gather [hbm4b:s4+s26], $0x80, s7, s26, $0xb8;
	[tilespmem:$0x1E080] =	vst v63  }
0xac: {  	_ =	swait.ge [sflag:s30], $0x3E80  }
0xad: {  	[sflag:s30] =	ssyncset.done $0x0  }
0xae: {  	[sflag:s30] =	ssyncadd.s32 $0xFFFFC180  }
0xaf: {  	[spmem:s1] =	stream.indirect.scatter.add.f32 [tilespmem:s23], [sflag:$0x3], $0x80, s0, s26, $0xb8;
	[tilespmem:$0x1E080] =	vst v63  }
0xb0: {  	_ =	swait.ge [sflag:s24], $0x3E80  }
0xb1: {  	[sflag:s24] =	ssyncset.done $0x0  }
0xb2: {  	[sflag:s24] =	ssyncadd.s32 $0xFFFFC180  }
0xb3: {  	_ =	swait.ge [sflag:s31], $0x3E80  }
0xb4: {  	[sflag:s31] =	ssyncset.done $0x0  }
0xb5: {  	[sflag:s31] =	ssyncadd.s32 $0xFFFFC180  }
0xb6: {  	[spmem:s1] =	stream.indirect.scatter.add.f32 [tilespmem:s29], [sflag:$0x3], $0x80, s3, s26, $0xb8;
	[tilespmem:$0x1E080] =	vst v63  }
0xb7: {  	_ =	swait.ge [sflag:s24], $0x3E80  }
0xb8: {  	[sflag:s24] =	ssyncset.done $0x0  }
0xb9: {  	s6 =	simm.s32 $0x0;
	[sflag:s24] =	ssyncadd.s32 $0xFFFFC180  }
0xba: {  	[tilespmem:s6], [sflag:$0x3] =	stream.linear.gather [hbm4b:s16+s6], $0x1400, $0x38;
	[tilespmem:$0x1E080] =	vst v63  }
0xbb: {  	_ =	swait.ge [sflag:s24], $0x1400  }
0xbc: {  	[sflag:s24] =	ssyncset.done $0x0  }
0xbd: {  	[sflag:s24] =	ssyncadd.s32 $0xFFFFEC00  }
0xbe: {  	[tilespmem:s25], [sflag:$0x3] =	stream.linear.gather [hbm4b:s17+s6], $0x1400, $0x38;
	[tilespmem:$0x1E080] =	vst v63  }
0xbf: {  	_ =	swait.ge [sflag:s24], $0x1400  }
0xc0: {  	[sflag:s24] =	ssyncset.done $0x0  }
0xc1: {  	[sflag:s24] =	ssyncadd.s32 $0xFFFFEC00  }
0xc2: {  	[tilespmem:s23], [sflag:$0x1] =	stream.indirect.gather [hbm4b:s4+s26], $0x80, s6, s26, $0xb8;
	[tilespmem:$0x1E080] =	vst v63  }
0xc3: {  	_ = 	snop  }
0xc4: {  	[tilespmem:s29], [sflag:$0x2] =	stream.indirect.gather [hbm4b:s4+s26], $0x80, s28, s26, $0xb8;
	[tilespmem:$0x1E080] =	vst v63  }
0xc5: {  	_ =	swait.ge [sflag:s30], $0x3E80  }
0xc6: {  	[sflag:s30] =	ssyncset.done $0x0  }
0xc7: {  	s8 =	simm.s32 $0x1400;
	[sflag:s30] =	ssyncadd.s32 $0xFFFFC180  }
0xc8: {  	[spmem:s1] =	stream.indirect.scatter.add.f32 [tilespmem:s23], [sflag:$0x3], $0x80, s8, s26, $0xb8;
	[tilespmem:$0x1E080] =	vst v63  }
0xc9: {  	_ =	swait.ge [sflag:s24], $0x3E80  }
0xca: {  	[sflag:s24] =	ssyncset.done $0x0  }
0xcb: {  	s7 =	simm.s32 $0x100;
	[sflag:s24] =	ssyncadd.s32 $0xFFFFC180  }
0xcc: {  	[tilespmem:s23], [sflag:$0x1] =	stream.indirect.gather [hbm4b:s4+s26], $0x80, s7, s26, $0xb8;
	[tilespmem:$0x1E080] =	vst v63  }
0xcd: {  	_ =	swait.ge [sflag:s31], $0x3E80  }
0xce: {  	[sflag:s31] =	ssyncset.done $0x0  }
0xcf: {  	s8 =	simm.s32 $0x1480;
	[sflag:s31] =	ssyncadd.s32 $0xFFFFC180  }
0xd0: {  	[spmem:s1] =	stream.indirect.scatter.add.f32 [tilespmem:s29], [sflag:$0x3], $0x80, s8, s26, $0xb8;
	[tilespmem:$0x1E080] =	vst v63  }
0xd1: {  	_ =	swait.ge [sflag:s24], $0x3E80  }
0xd2: {  	[sflag:s24] =	ssyncset.done $0x0  }
0xd3: {  	s6 =	simm.s32 $0x400;
	s7 =	simm.s32 $0x180;
	[sflag:s24] =	ssyncadd.s32 $0xFFFFC180  }
.LBB2_8:
0xd4: {  	[tilespmem:s29], [sflag:$0x2] =	stream.indirect.gather [hbm4b:s4+s26], $0x80, s7, s26, $0xb8;
	[tilespmem:$0x1E080] =	vst v63  }
0xd5: {  	s7 =	smov.u32 s6  }
0xd6: {  	p1 =	sne.s32 s6, $0x4800;
	s6 =	sadd.s32 $0x400, s6;
	_ =	swait.ge [sflag:s30], $0x3E80  }
0xd7: {  	s7 =	sshra.s32 s7, $0x2;
	[sflag:s30] =	ssyncset.done $0x0  }
0xd8: {  	s8 =	sadd.s32 $0x1400, s7;
	[sflag:s30] =	ssyncadd.s32 $0xFFFFC180  }
0xd9: {  	[spmem:s1] =	stream.indirect.scatter.add.f32 [tilespmem:s23], [sflag:$0x3], $0x80, s8, s26, $0xb8;
	[tilespmem:$0x1E080] =	vst v63  }
0xda: {  	_ =	swait.ge [sflag:s24], $0x3E80  }
0xdb: {  	[sflag:s24] =	ssyncset.done $0x0  }
0xdc: {  	s8 =	sadd.s32 $0x100, s7;
	[sflag:s24] =	ssyncadd.s32 $0xFFFFC180  }
0xdd: {  	[tilespmem:s23], [sflag:$0x1] =	stream.indirect.gather [hbm4b:s4+s26], $0x80, s8, s26, $0xb8;
	[tilespmem:$0x1E080] =	vst v63  }
0xde: {  	_ =	swait.ge [sflag:s31], $0x3E80  }
0xdf: {  	[sflag:s31] =	ssyncset.done $0x0  }
.Ltmp3:
0xe0: {  	s8 =	sadd.s32 $0x1480, s7;
	[sflag:s31] =	ssyncadd.s32 $0xFFFFC180;
	(pc) =	sbr.rel @p1 .LBB2_8-.Ltmp3, $4  }
0xe1: {  	[spmem:s1] =	stream.indirect.scatter.add.f32 [tilespmem:s29], [sflag:$0x3], $0x80, s8, s26, $0xb8;
	[tilespmem:$0x1E080] =	vst v63  }
0xe2: {  	_ =	swait.ge [sflag:s24], $0x3E80  }
0xe3: {  	[sflag:s24] =	ssyncset.done $0x0  }
0xe4: {  	s7 =	sadd.s32 $0x180, s7;
	[sflag:s24] =	ssyncadd.s32 $0xFFFFC180  }
0xe5: {  	[tilespmem:s29], [sflag:$0x2] =	stream.indirect.gather [hbm4b:s4+s26], $0x80, s7, s26, $0xb8;
	[tilespmem:$0x1E080] =	vst v63  }
0xe6: {  	_ =	swait.ge [sflag:s30], $0x3E80  }
0xe7: {  	[sflag:s30] =	ssyncset.done $0x0  }
0xe8: {  	[sflag:s30] =	ssyncadd.s32 $0xFFFFC180  }
0xe9: {  	[spmem:s1] =	stream.indirect.scatter.add.f32 [tilespmem:s23], [sflag:$0x3], $0x80, s0, s26, $0xb8;
	[tilespmem:$0x1E080] =	vst v63  }
0xea: {  	_ =	swait.ge [sflag:s24], $0x3E80  }
0xeb: {  	[sflag:s24] =	ssyncset.done $0x0  }
0xec: {  	[sflag:s24] =	ssyncadd.s32 $0xFFFFC180  }
0xed: {  	_ =	swait.ge [sflag:s31], $0x3E80  }
0xee: {  	[sflag:s31] =	ssyncset.done $0x0  }
0xef: {  	[sflag:s31] =	ssyncadd.s32 $0xFFFFC180  }
0xf0: {  	[spmem:s1] =	stream.indirect.scatter.add.f32 [tilespmem:s29], [sflag:$0x3], $0x80, s3, s26, $0xb8;
	[tilespmem:$0x1E080] =	vst v63  }
0xf1: {  	_ =	swait.ge [sflag:s24], $0x3E80  }
0xf2: {  	[sflag:s24] =	ssyncset.done $0x0  }
0xf3: {  	s6 =	simm.s32 $0x0;
	[sflag:s24] =	ssyncadd.s32 $0xFFFFC180  }
0xf4: {  	[tilespmem:s6], [sflag:$0x3] =	stream.linear.gather [hbm4b:s18+s6], $0x1400, $0x38;
	[tilespmem:$0x1E080] =	vst v63  }
0xf5: {  	_ =	swait.ge [sflag:s24], $0x1400  }
0xf6: {  	[sflag:s24] =	ssyncset.done $0x0  }
0xf7: {  	[sflag:s24] =	ssyncadd.s32 $0xFFFFEC00  }
0xf8: {  	[tilespmem:s25], [sflag:$0x3] =	stream.linear.gather [hbm4b:s19+s6], $0x1400, $0x38;
	[tilespmem:$0x1E080] =	vst v63  }
0xf9: {  	_ =	swait.ge [sflag:s24], $0x1400  }
0xfa: {  	[sflag:s24] =	ssyncset.done $0x0  }
0xfb: {  	[sflag:s24] =	ssyncadd.s32 $0xFFFFEC00  }
0xfc: {  	[tilespmem:s23], [sflag:$0x1] =	stream.indirect.gather [hbm4b:s4+s26], $0x80, s6, s26, $0xb8;
	[tilespmem:$0x1E080] =	vst v63  }
0xfd: {  	_ = 	snop  }
0xfe: {  	[tilespmem:s29], [sflag:$0x2] =	stream.indirect.gather [hbm4b:s4+s26], $0x80, s28, s26, $0xb8;
	[tilespmem:$0x1E080] =	vst v63  }
0xff: {  	_ =	swait.ge [sflag:s30], $0x3E80  }
0x100: {  	[sflag:s30] =	ssyncset.done $0x0  }
0x101: {  	s8 =	simm.s32 $0x1400;
	[sflag:s30] =	ssyncadd.s32 $0xFFFFC180  }
0x102: {  	[spmem:s1] =	stream.indirect.scatter.add.f32 [tilespmem:s23], [sflag:$0x3], $0x80, s8, s26, $0xb8;
	[tilespmem:$0x1E080] =	vst v63  }
0x103: {  	_ =	swait.ge [sflag:s24], $0x3E80  }
0x104: {  	[sflag:s24] =	ssyncset.done $0x0  }
0x105: {  	s7 =	simm.s32 $0x100;
	[sflag:s24] =	ssyncadd.s32 $0xFFFFC180  }
0x106: {  	[tilespmem:s23], [sflag:$0x1] =	stream.indirect.gather [hbm4b:s4+s26], $0x80, s7, s26, $0xb8;
	[tilespmem:$0x1E080] =	vst v63  }
0x107: {  	_ =	swait.ge [sflag:s31], $0x3E80  }
0x108: {  	[sflag:s31] =	ssyncset.done $0x0  }
0x109: {  	s8 =	simm.s32 $0x1480;
	[sflag:s31] =	ssyncadd.s32 $0xFFFFC180  }
0x10a: {  	[spmem:s1] =	stream.indirect.scatter.add.f32 [tilespmem:s29], [sflag:$0x3], $0x80, s8, s26, $0xb8;
	[tilespmem:$0x1E080] =	vst v63  }
0x10b: {  	_ =	swait.ge [sflag:s24], $0x3E80  }
0x10c: {  	[sflag:s24] =	ssyncset.done $0x0  }
0x10d: {  	s6 =	simm.s32 $0x400;
	s7 =	simm.s32 $0x180;
	[sflag:s24] =	ssyncadd.s32 $0xFFFFC180  }
.LBB2_10:
0x10e: {  	[tilespmem:s29], [sflag:$0x2] =	stream.indirect.gather [hbm4b:s4+s26], $0x80, s7, s26, $0xb8;
	[tilespmem:$0x1E080] =	vst v63  }
0x10f: {  	s7 =	smov.u32 s6  }
0x110: {  	p1 =	sne.s32 s6, $0x4800;
	s6 =	sadd.s32 $0x400, s6;
	_ =	swait.ge [sflag:s30], $0x3E80  }
0x111: {  	s7 =	sshra.s32 s7, $0x2;
	[sflag:s30] =	ssyncset.done $0x0  }
0x112: {  	s8 =	sadd.s32 $0x1400, s7;
	[sflag:s30] =	ssyncadd.s32 $0xFFFFC180  }
0x113: {  	[spmem:s1] =	stream.indirect.scatter.add.f32 [tilespmem:s23], [sflag:$0x3], $0x80, s8, s26, $0xb8;
	[tilespmem:$0x1E080] =	vst v63  }
0x114: {  	_ =	swait.ge [sflag:s24], $0x3E80  }
0x115: {  	[sflag:s24] =	ssyncset.done $0x0  }
0x116: {  	s8 =	sadd.s32 $0x100, s7;
	[sflag:s24] =	ssyncadd.s32 $0xFFFFC180  }
0x117: {  	[tilespmem:s23], [sflag:$0x1] =	stream.indirect.gather [hbm4b:s4+s26], $0x80, s8, s26, $0xb8;
	[tilespmem:$0x1E080] =	vst v63  }
0x118: {  	_ =	swait.ge [sflag:s31], $0x3E80  }
0x119: {  	[sflag:s31] =	ssyncset.done $0x0  }
.Ltmp4:
0x11a: {  	s8 =	sadd.s32 $0x1480, s7;
	[sflag:s31] =	ssyncadd.s32 $0xFFFFC180;
	(pc) =	sbr.rel @p1 .LBB2_10-.Ltmp4, $4  }
0x11b: {  	[spmem:s1] =	stream.indirect.scatter.add.f32 [tilespmem:s29], [sflag:$0x3], $0x80, s8, s26, $0xb8;
	[tilespmem:$0x1E080] =	vst v63  }
0x11c: {  	_ =	swait.ge [sflag:s24], $0x3E80  }
0x11d: {  	[sflag:s24] =	ssyncset.done $0x0  }
0x11e: {  	s7 =	sadd.s32 $0x180, s7;
	[sflag:s24] =	ssyncadd.s32 $0xFFFFC180  }
0x11f: {  	[tilespmem:s29], [sflag:$0x2] =	stream.indirect.gather [hbm4b:s4+s26], $0x80, s7, s26, $0xb8;
	[tilespmem:$0x1E080] =	vst v63  }
0x120: {  	_ =	swait.ge [sflag:s30], $0x3E80  }
0x121: {  	[sflag:s30] =	ssyncset.done $0x0  }
0x122: {  	[sflag:s30] =	ssyncadd.s32 $0xFFFFC180  }
0x123: {  	[spmem:s1] =	stream.indirect.scatter.add.f32 [tilespmem:s23], [sflag:$0x3], $0x80, s0, s26, $0xb8;
	[tilespmem:$0x1E080] =	vst v63  }
0x124: {  	_ =	swait.ge [sflag:s24], $0x3E80  }
0x125: {  	[sflag:s24] =	ssyncset.done $0x0  }
0x126: {  	[sflag:s24] =	ssyncadd.s32 $0xFFFFC180  }
0x127: {  	_ =	swait.ge [sflag:s31], $0x3E80  }
0x128: {  	[sflag:s31] =	ssyncset.done $0x0  }
0x129: {  	[sflag:s31] =	ssyncadd.s32 $0xFFFFC180  }
0x12a: {  	[spmem:s1] =	stream.indirect.scatter.add.f32 [tilespmem:s29], [sflag:$0x3], $0x80, s3, s26, $0xb8;
	[tilespmem:$0x1E080] =	vst v63  }
0x12b: {  	_ =	swait.ge [sflag:s24], $0x3E80  }
0x12c: {  	s6 =	stileid.u32;
	[sflag:s24] =	ssyncset.done $0x0  }
0x12d: {  	s6 =	sshll.u32 s6, $0x6;
	[sflag:s24] =	ssyncadd.s32 $0xFFFFC180  }
0x12e: {  	s8 =	sshrl.u32 s5, $0x3;
	s6 =	sor.u32 $0x1C03, s6;
	[bflag:$0x0] =	sbarrier.arrive $0xFFFF  }
0x12f: {  	[hbm:s20], [sflag:s6] =	dma.local [spmem:s8], $0x2700  }
0x130: {  	_ =	swait.ge [sflag:s24], $0x2700  }
0x131: {  	s2 =	sadd.s32 $0x1, s2;
	[sflag:s24] =	ssyncset.done $0x0  }
0x132: {  	s7 =	sshrl.u32 @!p0 s11, $0x3;
	p1 =	sne.s32 s2, s22;
	[sflag:s24] =	ssyncadd.s32 $0xFFFFD900  }
0x133: {  	[hbm:s21], [sflag:s6] =	dma.local @!p0 [spmem:s7], $0x100  }
.Ltmp5:
0x134: {  	_ = 	snop;
	(pc) =	sbr.rel @p1 .LBB2_1-.Ltmp5, $4  }
0x135: {  	s6 =	simm.s32 @!p0 $0x3  }
0x136: {  	_ =	swait.ge @!p0 [sflag:s6], $0x100  }
0x137: {  	[sflag:s6] =	ssyncset.done @!p0 $0x0  }
0x138: {  	[sflag:s6] =	ssyncadd.s32 @!p0 $0xFFFFFF00  }
0x139: {  	_ =	sfence.sel $0x180000  }
0x13a: {  	[bflag:$0x0] =	sbarrier.arrive $0xFFFF  }
0x13b: {  	_ =	strace $0x9000004A  }
0x13c: {  	s0 =	stileid.u32;
	[bflag:$0x2] =	sbarrier.arrive $0xFFFF  }
0x13d: {  	p0 =	sne.s32 s0, $0x0;
	s0 =	rddreg [dreg:$0x2]  }
0x13e: {  	s0 =	sadd.s32 @!p0 $0x100000, s0  }
0x13f: {  	[sflag:s0] =	ssyncadd.tile.s32 @!p0 $0x1;
	_ =	shalt  }
.Lfunc_end2:
_tile_overlayer_lowered:
.L_overlay_start_2:
0x140: {  	(tag) =	ssettag $0x2  }
0x141: {  	s0 =	rddreg [dreg:$0x0];
	s2 =	stileid.u32  }
0x142: {  	s1 =	rddreg [dreg:$0x1];
	p0 =	sne.s32 s2, $0x0  }
0x143: {  	s3 =	rddreg [dreg:$0x2];
	[bflag:$0x3] =	sbarrier.arrive $0xFFFF;
	s2 =	simm.s32 @!p0 $0x1C03  }
0x144: {  	[timem:s3], [sflag:s2] =	dma.local @!p0 [hbm:s0], s1  }
0x145: {  	s0 =	simm.s32 @!p0 $0x3  }
0x146: {  	_ =	swait.ge @!p0 [sflag:s0], s1  }
0x147: {  	s1 =	ssub.s32 @!p0 $0x0, s1;
	[sflag:s0] =	ssyncset.done @!p0 $0x0  }
0x148: {  	[sflag:s0] =	ssyncadd.s32 @!p0 s1  }
0x149: {  	[bflag:$0x3] =	sbarrier.arrive $0xFFFF  }
0x14a: {  	_ =	shalt  }

</sc_bundles>
